<compile_context>
chip_gen: v7x
topology: tpu7x:2x2x1
jax: 0.10.2.dev20260603
libtpu: 0.0.44.dev20260713+nightly
codegen_flags: <defaults>
</compile_context>

<pallas_src>
import functools

import jax
import jax.numpy as jnp
from jax import lax
from jax.experimental import pallas as pl
from jax.experimental.pallas import tpu as pltpu
from jax.experimental.pallas import tpu_sc as plsc

N = 50000
NPAD = 50176
ROWS = 3136
RPS = 196
SL = 3136
E = 1600000
NW = 32
EPW = E // NW
CH = 2000
NCH = EPW // CH
VPC = CH // 16

_mesh = plsc.VectorSubcoreMesh(core_axis_name="c", subcore_axis_name="s")


@functools.partial(
    pl.kernel,
    out_type=jax.ShapeDtypeStruct((2, 16, RPS, 16), jnp.float32),
    mesh=_mesh,
    compiler_params=pltpu.CompilerParams(needs_layout_passes=False,
                                         use_tc_tiling_on_sc=False),
    scratch_types=[
        pltpu.VMEM((NPAD,), jnp.float32),
        pltpu.VMEM((ROWS, 16), jnp.float32),
        pltpu.VMEM((SL,), jnp.float32),
        pltpu.VMEM((SL,), jnp.float32),
        pltpu.VMEM((CH,), jnp.int32),
        pltpu.VMEM((CH,), jnp.int32),
        pltpu.VMEM((CH,), jnp.int32),
        pltpu.VMEM((CH,), jnp.int32),
        pltpu.VMEM((28, 112), jnp.int32),
        pltpu.VMEM((16,), jnp.float32),
        pltpu.VMEM((16,), jnp.float32),
        pltpu.VMEM((16,), jnp.float32),
        pltpu.VMEM_SHARED((NPAD,), jnp.float32),
        pltpu.VMEM_SHARED((ROWS, 16), jnp.float32),
        pltpu.SemaphoreType.DMA,
        pltpu.SemaphoreType.DMA,
        pltpu.SemaphoreType.DMA,
        pltpu.SemaphoreType.DMA,
        pltpu.SemaphoreType.DMA,
    ],
)
def _rgc_layer(pa, pb, ese, edst, wtab, cvec, bvec, ridx_in,
               out,
               x_local, acc, buf_a, buf_b, se0, se1, sd0, sd1,
               ridx, wt, cv, bv, x_shared, part,
               sem_a, sem_b, esem0, esem1, rsem):
    cid = lax.axis_index("c")
    sid = lax.axis_index("s")
    wid = cid * 16 + sid
    se = (se0, se1)
    sd = (sd0, sd1)
    esem = (esem0, esem1)

    pltpu.sync_copy(wtab, wt)
    pltpu.sync_copy(cvec, cv)
    pltpu.sync_copy(bvec, bv)

    cpa = pltpu.async_copy(pa.at[pl.ds(sid * SL, SL)], buf_a, sem_a)
    cpb = pltpu.async_copy(pb.at[pl.ds(sid * SL, SL)], buf_b, sem_b)
    cri = pltpu.async_copy(ridx_in, ridx, rsem)

    zeros = jnp.zeros((16,), jnp.float32)

    @plsc.parallel_loop(0, ROWS, step=1, unroll=8)
    def _zero(r):
        acc[r, :] = zeros

    cpa.wait()
    cpb.wait()

    @plsc.parallel_loop(0, SL, step=16, unroll=4)
    def _addp(i):
        s16 = pl.ds(i, 16)
        buf_a[s16] = buf_a[s16] + buf_b[s16]
    pltpu.sync_copy(buf_a, x_shared.at[pl.ds(sid * SL, SL)])
    plsc.subcore_barrier()

    pltpu.sync_copy(x_shared, x_local)

    ebase = wid * EPW

    def _start(ch, b):
        off = ebase + ch * CH
        pltpu.async_copy(ese.at[pl.ds(off, CH)], se[b], esem[b])
        pltpu.async_copy(edst.at[pl.ds(off, CH)], sd[b], esem[b])

    def _wait(b):
        pltpu.make_async_copy(ese.at[pl.ds(0, CH)], se[b], esem[b]).wait()
        pltpu.make_async_copy(edst.at[pl.ds(0, CH)], sd[b], esem[b]).wait()

    _start(0, 0)
    for ch in range(NCH):
        b = ch % 2
        if ch + 1 < NCH:
            _start(ch + 1, 1 - b)
        _wait(b)
        seb = se[b]
        sdb = sd[b]

        @plsc.parallel_loop(0, CH, step=16, unroll=8)
        def _edge(i):
            s16 = pl.ds(i, 16)
            e0 = seb[s16]
            d = sdb[s16]
            s = lax.bitwise_and(e0, 0xFFFF)
            t = lax.shift_right_logical(e0, 16)
            w = plsc.load_gather(wt, [t])
            xs = plsc.load_gather(x_local, [s])
            r = lax.shift_right_logical(d, 4)
            col = lax.bitwise_and(d, 15)
            plsc.addupdate_scatter(acc, [r, col], w * xs)

    cvv = cv[...]
    bvv = bv[...]

    @pl.when(cid == 0)
    def _selfloop():
        @plsc.parallel_loop(0, RPS, step=1, unroll=4)
        def _sl(i):
            r = sid * RPS + i
            acc[r, :] = acc[r, :] + cvv * x_local[pl.ds(r * 16, 16)] + bvv

    cri.wait()

    @pl.when(sid == 0)
    def _seed_part():
        pltpu.sync_copy(acc, part)

    plsc.subcore_barrier()

    @pl.when(sid != 0)
    def _scatter_add():
        cps = [
            pltpu.async_copy(acc.at[pl.ds(c * 112, 112)], part.at[ridx.at[c]],
                             rsem, add=True)
            for c in range(28)
        ]
        for cp in cps:
            cp.wait()

    plsc.subcore_barrier()

    pltpu.sync_copy(part.at[pl.ds(sid * RPS, RPS)], out.at[cid, sid])


def _fc_body(p0, p1, w, b, o):
    h = p0[...] + p1[...]
    logits = lax.dot_general(h, w[0], (((1,), (1,)), ((), ())),
                             preferred_element_type=jnp.float32)
    z = logits + b[0]
    o[...] = (1.0 / (1.0 + jnp.exp(-z)))[None]


_fc = pl.pallas_call(
    _fc_body,
    grid=(10,),
    in_specs=[
        pl.BlockSpec((8, 10000), lambda j: (0, 0)),
        pl.BlockSpec((8, 10000), lambda j: (0, 0)),
        pl.BlockSpec((1, 400, 10000), lambda j: (j, 0, 0)),
        pl.BlockSpec((1, 1, 400), lambda j: (j, 0, 0)),
    ],
    out_specs=pl.BlockSpec((1, 8, 400), lambda j: (j, 0, 0)),
    out_shape=jax.ShapeDtypeStruct((10, 8, 400), jnp.float32),
)


def kernel(features, edge_index, etypes, W_rel1, W_loop1, b1,
           W_rel2, W_loop2, b2, W_rel3, W_loop3, b3, fc_w, fc_b):
    x0 = jnp.pad(features[:, 0], (0, NPAD - N))
    zero = jnp.zeros((NPAD,), jnp.float32)
    src = edge_index[0]
    dst = edge_index[1]
    ese = jnp.bitwise_or(src, jnp.left_shift(etypes, 16))

    def vec16(x):
        return jnp.full((16,), x.reshape(-1)[0], dtype=jnp.float32)

    def wpad(W):
        return jnp.pad(W[:, 0, 0], (0, 16 - W.shape[0]))

    wts = jnp.stack([wpad(W_rel1), wpad(W_rel2), wpad(W_rel3)])
    cvs = jnp.stack([vec16(W_loop1), vec16(W_loop2), vec16(W_loop3)])
    bvs = jnp.stack([vec16(b1), vec16(b2), vec16(b3)])
    ridx = jnp.arange(ROWS, dtype=jnp.int32).reshape(28, 112)

    def _layer_step(carry, wcb):
        pa, pb = carry
        w, c, b = wcb
        o = _rgc_layer(pa, pb, ese, dst, w, c, b, ridx).reshape(2, NPAD)
        return (o[0], o[1]), None

    (p0, p1), _ = lax.scan(_layer_step, (x0, zero), (wts, cvs, bvs))
    p = jnp.stack([p0, p1])

    h0 = jnp.pad(p[0, :N].reshape(5, 10000), ((0, 3), (0, 0)))
    h1 = jnp.pad(p[1, :N].reshape(5, 10000), ((0, 3), (0, 0)))
    out = _fc(h0, h1, fc_w.reshape(10, 400, 10000), fc_b.reshape(10, 1, 400))
    return out.transpose(1, 0, 2).reshape(8, 4000)[:5]

# --- scband reference (transcript-rebuilt; emitter-appended) ---
"""Pipeline reference for scband-pheno-model-74302934221555 (READ-ONLY COPY).

The authoritative reference and input builder live on the scoring server;
editing this copy changes nothing except your own understanding.
"""

import jax, jax.numpy as jnp
import numpy as np

N = 50000
E = 1600000
NB_GOS = 10000
NB_CLASSES = 4000
NUM_RELS = 11


def setup_inputs(seed: int = 0) -> dict:
    key = jax.random.key(seed)
    ks = jax.random.split(key, 16)
    features = jax.random.normal(ks[0], (N, 1), dtype=jnp.float32)
    edge_index = jax.random.randint(ks[1], (2, E), 0, N, dtype=jnp.int32)
    etypes = jax.random.randint(ks[2], (E,), 0, NUM_RELS, dtype=jnp.int32)
    # RelGraphConv(1,1,11) weights: per-relation weight [num_rels, in, out], self-loop weight, bias
    W_rel1 = jax.random.normal(ks[3], (NUM_RELS, 1, 1), dtype=jnp.float32) * 0.3
    W_rel2 = jax.random.normal(ks[4], (NUM_RELS, 1, 1), dtype=jnp.float32) * 0.3
    W_rel3 = jax.random.normal(ks[5], (NUM_RELS, 1, 1), dtype=jnp.float32) * 0.3
    W_loop1 = jax.random.normal(ks[6], (1, 1), dtype=jnp.float32) * 0.3
    W_loop2 = jax.random.normal(ks[7], (1, 1), dtype=jnp.float32) * 0.3
    W_loop3 = jax.random.normal(ks[8], (1, 1), dtype=jnp.float32) * 0.3
    b1 = jnp.zeros((1,), dtype=jnp.float32)
    b2 = jnp.zeros((1,), dtype=jnp.float32)
    b3 = jnp.zeros((1,), dtype=jnp.float32)
    fc_w = jax.random.normal(ks[9], (NB_CLASSES, NB_GOS), dtype=jnp.float32) * 0.01
    fc_b = jnp.zeros((NB_CLASSES,), dtype=jnp.float32)
    return {"features": features, "edge_index": edge_index, "etypes": etypes,
            "W_rel1": W_rel1, "W_loop1": W_loop1, "b1": b1,
            "W_rel2": W_rel2, "W_loop2": W_loop2, "b2": b2,
            "W_rel3": W_rel3, "W_loop3": W_loop3, "b3": b3,
            "fc_w": fc_w, "fc_b": fc_b}


def _rel_graph_conv(x, src, dst, etypes, W_rel, W_loop, b):
    # message: m_e = W_{etype(e)} @ h_src(e)   (relation-specific linear)
    h_src = jnp.take(x, src, axis=0)                      # [E, 1] gather
    W_e = jnp.take(W_rel, etypes, axis=0)                 # [E, 1, 1] gather by relation
    msg = jnp.einsum('ei,eio->eo', h_src, W_e)            # [E, 1]
    agg = jax.ops.segment_sum(msg, dst, num_segments=N)   # scatter-add to dst nodes
    # self-loop + bias (DGL RelGraphConv defaults: self_loop=True, bias=True, activation=None)
    return agg + x @ W_loop + b


def reference(features, edge_index, etypes, W_rel1, W_loop1, b1, W_rel2, W_loop2, b2, W_rel3, W_loop3, b3, fc_w, fc_b):
    src = edge_index[0]
    dst = edge_index[1]
    x = _rel_graph_conv(features, src, dst, etypes, W_rel1, W_loop1, b1)
    x = _rel_graph_conv(x, src, dst, etypes, W_rel2, W_loop2, b2)
    x = _rel_graph_conv(x, src, dst, etypes, W_rel3, W_loop3, b3)
    h = jnp.reshape(x, (-1, NB_GOS))                      # [5, 10000]
    logits = h @ fc_w.T + fc_b                            # [5, 4000]
    return jax.nn.sigmoid(logits)

if __name__ == "__main__":
    import jax
    _d = setup_inputs()
    print(jax.jit(kernel)(*tuple(_d.values())))

</pallas_src>

<mosaic_0001>
#map = affine_map<(d0, d1) -> (0)>
#map1 = affine_map<(d0, d1) -> (0, 0)>
#map2 = affine_map<(d0, d1) -> (0, 0, 0, 0)>
module attributes {stable_mosaic.version = 14 : i64} {
  func.func @_rgc_layer(%arg0: i32, %arg1: i32, %arg2: memref<50176xf32, #tpu.memory_space<hbm>>, %arg3: memref<50176xf32, #tpu.memory_space<hbm>>, %arg4: memref<1600000xi32, #tpu.memory_space<hbm>>, %arg5: memref<1600000xi32, #tpu.memory_space<hbm>>, %arg6: memref<16xf32, #tpu.memory_space<hbm>>, %arg7: memref<16xf32, #tpu.memory_space<hbm>>, %arg8: memref<16xf32, #tpu.memory_space<hbm>>, %arg9: memref<28x112xi32, #tpu.memory_space<hbm>>, %arg10: memref<2x16x196x16xf32, #tpu.memory_space<hbm>>, %arg11: memref<50176xf32, #tpu.memory_space<vmem>>, %arg12: memref<3136x16xf32, #tpu.memory_space<vmem>>, %arg13: memref<3136xf32, #tpu.memory_space<vmem>>, %arg14: memref<3136xf32, #tpu.memory_space<vmem>>, %arg15: memref<2000xi32, #tpu.memory_space<vmem>>, %arg16: memref<2000xi32, #tpu.memory_space<vmem>>, %arg17: memref<2000xi32, #tpu.memory_space<vmem>>, %arg18: memref<2000xi32, #tpu.memory_space<vmem>>, %arg19: memref<28x112xi32, #tpu.memory_space<vmem>>, %arg20: memref<16xf32, #tpu.memory_space<vmem>>, %arg21: memref<16xf32, #tpu.memory_space<vmem>>, %arg22: memref<16xf32, #tpu.memory_space<vmem>>, %arg23: memref<50176xf32, #tpu.memory_space<vmem_shared>>, %arg24: memref<3136x16xf32, #tpu.memory_space<vmem_shared>>, %arg25: memref<!tpu.dma_semaphore, #tpu.memory_space<semaphore_mem>>, %arg26: memref<!tpu.dma_semaphore, #tpu.memory_space<semaphore_mem>>, %arg27: memref<!tpu.dma_semaphore, #tpu.memory_space<semaphore_mem>>, %arg28: memref<!tpu.dma_semaphore, #tpu.memory_space<semaphore_mem>>, %arg29: memref<!tpu.dma_semaphore, #tpu.memory_space<semaphore_mem>>) attributes {dimension_semantics = [#tpu.dimension_semantics<core_parallel>, #tpu.dimension_semantics<subcore_parallel>], iteration_bounds = array<i64: 2, 16>, scalar_prefetch = 0 : i64, scratch_operands = 19 : i64, tpu.core_type = #tpu.core_type<sc_vector_subcore>, window_params = [{transform_indices = #map}, {transform_indices = #map}, {transform_indices = #map}, {transform_indices = #map}, {transform_indices = #map}, {transform_indices = #map}, {transform_indices = #map}, {transform_indices = #map1}, {transform_indices = #map2}]} {
    %mul3A = arith.constant 16 : i32
    %mul3A_0 = arith.muli %arg0, %mul3A : i32
    %add3A = arith.addi %mul3A_0, %arg1 : i32
    "tpu.region"() ({
      %run_scoped3A = tpu.sem_alloc : memref<!tpu.dma_semaphore, #tpu.memory_space<semaphore_mem>>
      tpu.enqueue_dma source(%arg6 : memref<16xf32, #tpu.memory_space<hbm>>) target(%arg20 : memref<16xf32, #tpu.memory_space<vmem>>) target_semaphore(%run_scoped3A : memref<!tpu.dma_semaphore, #tpu.memory_space<semaphore_mem>>)
      tpu.wait_dma2 semaphore(%run_scoped3A : memref<!tpu.dma_semaphore, #tpu.memory_space<semaphore_mem>>) src(%arg6 : memref<16xf32, #tpu.memory_space<hbm>>) dst(%arg20 : memref<16xf32, #tpu.memory_space<vmem>>)
      tpu.yield
    }) : () -> ()
    "tpu.region"() ({
      %run_scoped3A = tpu.sem_alloc : memref<!tpu.dma_semaphore, #tpu.memory_space<semaphore_mem>>
      tpu.enqueue_dma source(%arg7 : memref<16xf32, #tpu.memory_space<hbm>>) target(%arg21 : memref<16xf32, #tpu.memory_space<vmem>>) target_semaphore(%run_scoped3A : memref<!tpu.dma_semaphore, #tpu.memory_space<semaphore_mem>>)
      tpu.wait_dma2 semaphore(%run_scoped3A : memref<!tpu.dma_semaphore, #tpu.memory_space<semaphore_mem>>) src(%arg7 : memref<16xf32, #tpu.memory_space<hbm>>) dst(%arg21 : memref<16xf32, #tpu.memory_space<vmem>>)
      tpu.yield
    }) : () -> ()
    "tpu.region"() ({
      %run_scoped3A = tpu.sem_alloc : memref<!tpu.dma_semaphore, #tpu.memory_space<semaphore_mem>>
      tpu.enqueue_dma source(%arg8 : memref<16xf32, #tpu.memory_space<hbm>>) target(%arg22 : memref<16xf32, #tpu.memory_space<vmem>>) target_semaphore(%run_scoped3A : memref<!tpu.dma_semaphore, #tpu.memory_space<semaphore_mem>>)
      tpu.wait_dma2 semaphore(%run_scoped3A : memref<!tpu.dma_semaphore, #tpu.memory_space<semaphore_mem>>) src(%arg8 : memref<16xf32, #tpu.memory_space<hbm>>) dst(%arg22 : memref<16xf32, #tpu.memory_space<vmem>>)
      tpu.yield
    }) : () -> ()
    %mul3A_1 = arith.constant 3136 : i32
    %mul3A_2 = arith.muli %arg1, %mul3A_1 : i32
    %dma_start3A = tpu.memref_slice %arg2[%mul3A_2] : memref<50176xf32, #tpu.memory_space<hbm>> -> memref<3136xf32, #tpu.memory_space<hbm>>
    %dma_start3A_3 = tpu.memref_slice %arg2[%mul3A_2] : memref<50176xf32, #tpu.memory_space<hbm>> -> memref<3136xf32, #tpu.memory_space<hbm>>
    tpu.enqueue_dma source(%dma_start3A_3 : memref<3136xf32, #tpu.memory_space<hbm>>) target(%arg13 : memref<3136xf32, #tpu.memory_space<vmem>>) target_semaphore(%arg25 : memref<!tpu.dma_semaphore, #tpu.memory_space<semaphore_mem>>)
    %mul3A_4 = arith.constant 3136 : i32
    %mul3A_5 = arith.muli %arg1, %mul3A_4 : i32
    %dma_start3A_6 = tpu.memref_slice %arg3[%mul3A_5] : memref<50176xf32, #tpu.memory_space<hbm>> -> memref<3136xf32, #tpu.memory_space<hbm>>
    %dma_start3A_7 = tpu.memref_slice %arg3[%mul3A_5] : memref<50176xf32, #tpu.memory_space<hbm>> -> memref<3136xf32, #tpu.memory_space<hbm>>
    tpu.enqueue_dma source(%dma_start3A_7 : memref<3136xf32, #tpu.memory_space<hbm>>) target(%arg14 : memref<3136xf32, #tpu.memory_space<vmem>>) target_semaphore(%arg26 : memref<!tpu.dma_semaphore, #tpu.memory_space<semaphore_mem>>)
    tpu.enqueue_dma source(%arg9 : memref<28x112xi32, #tpu.memory_space<hbm>>) target(%arg19 : memref<28x112xi32, #tpu.memory_space<vmem>>) target_semaphore(%arg29 : memref<!tpu.dma_semaphore, #tpu.memory_space<semaphore_mem>>)
    %broadcast_in_dim3A = arith.constant 0.000000e+00 : f32
    %broadcast_in_dim3A_8 = vector.broadcast %broadcast_in_dim3A : f32 to vector<16xf32>
    %parallel_loop3A = arith.constant 0 : i32
    %parallel_loop3A_9 = arith.constant 3136 : i32
    %parallel_loop3A_10 = arith.constant 1 : i32
    scf.for %parallel_loop3A_464 = %parallel_loop3A to %parallel_loop3A_9 step %parallel_loop3A_10  : i32 {
      %parallel_loop3A_465 = arith.index_cast %parallel_loop3A_464 : i32 to index
      %parallel_loop3A_466 = arith.constant 0 : index
      %parallel_loop3A_467 = tpu.vector_load %arg12[%parallel_loop3A_465, %parallel_loop3A_466] {strides = array<i32>} : memref<3136x16xf32, #tpu.memory_space<vmem>>, vector<16xf32>,
      tpu.vector_store %arg12[%parallel_loop3A_465, %parallel_loop3A_466], %broadcast_in_dim3A_8 {strides = array<i32>} : memref<3136x16xf32, #tpu.memory_space<vmem>>, vector<16xf32>,
    } {sc.loop_unroll_factor = 8 : i64, sc.parallel_access}
    %dma_wait3A = tpu.memref_slice %arg2[%mul3A_2] : memref<50176xf32, #tpu.memory_space<hbm>> -> memref<3136xf32, #tpu.memory_space<hbm>>
    %dma_wait3A_11 = tpu.memref_slice %arg2[%mul3A_2] : memref<50176xf32, #tpu.memory_space<hbm>> -> memref<3136xf32, #tpu.memory_space<hbm>>
    tpu.wait_dma2 semaphore(%arg25 : memref<!tpu.dma_semaphore, #tpu.memory_space<semaphore_mem>>) src(%dma_wait3A_11 : memref<3136xf32, #tpu.memory_space<hbm>>) dst(%arg13 : memref<3136xf32, #tpu.memory_space<vmem>>)
    %dma_wait3A_12 = tpu.memref_slice %arg3[%mul3A_5] : memref<50176xf32, #tpu.memory_space<hbm>> -> memref<3136xf32, #tpu.memory_space<hbm>>
    %dma_wait3A_13 = tpu.memref_slice %arg3[%mul3A_5] : memref<50176xf32, #tpu.memory_space<hbm>> -> memref<3136xf32, #tpu.memory_space<hbm>>
    tpu.wait_dma2 semaphore(%arg26 : memref<!tpu.dma_semaphore, #tpu.memory_space<semaphore_mem>>) src(%dma_wait3A_13 : memref<3136xf32, #tpu.memory_space<hbm>>) dst(%arg14 : memref<3136xf32, #tpu.memory_space<vmem>>)
    %parallel_loop3A_14 = arith.constant 0 : i32
    %parallel_loop3A_15 = arith.constant 3136 : i32
    %parallel_loop3A_16 = arith.constant 16 : i32
    scf.for %parallel_loop3A_464 = %parallel_loop3A_14 to %parallel_loop3A_15 step %parallel_loop3A_16  : i32 {
      %parallel_loop3A_465 = arith.index_cast %parallel_loop3A_464 : i32 to index
      %parallel_loop3A_466 = tpu.vector_load %arg13[%parallel_loop3A_465] {strides = array<i32>} : memref<3136xf32, #tpu.memory_space<vmem>>, vector<16xf32>,
      %parallel_loop3A_467 = arith.index_cast %parallel_loop3A_464 : i32 to index
      %parallel_loop3A_468 = tpu.vector_load %arg14[%parallel_loop3A_467] {strides = array<i32>} : memref<3136xf32, #tpu.memory_space<vmem>>, vector<16xf32>,
      %parallel_loop3A_469 = arith.addf %parallel_loop3A_466, %parallel_loop3A_468 : vector<16xf32>
      %parallel_loop3A_470 = arith.index_cast %parallel_loop3A_464 : i32 to index
      %parallel_loop3A_471 = tpu.vector_load %arg13[%parallel_loop3A_470] {strides = array<i32>} : memref<3136xf32, #tpu.memory_space<vmem>>, vector<16xf32>,
      tpu.vector_store %arg13[%parallel_loop3A_470], %parallel_loop3A_469 {strides = array<i32>} : memref<3136xf32, #tpu.memory_space<vmem>>, vector<16xf32>,
    } {sc.loop_unroll_factor = 4 : i64, sc.parallel_access}
    %mul3A_17 = arith.constant 3136 : i32
    %mul3A_18 = arith.muli %arg1, %mul3A_17 : i32
    "tpu.region"() ({
      %run_scoped3A = tpu.sem_alloc : memref<!tpu.dma_semaphore, #tpu.memory_space<semaphore_mem>>
      %dma_start3A_464 = tpu.memref_slice %arg23[%mul3A_18] : memref<50176xf32, #tpu.memory_space<vmem_shared>> -> memref<3136xf32, #tpu.memory_space<vmem_shared>>
      %dma_start3A_465 = tpu.memref_slice %arg23[%mul3A_18] : memref<50176xf32, #tpu.memory_space<vmem_shared>> -> memref<3136xf32, #tpu.memory_space<vmem_shared>>
      tpu.enqueue_dma source(%arg13 : memref<3136xf32, #tpu.memory_space<vmem>>) target(%dma_start3A_465 : memref<3136xf32, #tpu.memory_space<vmem_shared>>) target_semaphore(%run_scoped3A : memref<!tpu.dma_semaphore, #tpu.memory_space<semaphore_mem>>)
      %dma_wait3A_466 = tpu.memref_slice %arg23[%mul3A_18] : memref<50176xf32, #tpu.memory_space<vmem_shared>> -> memref<3136xf32, #tpu.memory_space<vmem_shared>>
      %dma_wait3A_467 = tpu.memref_slice %arg23[%mul3A_18] : memref<50176xf32, #tpu.memory_space<vmem_shared>> -> memref<3136xf32, #tpu.memory_space<vmem_shared>>
      tpu.wait_dma2 semaphore(%run_scoped3A : memref<!tpu.dma_semaphore, #tpu.memory_space<semaphore_mem>>) src(%arg13 : memref<3136xf32, #tpu.memory_space<vmem>>) dst(%dma_wait3A_467 : memref<3136xf32, #tpu.memory_space<vmem_shared>>)
      tpu.yield
    }) : () -> ()
    %barrier3A = arith.constant 0 : index
    tpu.barrier barrier_id(%barrier3A)
    "tpu.region"() ({
      %run_scoped3A = tpu.sem_alloc : memref<!tpu.dma_semaphore, #tpu.memory_space<semaphore_mem>>
      tpu.enqueue_dma source(%arg23 : memref<50176xf32, #tpu.memory_space<vmem_shared>>) target(%arg11 : memref<50176xf32, #tpu.memory_space<vmem>>) target_semaphore(%run_scoped3A : memref<!tpu.dma_semaphore, #tpu.memory_space<semaphore_mem>>)
      tpu.wait_dma2 semaphore(%run_scoped3A : memref<!tpu.dma_semaphore, #tpu.memory_space<semaphore_mem>>) src(%arg23 : memref<50176xf32, #tpu.memory_space<vmem_shared>>) dst(%arg11 : memref<50176xf32, #tpu.memory_space<vmem>>)
      tpu.yield
    }) : () -> ()
    %mul3A_19 = arith.constant 50000 : i32
    %mul3A_20 = arith.muli %add3A, %mul3A_19 : i32
    %add3A_21 = arith.constant 0 : i32
    %add3A_22 = arith.addi %mul3A_20, %add3A_21 : i32
    %dma_start3A_23 = tpu.memref_slice %arg4[%add3A_22] : memref<1600000xi32, #tpu.memory_space<hbm>> -> memref<2000xi32, #tpu.memory_space<hbm>>
    %dma_start3A_24 = tpu.memref_slice %arg4[%add3A_22] : memref<1600000xi32, #tpu.memory_space<hbm>> -> memref<2000xi32, #tpu.memory_space<hbm>>
    tpu.enqueue_dma source(%dma_start3A_24 : memref<2000xi32, #tpu.memory_space<hbm>>) target(%arg15 : memref<2000xi32, #tpu.memory_space<vmem>>) target_semaphore(%arg27 : memref<!tpu.dma_semaphore, #tpu.memory_space<semaphore_mem>>)
    %dma_start3A_25 = tpu.memref_slice %arg5[%add3A_22] : memref<1600000xi32, #tpu.memory_space<hbm>> -> memref<2000xi32, #tpu.memory_space<hbm>>
    %dma_start3A_26 = tpu.memref_slice %arg5[%add3A_22] : memref<1600000xi32, #tpu.memory_space<hbm>> -> memref<2000xi32, #tpu.memory_space<hbm>>
    tpu.enqueue_dma source(%dma_start3A_26 : memref<2000xi32, #tpu.memory_space<hbm>>) target(%arg17 : memref<2000xi32, #tpu.memory_space<vmem>>) target_semaphore(%arg27 : memref<!tpu.dma_semaphore, #tpu.memory_space<semaphore_mem>>)
    %add3A_27 = arith.constant 2000 : i32
    %add3A_28 = arith.addi %mul3A_20, %add3A_27 : i32
    %dma_start3A_29 = tpu.memref_slice %arg4[%add3A_28] : memref<1600000xi32, #tpu.memory_space<hbm>> -> memref<2000xi32, #tpu.memory_space<hbm>>
    %dma_start3A_30 = tpu.memref_slice %arg4[%add3A_28] : memref<1600000xi32, #tpu.memory_space<hbm>> -> memref<2000xi32, #tpu.memory_space<hbm>>
    tpu.enqueue_dma source(%dma_start3A_30 : memref<2000xi32, #tpu.memory_space<hbm>>) target(%arg16 : memref<2000xi32, #tpu.memory_space<vmem>>) target_semaphore(%arg28 : memref<!tpu.dma_semaphore, #tpu.memory_space<semaphore_mem>>)
    %dma_start3A_31 = tpu.memref_slice %arg5[%add3A_28] : memref<1600000xi32, #tpu.memory_space<hbm>> -> memref<2000xi32, #tpu.memory_space<hbm>>
    %dma_start3A_32 = tpu.memref_slice %arg5[%add3A_28] : memref<1600000xi32, #tpu.memory_space<hbm>> -> memref<2000xi32, #tpu.memory_space<hbm>>
    tpu.enqueue_dma source(%dma_start3A_32 : memref<2000xi32, #tpu.memory_space<hbm>>) target(%arg18 : memref<2000xi32, #tpu.memory_space<vmem>>) target_semaphore(%arg28 : memref<!tpu.dma_semaphore, #tpu.memory_space<semaphore_mem>>)
    %dma_wait3A_33 = arith.constant 0 : i32
    %dma_wait3A_34 = tpu.memref_slice %arg4[%dma_wait3A_33] : memref<1600000xi32, #tpu.memory_space<hbm>> -> memref<2000xi32, #tpu.memory_space<hbm>>
    %dma_wait3A_35 = arith.constant 0 : i32
    %dma_wait3A_36 = tpu.memref_slice %arg4[%dma_wait3A_35] : memref<1600000xi32, #tpu.memory_space<hbm>> -> memref<2000xi32, #tpu.memory_space<hbm>>
    tpu.wait_dma2 semaphore(%arg27 : memref<!tpu.dma_semaphore, #tpu.memory_space<semaphore_mem>>) src(%dma_wait3A_36 : memref<2000xi32, #tpu.memory_space<hbm>>) dst(%arg15 : memref<2000xi32, #tpu.memory_space<vmem>>)
    %dma_wait3A_37 = arith.constant 0 : i32
    %dma_wait3A_38 = tpu.memref_slice %arg5[%dma_wait3A_37] : memref<1600000xi32, #tpu.memory_space<hbm>> -> memref<2000xi32, #tpu.memory_space<hbm>>
    %dma_wait3A_39 = arith.constant 0 : i32
    %dma_wait3A_40 = tpu.memref_slice %arg5[%dma_wait3A_39] : memref<1600000xi32, #tpu.memory_space<hbm>> -> memref<2000xi32, #tpu.memory_space<hbm>>
    tpu.wait_dma2 semaphore(%arg27 : memref<!tpu.dma_semaphore, #tpu.memory_space<semaphore_mem>>) src(%dma_wait3A_40 : memref<2000xi32, #tpu.memory_space<hbm>>) dst(%arg17 : memref<2000xi32, #tpu.memory_space<vmem>>)
    %parallel_loop3A_41 = arith.constant 0 : i32
    %parallel_loop3A_42 = arith.constant 2000 : i32
    %parallel_loop3A_43 = arith.constant 16 : i32
    scf.for %parallel_loop3A_464 = %parallel_loop3A_41 to %parallel_loop3A_42 step %parallel_loop3A_43  : i32 {
      %parallel_loop3A_465 = arith.index_cast %parallel_loop3A_464 : i32 to index
      %parallel_loop3A_466 = tpu.vector_load %arg15[%parallel_loop3A_465] {strides = array<i32>} : memref<2000xi32, #tpu.memory_space<vmem>>, vector<16xi32>,
      %parallel_loop3A_467 = arith.index_cast %parallel_loop3A_464 : i32 to index
      %parallel_loop3A_468 = tpu.vector_load %arg17[%parallel_loop3A_467] {strides = array<i32>} : memref<2000xi32, #tpu.memory_space<vmem>>, vector<16xi32>,
      %parallel_loop3A_469 = arith.constant 65535 : i32
      %parallel_loop3A_470 = vector.broadcast %parallel_loop3A_469 : i32 to vector<16xi32>
      %parallel_loop3A_471 = arith.andi %parallel_loop3A_466, %parallel_loop3A_470 : vector<16xi32>
      %parallel_loop3A_472 = arith.constant 16 : i32
      %parallel_loop3A_473 = vector.broadcast %parallel_loop3A_472 : i32 to vector<16xi32>
      %parallel_loop3A_474 = arith.shrui %parallel_loop3A_466, %parallel_loop3A_473 : vector<16xi32>
      %parallel_loop3A_475 = tpu.vector_load_idx %arg20[%parallel_loop3A_474] : memref<16xf32, #tpu.memory_space<vmem>>[vector<16xi32>], vector<16xf32>,
      %parallel_loop3A_476 = tpu.vector_load_idx %arg11[%parallel_loop3A_471] : memref<50176xf32, #tpu.memory_space<vmem>>[vector<16xi32>], vector<16xf32>,
      %parallel_loop3A_477 = arith.constant 4 : i32
      %parallel_loop3A_478 = vector.broadcast %parallel_loop3A_477 : i32 to vector<16xi32>
      %parallel_loop3A_479 = arith.shrui %parallel_loop3A_468, %parallel_loop3A_478 : vector<16xi32>
      %parallel_loop3A_480 = arith.constant 15 : i32
      %parallel_loop3A_481 = vector.broadcast %parallel_loop3A_480 : i32 to vector<16xi32>
      %parallel_loop3A_482 = arith.andi %parallel_loop3A_468, %parallel_loop3A_481 : vector<16xi32>
      %parallel_loop3A_483 = arith.mulf %parallel_loop3A_475, %parallel_loop3A_476 : vector<16xf32>
      tpu.vector_store_idx %arg12[%parallel_loop3A_479, %parallel_loop3A_482], %parallel_loop3A_483 {add = true} : memref<3136x16xf32, #tpu.memory_space<vmem>>[vector<16xi32>, vector<16xi32>], vector<16xf32>,
    } {sc.loop_unroll_factor = 8 : i64, sc.parallel_access}
    %add3A_44 = arith.constant 4000 : i32
    %add3A_45 = arith.addi %mul3A_20, %add3A_44 : i32
    %dma_start3A_46 = tpu.memref_slice %arg4[%add3A_45] : memref<1600000xi32, #tpu.memory_space<hbm>> -> memref<2000xi32, #tpu.memory_space<hbm>>
    %dma_start3A_47 = tpu.memref_slice %arg4[%add3A_45] : memref<1600000xi32, #tpu.memory_space<hbm>> -> memref<2000xi32, #tpu.memory_space<hbm>>
    tpu.enqueue_dma source(%dma_start3A_47 : memref<2000xi32, #tpu.memory_space<hbm>>) target(%arg15 : memref<2000xi32, #tpu.memory_space<vmem>>) target_semaphore(%arg27 : memref<!tpu.dma_semaphore, #tpu.memory_space<semaphore_mem>>)
    %dma_start3A_48 = tpu.memref_slice %arg5[%add3A_45] : memref<1600000xi32, #tpu.memory_space<hbm>> -> memref<2000xi32, #tpu.memory_space<hbm>>
    %dma_start3A_49 = tpu.memref_slice %arg5[%add3A_45] : memref<1600000xi32, #tpu.memory_space<hbm>> -> memref<2000xi32, #tpu.memory_space<hbm>>
    tpu.enqueue_dma source(%dma_start3A_49 : memref<2000xi32, #tpu.memory_space<hbm>>) target(%arg17 : memref<2000xi32, #tpu.memory_space<vmem>>) target_semaphore(%arg27 : memref<!tpu.dma_semaphore, #tpu.memory_space<semaphore_mem>>)
    %dma_wait3A_50 = arith.constant 0 : i32
    %dma_wait3A_51 = tpu.memref_slice %arg4[%dma_wait3A_50] : memref<1600000xi32, #tpu.memory_space<hbm>> -> memref<2000xi32, #tpu.memory_space<hbm>>
    %dma_wait3A_52 = arith.constant 0 : i32
    %dma_wait3A_53 = tpu.memref_slice %arg4[%dma_wait3A_52] : memref<1600000xi32, #tpu.memory_space<hbm>> -> memref<2000xi32, #tpu.memory_space<hbm>>
    tpu.wait_dma2 semaphore(%arg28 : memref<!tpu.dma_semaphore, #tpu.memory_space<semaphore_mem>>) src(%dma_wait3A_53 : memref<2000xi32, #tpu.memory_space<hbm>>) dst(%arg16 : memref<2000xi32, #tpu.memory_space<vmem>>)
    %dma_wait3A_54 = arith.constant 0 : i32
    %dma_wait3A_55 = tpu.memref_slice %arg5[%dma_wait3A_54] : memref<1600000xi32, #tpu.memory_space<hbm>> -> memref<2000xi32, #tpu.memory_space<hbm>>
    %dma_wait3A_56 = arith.constant 0 : i32
    %dma_wait3A_57 = tpu.memref_slice %arg5[%dma_wait3A_56] : memref<1600000xi32, #tpu.memory_space<hbm>> -> memref<2000xi32, #tpu.memory_space<hbm>>
    tpu.wait_dma2 semaphore(%arg28 : memref<!tpu.dma_semaphore, #tpu.memory_space<semaphore_mem>>) src(%dma_wait3A_57 : memref<2000xi32, #tpu.memory_space<hbm>>) dst(%arg18 : memref<2000xi32, #tpu.memory_space<vmem>>)
    %parallel_loop3A_58 = arith.constant 0 : i32
    %parallel_loop3A_59 = arith.constant 2000 : i32
    %parallel_loop3A_60 = arith.constant 16 : i32
    scf.for %parallel_loop3A_464 = %parallel_loop3A_58 to %parallel_loop3A_59 step %parallel_loop3A_60  : i32 {
      %parallel_loop3A_465 = arith.index_cast %parallel_loop3A_464 : i32 to index
      %parallel_loop3A_466 = tpu.vector_load %arg16[%parallel_loop3A_465] {strides = array<i32>} : memref<2000xi32, #tpu.memory_space<vmem>>, vector<16xi32>,
      %parallel_loop3A_467 = arith.index_cast %parallel_loop3A_464 : i32 to index
      %parallel_loop3A_468 = tpu.vector_load %arg18[%parallel_loop3A_467] {strides = array<i32>} : memref<2000xi32, #tpu.memory_space<vmem>>, vector<16xi32>,
      %parallel_loop3A_469 = arith.constant 65535 : i32
      %parallel_loop3A_470 = vector.broadcast %parallel_loop3A_469 : i32 to vector<16xi32>
      %parallel_loop3A_471 = arith.andi %parallel_loop3A_466, %parallel_loop3A_470 : vector<16xi32>
      %parallel_loop3A_472 = arith.constant 16 : i32
      %parallel_loop3A_473 = vector.broadcast %parallel_loop3A_472 : i32 to vector<16xi32>
      %parallel_loop3A_474 = arith.shrui %parallel_loop3A_466, %parallel_loop3A_473 : vector<16xi32>
      %parallel_loop3A_475 = tpu.vector_load_idx %arg20[%parallel_loop3A_474] : memref<16xf32, #tpu.memory_space<vmem>>[vector<16xi32>], vector<16xf32>,
      %parallel_loop3A_476 = tpu.vector_load_idx %arg11[%parallel_loop3A_471] : memref<50176xf32, #tpu.memory_space<vmem>>[vector<16xi32>], vector<16xf32>,
      %parallel_loop3A_477 = arith.constant 4 : i32
      %parallel_loop3A_478 = vector.broadcast %parallel_loop3A_477 : i32 to vector<16xi32>
      %parallel_loop3A_479 = arith.shrui %parallel_loop3A_468, %parallel_loop3A_478 : vector<16xi32>
      %parallel_loop3A_480 = arith.constant 15 : i32
      %parallel_loop3A_481 = vector.broadcast %parallel_loop3A_480 : i32 to vector<16xi32>
      %parallel_loop3A_482 = arith.andi %parallel_loop3A_468, %parallel_loop3A_481 : vector<16xi32>
      %parallel_loop3A_483 = arith.mulf %parallel_loop3A_475, %parallel_loop3A_476 : vector<16xf32>
      tpu.vector_store_idx %arg12[%parallel_loop3A_479, %parallel_loop3A_482], %parallel_loop3A_483 {add = true} : memref<3136x16xf32, #tpu.memory_space<vmem>>[vector<16xi32>, vector<16xi32>], vector<16xf32>,
    } {sc.loop_unroll_factor = 8 : i64, sc.parallel_access}
    %add3A_61 = arith.constant 6000 : i32
    %add3A_62 = arith.addi %mul3A_20, %add3A_61 : i32
    %dma_start3A_63 = tpu.memref_slice %arg4[%add3A_62] : memref<1600000xi32, #tpu.memory_space<hbm>> -> memref<2000xi32, #tpu.memory_space<hbm>>
    %dma_start3A_64 = tpu.memref_slice %arg4[%add3A_62] : memref<1600000xi32, #tpu.memory_space<hbm>> -> memref<2000xi32, #tpu.memory_space<hbm>>
    tpu.enqueue_dma source(%dma_start3A_64 : memref<2000xi32, #tpu.memory_space<hbm>>) target(%arg16 : memref<2000xi32, #tpu.memory_space<vmem>>) target_semaphore(%arg28 : memref<!tpu.dma_semaphore, #tpu.memory_space<semaphore_mem>>)
    %dma_start3A_65 = tpu.memref_slice %arg5[%add3A_62] : memref<1600000xi32, #tpu.memory_space<hbm>> -> memref<2000xi32, #tpu.memory_space<hbm>>
    %dma_start3A_66 = tpu.memref_slice %arg5[%add3A_62] : memref<1600000xi32, #tpu.memory_space<hbm>> -> memref<2000xi32, #tpu.memory_space<hbm>>
    tpu.enqueue_dma source(%dma_start3A_66 : memref<2000xi32, #tpu.memory_space<hbm>>) target(%arg18 : memref<2000xi32, #tpu.memory_space<vmem>>) target_semaphore(%arg28 : memref<!tpu.dma_semaphore, #tpu.memory_space<semaphore_mem>>)
    %dma_wait3A_67 = arith.constant 0 : i32
    %dma_wait3A_68 = tpu.memref_slice %arg4[%dma_wait3A_67] : memref<1600000xi32, #tpu.memory_space<hbm>> -> memref<2000xi32, #tpu.memory_space<hbm>>
    %dma_wait3A_69 = arith.constant 0 : i32
    %dma_wait3A_70 = tpu.memref_slice %arg4[%dma_wait3A_69] : memref<1600000xi32, #tpu.memory_space<hbm>> -> memref<2000xi32, #tpu.memory_space<hbm>>
    tpu.wait_dma2 semaphore(%arg27 : memref<!tpu.dma_semaphore, #tpu.memory_space<semaphore_mem>>) src(%dma_wait3A_70 : memref<2000xi32, #tpu.memory_space<hbm>>) dst(%arg15 : memref<2000xi32, #tpu.memory_space<vmem>>)
    %dma_wait3A_71 = arith.constant 0 : i32
    %dma_wait3A_72 = tpu.memref_slice %arg5[%dma_wait3A_71] : memref<1600000xi32, #tpu.memory_space<hbm>> -> memref<2000xi32, #tpu.memory_space<hbm>>
    %dma_wait3A_73 = arith.constant 0 : i32
    %dma_wait3A_74 = tpu.memref_slice %arg5[%dma_wait3A_73] : memref<1600000xi32, #tpu.memory_space<hbm>> -> memref<2000xi32, #tpu.memory_space<hbm>>
    tpu.wait_dma2 semaphore(%arg27 : memref<!tpu.dma_semaphore, #tpu.memory_space<semaphore_mem>>) src(%dma_wait3A_74 : memref<2000xi32, #tpu.memory_space<hbm>>) dst(%arg17 : memref<2000xi32, #tpu.memory_space<vmem>>)
    %parallel_loop3A_75 = arith.constant 0 : i32
    %parallel_loop3A_76 = arith.constant 2000 : i32
    %parallel_loop3A_77 = arith.constant 16 : i32
    scf.for %parallel_loop3A_464 = %parallel_loop3A_75 to %parallel_loop3A_76 step %parallel_loop3A_77  : i32 {
      %parallel_loop3A_465 = arith.index_cast %parallel_loop3A_464 : i32 to index
      %parallel_loop3A_466 = tpu.vector_load %arg15[%parallel_loop3A_465] {strides = array<i32>} : memref<2000xi32, #tpu.memory_space<vmem>>, vector<16xi32>,
      %parallel_loop3A_467 = arith.index_cast %parallel_loop3A_464 : i32 to index
      %parallel_loop3A_468 = tpu.vector_load %arg17[%parallel_loop3A_467] {strides = array<i32>} : memref<2000xi32, #tpu.memory_space<vmem>>, vector<16xi32>,
      %parallel_loop3A_469 = arith.constant 65535 : i32
      %parallel_loop3A_470 = vector.broadcast %parallel_loop3A_469 : i32 to vector<16xi32>
      %parallel_loop3A_471 = arith.andi %parallel_loop3A_466, %parallel_loop3A_470 : vector<16xi32>
      %parallel_loop3A_472 = arith.constant 16 : i32
      %parallel_loop3A_473 = vector.broadcast %parallel_loop3A_472 : i32 to vector<16xi32>
      %parallel_loop3A_474 = arith.shrui %parallel_loop3A_466, %parallel_loop3A_473 : vector<16xi32>
      %parallel_loop3A_475 = tpu.vector_load_idx %arg20[%parallel_loop3A_474] : memref<16xf32, #tpu.memory_space<vmem>>[vector<16xi32>], vector<16xf32>,
      %parallel_loop3A_476 = tpu.vector_load_idx %arg11[%parallel_loop3A_471] : memref<50176xf32, #tpu.memory_space<vmem>>[vector<16xi32>], vector<16xf32>,
      %parallel_loop3A_477 = arith.constant 4 : i32
      %parallel_loop3A_478 = vector.broadcast %parallel_loop3A_477 : i32 to vector<16xi32>
      %parallel_loop3A_479 = arith.shrui %parallel_loop3A_468, %parallel_loop3A_478 : vector<16xi32>
      %parallel_loop3A_480 = arith.constant 15 : i32
      %parallel_loop3A_481 = vector.broadcast %parallel_loop3A_480 : i32 to vector<16xi32>
      %parallel_loop3A_482 = arith.andi %parallel_loop3A_468, %parallel_loop3A_481 : vector<16xi32>
      %parallel_loop3A_483 = arith.mulf %parallel_loop3A_475, %parallel_loop3A_476 : vector<16xf32>
      tpu.vector_store_idx %arg12[%parallel_loop3A_479, %parallel_loop3A_482], %parallel_loop3A_483 {add = true} : memref<3136x16xf32, #tpu.memory_space<vmem>>[vector<16xi32>, vector<16xi32>], vector<16xf32>,
    } {sc.loop_unroll_factor = 8 : i64, sc.parallel_access}
    %add3A_78 = arith.constant 8000 : i32
    %add3A_79 = arith.addi %mul3A_20, %add3A_78 : i32
    %dma_start3A_80 = tpu.memref_slice %arg4[%add3A_79] : memref<1600000xi32, #tpu.memory_space<hbm>> -> memref<2000xi32, #tpu.memory_space<hbm>>
    %dma_start3A_81 = tpu.memref_slice %arg4[%add3A_79] : memref<1600000xi32, #tpu.memory_space<hbm>> -> memref<2000xi32, #tpu.memory_space<hbm>>
    tpu.enqueue_dma source(%dma_start3A_81 : memref<2000xi32, #tpu.memory_space<hbm>>) target(%arg15 : memref<2000xi32, #tpu.memory_space<vmem>>) target_semaphore(%arg27 : memref<!tpu.dma_semaphore, #tpu.memory_space<semaphore_mem>>)
    %dma_start3A_82 = tpu.memref_slice %arg5[%add3A_79] : memref<1600000xi32, #tpu.memory_space<hbm>> -> memref<2000xi32, #tpu.memory_space<hbm>>
    %dma_start3A_83 = tpu.memref_slice %arg5[%add3A_79] : memref<1600000xi32, #tpu.memory_space<hbm>> -> memref<2000xi32, #tpu.memory_space<hbm>>
    tpu.enqueue_dma source(%dma_start3A_83 : memref<2000xi32, #tpu.memory_space<hbm>>) target(%arg17 : memref<2000xi32, #tpu.memory_space<vmem>>) target_semaphore(%arg27 : memref<!tpu.dma_semaphore, #tpu.memory_space<semaphore_mem>>)
    %dma_wait3A_84 = arith.constant 0 : i32
    %dma_wait3A_85 = tpu.memref_slice %arg4[%dma_wait3A_84] : memref<1600000xi32, #tpu.memory_space<hbm>> -> memref<2000xi32, #tpu.memory_space<hbm>>
    %dma_wait3A_86 = arith.constant 0 : i32
    %dma_wait3A_87 = tpu.memref_slice %arg4[%dma_wait3A_86] : memref<1600000xi32, #tpu.memory_space<hbm>> -> memref<2000xi32, #tpu.memory_space<hbm>>
    tpu.wait_dma2 semaphore(%arg28 : memref<!tpu.dma_semaphore, #tpu.memory_space<semaphore_mem>>) src(%dma_wait3A_87 : memref<2000xi32, #tpu.memory_space<hbm>>) dst(%arg16 : memref<2000xi32, #tpu.memory_space<vmem>>)
    %dma_wait3A_88 = arith.constant 0 : i32
    %dma_wait3A_89 = tpu.memref_slice %arg5[%dma_wait3A_88] : memref<1600000xi32, #tpu.memory_space<hbm>> -> memref<2000xi32, #tpu.memory_space<hbm>>
    %dma_wait3A_90 = arith.constant 0 : i32
    %dma_wait3A_91 = tpu.memref_slice %arg5[%dma_wait3A_90] : memref<1600000xi32, #tpu.memory_space<hbm>> -> memref<2000xi32, #tpu.memory_space<hbm>>
    tpu.wait_dma2 semaphore(%arg28 : memref<!tpu.dma_semaphore, #tpu.memory_space<semaphore_mem>>) src(%dma_wait3A_91 : memref<2000xi32, #tpu.memory_space<hbm>>) dst(%arg18 : memref<2000xi32, #tpu.memory_space<vmem>>)
    %parallel_loop3A_92 = arith.constant 0 : i32
    %parallel_loop3A_93 = arith.constant 2000 : i32
    %parallel_loop3A_94 = arith.constant 16 : i32
    scf.for %parallel_loop3A_464 = %parallel_loop3A_92 to %parallel_loop3A_93 step %parallel_loop3A_94  : i32 {
      %parallel_loop3A_465 = arith.index_cast %parallel_loop3A_464 : i32 to index
      %parallel_loop3A_466 = tpu.vector_load %arg16[%parallel_loop3A_465] {strides = array<i32>} : memref<2000xi32, #tpu.memory_space<vmem>>, vector<16xi32>,
      %parallel_loop3A_467 = arith.index_cast %parallel_loop3A_464 : i32 to index
      %parallel_loop3A_468 = tpu.vector_load %arg18[%parallel_loop3A_467] {strides = array<i32>} : memref<2000xi32, #tpu.memory_space<vmem>>, vector<16xi32>,
      %parallel_loop3A_469 = arith.constant 65535 : i32
      %parallel_loop3A_470 = vector.broadcast %parallel_loop3A_469 : i32 to vector<16xi32>
      %parallel_loop3A_471 = arith.andi %parallel_loop3A_466, %parallel_loop3A_470 : vector<16xi32>
      %parallel_loop3A_472 = arith.constant 16 : i32
      %parallel_loop3A_473 = vector.broadcast %parallel_loop3A_472 : i32 to vector<16xi32>
      %parallel_loop3A_474 = arith.shrui %parallel_loop3A_466, %parallel_loop3A_473 : vector<16xi32>
      %parallel_loop3A_475 = tpu.vector_load_idx %arg20[%parallel_loop3A_474] : memref<16xf32, #tpu.memory_space<vmem>>[vector<16xi32>], vector<16xf32>,
      %parallel_loop3A_476 = tpu.vector_load_idx %arg11[%parallel_loop3A_471] : memref<50176xf32, #tpu.memory_space<vmem>>[vector<16xi32>], vector<16xf32>,
      %parallel_loop3A_477 = arith.constant 4 : i32
      %parallel_loop3A_478 = vector.broadcast %parallel_loop3A_477 : i32 to vector<16xi32>
      %parallel_loop3A_479 = arith.shrui %parallel_loop3A_468, %parallel_loop3A_478 : vector<16xi32>
      %parallel_loop3A_480 = arith.constant 15 : i32
      %parallel_loop3A_481 = vector.broadcast %parallel_loop3A_480 : i32 to vector<16xi32>
      %parallel_loop3A_482 = arith.andi %parallel_loop3A_468, %parallel_loop3A_481 : vector<16xi32>
      %parallel_loop3A_483 = arith.mulf %parallel_loop3A_475, %parallel_loop3A_476 : vector<16xf32>
      tpu.vector_store_idx %arg12[%parallel_loop3A_479, %parallel_loop3A_482], %parallel_loop3A_483 {add = true} : memref<3136x16xf32, #tpu.memory_space<vmem>>[vector<16xi32>, vector<16xi32>], vector<16xf32>,
    } {sc.loop_unroll_factor = 8 : i64, sc.parallel_access}
    %add3A_95 = arith.constant 10000 : i32
    %add3A_96 = arith.addi %mul3A_20, %add3A_95 : i32
    %dma_start3A_97 = tpu.memref_slice %arg4[%add3A_96] : memref<1600000xi32, #tpu.memory_space<hbm>> -> memref<2000xi32, #tpu.memory_space<hbm>>
    %dma_start3A_98 = tpu.memref_slice %arg4[%add3A_96] : memref<1600000xi32, #tpu.memory_space<hbm>> -> memref<2000xi32, #tpu.memory_space<hbm>>
    tpu.enqueue_dma source(%dma_start3A_98 : memref<2000xi32, #tpu.memory_space<hbm>>) target(%arg16 : memref<2000xi32, #tpu.memory_space<vmem>>) target_semaphore(%arg28 : memref<!tpu.dma_semaphore, #tpu.memory_space<semaphore_mem>>)
    %dma_start3A_99 = tpu.memref_slice %arg5[%add3A_96] : memref<1600000xi32, #tpu.memory_space<hbm>> -> memref<2000xi32, #tpu.memory_space<hbm>>
    %dma_start3A_100 = tpu.memref_slice %arg5[%add3A_96] : memref<1600000xi32, #tpu.memory_space<hbm>> -> memref<2000xi32, #tpu.memory_space<hbm>>
    tpu.enqueue_dma source(%dma_start3A_100 : memref<2000xi32, #tpu.memory_space<hbm>>) target(%arg18 : memref<2000xi32, #tpu.memory_space<vmem>>) target_semaphore(%arg28 : memref<!tpu.dma_semaphore, #tpu.memory_space<semaphore_mem>>)
    %dma_wait3A_101 = arith.constant 0 : i32
    %dma_wait3A_102 = tpu.memref_slice %arg4[%dma_wait3A_101] : memref<1600000xi32, #tpu.memory_space<hbm>> -> memref<2000xi32, #tpu.memory_space<hbm>>
    %dma_wait3A_103 = arith.constant 0 : i32
    %dma_wait3A_104 = tpu.memref_slice %arg4[%dma_wait3A_103] : memref<1600000xi32, #tpu.memory_space<hbm>> -> memref<2000xi32, #tpu.memory_space<hbm>>
    tpu.wait_dma2 semaphore(%arg27 : memref<!tpu.dma_semaphore, #tpu.memory_space<semaphore_mem>>) src(%dma_wait3A_104 : memref<2000xi32, #tpu.memory_space<hbm>>) dst(%arg15 : memref<2000xi32, #tpu.memory_space<vmem>>)
    %dma_wait3A_105 = arith.constant 0 : i32
    %dma_wait3A_106 = tpu.memref_slice %arg5[%dma_wait3A_105] : memref<1600000xi32, #tpu.memory_space<hbm>> -> memref<2000xi32, #tpu.memory_space<hbm>>
    %dma_wait3A_107 = arith.constant 0 : i32
    %dma_wait3A_108 = tpu.memref_slice %arg5[%dma_wait3A_107] : memref<1600000xi32, #tpu.memory_space<hbm>> -> memref<2000xi32, #tpu.memory_space<hbm>>
    tpu.wait_dma2 semaphore(%arg27 : memref<!tpu.dma_semaphore, #tpu.memory_space<semaphore_mem>>) src(%dma_wait3A_108 : memref<2000xi32, #tpu.memory_space<hbm>>) dst(%arg17 : memref<2000xi32, #tpu.memory_space<vmem>>)
    %parallel_loop3A_109 = arith.constant 0 : i32
    %parallel_loop3A_110 = arith.constant 2000 : i32
    %parallel_loop3A_111 = arith.constant 16 : i32
    scf.for %parallel_loop3A_464 = %parallel_loop3A_109 to %parallel_loop3A_110 step %parallel_loop3A_111  : i32 {
      %parallel_loop3A_465 = arith.index_cast %parallel_loop3A_464 : i32 to index
      %parallel_loop3A_466 = tpu.vector_load %arg15[%parallel_loop3A_465] {strides = array<i32>} : memref<2000xi32, #tpu.memory_space<vmem>>, vector<16xi32>,
      %parallel_loop3A_467 = arith.index_cast %parallel_loop3A_464 : i32 to index
      %parallel_loop3A_468 = tpu.vector_load %arg17[%parallel_loop3A_467] {strides = array<i32>} : memref<2000xi32, #tpu.memory_space<vmem>>, vector<16xi32>,
      %parallel_loop3A_469 = arith.constant 65535 : i32
      %parallel_loop3A_470 = vector.broadcast %parallel_loop3A_469 : i32 to vector<16xi32>
      %parallel_loop3A_471 = arith.andi %parallel_loop3A_466, %parallel_loop3A_470 : vector<16xi32>
      %parallel_loop3A_472 = arith.constant 16 : i32
      %parallel_loop3A_473 = vector.broadcast %parallel_loop3A_472 : i32 to vector<16xi32>
      %parallel_loop3A_474 = arith.shrui %parallel_loop3A_466, %parallel_loop3A_473 : vector<16xi32>
      %parallel_loop3A_475 = tpu.vector_load_idx %arg20[%parallel_loop3A_474] : memref<16xf32, #tpu.memory_space<vmem>>[vector<16xi32>], vector<16xf32>,
      %parallel_loop3A_476 = tpu.vector_load_idx %arg11[%parallel_loop3A_471] : memref<50176xf32, #tpu.memory_space<vmem>>[vector<16xi32>], vector<16xf32>,
      %parallel_loop3A_477 = arith.constant 4 : i32
      %parallel_loop3A_478 = vector.broadcast %parallel_loop3A_477 : i32 to vector<16xi32>
      %parallel_loop3A_479 = arith.shrui %parallel_loop3A_468, %parallel_loop3A_478 : vector<16xi32>
      %parallel_loop3A_480 = arith.constant 15 : i32
      %parallel_loop3A_481 = vector.broadcast %parallel_loop3A_480 : i32 to vector<16xi32>
      %parallel_loop3A_482 = arith.andi %parallel_loop3A_468, %parallel_loop3A_481 : vector<16xi32>
      %parallel_loop3A_483 = arith.mulf %parallel_loop3A_475, %parallel_loop3A_476 : vector<16xf32>
      tpu.vector_store_idx %arg12[%parallel_loop3A_479, %parallel_loop3A_482], %parallel_loop3A_483 {add = true} : memref<3136x16xf32, #tpu.memory_space<vmem>>[vector<16xi32>, vector<16xi32>], vector<16xf32>,
    } {sc.loop_unroll_factor = 8 : i64, sc.parallel_access}
    %add3A_112 = arith.constant 12000 : i32
    %add3A_113 = arith.addi %mul3A_20, %add3A_112 : i32
    %dma_start3A_114 = tpu.memref_slice %arg4[%add3A_113] : memref<1600000xi32, #tpu.memory_space<hbm>> -> memref<2000xi32, #tpu.memory_space<hbm>>
    %dma_start3A_115 = tpu.memref_slice %arg4[%add3A_113] : memref<1600000xi32, #tpu.memory_space<hbm>> -> memref<2000xi32, #tpu.memory_space<hbm>>
    tpu.enqueue_dma source(%dma_start3A_115 : memref<2000xi32, #tpu.memory_space<hbm>>) target(%arg15 : memref<2000xi32, #tpu.memory_space<vmem>>) target_semaphore(%arg27 : memref<!tpu.dma_semaphore, #tpu.memory_space<semaphore_mem>>)
    %dma_start3A_116 = tpu.memref_slice %arg5[%add3A_113] : memref<1600000xi32, #tpu.memory_space<hbm>> -> memref<2000xi32, #tpu.memory_space<hbm>>
    %dma_start3A_117 = tpu.memref_slice %arg5[%add3A_113] : memref<1600000xi32, #tpu.memory_space<hbm>> -> memref<2000xi32, #tpu.memory_space<hbm>>
    tpu.enqueue_dma source(%dma_start3A_117 : memref<2000xi32, #tpu.memory_space<hbm>>) target(%arg17 : memref<2000xi32, #tpu.memory_space<vmem>>) target_semaphore(%arg27 : memref<!tpu.dma_semaphore, #tpu.memory_space<semaphore_mem>>)
    %dma_wait3A_118 = arith.constant 0 : i32
    %dma_wait3A_119 = tpu.memref_slice %arg4[%dma_wait3A_118] : memref<1600000xi32, #tpu.memory_space<hbm>> -> memref<2000xi32, #tpu.memory_space<hbm>>
    %dma_wait3A_120 = arith.constant 0 : i32
    %dma_wait3A_121 = tpu.memref_slice %arg4[%dma_wait3A_120] : memref<1600000xi32, #tpu.memory_space<hbm>> -> memref<2000xi32, #tpu.memory_space<hbm>>
    tpu.wait_dma2 semaphore(%arg28 : memref<!tpu.dma_semaphore, #tpu.memory_space<semaphore_mem>>) src(%dma_wait3A_121 : memref<2000xi32, #tpu.memory_space<hbm>>) dst(%arg16 : memref<2000xi32, #tpu.memory_space<vmem>>)
    %dma_wait3A_122 = arith.constant 0 : i32
    %dma_wait3A_123 = tpu.memref_slice %arg5[%dma_wait3A_122] : memref<1600000xi32, #tpu.memory_space<hbm>> -> memref<2000xi32, #tpu.memory_space<hbm>>
    %dma_wait3A_124 = arith.constant 0 : i32
    %dma_wait3A_125 = tpu.memref_slice %arg5[%dma_wait3A_124] : memref<1600000xi32, #tpu.memory_space<hbm>> -> memref<2000xi32, #tpu.memory_space<hbm>>
    tpu.wait_dma2 semaphore(%arg28 : memref<!tpu.dma_semaphore, #tpu.memory_space<semaphore_mem>>) src(%dma_wait3A_125 : memref<2000xi32, #tpu.memory_space<hbm>>) dst(%arg18 : memref<2000xi32, #tpu.memory_space<vmem>>)
    %parallel_loop3A_126 = arith.constant 0 : i32
    %parallel_loop3A_127 = arith.constant 2000 : i32
    %parallel_loop3A_128 = arith.constant 16 : i32
    scf.for %parallel_loop3A_464 = %parallel_loop3A_126 to %parallel_loop3A_127 step %parallel_loop3A_128  : i32 {
      %parallel_loop3A_465 = arith.index_cast %parallel_loop3A_464 : i32 to index
      %parallel_loop3A_466 = tpu.vector_load %arg16[%parallel_loop3A_465] {strides = array<i32>} : memref<2000xi32, #tpu.memory_space<vmem>>, vector<16xi32>,
      %parallel_loop3A_467 = arith.index_cast %parallel_loop3A_464 : i32 to index
      %parallel_loop3A_468 = tpu.vector_load %arg18[%parallel_loop3A_467] {strides = array<i32>} : memref<2000xi32, #tpu.memory_space<vmem>>, vector<16xi32>,
      %parallel_loop3A_469 = arith.constant 65535 : i32
      %parallel_loop3A_470 = vector.broadcast %parallel_loop3A_469 : i32 to vector<16xi32>
      %parallel_loop3A_471 = arith.andi %parallel_loop3A_466, %parallel_loop3A_470 : vector<16xi32>
      %parallel_loop3A_472 = arith.constant 16 : i32
      %parallel_loop3A_473 = vector.broadcast %parallel_loop3A_472 : i32 to vector<16xi32>
      %parallel_loop3A_474 = arith.shrui %parallel_loop3A_466, %parallel_loop3A_473 : vector<16xi32>
      %parallel_loop3A_475 = tpu.vector_load_idx %arg20[%parallel_loop3A_474] : memref<16xf32, #tpu.memory_space<vmem>>[vector<16xi32>], vector<16xf32>,
      %parallel_loop3A_476 = tpu.vector_load_idx %arg11[%parallel_loop3A_471] : memref<50176xf32, #tpu.memory_space<vmem>>[vector<16xi32>], vector<16xf32>,
      %parallel_loop3A_477 = arith.constant 4 : i32
      %parallel_loop3A_478 = vector.broadcast %parallel_loop3A_477 : i32 to vector<16xi32>
      %parallel_loop3A_479 = arith.shrui %parallel_loop3A_468, %parallel_loop3A_478 : vector<16xi32>
      %parallel_loop3A_480 = arith.constant 15 : i32
      %parallel_loop3A_481 = vector.broadcast %parallel_loop3A_480 : i32 to vector<16xi32>
      %parallel_loop3A_482 = arith.andi %parallel_loop3A_468, %parallel_loop3A_481 : vector<16xi32>
      %parallel_loop3A_483 = arith.mulf %parallel_loop3A_475, %parallel_loop3A_476 : vector<16xf32>
      tpu.vector_store_idx %arg12[%parallel_loop3A_479, %parallel_loop3A_482], %parallel_loop3A_483 {add = true} : memref<3136x16xf32, #tpu.memory_space<vmem>>[vector<16xi32>, vector<16xi32>], vector<16xf32>,
    } {sc.loop_unroll_factor = 8 : i64, sc.parallel_access}
    %add3A_129 = arith.constant 14000 : i32
    %add3A_130 = arith.addi %mul3A_20, %add3A_129 : i32
    %dma_start3A_131 = tpu.memref_slice %arg4[%add3A_130] : memref<1600000xi32, #tpu.memory_space<hbm>> -> memref<2000xi32, #tpu.memory_space<hbm>>
    %dma_start3A_132 = tpu.memref_slice %arg4[%add3A_130] : memref<1600000xi32, #tpu.memory_space<hbm>> -> memref<2000xi32, #tpu.memory_space<hbm>>
    tpu.enqueue_dma source(%dma_start3A_132 : memref<2000xi32, #tpu.memory_space<hbm>>) target(%arg16 : memref<2000xi32, #tpu.memory_space<vmem>>) target_semaphore(%arg28 : memref<!tpu.dma_semaphore, #tpu.memory_space<semaphore_mem>>)
    %dma_start3A_133 = tpu.memref_slice %arg5[%add3A_130] : memref<1600000xi32, #tpu.memory_space<hbm>> -> memref<2000xi32, #tpu.memory_space<hbm>>
    %dma_start3A_134 = tpu.memref_slice %arg5[%add3A_130] : memref<1600000xi32, #tpu.memory_space<hbm>> -> memref<2000xi32, #tpu.memory_space<hbm>>
    tpu.enqueue_dma source(%dma_start3A_134 : memref<2000xi32, #tpu.memory_space<hbm>>) target(%arg18 : memref<2000xi32, #tpu.memory_space<vmem>>) target_semaphore(%arg28 : memref<!tpu.dma_semaphore, #tpu.memory_space<semaphore_mem>>)
    %dma_wait3A_135 = arith.constant 0 : i32
    %dma_wait3A_136 = tpu.memref_slice %arg4[%dma_wait3A_135] : memref<1600000xi32, #tpu.memory_space<hbm>> -> memref<2000xi32, #tpu.memory_space<hbm>>
    %dma_wait3A_137 = arith.constant 0 : i32
    %dma_wait3A_138 = tpu.memref_slice %arg4[%dma_wait3A_137] : memref<1600000xi32, #tpu.memory_space<hbm>> -> memref<2000xi32, #tpu.memory_space<hbm>>
    tpu.wait_dma2 semaphore(%arg27 : memref<!tpu.dma_semaphore, #tpu.memory_space<semaphore_mem>>) src(%dma_wait3A_138 : memref<2000xi32, #tpu.memory_space<hbm>>) dst(%arg15 : memref<2000xi32, #tpu.memory_space<vmem>>)
    %dma_wait3A_139 = arith.constant 0 : i32
    %dma_wait3A_140 = tpu.memref_slice %arg5[%dma_wait3A_139] : memref<1600000xi32, #tpu.memory_space<hbm>> -> memref<2000xi32, #tpu.memory_space<hbm>>
    %dma_wait3A_141 = arith.constant 0 : i32
    %dma_wait3A_142 = tpu.memref_slice %arg5[%dma_wait3A_141] : memref<1600000xi32, #tpu.memory_space<hbm>> -> memref<2000xi32, #tpu.memory_space<hbm>>
    tpu.wait_dma2 semaphore(%arg27 : memref<!tpu.dma_semaphore, #tpu.memory_space<semaphore_mem>>) src(%dma_wait3A_142 : memref<2000xi32, #tpu.memory_space<hbm>>) dst(%arg17 : memref<2000xi32, #tpu.memory_space<vmem>>)
    %parallel_loop3A_143 = arith.constant 0 : i32
    %parallel_loop3A_144 = arith.constant 2000 : i32
    %parallel_loop3A_145 = arith.constant 16 : i32
    scf.for %parallel_loop3A_464 = %parallel_loop3A_143 to %parallel_loop3A_144 step %parallel_loop3A_145  : i32 {
      %parallel_loop3A_465 = arith.index_cast %parallel_loop3A_464 : i32 to index
      %parallel_loop3A_466 = tpu.vector_load %arg15[%parallel_loop3A_465] {strides = array<i32>} : memref<2000xi32, #tpu.memory_space<vmem>>, vector<16xi32>,
      %parallel_loop3A_467 = arith.index_cast %parallel_loop3A_464 : i32 to index
      %parallel_loop3A_468 = tpu.vector_load %arg17[%parallel_loop3A_467] {strides = array<i32>} : memref<2000xi32, #tpu.memory_space<vmem>>, vector<16xi32>,
      %parallel_loop3A_469 = arith.constant 65535 : i32
      %parallel_loop3A_470 = vector.broadcast %parallel_loop3A_469 : i32 to vector<16xi32>
      %parallel_loop3A_471 = arith.andi %parallel_loop3A_466, %parallel_loop3A_470 : vector<16xi32>
      %parallel_loop3A_472 = arith.constant 16 : i32
      %parallel_loop3A_473 = vector.broadcast %parallel_loop3A_472 : i32 to vector<16xi32>
      %parallel_loop3A_474 = arith.shrui %parallel_loop3A_466, %parallel_loop3A_473 : vector<16xi32>
      %parallel_loop3A_475 = tpu.vector_load_idx %arg20[%parallel_loop3A_474] : memref<16xf32, #tpu.memory_space<vmem>>[vector<16xi32>], vector<16xf32>,
      %parallel_loop3A_476 = tpu.vector_load_idx %arg11[%parallel_loop3A_471] : memref<50176xf32, #tpu.memory_space<vmem>>[vector<16xi32>], vector<16xf32>,
      %parallel_loop3A_477 = arith.constant 4 : i32
      %parallel_loop3A_478 = vector.broadcast %parallel_loop3A_477 : i32 to vector<16xi32>
      %parallel_loop3A_479 = arith.shrui %parallel_loop3A_468, %parallel_loop3A_478 : vector<16xi32>
      %parallel_loop3A_480 = arith.constant 15 : i32
      %parallel_loop3A_481 = vector.broadcast %parallel_loop3A_480 : i32 to vector<16xi32>
      %parallel_loop3A_482 = arith.andi %parallel_loop3A_468, %parallel_loop3A_481 : vector<16xi32>
      %parallel_loop3A_483 = arith.mulf %parallel_loop3A_475, %parallel_loop3A_476 : vector<16xf32>
      tpu.vector_store_idx %arg12[%parallel_loop3A_479, %parallel_loop3A_482], %parallel_loop3A_483 {add = true} : memref<3136x16xf32, #tpu.memory_space<vmem>>[vector<16xi32>, vector<16xi32>], vector<16xf32>,
    } {sc.loop_unroll_factor = 8 : i64, sc.parallel_access}
    %add3A_146 = arith.constant 16000 : i32
    %add3A_147 = arith.addi %mul3A_20, %add3A_146 : i32
    %dma_start3A_148 = tpu.memref_slice %arg4[%add3A_147] : memref<1600000xi32, #tpu.memory_space<hbm>> -> memref<2000xi32, #tpu.memory_space<hbm>>
    %dma_start3A_149 = tpu.memref_slice %arg4[%add3A_147] : memref<1600000xi32, #tpu.memory_space<hbm>> -> memref<2000xi32, #tpu.memory_space<hbm>>
    tpu.enqueue_dma source(%dma_start3A_149 : memref<2000xi32, #tpu.memory_space<hbm>>) target(%arg15 : memref<2000xi32, #tpu.memory_space<vmem>>) target_semaphore(%arg27 : memref<!tpu.dma_semaphore, #tpu.memory_space<semaphore_mem>>)
    %dma_start3A_150 = tpu.memref_slice %arg5[%add3A_147] : memref<1600000xi32, #tpu.memory_space<hbm>> -> memref<2000xi32, #tpu.memory_space<hbm>>
    %dma_start3A_151 = tpu.memref_slice %arg5[%add3A_147] : memref<1600000xi32, #tpu.memory_space<hbm>> -> memref<2000xi32, #tpu.memory_space<hbm>>
    tpu.enqueue_dma source(%dma_start3A_151 : memref<2000xi32, #tpu.memory_space<hbm>>) target(%arg17 : memref<2000xi32, #tpu.memory_space<vmem>>) target_semaphore(%arg27 : memref<!tpu.dma_semaphore, #tpu.memory_space<semaphore_mem>>)
    %dma_wait3A_152 = arith.constant 0 : i32
    %dma_wait3A_153 = tpu.memref_slice %arg4[%dma_wait3A_152] : memref<1600000xi32, #tpu.memory_space<hbm>> -> memref<2000xi32, #tpu.memory_space<hbm>>
    %dma_wait3A_154 = arith.constant 0 : i32
    %dma_wait3A_155 = tpu.memref_slice %arg4[%dma_wait3A_154] : memref<1600000xi32, #tpu.memory_space<hbm>> -> memref<2000xi32, #tpu.memory_space<hbm>>
    tpu.wait_dma2 semaphore(%arg28 : memref<!tpu.dma_semaphore, #tpu.memory_space<semaphore_mem>>) src(%dma_wait3A_155 : memref<2000xi32, #tpu.memory_space<hbm>>) dst(%arg16 : memref<2000xi32, #tpu.memory_space<vmem>>)
    %dma_wait3A_156 = arith.constant 0 : i32
    %dma_wait3A_157 = tpu.memref_slice %arg5[%dma_wait3A_156] : memref<1600000xi32, #tpu.memory_space<hbm>> -> memref<2000xi32, #tpu.memory_space<hbm>>
    %dma_wait3A_158 = arith.constant 0 : i32
    %dma_wait3A_159 = tpu.memref_slice %arg5[%dma_wait3A_158] : memref<1600000xi32, #tpu.memory_space<hbm>> -> memref<2000xi32, #tpu.memory_space<hbm>>
    tpu.wait_dma2 semaphore(%arg28 : memref<!tpu.dma_semaphore, #tpu.memory_space<semaphore_mem>>) src(%dma_wait3A_159 : memref<2000xi32, #tpu.memory_space<hbm>>) dst(%arg18 : memref<2000xi32, #tpu.memory_space<vmem>>)
    %parallel_loop3A_160 = arith.constant 0 : i32
    %parallel_loop3A_161 = arith.constant 2000 : i32
    %parallel_loop3A_162 = arith.constant 16 : i32
    scf.for %parallel_loop3A_464 = %parallel_loop3A_160 to %parallel_loop3A_161 step %parallel_loop3A_162  : i32 {
      %parallel_loop3A_465 = arith.index_cast %parallel_loop3A_464 : i32 to index
      %parallel_loop3A_466 = tpu.vector_load %arg16[%parallel_loop3A_465] {strides = array<i32>} : memref<2000xi32, #tpu.memory_space<vmem>>, vector<16xi32>,
      %parallel_loop3A_467 = arith.index_cast %parallel_loop3A_464 : i32 to index
      %parallel_loop3A_468 = tpu.vector_load %arg18[%parallel_loop3A_467] {strides = array<i32>} : memref<2000xi32, #tpu.memory_space<vmem>>, vector<16xi32>,
      %parallel_loop3A_469 = arith.constant 65535 : i32
      %parallel_loop3A_470 = vector.broadcast %parallel_loop3A_469 : i32 to vector<16xi32>
      %parallel_loop3A_471 = arith.andi %parallel_loop3A_466, %parallel_loop3A_470 : vector<16xi32>
      %parallel_loop3A_472 = arith.constant 16 : i32
      %parallel_loop3A_473 = vector.broadcast %parallel_loop3A_472 : i32 to vector<16xi32>
      %parallel_loop3A_474 = arith.shrui %parallel_loop3A_466, %parallel_loop3A_473 : vector<16xi32>
      %parallel_loop3A_475 = tpu.vector_load_idx %arg20[%parallel_loop3A_474] : memref<16xf32, #tpu.memory_space<vmem>>[vector<16xi32>], vector<16xf32>,
      %parallel_loop3A_476 = tpu.vector_load_idx %arg11[%parallel_loop3A_471] : memref<50176xf32, #tpu.memory_space<vmem>>[vector<16xi32>], vector<16xf32>,
      %parallel_loop3A_477 = arith.constant 4 : i32
      %parallel_loop3A_478 = vector.broadcast %parallel_loop3A_477 : i32 to vector<16xi32>
      %parallel_loop3A_479 = arith.shrui %parallel_loop3A_468, %parallel_loop3A_478 : vector<16xi32>
      %parallel_loop3A_480 = arith.constant 15 : i32
      %parallel_loop3A_481 = vector.broadcast %parallel_loop3A_480 : i32 to vector<16xi32>
      %parallel_loop3A_482 = arith.andi %parallel_loop3A_468, %parallel_loop3A_481 : vector<16xi32>
      %parallel_loop3A_483 = arith.mulf %parallel_loop3A_475, %parallel_loop3A_476 : vector<16xf32>
      tpu.vector_store_idx %arg12[%parallel_loop3A_479, %parallel_loop3A_482], %parallel_loop3A_483 {add = true} : memref<3136x16xf32, #tpu.memory_space<vmem>>[vector<16xi32>, vector<16xi32>], vector<16xf32>,
    } {sc.loop_unroll_factor = 8 : i64, sc.parallel_access}
    %add3A_163 = arith.constant 18000 : i32
    %add3A_164 = arith.addi %mul3A_20, %add3A_163 : i32
    %dma_start3A_165 = tpu.memref_slice %arg4[%add3A_164] : memref<1600000xi32, #tpu.memory_space<hbm>> -> memref<2000xi32, #tpu.memory_space<hbm>>
    %dma_start3A_166 = tpu.memref_slice %arg4[%add3A_164] : memref<1600000xi32, #tpu.memory_space<hbm>> -> memref<2000xi32, #tpu.memory_space<hbm>>
    tpu.enqueue_dma source(%dma_start3A_166 : memref<2000xi32, #tpu.memory_space<hbm>>) target(%arg16 : memref<2000xi32, #tpu.memory_space<vmem>>) target_semaphore(%arg28 : memref<!tpu.dma_semaphore, #tpu.memory_space<semaphore_mem>>)
    %dma_start3A_167 = tpu.memref_slice %arg5[%add3A_164] : memref<1600000xi32, #tpu.memory_space<hbm>> -> memref<2000xi32, #tpu.memory_space<hbm>>
    %dma_start3A_168 = tpu.memref_slice %arg5[%add3A_164] : memref<1600000xi32, #tpu.memory_space<hbm>> -> memref<2000xi32, #tpu.memory_space<hbm>>
    tpu.enqueue_dma source(%dma_start3A_168 : memref<2000xi32, #tpu.memory_space<hbm>>) target(%arg18 : memref<2000xi32, #tpu.memory_space<vmem>>) target_semaphore(%arg28 : memref<!tpu.dma_semaphore, #tpu.memory_space<semaphore_mem>>)
    %dma_wait3A_169 = arith.constant 0 : i32
    %dma_wait3A_170 = tpu.memref_slice %arg4[%dma_wait3A_169] : memref<1600000xi32, #tpu.memory_space<hbm>> -> memref<2000xi32, #tpu.memory_space<hbm>>
    %dma_wait3A_171 = arith.constant 0 : i32
    %dma_wait3A_172 = tpu.memref_slice %arg4[%dma_wait3A_171] : memref<1600000xi32, #tpu.memory_space<hbm>> -> memref<2000xi32, #tpu.memory_space<hbm>>
    tpu.wait_dma2 semaphore(%arg27 : memref<!tpu.dma_semaphore, #tpu.memory_space<semaphore_mem>>) src(%dma_wait3A_172 : memref<2000xi32, #tpu.memory_space<hbm>>) dst(%arg15 : memref<2000xi32, #tpu.memory_space<vmem>>)
    %dma_wait3A_173 = arith.constant 0 : i32
    %dma_wait3A_174 = tpu.memref_slice %arg5[%dma_wait3A_173] : memref<1600000xi32, #tpu.memory_space<hbm>> -> memref<2000xi32, #tpu.memory_space<hbm>>
    %dma_wait3A_175 = arith.constant 0 : i32
    %dma_wait3A_176 = tpu.memref_slice %arg5[%dma_wait3A_175] : memref<1600000xi32, #tpu.memory_space<hbm>> -> memref<2000xi32, #tpu.memory_space<hbm>>
    tpu.wait_dma2 semaphore(%arg27 : memref<!tpu.dma_semaphore, #tpu.memory_space<semaphore_mem>>) src(%dma_wait3A_176 : memref<2000xi32, #tpu.memory_space<hbm>>) dst(%arg17 : memref<2000xi32, #tpu.memory_space<vmem>>)
    %parallel_loop3A_177 = arith.constant 0 : i32
    %parallel_loop3A_178 = arith.constant 2000 : i32
    %parallel_loop3A_179 = arith.constant 16 : i32
    scf.for %parallel_loop3A_464 = %parallel_loop3A_177 to %parallel_loop3A_178 step %parallel_loop3A_179  : i32 {
      %parallel_loop3A_465 = arith.index_cast %parallel_loop3A_464 : i32 to index
      %parallel_loop3A_466 = tpu.vector_load %arg15[%parallel_loop3A_465] {strides = array<i32>} : memref<2000xi32, #tpu.memory_space<vmem>>, vector<16xi32>,
      %parallel_loop3A_467 = arith.index_cast %parallel_loop3A_464 : i32 to index
      %parallel_loop3A_468 = tpu.vector_load %arg17[%parallel_loop3A_467] {strides = array<i32>} : memref<2000xi32, #tpu.memory_space<vmem>>, vector<16xi32>,
      %parallel_loop3A_469 = arith.constant 65535 : i32
      %parallel_loop3A_470 = vector.broadcast %parallel_loop3A_469 : i32 to vector<16xi32>
      %parallel_loop3A_471 = arith.andi %parallel_loop3A_466, %parallel_loop3A_470 : vector<16xi32>
      %parallel_loop3A_472 = arith.constant 16 : i32
      %parallel_loop3A_473 = vector.broadcast %parallel_loop3A_472 : i32 to vector<16xi32>
      %parallel_loop3A_474 = arith.shrui %parallel_loop3A_466, %parallel_loop3A_473 : vector<16xi32>
      %parallel_loop3A_475 = tpu.vector_load_idx %arg20[%parallel_loop3A_474] : memref<16xf32, #tpu.memory_space<vmem>>[vector<16xi32>], vector<16xf32>,
      %parallel_loop3A_476 = tpu.vector_load_idx %arg11[%parallel_loop3A_471] : memref<50176xf32, #tpu.memory_space<vmem>>[vector<16xi32>], vector<16xf32>,
      %parallel_loop3A_477 = arith.constant 4 : i32
      %parallel_loop3A_478 = vector.broadcast %parallel_loop3A_477 : i32 to vector<16xi32>
      %parallel_loop3A_479 = arith.shrui %parallel_loop3A_468, %parallel_loop3A_478 : vector<16xi32>
      %parallel_loop3A_480 = arith.constant 15 : i32
      %parallel_loop3A_481 = vector.broadcast %parallel_loop3A_480 : i32 to vector<16xi32>
      %parallel_loop3A_482 = arith.andi %parallel_loop3A_468, %parallel_loop3A_481 : vector<16xi32>
      %parallel_loop3A_483 = arith.mulf %parallel_loop3A_475, %parallel_loop3A_476 : vector<16xf32>
      tpu.vector_store_idx %arg12[%parallel_loop3A_479, %parallel_loop3A_482], %parallel_loop3A_483 {add = true} : memref<3136x16xf32, #tpu.memory_space<vmem>>[vector<16xi32>, vector<16xi32>], vector<16xf32>,
    } {sc.loop_unroll_factor = 8 : i64, sc.parallel_access}
    %add3A_180 = arith.constant 20000 : i32
    %add3A_181 = arith.addi %mul3A_20, %add3A_180 : i32
    %dma_start3A_182 = tpu.memref_slice %arg4[%add3A_181] : memref<1600000xi32, #tpu.memory_space<hbm>> -> memref<2000xi32, #tpu.memory_space<hbm>>
    %dma_start3A_183 = tpu.memref_slice %arg4[%add3A_181] : memref<1600000xi32, #tpu.memory_space<hbm>> -> memref<2000xi32, #tpu.memory_space<hbm>>
    tpu.enqueue_dma source(%dma_start3A_183 : memref<2000xi32, #tpu.memory_space<hbm>>) target(%arg15 : memref<2000xi32, #tpu.memory_space<vmem>>) target_semaphore(%arg27 : memref<!tpu.dma_semaphore, #tpu.memory_space<semaphore_mem>>)
    %dma_start3A_184 = tpu.memref_slice %arg5[%add3A_181] : memref<1600000xi32, #tpu.memory_space<hbm>> -> memref<2000xi32, #tpu.memory_space<hbm>>
    %dma_start3A_185 = tpu.memref_slice %arg5[%add3A_181] : memref<1600000xi32, #tpu.memory_space<hbm>> -> memref<2000xi32, #tpu.memory_space<hbm>>
    tpu.enqueue_dma source(%dma_start3A_185 : memref<2000xi32, #tpu.memory_space<hbm>>) target(%arg17 : memref<2000xi32, #tpu.memory_space<vmem>>) target_semaphore(%arg27 : memref<!tpu.dma_semaphore, #tpu.memory_space<semaphore_mem>>)
    %dma_wait3A_186 = arith.constant 0 : i32
    %dma_wait3A_187 = tpu.memref_slice %arg4[%dma_wait3A_186] : memref<1600000xi32, #tpu.memory_space<hbm>> -> memref<2000xi32, #tpu.memory_space<hbm>>
    %dma_wait3A_188 = arith.constant 0 : i32
    %dma_wait3A_189 = tpu.memref_slice %arg4[%dma_wait3A_188] : memref<1600000xi32, #tpu.memory_space<hbm>> -> memref<2000xi32, #tpu.memory_space<hbm>>
    tpu.wait_dma2 semaphore(%arg28 : memref<!tpu.dma_semaphore, #tpu.memory_space<semaphore_mem>>) src(%dma_wait3A_189 : memref<2000xi32, #tpu.memory_space<hbm>>) dst(%arg16 : memref<2000xi32, #tpu.memory_space<vmem>>)
    %dma_wait3A_190 = arith.constant 0 : i32
    %dma_wait3A_191 = tpu.memref_slice %arg5[%dma_wait3A_190] : memref<1600000xi32, #tpu.memory_space<hbm>> -> memref<2000xi32, #tpu.memory_space<hbm>>
    %dma_wait3A_192 = arith.constant 0 : i32
    %dma_wait3A_193 = tpu.memref_slice %arg5[%dma_wait3A_192] : memref<1600000xi32, #tpu.memory_space<hbm>> -> memref<2000xi32, #tpu.memory_space<hbm>>
    tpu.wait_dma2 semaphore(%arg28 : memref<!tpu.dma_semaphore, #tpu.memory_space<semaphore_mem>>) src(%dma_wait3A_193 : memref<2000xi32, #tpu.memory_space<hbm>>) dst(%arg18 : memref<2000xi32, #tpu.memory_space<vmem>>)
    %parallel_loop3A_194 = arith.constant 0 : i32
    %parallel_loop3A_195 = arith.constant 2000 : i32
    %parallel_loop3A_196 = arith.constant 16 : i32
    scf.for %parallel_loop3A_464 = %parallel_loop3A_194 to %parallel_loop3A_195 step %parallel_loop3A_196  : i32 {
      %parallel_loop3A_465 = arith.index_cast %parallel_loop3A_464 : i32 to index
      %parallel_loop3A_466 = tpu.vector_load %arg16[%parallel_loop3A_465] {strides = array<i32>} : memref<2000xi32, #tpu.memory_space<vmem>>, vector<16xi32>,
      %parallel_loop3A_467 = arith.index_cast %parallel_loop3A_464 : i32 to index
      %parallel_loop3A_468 = tpu.vector_load %arg18[%parallel_loop3A_467] {strides = array<i32>} : memref<2000xi32, #tpu.memory_space<vmem>>, vector<16xi32>,
      %parallel_loop3A_469 = arith.constant 65535 : i32
      %parallel_loop3A_470 = vector.broadcast %parallel_loop3A_469 : i32 to vector<16xi32>
      %parallel_loop3A_471 = arith.andi %parallel_loop3A_466, %parallel_loop3A_470 : vector<16xi32>
      %parallel_loop3A_472 = arith.constant 16 : i32
      %parallel_loop3A_473 = vector.broadcast %parallel_loop3A_472 : i32 to vector<16xi32>
      %parallel_loop3A_474 = arith.shrui %parallel_loop3A_466, %parallel_loop3A_473 : vector<16xi32>
      %parallel_loop3A_475 = tpu.vector_load_idx %arg20[%parallel_loop3A_474] : memref<16xf32, #tpu.memory_space<vmem>>[vector<16xi32>], vector<16xf32>,
      %parallel_loop3A_476 = tpu.vector_load_idx %arg11[%parallel_loop3A_471] : memref<50176xf32, #tpu.memory_space<vmem>>[vector<16xi32>], vector<16xf32>,
      %parallel_loop3A_477 = arith.constant 4 : i32
      %parallel_loop3A_478 = vector.broadcast %parallel_loop3A_477 : i32 to vector<16xi32>
      %parallel_loop3A_479 = arith.shrui %parallel_loop3A_468, %parallel_loop3A_478 : vector<16xi32>
      %parallel_loop3A_480 = arith.constant 15 : i32
      %parallel_loop3A_481 = vector.broadcast %parallel_loop3A_480 : i32 to vector<16xi32>
      %parallel_loop3A_482 = arith.andi %parallel_loop3A_468, %parallel_loop3A_481 : vector<16xi32>
      %parallel_loop3A_483 = arith.mulf %parallel_loop3A_475, %parallel_loop3A_476 : vector<16xf32>
      tpu.vector_store_idx %arg12[%parallel_loop3A_479, %parallel_loop3A_482], %parallel_loop3A_483 {add = true} : memref<3136x16xf32, #tpu.memory_space<vmem>>[vector<16xi32>, vector<16xi32>], vector<16xf32>,
    } {sc.loop_unroll_factor = 8 : i64, sc.parallel_access}
    %add3A_197 = arith.constant 22000 : i32
    %add3A_198 = arith.addi %mul3A_20, %add3A_197 : i32
    %dma_start3A_199 = tpu.memref_slice %arg4[%add3A_198] : memref<1600000xi32, #tpu.memory_space<hbm>> -> memref<2000xi32, #tpu.memory_space<hbm>>
    %dma_start3A_200 = tpu.memref_slice %arg4[%add3A_198] : memref<1600000xi32, #tpu.memory_space<hbm>> -> memref<2000xi32, #tpu.memory_space<hbm>>
    tpu.enqueue_dma source(%dma_start3A_200 : memref<2000xi32, #tpu.memory_space<hbm>>) target(%arg16 : memref<2000xi32, #tpu.memory_space<vmem>>) target_semaphore(%arg28 : memref<!tpu.dma_semaphore, #tpu.memory_space<semaphore_mem>>)
    %dma_start3A_201 = tpu.memref_slice %arg5[%add3A_198] : memref<1600000xi32, #tpu.memory_space<hbm>> -> memref<2000xi32, #tpu.memory_space<hbm>>
    %dma_start3A_202 = tpu.memref_slice %arg5[%add3A_198] : memref<1600000xi32, #tpu.memory_space<hbm>> -> memref<2000xi32, #tpu.memory_space<hbm>>
    tpu.enqueue_dma source(%dma_start3A_202 : memref<2000xi32, #tpu.memory_space<hbm>>) target(%arg18 : memref<2000xi32, #tpu.memory_space<vmem>>) target_semaphore(%arg28 : memref<!tpu.dma_semaphore, #tpu.memory_space<semaphore_mem>>)
    %dma_wait3A_203 = arith.constant 0 : i32
    %dma_wait3A_204 = tpu.memref_slice %arg4[%dma_wait3A_203] : memref<1600000xi32, #tpu.memory_space<hbm>> -> memref<2000xi32, #tpu.memory_space<hbm>>
    %dma_wait3A_205 = arith.constant 0 : i32
    %dma_wait3A_206 = tpu.memref_slice %arg4[%dma_wait3A_205] : memref<1600000xi32, #tpu.memory_space<hbm>> -> memref<2000xi32, #tpu.memory_space<hbm>>
    tpu.wait_dma2 semaphore(%arg27 : memref<!tpu.dma_semaphore, #tpu.memory_space<semaphore_mem>>) src(%dma_wait3A_206 : memref<2000xi32, #tpu.memory_space<hbm>>) dst(%arg15 : memref<2000xi32, #tpu.memory_space<vmem>>)
    %dma_wait3A_207 = arith.constant 0 : i32
    %dma_wait3A_208 = tpu.memref_slice %arg5[%dma_wait3A_207] : memref<1600000xi32, #tpu.memory_space<hbm>> -> memref<2000xi32, #tpu.memory_space<hbm>>
    %dma_wait3A_209 = arith.constant 0 : i32
    %dma_wait3A_210 = tpu.memref_slice %arg5[%dma_wait3A_209] : memref<1600000xi32, #tpu.memory_space<hbm>> -> memref<2000xi32, #tpu.memory_space<hbm>>
    tpu.wait_dma2 semaphore(%arg27 : memref<!tpu.dma_semaphore, #tpu.memory_space<semaphore_mem>>) src(%dma_wait3A_210 : memref<2000xi32, #tpu.memory_space<hbm>>) dst(%arg17 : memref<2000xi32, #tpu.memory_space<vmem>>)
    %parallel_loop3A_211 = arith.constant 0 : i32
    %parallel_loop3A_212 = arith.constant 2000 : i32
    %parallel_loop3A_213 = arith.constant 16 : i32
    scf.for %parallel_loop3A_464 = %parallel_loop3A_211 to %parallel_loop3A_212 step %parallel_loop3A_213  : i32 {
      %parallel_loop3A_465 = arith.index_cast %parallel_loop3A_464 : i32 to index
      %parallel_loop3A_466 = tpu.vector_load %arg15[%parallel_loop3A_465] {strides = array<i32>} : memref<2000xi32, #tpu.memory_space<vmem>>, vector<16xi32>,
      %parallel_loop3A_467 = arith.index_cast %parallel_loop3A_464 : i32 to index
      %parallel_loop3A_468 = tpu.vector_load %arg17[%parallel_loop3A_467] {strides = array<i32>} : memref<2000xi32, #tpu.memory_space<vmem>>, vector<16xi32>,
      %parallel_loop3A_469 = arith.constant 65535 : i32
      %parallel_loop3A_470 = vector.broadcast %parallel_loop3A_469 : i32 to vector<16xi32>
      %parallel_loop3A_471 = arith.andi %parallel_loop3A_466, %parallel_loop3A_470 : vector<16xi32>
      %parallel_loop3A_472 = arith.constant 16 : i32
      %parallel_loop3A_473 = vector.broadcast %parallel_loop3A_472 : i32 to vector<16xi32>
      %parallel_loop3A_474 = arith.shrui %parallel_loop3A_466, %parallel_loop3A_473 : vector<16xi32>
      %parallel_loop3A_475 = tpu.vector_load_idx %arg20[%parallel_loop3A_474] : memref<16xf32, #tpu.memory_space<vmem>>[vector<16xi32>], vector<16xf32>,
      %parallel_loop3A_476 = tpu.vector_load_idx %arg11[%parallel_loop3A_471] : memref<50176xf32, #tpu.memory_space<vmem>>[vector<16xi32>], vector<16xf32>,
      %parallel_loop3A_477 = arith.constant 4 : i32
      %parallel_loop3A_478 = vector.broadcast %parallel_loop3A_477 : i32 to vector<16xi32>
      %parallel_loop3A_479 = arith.shrui %parallel_loop3A_468, %parallel_loop3A_478 : vector<16xi32>
      %parallel_loop3A_480 = arith.constant 15 : i32
      %parallel_loop3A_481 = vector.broadcast %parallel_loop3A_480 : i32 to vector<16xi32>
      %parallel_loop3A_482 = arith.andi %parallel_loop3A_468, %parallel_loop3A_481 : vector<16xi32>
      %parallel_loop3A_483 = arith.mulf %parallel_loop3A_475, %parallel_loop3A_476 : vector<16xf32>
      tpu.vector_store_idx %arg12[%parallel_loop3A_479, %parallel_loop3A_482], %parallel_loop3A_483 {add = true} : memref<3136x16xf32, #tpu.memory_space<vmem>>[vector<16xi32>, vector<16xi32>], vector<16xf32>,
    } {sc.loop_unroll_factor = 8 : i64, sc.parallel_access}
    %add3A_214 = arith.constant 24000 : i32
    %add3A_215 = arith.addi %mul3A_20, %add3A_214 : i32
    %dma_start3A_216 = tpu.memref_slice %arg4[%add3A_215] : memref<1600000xi32, #tpu.memory_space<hbm>> -> memref<2000xi32, #tpu.memory_space<hbm>>
    %dma_start3A_217 = tpu.memref_slice %arg4[%add3A_215] : memref<1600000xi32, #tpu.memory_space<hbm>> -> memref<2000xi32, #tpu.memory_space<hbm>>
    tpu.enqueue_dma source(%dma_start3A_217 : memref<2000xi32, #tpu.memory_space<hbm>>) target(%arg15 : memref<2000xi32, #tpu.memory_space<vmem>>) target_semaphore(%arg27 : memref<!tpu.dma_semaphore, #tpu.memory_space<semaphore_mem>>)
    %dma_start3A_218 = tpu.memref_slice %arg5[%add3A_215] : memref<1600000xi32, #tpu.memory_space<hbm>> -> memref<2000xi32, #tpu.memory_space<hbm>>
    %dma_start3A_219 = tpu.memref_slice %arg5[%add3A_215] : memref<1600000xi32, #tpu.memory_space<hbm>> -> memref<2000xi32, #tpu.memory_space<hbm>>
    tpu.enqueue_dma source(%dma_start3A_219 : memref<2000xi32, #tpu.memory_space<hbm>>) target(%arg17 : memref<2000xi32, #tpu.memory_space<vmem>>) target_semaphore(%arg27 : memref<!tpu.dma_semaphore, #tpu.memory_space<semaphore_mem>>)
    %dma_wait3A_220 = arith.constant 0 : i32
    %dma_wait3A_221 = tpu.memref_slice %arg4[%dma_wait3A_220] : memref<1600000xi32, #tpu.memory_space<hbm>> -> memref<2000xi32, #tpu.memory_space<hbm>>
    %dma_wait3A_222 = arith.constant 0 : i32
    %dma_wait3A_223 = tpu.memref_slice %arg4[%dma_wait3A_222] : memref<1600000xi32, #tpu.memory_space<hbm>> -> memref<2000xi32, #tpu.memory_space<hbm>>
    tpu.wait_dma2 semaphore(%arg28 : memref<!tpu.dma_semaphore, #tpu.memory_space<semaphore_mem>>) src(%dma_wait3A_223 : memref<2000xi32, #tpu.memory_space<hbm>>) dst(%arg16 : memref<2000xi32, #tpu.memory_space<vmem>>)
    %dma_wait3A_224 = arith.constant 0 : i32
    %dma_wait3A_225 = tpu.memref_slice %arg5[%dma_wait3A_224] : memref<1600000xi32, #tpu.memory_space<hbm>> -> memref<2000xi32, #tpu.memory_space<hbm>>
    %dma_wait3A_226 = arith.constant 0 : i32
    %dma_wait3A_227 = tpu.memref_slice %arg5[%dma_wait3A_226] : memref<1600000xi32, #tpu.memory_space<hbm>> -> memref<2000xi32, #tpu.memory_space<hbm>>
    tpu.wait_dma2 semaphore(%arg28 : memref<!tpu.dma_semaphore, #tpu.memory_space<semaphore_mem>>) src(%dma_wait3A_227 : memref<2000xi32, #tpu.memory_space<hbm>>) dst(%arg18 : memref<2000xi32, #tpu.memory_space<vmem>>)
    %parallel_loop3A_228 = arith.constant 0 : i32
    %parallel_loop3A_229 = arith.constant 2000 : i32
    %parallel_loop3A_230 = arith.constant 16 : i32
    scf.for %parallel_loop3A_464 = %parallel_loop3A_228 to %parallel_loop3A_229 step %parallel_loop3A_230  : i32 {
      %parallel_loop3A_465 = arith.index_cast %parallel_loop3A_464 : i32 to index
      %parallel_loop3A_466 = tpu.vector_load %arg16[%parallel_loop3A_465] {strides = array<i32>} : memref<2000xi32, #tpu.memory_space<vmem>>, vector<16xi32>,
      %parallel_loop3A_467 = arith.index_cast %parallel_loop3A_464 : i32 to index
      %parallel_loop3A_468 = tpu.vector_load %arg18[%parallel_loop3A_467] {strides = array<i32>} : memref<2000xi32, #tpu.memory_space<vmem>>, vector<16xi32>,
      %parallel_loop3A_469 = arith.constant 65535 : i32
      %parallel_loop3A_470 = vector.broadcast %parallel_loop3A_469 : i32 to vector<16xi32>
      %parallel_loop3A_471 = arith.andi %parallel_loop3A_466, %parallel_loop3A_470 : vector<16xi32>
      %parallel_loop3A_472 = arith.constant 16 : i32
      %parallel_loop3A_473 = vector.broadcast %parallel_loop3A_472 : i32 to vector<16xi32>
      %parallel_loop3A_474 = arith.shrui %parallel_loop3A_466, %parallel_loop3A_473 : vector<16xi32>
      %parallel_loop3A_475 = tpu.vector_load_idx %arg20[%parallel_loop3A_474] : memref<16xf32, #tpu.memory_space<vmem>>[vector<16xi32>], vector<16xf32>,
      %parallel_loop3A_476 = tpu.vector_load_idx %arg11[%parallel_loop3A_471] : memref<50176xf32, #tpu.memory_space<vmem>>[vector<16xi32>], vector<16xf32>,
      %parallel_loop3A_477 = arith.constant 4 : i32
      %parallel_loop3A_478 = vector.broadcast %parallel_loop3A_477 : i32 to vector<16xi32>
      %parallel_loop3A_479 = arith.shrui %parallel_loop3A_468, %parallel_loop3A_478 : vector<16xi32>
      %parallel_loop3A_480 = arith.constant 15 : i32
      %parallel_loop3A_481 = vector.broadcast %parallel_loop3A_480 : i32 to vector<16xi32>
      %parallel_loop3A_482 = arith.andi %parallel_loop3A_468, %parallel_loop3A_481 : vector<16xi32>
      %parallel_loop3A_483 = arith.mulf %parallel_loop3A_475, %parallel_loop3A_476 : vector<16xf32>
      tpu.vector_store_idx %arg12[%parallel_loop3A_479, %parallel_loop3A_482], %parallel_loop3A_483 {add = true} : memref<3136x16xf32, #tpu.memory_space<vmem>>[vector<16xi32>, vector<16xi32>], vector<16xf32>,
    } {sc.loop_unroll_factor = 8 : i64, sc.parallel_access}
    %add3A_231 = arith.constant 26000 : i32
    %add3A_232 = arith.addi %mul3A_20, %add3A_231 : i32
    %dma_start3A_233 = tpu.memref_slice %arg4[%add3A_232] : memref<1600000xi32, #tpu.memory_space<hbm>> -> memref<2000xi32, #tpu.memory_space<hbm>>
    %dma_start3A_234 = tpu.memref_slice %arg4[%add3A_232] : memref<1600000xi32, #tpu.memory_space<hbm>> -> memref<2000xi32, #tpu.memory_space<hbm>>
    tpu.enqueue_dma source(%dma_start3A_234 : memref<2000xi32, #tpu.memory_space<hbm>>) target(%arg16 : memref<2000xi32, #tpu.memory_space<vmem>>) target_semaphore(%arg28 : memref<!tpu.dma_semaphore, #tpu.memory_space<semaphore_mem>>)
    %dma_start3A_235 = tpu.memref_slice %arg5[%add3A_232] : memref<1600000xi32, #tpu.memory_space<hbm>> -> memref<2000xi32, #tpu.memory_space<hbm>>
    %dma_start3A_236 = tpu.memref_slice %arg5[%add3A_232] : memref<1600000xi32, #tpu.memory_space<hbm>> -> memref<2000xi32, #tpu.memory_space<hbm>>
    tpu.enqueue_dma source(%dma_start3A_236 : memref<2000xi32, #tpu.memory_space<hbm>>) target(%arg18 : memref<2000xi32, #tpu.memory_space<vmem>>) target_semaphore(%arg28 : memref<!tpu.dma_semaphore, #tpu.memory_space<semaphore_mem>>)
    %dma_wait3A_237 = arith.constant 0 : i32
    %dma_wait3A_238 = tpu.memref_slice %arg4[%dma_wait3A_237] : memref<1600000xi32, #tpu.memory_space<hbm>> -> memref<2000xi32, #tpu.memory_space<hbm>>
    %dma_wait3A_239 = arith.constant 0 : i32
    %dma_wait3A_240 = tpu.memref_slice %arg4[%dma_wait3A_239] : memref<1600000xi32, #tpu.memory_space<hbm>> -> memref<2000xi32, #tpu.memory_space<hbm>>
    tpu.wait_dma2 semaphore(%arg27 : memref<!tpu.dma_semaphore, #tpu.memory_space<semaphore_mem>>) src(%dma_wait3A_240 : memref<2000xi32, #tpu.memory_space<hbm>>) dst(%arg15 : memref<2000xi32, #tpu.memory_space<vmem>>)
    %dma_wait3A_241 = arith.constant 0 : i32
    %dma_wait3A_242 = tpu.memref_slice %arg5[%dma_wait3A_241] : memref<1600000xi32, #tpu.memory_space<hbm>> -> memref<2000xi32, #tpu.memory_space<hbm>>
    %dma_wait3A_243 = arith.constant 0 : i32
    %dma_wait3A_244 = tpu.memref_slice %arg5[%dma_wait3A_243] : memref<1600000xi32, #tpu.memory_space<hbm>> -> memref<2000xi32, #tpu.memory_space<hbm>>
    tpu.wait_dma2 semaphore(%arg27 : memref<!tpu.dma_semaphore, #tpu.memory_space<semaphore_mem>>) src(%dma_wait3A_244 : memref<2000xi32, #tpu.memory_space<hbm>>) dst(%arg17 : memref<2000xi32, #tpu.memory_space<vmem>>)
    %parallel_loop3A_245 = arith.constant 0 : i32
    %parallel_loop3A_246 = arith.constant 2000 : i32
    %parallel_loop3A_247 = arith.constant 16 : i32
    scf.for %parallel_loop3A_464 = %parallel_loop3A_245 to %parallel_loop3A_246 step %parallel_loop3A_247  : i32 {
      %parallel_loop3A_465 = arith.index_cast %parallel_loop3A_464 : i32 to index
      %parallel_loop3A_466 = tpu.vector_load %arg15[%parallel_loop3A_465] {strides = array<i32>} : memref<2000xi32, #tpu.memory_space<vmem>>, vector<16xi32>,
      %parallel_loop3A_467 = arith.index_cast %parallel_loop3A_464 : i32 to index
      %parallel_loop3A_468 = tpu.vector_load %arg17[%parallel_loop3A_467] {strides = array<i32>} : memref<2000xi32, #tpu.memory_space<vmem>>, vector<16xi32>,
      %parallel_loop3A_469 = arith.constant 65535 : i32
      %parallel_loop3A_470 = vector.broadcast %parallel_loop3A_469 : i32 to vector<16xi32>
      %parallel_loop3A_471 = arith.andi %parallel_loop3A_466, %parallel_loop3A_470 : vector<16xi32>
      %parallel_loop3A_472 = arith.constant 16 : i32
      %parallel_loop3A_473 = vector.broadcast %parallel_loop3A_472 : i32 to vector<16xi32>
      %parallel_loop3A_474 = arith.shrui %parallel_loop3A_466, %parallel_loop3A_473 : vector<16xi32>
      %parallel_loop3A_475 = tpu.vector_load_idx %arg20[%parallel_loop3A_474] : memref<16xf32, #tpu.memory_space<vmem>>[vector<16xi32>], vector<16xf32>,
      %parallel_loop3A_476 = tpu.vector_load_idx %arg11[%parallel_loop3A_471] : memref<50176xf32, #tpu.memory_space<vmem>>[vector<16xi32>], vector<16xf32>,
      %parallel_loop3A_477 = arith.constant 4 : i32
      %parallel_loop3A_478 = vector.broadcast %parallel_loop3A_477 : i32 to vector<16xi32>
      %parallel_loop3A_479 = arith.shrui %parallel_loop3A_468, %parallel_loop3A_478 : vector<16xi32>
      %parallel_loop3A_480 = arith.constant 15 : i32
      %parallel_loop3A_481 = vector.broadcast %parallel_loop3A_480 : i32 to vector<16xi32>
      %parallel_loop3A_482 = arith.andi %parallel_loop3A_468, %parallel_loop3A_481 : vector<16xi32>
      %parallel_loop3A_483 = arith.mulf %parallel_loop3A_475, %parallel_loop3A_476 : vector<16xf32>
      tpu.vector_store_idx %arg12[%parallel_loop3A_479, %parallel_loop3A_482], %parallel_loop3A_483 {add = true} : memref<3136x16xf32, #tpu.memory_space<vmem>>[vector<16xi32>, vector<16xi32>], vector<16xf32>,
    } {sc.loop_unroll_factor = 8 : i64, sc.parallel_access}
    %add3A_248 = arith.constant 28000 : i32
    %add3A_249 = arith.addi %mul3A_20, %add3A_248 : i32
    %dma_start3A_250 = tpu.memref_slice %arg4[%add3A_249] : memref<1600000xi32, #tpu.memory_space<hbm>> -> memref<2000xi32, #tpu.memory_space<hbm>>
    %dma_start3A_251 = tpu.memref_slice %arg4[%add3A_249] : memref<1600000xi32, #tpu.memory_space<hbm>> -> memref<2000xi32, #tpu.memory_space<hbm>>
    tpu.enqueue_dma source(%dma_start3A_251 : memref<2000xi32, #tpu.memory_space<hbm>>) target(%arg15 : memref<2000xi32, #tpu.memory_space<vmem>>) target_semaphore(%arg27 : memref<!tpu.dma_semaphore, #tpu.memory_space<semaphore_mem>>)
    %dma_start3A_252 = tpu.memref_slice %arg5[%add3A_249] : memref<1600000xi32, #tpu.memory_space<hbm>> -> memref<2000xi32, #tpu.memory_space<hbm>>
    %dma_start3A_253 = tpu.memref_slice %arg5[%add3A_249] : memref<1600000xi32, #tpu.memory_space<hbm>> -> memref<2000xi32, #tpu.memory_space<hbm>>
    tpu.enqueue_dma source(%dma_start3A_253 : memref<2000xi32, #tpu.memory_space<hbm>>) target(%arg17 : memref<2000xi32, #tpu.memory_space<vmem>>) target_semaphore(%arg27 : memref<!tpu.dma_semaphore, #tpu.memory_space<semaphore_mem>>)
    %dma_wait3A_254 = arith.constant 0 : i32
    %dma_wait3A_255 = tpu.memref_slice %arg4[%dma_wait3A_254] : memref<1600000xi32, #tpu.memory_space<hbm>> -> memref<2000xi32, #tpu.memory_space<hbm>>
    %dma_wait3A_256 = arith.constant 0 : i32
    %dma_wait3A_257 = tpu.memref_slice %arg4[%dma_wait3A_256] : memref<1600000xi32, #tpu.memory_space<hbm>> -> memref<2000xi32, #tpu.memory_space<hbm>>
    tpu.wait_dma2 semaphore(%arg28 : memref<!tpu.dma_semaphore, #tpu.memory_space<semaphore_mem>>) src(%dma_wait3A_257 : memref<2000xi32, #tpu.memory_space<hbm>>) dst(%arg16 : memref<2000xi32, #tpu.memory_space<vmem>>)
    %dma_wait3A_258 = arith.constant 0 : i32
    %dma_wait3A_259 = tpu.memref_slice %arg5[%dma_wait3A_258] : memref<1600000xi32, #tpu.memory_space<hbm>> -> memref<2000xi32, #tpu.memory_space<hbm>>
    %dma_wait3A_260 = arith.constant 0 : i32
    %dma_wait3A_261 = tpu.memref_slice %arg5[%dma_wait3A_260] : memref<1600000xi32, #tpu.memory_space<hbm>> -> memref<2000xi32, #tpu.memory_space<hbm>>
    tpu.wait_dma2 semaphore(%arg28 : memref<!tpu.dma_semaphore, #tpu.memory_space<semaphore_mem>>) src(%dma_wait3A_261 : memref<2000xi32, #tpu.memory_space<hbm>>) dst(%arg18 : memref<2000xi32, #tpu.memory_space<vmem>>)
    %parallel_loop3A_262 = arith.constant 0 : i32
    %parallel_loop3A_263 = arith.constant 2000 : i32
    %parallel_loop3A_264 = arith.constant 16 : i32
    scf.for %parallel_loop3A_464 = %parallel_loop3A_262 to %parallel_loop3A_263 step %parallel_loop3A_264  : i32 {
      %parallel_loop3A_465 = arith.index_cast %parallel_loop3A_464 : i32 to index
      %parallel_loop3A_466 = tpu.vector_load %arg16[%parallel_loop3A_465] {strides = array<i32>} : memref<2000xi32, #tpu.memory_space<vmem>>, vector<16xi32>,
      %parallel_loop3A_467 = arith.index_cast %parallel_loop3A_464 : i32 to index
      %parallel_loop3A_468 = tpu.vector_load %arg18[%parallel_loop3A_467] {strides = array<i32>} : memref<2000xi32, #tpu.memory_space<vmem>>, vector<16xi32>,
      %parallel_loop3A_469 = arith.constant 65535 : i32
      %parallel_loop3A_470 = vector.broadcast %parallel_loop3A_469 : i32 to vector<16xi32>
      %parallel_loop3A_471 = arith.andi %parallel_loop3A_466, %parallel_loop3A_470 : vector<16xi32>
      %parallel_loop3A_472 = arith.constant 16 : i32
      %parallel_loop3A_473 = vector.broadcast %parallel_loop3A_472 : i32 to vector<16xi32>
      %parallel_loop3A_474 = arith.shrui %parallel_loop3A_466, %parallel_loop3A_473 : vector<16xi32>
      %parallel_loop3A_475 = tpu.vector_load_idx %arg20[%parallel_loop3A_474] : memref<16xf32, #tpu.memory_space<vmem>>[vector<16xi32>], vector<16xf32>,
      %parallel_loop3A_476 = tpu.vector_load_idx %arg11[%parallel_loop3A_471] : memref<50176xf32, #tpu.memory_space<vmem>>[vector<16xi32>], vector<16xf32>,
      %parallel_loop3A_477 = arith.constant 4 : i32
      %parallel_loop3A_478 = vector.broadcast %parallel_loop3A_477 : i32 to vector<16xi32>
      %parallel_loop3A_479 = arith.shrui %parallel_loop3A_468, %parallel_loop3A_478 : vector<16xi32>
      %parallel_loop3A_480 = arith.constant 15 : i32
      %parallel_loop3A_481 = vector.broadcast %parallel_loop3A_480 : i32 to vector<16xi32>
      %parallel_loop3A_482 = arith.andi %parallel_loop3A_468, %parallel_loop3A_481 : vector<16xi32>
      %parallel_loop3A_483 = arith.mulf %parallel_loop3A_475, %parallel_loop3A_476 : vector<16xf32>
      tpu.vector_store_idx %arg12[%parallel_loop3A_479, %parallel_loop3A_482], %parallel_loop3A_483 {add = true} : memref<3136x16xf32, #tpu.memory_space<vmem>>[vector<16xi32>, vector<16xi32>], vector<16xf32>,
    } {sc.loop_unroll_factor = 8 : i64, sc.parallel_access}
    %add3A_265 = arith.constant 30000 : i32
    %add3A_266 = arith.addi %mul3A_20, %add3A_265 : i32
    %dma_start3A_267 = tpu.memref_slice %arg4[%add3A_266] : memref<1600000xi32, #tpu.memory_space<hbm>> -> memref<2000xi32, #tpu.memory_space<hbm>>
    %dma_start3A_268 = tpu.memref_slice %arg4[%add3A_266] : memref<1600000xi32, #tpu.memory_space<hbm>> -> memref<2000xi32, #tpu.memory_space<hbm>>
    tpu.enqueue_dma source(%dma_start3A_268 : memref<2000xi32, #tpu.memory_space<hbm>>) target(%arg16 : memref<2000xi32, #tpu.memory_space<vmem>>) target_semaphore(%arg28 : memref<!tpu.dma_semaphore, #tpu.memory_space<semaphore_mem>>)
    %dma_start3A_269 = tpu.memref_slice %arg5[%add3A_266] : memref<1600000xi32, #tpu.memory_space<hbm>> -> memref<2000xi32, #tpu.memory_space<hbm>>
    %dma_start3A_270 = tpu.memref_slice %arg5[%add3A_266] : memref<1600000xi32, #tpu.memory_space<hbm>> -> memref<2000xi32, #tpu.memory_space<hbm>>
    tpu.enqueue_dma source(%dma_start3A_270 : memref<2000xi32, #tpu.memory_space<hbm>>) target(%arg18 : memref<2000xi32, #tpu.memory_space<vmem>>) target_semaphore(%arg28 : memref<!tpu.dma_semaphore, #tpu.memory_space<semaphore_mem>>)
    %dma_wait3A_271 = arith.constant 0 : i32
    %dma_wait3A_272 = tpu.memref_slice %arg4[%dma_wait3A_271] : memref<1600000xi32, #tpu.memory_space<hbm>> -> memref<2000xi32, #tpu.memory_space<hbm>>
    %dma_wait3A_273 = arith.constant 0 : i32
    %dma_wait3A_274 = tpu.memref_slice %arg4[%dma_wait3A_273] : memref<1600000xi32, #tpu.memory_space<hbm>> -> memref<2000xi32, #tpu.memory_space<hbm>>
    tpu.wait_dma2 semaphore(%arg27 : memref<!tpu.dma_semaphore, #tpu.memory_space<semaphore_mem>>) src(%dma_wait3A_274 : memref<2000xi32, #tpu.memory_space<hbm>>) dst(%arg15 : memref<2000xi32, #tpu.memory_space<vmem>>)
    %dma_wait3A_275 = arith.constant 0 : i32
    %dma_wait3A_276 = tpu.memref_slice %arg5[%dma_wait3A_275] : memref<1600000xi32, #tpu.memory_space<hbm>> -> memref<2000xi32, #tpu.memory_space<hbm>>
    %dma_wait3A_277 = arith.constant 0 : i32
    %dma_wait3A_278 = tpu.memref_slice %arg5[%dma_wait3A_277] : memref<1600000xi32, #tpu.memory_space<hbm>> -> memref<2000xi32, #tpu.memory_space<hbm>>
    tpu.wait_dma2 semaphore(%arg27 : memref<!tpu.dma_semaphore, #tpu.memory_space<semaphore_mem>>) src(%dma_wait3A_278 : memref<2000xi32, #tpu.memory_space<hbm>>) dst(%arg17 : memref<2000xi32, #tpu.memory_space<vmem>>)
    %parallel_loop3A_279 = arith.constant 0 : i32
    %parallel_loop3A_280 = arith.constant 2000 : i32
    %parallel_loop3A_281 = arith.constant 16 : i32
    scf.for %parallel_loop3A_464 = %parallel_loop3A_279 to %parallel_loop3A_280 step %parallel_loop3A_281  : i32 {
      %parallel_loop3A_465 = arith.index_cast %parallel_loop3A_464 : i32 to index
      %parallel_loop3A_466 = tpu.vector_load %arg15[%parallel_loop3A_465] {strides = array<i32>} : memref<2000xi32, #tpu.memory_space<vmem>>, vector<16xi32>,
      %parallel_loop3A_467 = arith.index_cast %parallel_loop3A_464 : i32 to index
      %parallel_loop3A_468 = tpu.vector_load %arg17[%parallel_loop3A_467] {strides = array<i32>} : memref<2000xi32, #tpu.memory_space<vmem>>, vector<16xi32>,
      %parallel_loop3A_469 = arith.constant 65535 : i32
      %parallel_loop3A_470 = vector.broadcast %parallel_loop3A_469 : i32 to vector<16xi32>
      %parallel_loop3A_471 = arith.andi %parallel_loop3A_466, %parallel_loop3A_470 : vector<16xi32>
      %parallel_loop3A_472 = arith.constant 16 : i32
      %parallel_loop3A_473 = vector.broadcast %parallel_loop3A_472 : i32 to vector<16xi32>
      %parallel_loop3A_474 = arith.shrui %parallel_loop3A_466, %parallel_loop3A_473 : vector<16xi32>
      %parallel_loop3A_475 = tpu.vector_load_idx %arg20[%parallel_loop3A_474] : memref<16xf32, #tpu.memory_space<vmem>>[vector<16xi32>], vector<16xf32>,
      %parallel_loop3A_476 = tpu.vector_load_idx %arg11[%parallel_loop3A_471] : memref<50176xf32, #tpu.memory_space<vmem>>[vector<16xi32>], vector<16xf32>,
      %parallel_loop3A_477 = arith.constant 4 : i32
      %parallel_loop3A_478 = vector.broadcast %parallel_loop3A_477 : i32 to vector<16xi32>
      %parallel_loop3A_479 = arith.shrui %parallel_loop3A_468, %parallel_loop3A_478 : vector<16xi32>
      %parallel_loop3A_480 = arith.constant 15 : i32
      %parallel_loop3A_481 = vector.broadcast %parallel_loop3A_480 : i32 to vector<16xi32>
      %parallel_loop3A_482 = arith.andi %parallel_loop3A_468, %parallel_loop3A_481 : vector<16xi32>
      %parallel_loop3A_483 = arith.mulf %parallel_loop3A_475, %parallel_loop3A_476 : vector<16xf32>
      tpu.vector_store_idx %arg12[%parallel_loop3A_479, %parallel_loop3A_482], %parallel_loop3A_483 {add = true} : memref<3136x16xf32, #tpu.memory_space<vmem>>[vector<16xi32>, vector<16xi32>], vector<16xf32>,
    } {sc.loop_unroll_factor = 8 : i64, sc.parallel_access}
    %add3A_282 = arith.constant 32000 : i32
    %add3A_283 = arith.addi %mul3A_20, %add3A_282 : i32
    %dma_start3A_284 = tpu.memref_slice %arg4[%add3A_283] : memref<1600000xi32, #tpu.memory_space<hbm>> -> memref<2000xi32, #tpu.memory_space<hbm>>
    %dma_start3A_285 = tpu.memref_slice %arg4[%add3A_283] : memref<1600000xi32, #tpu.memory_space<hbm>> -> memref<2000xi32, #tpu.memory_space<hbm>>
    tpu.enqueue_dma source(%dma_start3A_285 : memref<2000xi32, #tpu.memory_space<hbm>>) target(%arg15 : memref<2000xi32, #tpu.memory_space<vmem>>) target_semaphore(%arg27 : memref<!tpu.dma_semaphore, #tpu.memory_space<semaphore_mem>>)
    %dma_start3A_286 = tpu.memref_slice %arg5[%add3A_283] : memref<1600000xi32, #tpu.memory_space<hbm>> -> memref<2000xi32, #tpu.memory_space<hbm>>
    %dma_start3A_287 = tpu.memref_slice %arg5[%add3A_283] : memref<1600000xi32, #tpu.memory_space<hbm>> -> memref<2000xi32, #tpu.memory_space<hbm>>
    tpu.enqueue_dma source(%dma_start3A_287 : memref<2000xi32, #tpu.memory_space<hbm>>) target(%arg17 : memref<2000xi32, #tpu.memory_space<vmem>>) target_semaphore(%arg27 : memref<!tpu.dma_semaphore, #tpu.memory_space<semaphore_mem>>)
    %dma_wait3A_288 = arith.constant 0 : i32
    %dma_wait3A_289 = tpu.memref_slice %arg4[%dma_wait3A_288] : memref<1600000xi32, #tpu.memory_space<hbm>> -> memref<2000xi32, #tpu.memory_space<hbm>>
    %dma_wait3A_290 = arith.constant 0 : i32
    %dma_wait3A_291 = tpu.memref_slice %arg4[%dma_wait3A_290] : memref<1600000xi32, #tpu.memory_space<hbm>> -> memref<2000xi32, #tpu.memory_space<hbm>>
    tpu.wait_dma2 semaphore(%arg28 : memref<!tpu.dma_semaphore, #tpu.memory_space<semaphore_mem>>) src(%dma_wait3A_291 : memref<2000xi32, #tpu.memory_space<hbm>>) dst(%arg16 : memref<2000xi32, #tpu.memory_space<vmem>>)
    %dma_wait3A_292 = arith.constant 0 : i32
    %dma_wait3A_293 = tpu.memref_slice %arg5[%dma_wait3A_292] : memref<1600000xi32, #tpu.memory_space<hbm>> -> memref<2000xi32, #tpu.memory_space<hbm>>
    %dma_wait3A_294 = arith.constant 0 : i32
    %dma_wait3A_295 = tpu.memref_slice %arg5[%dma_wait3A_294] : memref<1600000xi32, #tpu.memory_space<hbm>> -> memref<2000xi32, #tpu.memory_space<hbm>>
    tpu.wait_dma2 semaphore(%arg28 : memref<!tpu.dma_semaphore, #tpu.memory_space<semaphore_mem>>) src(%dma_wait3A_295 : memref<2000xi32, #tpu.memory_space<hbm>>) dst(%arg18 : memref<2000xi32, #tpu.memory_space<vmem>>)
    %parallel_loop3A_296 = arith.constant 0 : i32
    %parallel_loop3A_297 = arith.constant 2000 : i32
    %parallel_loop3A_298 = arith.constant 16 : i32
    scf.for %parallel_loop3A_464 = %parallel_loop3A_296 to %parallel_loop3A_297 step %parallel_loop3A_298  : i32 {
      %parallel_loop3A_465 = arith.index_cast %parallel_loop3A_464 : i32 to index
      %parallel_loop3A_466 = tpu.vector_load %arg16[%parallel_loop3A_465] {strides = array<i32>} : memref<2000xi32, #tpu.memory_space<vmem>>, vector<16xi32>,
      %parallel_loop3A_467 = arith.index_cast %parallel_loop3A_464 : i32 to index
      %parallel_loop3A_468 = tpu.vector_load %arg18[%parallel_loop3A_467] {strides = array<i32>} : memref<2000xi32, #tpu.memory_space<vmem>>, vector<16xi32>,
      %parallel_loop3A_469 = arith.constant 65535 : i32
      %parallel_loop3A_470 = vector.broadcast %parallel_loop3A_469 : i32 to vector<16xi32>
      %parallel_loop3A_471 = arith.andi %parallel_loop3A_466, %parallel_loop3A_470 : vector<16xi32>
      %parallel_loop3A_472 = arith.constant 16 : i32
      %parallel_loop3A_473 = vector.broadcast %parallel_loop3A_472 : i32 to vector<16xi32>
      %parallel_loop3A_474 = arith.shrui %parallel_loop3A_466, %parallel_loop3A_473 : vector<16xi32>
      %parallel_loop3A_475 = tpu.vector_load_idx %arg20[%parallel_loop3A_474] : memref<16xf32, #tpu.memory_space<vmem>>[vector<16xi32>], vector<16xf32>,
      %parallel_loop3A_476 = tpu.vector_load_idx %arg11[%parallel_loop3A_471] : memref<50176xf32, #tpu.memory_space<vmem>>[vector<16xi32>], vector<16xf32>,
      %parallel_loop3A_477 = arith.constant 4 : i32
      %parallel_loop3A_478 = vector.broadcast %parallel_loop3A_477 : i32 to vector<16xi32>
      %parallel_loop3A_479 = arith.shrui %parallel_loop3A_468, %parallel_loop3A_478 : vector<16xi32>
      %parallel_loop3A_480 = arith.constant 15 : i32
      %parallel_loop3A_481 = vector.broadcast %parallel_loop3A_480 : i32 to vector<16xi32>
      %parallel_loop3A_482 = arith.andi %parallel_loop3A_468, %parallel_loop3A_481 : vector<16xi32>
      %parallel_loop3A_483 = arith.mulf %parallel_loop3A_475, %parallel_loop3A_476 : vector<16xf32>
      tpu.vector_store_idx %arg12[%parallel_loop3A_479, %parallel_loop3A_482], %parallel_loop3A_483 {add = true} : memref<3136x16xf32, #tpu.memory_space<vmem>>[vector<16xi32>, vector<16xi32>], vector<16xf32>,
    } {sc.loop_unroll_factor = 8 : i64, sc.parallel_access}
    %add3A_299 = arith.constant 34000 : i32
    %add3A_300 = arith.addi %mul3A_20, %add3A_299 : i32
    %dma_start3A_301 = tpu.memref_slice %arg4[%add3A_300] : memref<1600000xi32, #tpu.memory_space<hbm>> -> memref<2000xi32, #tpu.memory_space<hbm>>
    %dma_start3A_302 = tpu.memref_slice %arg4[%add3A_300] : memref<1600000xi32, #tpu.memory_space<hbm>> -> memref<2000xi32, #tpu.memory_space<hbm>>
    tpu.enqueue_dma source(%dma_start3A_302 : memref<2000xi32, #tpu.memory_space<hbm>>) target(%arg16 : memref<2000xi32, #tpu.memory_space<vmem>>) target_semaphore(%arg28 : memref<!tpu.dma_semaphore, #tpu.memory_space<semaphore_mem>>)
    %dma_start3A_303 = tpu.memref_slice %arg5[%add3A_300] : memref<1600000xi32, #tpu.memory_space<hbm>> -> memref<2000xi32, #tpu.memory_space<hbm>>
    %dma_start3A_304 = tpu.memref_slice %arg5[%add3A_300] : memref<1600000xi32, #tpu.memory_space<hbm>> -> memref<2000xi32, #tpu.memory_space<hbm>>
    tpu.enqueue_dma source(%dma_start3A_304 : memref<2000xi32, #tpu.memory_space<hbm>>) target(%arg18 : memref<2000xi32, #tpu.memory_space<vmem>>) target_semaphore(%arg28 : memref<!tpu.dma_semaphore, #tpu.memory_space<semaphore_mem>>)
    %dma_wait3A_305 = arith.constant 0 : i32
    %dma_wait3A_306 = tpu.memref_slice %arg4[%dma_wait3A_305] : memref<1600000xi32, #tpu.memory_space<hbm>> -> memref<2000xi32, #tpu.memory_space<hbm>>
    %dma_wait3A_307 = arith.constant 0 : i32
    %dma_wait3A_308 = tpu.memref_slice %arg4[%dma_wait3A_307] : memref<1600000xi32, #tpu.memory_space<hbm>> -> memref<2000xi32, #tpu.memory_space<hbm>>
    tpu.wait_dma2 semaphore(%arg27 : memref<!tpu.dma_semaphore, #tpu.memory_space<semaphore_mem>>) src(%dma_wait3A_308 : memref<2000xi32, #tpu.memory_space<hbm>>) dst(%arg15 : memref<2000xi32, #tpu.memory_space<vmem>>)
    %dma_wait3A_309 = arith.constant 0 : i32
    %dma_wait3A_310 = tpu.memref_slice %arg5[%dma_wait3A_309] : memref<1600000xi32, #tpu.memory_space<hbm>> -> memref<2000xi32, #tpu.memory_space<hbm>>
    %dma_wait3A_311 = arith.constant 0 : i32
    %dma_wait3A_312 = tpu.memref_slice %arg5[%dma_wait3A_311] : memref<1600000xi32, #tpu.memory_space<hbm>> -> memref<2000xi32, #tpu.memory_space<hbm>>
    tpu.wait_dma2 semaphore(%arg27 : memref<!tpu.dma_semaphore, #tpu.memory_space<semaphore_mem>>) src(%dma_wait3A_312 : memref<2000xi32, #tpu.memory_space<hbm>>) dst(%arg17 : memref<2000xi32, #tpu.memory_space<vmem>>)
    %parallel_loop3A_313 = arith.constant 0 : i32
    %parallel_loop3A_314 = arith.constant 2000 : i32
    %parallel_loop3A_315 = arith.constant 16 : i32
    scf.for %parallel_loop3A_464 = %parallel_loop3A_313 to %parallel_loop3A_314 step %parallel_loop3A_315  : i32 {
      %parallel_loop3A_465 = arith.index_cast %parallel_loop3A_464 : i32 to index
      %parallel_loop3A_466 = tpu.vector_load %arg15[%parallel_loop3A_465] {strides = array<i32>} : memref<2000xi32, #tpu.memory_space<vmem>>, vector<16xi32>,
      %parallel_loop3A_467 = arith.index_cast %parallel_loop3A_464 : i32 to index
      %parallel_loop3A_468 = tpu.vector_load %arg17[%parallel_loop3A_467] {strides = array<i32>} : memref<2000xi32, #tpu.memory_space<vmem>>, vector<16xi32>,
      %parallel_loop3A_469 = arith.constant 65535 : i32
      %parallel_loop3A_470 = vector.broadcast %parallel_loop3A_469 : i32 to vector<16xi32>
      %parallel_loop3A_471 = arith.andi %parallel_loop3A_466, %parallel_loop3A_470 : vector<16xi32>
      %parallel_loop3A_472 = arith.constant 16 : i32
      %parallel_loop3A_473 = vector.broadcast %parallel_loop3A_472 : i32 to vector<16xi32>
      %parallel_loop3A_474 = arith.shrui %parallel_loop3A_466, %parallel_loop3A_473 : vector<16xi32>
      %parallel_loop3A_475 = tpu.vector_load_idx %arg20[%parallel_loop3A_474] : memref<16xf32, #tpu.memory_space<vmem>>[vector<16xi32>], vector<16xf32>,
      %parallel_loop3A_476 = tpu.vector_load_idx %arg11[%parallel_loop3A_471] : memref<50176xf32, #tpu.memory_space<vmem>>[vector<16xi32>], vector<16xf32>,
      %parallel_loop3A_477 = arith.constant 4 : i32
      %parallel_loop3A_478 = vector.broadcast %parallel_loop3A_477 : i32 to vector<16xi32>
      %parallel_loop3A_479 = arith.shrui %parallel_loop3A_468, %parallel_loop3A_478 : vector<16xi32>
      %parallel_loop3A_480 = arith.constant 15 : i32
      %parallel_loop3A_481 = vector.broadcast %parallel_loop3A_480 : i32 to vector<16xi32>
      %parallel_loop3A_482 = arith.andi %parallel_loop3A_468, %parallel_loop3A_481 : vector<16xi32>
      %parallel_loop3A_483 = arith.mulf %parallel_loop3A_475, %parallel_loop3A_476 : vector<16xf32>
      tpu.vector_store_idx %arg12[%parallel_loop3A_479, %parallel_loop3A_482], %parallel_loop3A_483 {add = true} : memref<3136x16xf32, #tpu.memory_space<vmem>>[vector<16xi32>, vector<16xi32>], vector<16xf32>,
    } {sc.loop_unroll_factor = 8 : i64, sc.parallel_access}
    %add3A_316 = arith.constant 36000 : i32
    %add3A_317 = arith.addi %mul3A_20, %add3A_316 : i32
    %dma_start3A_318 = tpu.memref_slice %arg4[%add3A_317] : memref<1600000xi32, #tpu.memory_space<hbm>> -> memref<2000xi32, #tpu.memory_space<hbm>>
    %dma_start3A_319 = tpu.memref_slice %arg4[%add3A_317] : memref<1600000xi32, #tpu.memory_space<hbm>> -> memref<2000xi32, #tpu.memory_space<hbm>>
    tpu.enqueue_dma source(%dma_start3A_319 : memref<2000xi32, #tpu.memory_space<hbm>>) target(%arg15 : memref<2000xi32, #tpu.memory_space<vmem>>) target_semaphore(%arg27 : memref<!tpu.dma_semaphore, #tpu.memory_space<semaphore_mem>>)
    %dma_start3A_320 = tpu.memref_slice %arg5[%add3A_317] : memref<1600000xi32, #tpu.memory_space<hbm>> -> memref<2000xi32, #tpu.memory_space<hbm>>
    %dma_start3A_321 = tpu.memref_slice %arg5[%add3A_317] : memref<1600000xi32, #tpu.memory_space<hbm>> -> memref<2000xi32, #tpu.memory_space<hbm>>
    tpu.enqueue_dma source(%dma_start3A_321 : memref<2000xi32, #tpu.memory_space<hbm>>) target(%arg17 : memref<2000xi32, #tpu.memory_space<vmem>>) target_semaphore(%arg27 : memref<!tpu.dma_semaphore, #tpu.memory_space<semaphore_mem>>)
    %dma_wait3A_322 = arith.constant 0 : i32
    %dma_wait3A_323 = tpu.memref_slice %arg4[%dma_wait3A_322] : memref<1600000xi32, #tpu.memory_space<hbm>> -> memref<2000xi32, #tpu.memory_space<hbm>>
    %dma_wait3A_324 = arith.constant 0 : i32
    %dma_wait3A_325 = tpu.memref_slice %arg4[%dma_wait3A_324] : memref<1600000xi32, #tpu.memory_space<hbm>> -> memref<2000xi32, #tpu.memory_space<hbm>>
    tpu.wait_dma2 semaphore(%arg28 : memref<!tpu.dma_semaphore, #tpu.memory_space<semaphore_mem>>) src(%dma_wait3A_325 : memref<2000xi32, #tpu.memory_space<hbm>>) dst(%arg16 : memref<2000xi32, #tpu.memory_space<vmem>>)
    %dma_wait3A_326 = arith.constant 0 : i32
    %dma_wait3A_327 = tpu.memref_slice %arg5[%dma_wait3A_326] : memref<1600000xi32, #tpu.memory_space<hbm>> -> memref<2000xi32, #tpu.memory_space<hbm>>
    %dma_wait3A_328 = arith.constant 0 : i32
    %dma_wait3A_329 = tpu.memref_slice %arg5[%dma_wait3A_328] : memref<1600000xi32, #tpu.memory_space<hbm>> -> memref<2000xi32, #tpu.memory_space<hbm>>
    tpu.wait_dma2 semaphore(%arg28 : memref<!tpu.dma_semaphore, #tpu.memory_space<semaphore_mem>>) src(%dma_wait3A_329 : memref<2000xi32, #tpu.memory_space<hbm>>) dst(%arg18 : memref<2000xi32, #tpu.memory_space<vmem>>)
    %parallel_loop3A_330 = arith.constant 0 : i32
    %parallel_loop3A_331 = arith.constant 2000 : i32
    %parallel_loop3A_332 = arith.constant 16 : i32
    scf.for %parallel_loop3A_464 = %parallel_loop3A_330 to %parallel_loop3A_331 step %parallel_loop3A_332  : i32 {
      %parallel_loop3A_465 = arith.index_cast %parallel_loop3A_464 : i32 to index
      %parallel_loop3A_466 = tpu.vector_load %arg16[%parallel_loop3A_465] {strides = array<i32>} : memref<2000xi32, #tpu.memory_space<vmem>>, vector<16xi32>,
      %parallel_loop3A_467 = arith.index_cast %parallel_loop3A_464 : i32 to index
      %parallel_loop3A_468 = tpu.vector_load %arg18[%parallel_loop3A_467] {strides = array<i32>} : memref<2000xi32, #tpu.memory_space<vmem>>, vector<16xi32>,
      %parallel_loop3A_469 = arith.constant 65535 : i32
      %parallel_loop3A_470 = vector.broadcast %parallel_loop3A_469 : i32 to vector<16xi32>
      %parallel_loop3A_471 = arith.andi %parallel_loop3A_466, %parallel_loop3A_470 : vector<16xi32>
      %parallel_loop3A_472 = arith.constant 16 : i32
      %parallel_loop3A_473 = vector.broadcast %parallel_loop3A_472 : i32 to vector<16xi32>
      %parallel_loop3A_474 = arith.shrui %parallel_loop3A_466, %parallel_loop3A_473 : vector<16xi32>
      %parallel_loop3A_475 = tpu.vector_load_idx %arg20[%parallel_loop3A_474] : memref<16xf32, #tpu.memory_space<vmem>>[vector<16xi32>], vector<16xf32>,
      %parallel_loop3A_476 = tpu.vector_load_idx %arg11[%parallel_loop3A_471] : memref<50176xf32, #tpu.memory_space<vmem>>[vector<16xi32>], vector<16xf32>,
      %parallel_loop3A_477 = arith.constant 4 : i32
      %parallel_loop3A_478 = vector.broadcast %parallel_loop3A_477 : i32 to vector<16xi32>
      %parallel_loop3A_479 = arith.shrui %parallel_loop3A_468, %parallel_loop3A_478 : vector<16xi32>
      %parallel_loop3A_480 = arith.constant 15 : i32
      %parallel_loop3A_481 = vector.broadcast %parallel_loop3A_480 : i32 to vector<16xi32>
      %parallel_loop3A_482 = arith.andi %parallel_loop3A_468, %parallel_loop3A_481 : vector<16xi32>
      %parallel_loop3A_483 = arith.mulf %parallel_loop3A_475, %parallel_loop3A_476 : vector<16xf32>
      tpu.vector_store_idx %arg12[%parallel_loop3A_479, %parallel_loop3A_482], %parallel_loop3A_483 {add = true} : memref<3136x16xf32, #tpu.memory_space<vmem>>[vector<16xi32>, vector<16xi32>], vector<16xf32>,
    } {sc.loop_unroll_factor = 8 : i64, sc.parallel_access}
    %add3A_333 = arith.constant 38000 : i32
    %add3A_334 = arith.addi %mul3A_20, %add3A_333 : i32
    %dma_start3A_335 = tpu.memref_slice %arg4[%add3A_334] : memref<1600000xi32, #tpu.memory_space<hbm>> -> memref<2000xi32, #tpu.memory_space<hbm>>
    %dma_start3A_336 = tpu.memref_slice %arg4[%add3A_334] : memref<1600000xi32, #tpu.memory_space<hbm>> -> memref<2000xi32, #tpu.memory_space<hbm>>
    tpu.enqueue_dma source(%dma_start3A_336 : memref<2000xi32, #tpu.memory_space<hbm>>) target(%arg16 : memref<2000xi32, #tpu.memory_space<vmem>>) target_semaphore(%arg28 : memref<!tpu.dma_semaphore, #tpu.memory_space<semaphore_mem>>)
    %dma_start3A_337 = tpu.memref_slice %arg5[%add3A_334] : memref<1600000xi32, #tpu.memory_space<hbm>> -> memref<2000xi32, #tpu.memory_space<hbm>>
    %dma_start3A_338 = tpu.memref_slice %arg5[%add3A_334] : memref<1600000xi32, #tpu.memory_space<hbm>> -> memref<2000xi32, #tpu.memory_space<hbm>>
    tpu.enqueue_dma source(%dma_start3A_338 : memref<2000xi32, #tpu.memory_space<hbm>>) target(%arg18 : memref<2000xi32, #tpu.memory_space<vmem>>) target_semaphore(%arg28 : memref<!tpu.dma_semaphore, #tpu.memory_space<semaphore_mem>>)
    %dma_wait3A_339 = arith.constant 0 : i32
    %dma_wait3A_340 = tpu.memref_slice %arg4[%dma_wait3A_339] : memref<1600000xi32, #tpu.memory_space<hbm>> -> memref<2000xi32, #tpu.memory_space<hbm>>
    %dma_wait3A_341 = arith.constant 0 : i32
    %dma_wait3A_342 = tpu.memref_slice %arg4[%dma_wait3A_341] : memref<1600000xi32, #tpu.memory_space<hbm>> -> memref<2000xi32, #tpu.memory_space<hbm>>
    tpu.wait_dma2 semaphore(%arg27 : memref<!tpu.dma_semaphore, #tpu.memory_space<semaphore_mem>>) src(%dma_wait3A_342 : memref<2000xi32, #tpu.memory_space<hbm>>) dst(%arg15 : memref<2000xi32, #tpu.memory_space<vmem>>)
    %dma_wait3A_343 = arith.constant 0 : i32
    %dma_wait3A_344 = tpu.memref_slice %arg5[%dma_wait3A_343] : memref<1600000xi32, #tpu.memory_space<hbm>> -> memref<2000xi32, #tpu.memory_space<hbm>>
    %dma_wait3A_345 = arith.constant 0 : i32
    %dma_wait3A_346 = tpu.memref_slice %arg5[%dma_wait3A_345] : memref<1600000xi32, #tpu.memory_space<hbm>> -> memref<2000xi32, #tpu.memory_space<hbm>>
    tpu.wait_dma2 semaphore(%arg27 : memref<!tpu.dma_semaphore, #tpu.memory_space<semaphore_mem>>) src(%dma_wait3A_346 : memref<2000xi32, #tpu.memory_space<hbm>>) dst(%arg17 : memref<2000xi32, #tpu.memory_space<vmem>>)
    %parallel_loop3A_347 = arith.constant 0 : i32
    %parallel_loop3A_348 = arith.constant 2000 : i32
    %parallel_loop3A_349 = arith.constant 16 : i32
    scf.for %parallel_loop3A_464 = %parallel_loop3A_347 to %parallel_loop3A_348 step %parallel_loop3A_349  : i32 {
      %parallel_loop3A_465 = arith.index_cast %parallel_loop3A_464 : i32 to index
      %parallel_loop3A_466 = tpu.vector_load %arg15[%parallel_loop3A_465] {strides = array<i32>} : memref<2000xi32, #tpu.memory_space<vmem>>, vector<16xi32>,
      %parallel_loop3A_467 = arith.index_cast %parallel_loop3A_464 : i32 to index
      %parallel_loop3A_468 = tpu.vector_load %arg17[%parallel_loop3A_467] {strides = array<i32>} : memref<2000xi32, #tpu.memory_space<vmem>>, vector<16xi32>,
      %parallel_loop3A_469 = arith.constant 65535 : i32
      %parallel_loop3A_470 = vector.broadcast %parallel_loop3A_469 : i32 to vector<16xi32>
      %parallel_loop3A_471 = arith.andi %parallel_loop3A_466, %parallel_loop3A_470 : vector<16xi32>
      %parallel_loop3A_472 = arith.constant 16 : i32
      %parallel_loop3A_473 = vector.broadcast %parallel_loop3A_472 : i32 to vector<16xi32>
      %parallel_loop3A_474 = arith.shrui %parallel_loop3A_466, %parallel_loop3A_473 : vector<16xi32>
      %parallel_loop3A_475 = tpu.vector_load_idx %arg20[%parallel_loop3A_474] : memref<16xf32, #tpu.memory_space<vmem>>[vector<16xi32>], vector<16xf32>,
      %parallel_loop3A_476 = tpu.vector_load_idx %arg11[%parallel_loop3A_471] : memref<50176xf32, #tpu.memory_space<vmem>>[vector<16xi32>], vector<16xf32>,
      %parallel_loop3A_477 = arith.constant 4 : i32
      %parallel_loop3A_478 = vector.broadcast %parallel_loop3A_477 : i32 to vector<16xi32>
      %parallel_loop3A_479 = arith.shrui %parallel_loop3A_468, %parallel_loop3A_478 : vector<16xi32>
      %parallel_loop3A_480 = arith.constant 15 : i32
      %parallel_loop3A_481 = vector.broadcast %parallel_loop3A_480 : i32 to vector<16xi32>
      %parallel_loop3A_482 = arith.andi %parallel_loop3A_468, %parallel_loop3A_481 : vector<16xi32>
      %parallel_loop3A_483 = arith.mulf %parallel_loop3A_475, %parallel_loop3A_476 : vector<16xf32>
      tpu.vector_store_idx %arg12[%parallel_loop3A_479, %parallel_loop3A_482], %parallel_loop3A_483 {add = true} : memref<3136x16xf32, #tpu.memory_space<vmem>>[vector<16xi32>, vector<16xi32>], vector<16xf32>,
    } {sc.loop_unroll_factor = 8 : i64, sc.parallel_access}
    %add3A_350 = arith.constant 40000 : i32
    %add3A_351 = arith.addi %mul3A_20, %add3A_350 : i32
    %dma_start3A_352 = tpu.memref_slice %arg4[%add3A_351] : memref<1600000xi32, #tpu.memory_space<hbm>> -> memref<2000xi32, #tpu.memory_space<hbm>>
    %dma_start3A_353 = tpu.memref_slice %arg4[%add3A_351] : memref<1600000xi32, #tpu.memory_space<hbm>> -> memref<2000xi32, #tpu.memory_space<hbm>>
    tpu.enqueue_dma source(%dma_start3A_353 : memref<2000xi32, #tpu.memory_space<hbm>>) target(%arg15 : memref<2000xi32, #tpu.memory_space<vmem>>) target_semaphore(%arg27 : memref<!tpu.dma_semaphore, #tpu.memory_space<semaphore_mem>>)
    %dma_start3A_354 = tpu.memref_slice %arg5[%add3A_351] : memref<1600000xi32, #tpu.memory_space<hbm>> -> memref<2000xi32, #tpu.memory_space<hbm>>
    %dma_start3A_355 = tpu.memref_slice %arg5[%add3A_351] : memref<1600000xi32, #tpu.memory_space<hbm>> -> memref<2000xi32, #tpu.memory_space<hbm>>
    tpu.enqueue_dma source(%dma_start3A_355 : memref<2000xi32, #tpu.memory_space<hbm>>) target(%arg17 : memref<2000xi32, #tpu.memory_space<vmem>>) target_semaphore(%arg27 : memref<!tpu.dma_semaphore, #tpu.memory_space<semaphore_mem>>)
    %dma_wait3A_356 = arith.constant 0 : i32
    %dma_wait3A_357 = tpu.memref_slice %arg4[%dma_wait3A_356] : memref<1600000xi32, #tpu.memory_space<hbm>> -> memref<2000xi32, #tpu.memory_space<hbm>>
    %dma_wait3A_358 = arith.constant 0 : i32
    %dma_wait3A_359 = tpu.memref_slice %arg4[%dma_wait3A_358] : memref<1600000xi32, #tpu.memory_space<hbm>> -> memref<2000xi32, #tpu.memory_space<hbm>>
    tpu.wait_dma2 semaphore(%arg28 : memref<!tpu.dma_semaphore, #tpu.memory_space<semaphore_mem>>) src(%dma_wait3A_359 : memref<2000xi32, #tpu.memory_space<hbm>>) dst(%arg16 : memref<2000xi32, #tpu.memory_space<vmem>>)
    %dma_wait3A_360 = arith.constant 0 : i32
    %dma_wait3A_361 = tpu.memref_slice %arg5[%dma_wait3A_360] : memref<1600000xi32, #tpu.memory_space<hbm>> -> memref<2000xi32, #tpu.memory_space<hbm>>
    %dma_wait3A_362 = arith.constant 0 : i32
    %dma_wait3A_363 = tpu.memref_slice %arg5[%dma_wait3A_362] : memref<1600000xi32, #tpu.memory_space<hbm>> -> memref<2000xi32, #tpu.memory_space<hbm>>
    tpu.wait_dma2 semaphore(%arg28 : memref<!tpu.dma_semaphore, #tpu.memory_space<semaphore_mem>>) src(%dma_wait3A_363 : memref<2000xi32, #tpu.memory_space<hbm>>) dst(%arg18 : memref<2000xi32, #tpu.memory_space<vmem>>)
    %parallel_loop3A_364 = arith.constant 0 : i32
    %parallel_loop3A_365 = arith.constant 2000 : i32
    %parallel_loop3A_366 = arith.constant 16 : i32
    scf.for %parallel_loop3A_464 = %parallel_loop3A_364 to %parallel_loop3A_365 step %parallel_loop3A_366  : i32 {
      %parallel_loop3A_465 = arith.index_cast %parallel_loop3A_464 : i32 to index
      %parallel_loop3A_466 = tpu.vector_load %arg16[%parallel_loop3A_465] {strides = array<i32>} : memref<2000xi32, #tpu.memory_space<vmem>>, vector<16xi32>,
      %parallel_loop3A_467 = arith.index_cast %parallel_loop3A_464 : i32 to index
      %parallel_loop3A_468 = tpu.vector_load %arg18[%parallel_loop3A_467] {strides = array<i32>} : memref<2000xi32, #tpu.memory_space<vmem>>, vector<16xi32>,
      %parallel_loop3A_469 = arith.constant 65535 : i32
      %parallel_loop3A_470 = vector.broadcast %parallel_loop3A_469 : i32 to vector<16xi32>
      %parallel_loop3A_471 = arith.andi %parallel_loop3A_466, %parallel_loop3A_470 : vector<16xi32>
      %parallel_loop3A_472 = arith.constant 16 : i32
      %parallel_loop3A_473 = vector.broadcast %parallel_loop3A_472 : i32 to vector<16xi32>
      %parallel_loop3A_474 = arith.shrui %parallel_loop3A_466, %parallel_loop3A_473 : vector<16xi32>
      %parallel_loop3A_475 = tpu.vector_load_idx %arg20[%parallel_loop3A_474] : memref<16xf32, #tpu.memory_space<vmem>>[vector<16xi32>], vector<16xf32>,
      %parallel_loop3A_476 = tpu.vector_load_idx %arg11[%parallel_loop3A_471] : memref<50176xf32, #tpu.memory_space<vmem>>[vector<16xi32>], vector<16xf32>,
      %parallel_loop3A_477 = arith.constant 4 : i32
      %parallel_loop3A_478 = vector.broadcast %parallel_loop3A_477 : i32 to vector<16xi32>
      %parallel_loop3A_479 = arith.shrui %parallel_loop3A_468, %parallel_loop3A_478 : vector<16xi32>
      %parallel_loop3A_480 = arith.constant 15 : i32
      %parallel_loop3A_481 = vector.broadcast %parallel_loop3A_480 : i32 to vector<16xi32>
      %parallel_loop3A_482 = arith.andi %parallel_loop3A_468, %parallel_loop3A_481 : vector<16xi32>
      %parallel_loop3A_483 = arith.mulf %parallel_loop3A_475, %parallel_loop3A_476 : vector<16xf32>
      tpu.vector_store_idx %arg12[%parallel_loop3A_479, %parallel_loop3A_482], %parallel_loop3A_483 {add = true} : memref<3136x16xf32, #tpu.memory_space<vmem>>[vector<16xi32>, vector<16xi32>], vector<16xf32>,
    } {sc.loop_unroll_factor = 8 : i64, sc.parallel_access}
    %add3A_367 = arith.constant 42000 : i32
    %add3A_368 = arith.addi %mul3A_20, %add3A_367 : i32
    %dma_start3A_369 = tpu.memref_slice %arg4[%add3A_368] : memref<1600000xi32, #tpu.memory_space<hbm>> -> memref<2000xi32, #tpu.memory_space<hbm>>
    %dma_start3A_370 = tpu.memref_slice %arg4[%add3A_368] : memref<1600000xi32, #tpu.memory_space<hbm>> -> memref<2000xi32, #tpu.memory_space<hbm>>
    tpu.enqueue_dma source(%dma_start3A_370 : memref<2000xi32, #tpu.memory_space<hbm>>) target(%arg16 : memref<2000xi32, #tpu.memory_space<vmem>>) target_semaphore(%arg28 : memref<!tpu.dma_semaphore, #tpu.memory_space<semaphore_mem>>)
    %dma_start3A_371 = tpu.memref_slice %arg5[%add3A_368] : memref<1600000xi32, #tpu.memory_space<hbm>> -> memref<2000xi32, #tpu.memory_space<hbm>>
    %dma_start3A_372 = tpu.memref_slice %arg5[%add3A_368] : memref<1600000xi32, #tpu.memory_space<hbm>> -> memref<2000xi32, #tpu.memory_space<hbm>>
    tpu.enqueue_dma source(%dma_start3A_372 : memref<2000xi32, #tpu.memory_space<hbm>>) target(%arg18 : memref<2000xi32, #tpu.memory_space<vmem>>) target_semaphore(%arg28 : memref<!tpu.dma_semaphore, #tpu.memory_space<semaphore_mem>>)
    %dma_wait3A_373 = arith.constant 0 : i32
    %dma_wait3A_374 = tpu.memref_slice %arg4[%dma_wait3A_373] : memref<1600000xi32, #tpu.memory_space<hbm>> -> memref<2000xi32, #tpu.memory_space<hbm>>
    %dma_wait3A_375 = arith.constant 0 : i32
    %dma_wait3A_376 = tpu.memref_slice %arg4[%dma_wait3A_375] : memref<1600000xi32, #tpu.memory_space<hbm>> -> memref<2000xi32, #tpu.memory_space<hbm>>
    tpu.wait_dma2 semaphore(%arg27 : memref<!tpu.dma_semaphore, #tpu.memory_space<semaphore_mem>>) src(%dma_wait3A_376 : memref<2000xi32, #tpu.memory_space<hbm>>) dst(%arg15 : memref<2000xi32, #tpu.memory_space<vmem>>)
    %dma_wait3A_377 = arith.constant 0 : i32
    %dma_wait3A_378 = tpu.memref_slice %arg5[%dma_wait3A_377] : memref<1600000xi32, #tpu.memory_space<hbm>> -> memref<2000xi32, #tpu.memory_space<hbm>>
    %dma_wait3A_379 = arith.constant 0 : i32
    %dma_wait3A_380 = tpu.memref_slice %arg5[%dma_wait3A_379] : memref<1600000xi32, #tpu.memory_space<hbm>> -> memref<2000xi32, #tpu.memory_space<hbm>>
    tpu.wait_dma2 semaphore(%arg27 : memref<!tpu.dma_semaphore, #tpu.memory_space<semaphore_mem>>) src(%dma_wait3A_380 : memref<2000xi32, #tpu.memory_space<hbm>>) dst(%arg17 : memref<2000xi32, #tpu.memory_space<vmem>>)
    %parallel_loop3A_381 = arith.constant 0 : i32
    %parallel_loop3A_382 = arith.constant 2000 : i32
    %parallel_loop3A_383 = arith.constant 16 : i32
    scf.for %parallel_loop3A_464 = %parallel_loop3A_381 to %parallel_loop3A_382 step %parallel_loop3A_383  : i32 {
      %parallel_loop3A_465 = arith.index_cast %parallel_loop3A_464 : i32 to index
      %parallel_loop3A_466 = tpu.vector_load %arg15[%parallel_loop3A_465] {strides = array<i32>} : memref<2000xi32, #tpu.memory_space<vmem>>, vector<16xi32>,
      %parallel_loop3A_467 = arith.index_cast %parallel_loop3A_464 : i32 to index
      %parallel_loop3A_468 = tpu.vector_load %arg17[%parallel_loop3A_467] {strides = array<i32>} : memref<2000xi32, #tpu.memory_space<vmem>>, vector<16xi32>,
      %parallel_loop3A_469 = arith.constant 65535 : i32
      %parallel_loop3A_470 = vector.broadcast %parallel_loop3A_469 : i32 to vector<16xi32>
      %parallel_loop3A_471 = arith.andi %parallel_loop3A_466, %parallel_loop3A_470 : vector<16xi32>
      %parallel_loop3A_472 = arith.constant 16 : i32
      %parallel_loop3A_473 = vector.broadcast %parallel_loop3A_472 : i32 to vector<16xi32>
      %parallel_loop3A_474 = arith.shrui %parallel_loop3A_466, %parallel_loop3A_473 : vector<16xi32>
      %parallel_loop3A_475 = tpu.vector_load_idx %arg20[%parallel_loop3A_474] : memref<16xf32, #tpu.memory_space<vmem>>[vector<16xi32>], vector<16xf32>,
      %parallel_loop3A_476 = tpu.vector_load_idx %arg11[%parallel_loop3A_471] : memref<50176xf32, #tpu.memory_space<vmem>>[vector<16xi32>], vector<16xf32>,
      %parallel_loop3A_477 = arith.constant 4 : i32
      %parallel_loop3A_478 = vector.broadcast %parallel_loop3A_477 : i32 to vector<16xi32>
      %parallel_loop3A_479 = arith.shrui %parallel_loop3A_468, %parallel_loop3A_478 : vector<16xi32>
      %parallel_loop3A_480 = arith.constant 15 : i32
      %parallel_loop3A_481 = vector.broadcast %parallel_loop3A_480 : i32 to vector<16xi32>
      %parallel_loop3A_482 = arith.andi %parallel_loop3A_468, %parallel_loop3A_481 : vector<16xi32>
      %parallel_loop3A_483 = arith.mulf %parallel_loop3A_475, %parallel_loop3A_476 : vector<16xf32>
      tpu.vector_store_idx %arg12[%parallel_loop3A_479, %parallel_loop3A_482], %parallel_loop3A_483 {add = true} : memref<3136x16xf32, #tpu.memory_space<vmem>>[vector<16xi32>, vector<16xi32>], vector<16xf32>,
    } {sc.loop_unroll_factor = 8 : i64, sc.parallel_access}
    %add3A_384 = arith.constant 44000 : i32
    %add3A_385 = arith.addi %mul3A_20, %add3A_384 : i32
    %dma_start3A_386 = tpu.memref_slice %arg4[%add3A_385] : memref<1600000xi32, #tpu.memory_space<hbm>> -> memref<2000xi32, #tpu.memory_space<hbm>>
    %dma_start3A_387 = tpu.memref_slice %arg4[%add3A_385] : memref<1600000xi32, #tpu.memory_space<hbm>> -> memref<2000xi32, #tpu.memory_space<hbm>>
    tpu.enqueue_dma source(%dma_start3A_387 : memref<2000xi32, #tpu.memory_space<hbm>>) target(%arg15 : memref<2000xi32, #tpu.memory_space<vmem>>) target_semaphore(%arg27 : memref<!tpu.dma_semaphore, #tpu.memory_space<semaphore_mem>>)
    %dma_start3A_388 = tpu.memref_slice %arg5[%add3A_385] : memref<1600000xi32, #tpu.memory_space<hbm>> -> memref<2000xi32, #tpu.memory_space<hbm>>
    %dma_start3A_389 = tpu.memref_slice %arg5[%add3A_385] : memref<1600000xi32, #tpu.memory_space<hbm>> -> memref<2000xi32, #tpu.memory_space<hbm>>
    tpu.enqueue_dma source(%dma_start3A_389 : memref<2000xi32, #tpu.memory_space<hbm>>) target(%arg17 : memref<2000xi32, #tpu.memory_space<vmem>>) target_semaphore(%arg27 : memref<!tpu.dma_semaphore, #tpu.memory_space<semaphore_mem>>)
    %dma_wait3A_390 = arith.constant 0 : i32
    %dma_wait3A_391 = tpu.memref_slice %arg4[%dma_wait3A_390] : memref<1600000xi32, #tpu.memory_space<hbm>> -> memref<2000xi32, #tpu.memory_space<hbm>>
    %dma_wait3A_392 = arith.constant 0 : i32
    %dma_wait3A_393 = tpu.memref_slice %arg4[%dma_wait3A_392] : memref<1600000xi32, #tpu.memory_space<hbm>> -> memref<2000xi32, #tpu.memory_space<hbm>>
    tpu.wait_dma2 semaphore(%arg28 : memref<!tpu.dma_semaphore, #tpu.memory_space<semaphore_mem>>) src(%dma_wait3A_393 : memref<2000xi32, #tpu.memory_space<hbm>>) dst(%arg16 : memref<2000xi32, #tpu.memory_space<vmem>>)
    %dma_wait3A_394 = arith.constant 0 : i32
    %dma_wait3A_395 = tpu.memref_slice %arg5[%dma_wait3A_394] : memref<1600000xi32, #tpu.memory_space<hbm>> -> memref<2000xi32, #tpu.memory_space<hbm>>
    %dma_wait3A_396 = arith.constant 0 : i32
    %dma_wait3A_397 = tpu.memref_slice %arg5[%dma_wait3A_396] : memref<1600000xi32, #tpu.memory_space<hbm>> -> memref<2000xi32, #tpu.memory_space<hbm>>
    tpu.wait_dma2 semaphore(%arg28 : memref<!tpu.dma_semaphore, #tpu.memory_space<semaphore_mem>>) src(%dma_wait3A_397 : memref<2000xi32, #tpu.memory_space<hbm>>) dst(%arg18 : memref<2000xi32, #tpu.memory_space<vmem>>)
    %parallel_loop3A_398 = arith.constant 0 : i32
    %parallel_loop3A_399 = arith.constant 2000 : i32
    %parallel_loop3A_400 = arith.constant 16 : i32
    scf.for %parallel_loop3A_464 = %parallel_loop3A_398 to %parallel_loop3A_399 step %parallel_loop3A_400  : i32 {
      %parallel_loop3A_465 = arith.index_cast %parallel_loop3A_464 : i32 to index
      %parallel_loop3A_466 = tpu.vector_load %arg16[%parallel_loop3A_465] {strides = array<i32>} : memref<2000xi32, #tpu.memory_space<vmem>>, vector<16xi32>,
      %parallel_loop3A_467 = arith.index_cast %parallel_loop3A_464 : i32 to index
      %parallel_loop3A_468 = tpu.vector_load %arg18[%parallel_loop3A_467] {strides = array<i32>} : memref<2000xi32, #tpu.memory_space<vmem>>, vector<16xi32>,
      %parallel_loop3A_469 = arith.constant 65535 : i32
      %parallel_loop3A_470 = vector.broadcast %parallel_loop3A_469 : i32 to vector<16xi32>
      %parallel_loop3A_471 = arith.andi %parallel_loop3A_466, %parallel_loop3A_470 : vector<16xi32>
      %parallel_loop3A_472 = arith.constant 16 : i32
      %parallel_loop3A_473 = vector.broadcast %parallel_loop3A_472 : i32 to vector<16xi32>
      %parallel_loop3A_474 = arith.shrui %parallel_loop3A_466, %parallel_loop3A_473 : vector<16xi32>
      %parallel_loop3A_475 = tpu.vector_load_idx %arg20[%parallel_loop3A_474] : memref<16xf32, #tpu.memory_space<vmem>>[vector<16xi32>], vector<16xf32>,
      %parallel_loop3A_476 = tpu.vector_load_idx %arg11[%parallel_loop3A_471] : memref<50176xf32, #tpu.memory_space<vmem>>[vector<16xi32>], vector<16xf32>,
      %parallel_loop3A_477 = arith.constant 4 : i32
      %parallel_loop3A_478 = vector.broadcast %parallel_loop3A_477 : i32 to vector<16xi32>
      %parallel_loop3A_479 = arith.shrui %parallel_loop3A_468, %parallel_loop3A_478 : vector<16xi32>
      %parallel_loop3A_480 = arith.constant 15 : i32
      %parallel_loop3A_481 = vector.broadcast %parallel_loop3A_480 : i32 to vector<16xi32>
      %parallel_loop3A_482 = arith.andi %parallel_loop3A_468, %parallel_loop3A_481 : vector<16xi32>
      %parallel_loop3A_483 = arith.mulf %parallel_loop3A_475, %parallel_loop3A_476 : vector<16xf32>
      tpu.vector_store_idx %arg12[%parallel_loop3A_479, %parallel_loop3A_482], %parallel_loop3A_483 {add = true} : memref<3136x16xf32, #tpu.memory_space<vmem>>[vector<16xi32>, vector<16xi32>], vector<16xf32>,
    } {sc.loop_unroll_factor = 8 : i64, sc.parallel_access}
    %add3A_401 = arith.constant 46000 : i32
    %add3A_402 = arith.addi %mul3A_20, %add3A_401 : i32
    %dma_start3A_403 = tpu.memref_slice %arg4[%add3A_402] : memref<1600000xi32, #tpu.memory_space<hbm>> -> memref<2000xi32, #tpu.memory_space<hbm>>
    %dma_start3A_404 = tpu.memref_slice %arg4[%add3A_402] : memref<1600000xi32, #tpu.memory_space<hbm>> -> memref<2000xi32, #tpu.memory_space<hbm>>
    tpu.enqueue_dma source(%dma_start3A_404 : memref<2000xi32, #tpu.memory_space<hbm>>) target(%arg16 : memref<2000xi32, #tpu.memory_space<vmem>>) target_semaphore(%arg28 : memref<!tpu.dma_semaphore, #tpu.memory_space<semaphore_mem>>)
    %dma_start3A_405 = tpu.memref_slice %arg5[%add3A_402] : memref<1600000xi32, #tpu.memory_space<hbm>> -> memref<2000xi32, #tpu.memory_space<hbm>>
    %dma_start3A_406 = tpu.memref_slice %arg5[%add3A_402] : memref<1600000xi32, #tpu.memory_space<hbm>> -> memref<2000xi32, #tpu.memory_space<hbm>>
    tpu.enqueue_dma source(%dma_start3A_406 : memref<2000xi32, #tpu.memory_space<hbm>>) target(%arg18 : memref<2000xi32, #tpu.memory_space<vmem>>) target_semaphore(%arg28 : memref<!tpu.dma_semaphore, #tpu.memory_space<semaphore_mem>>)
    %dma_wait3A_407 = arith.constant 0 : i32
    %dma_wait3A_408 = tpu.memref_slice %arg4[%dma_wait3A_407] : memref<1600000xi32, #tpu.memory_space<hbm>> -> memref<2000xi32, #tpu.memory_space<hbm>>
    %dma_wait3A_409 = arith.constant 0 : i32
    %dma_wait3A_410 = tpu.memref_slice %arg4[%dma_wait3A_409] : memref<1600000xi32, #tpu.memory_space<hbm>> -> memref<2000xi32, #tpu.memory_space<hbm>>
    tpu.wait_dma2 semaphore(%arg27 : memref<!tpu.dma_semaphore, #tpu.memory_space<semaphore_mem>>) src(%dma_wait3A_410 : memref<2000xi32, #tpu.memory_space<hbm>>) dst(%arg15 : memref<2000xi32, #tpu.memory_space<vmem>>)
    %dma_wait3A_411 = arith.constant 0 : i32
    %dma_wait3A_412 = tpu.memref_slice %arg5[%dma_wait3A_411] : memref<1600000xi32, #tpu.memory_space<hbm>> -> memref<2000xi32, #tpu.memory_space<hbm>>
    %dma_wait3A_413 = arith.constant 0 : i32
    %dma_wait3A_414 = tpu.memref_slice %arg5[%dma_wait3A_413] : memref<1600000xi32, #tpu.memory_space<hbm>> -> memref<2000xi32, #tpu.memory_space<hbm>>
    tpu.wait_dma2 semaphore(%arg27 : memref<!tpu.dma_semaphore, #tpu.memory_space<semaphore_mem>>) src(%dma_wait3A_414 : memref<2000xi32, #tpu.memory_space<hbm>>) dst(%arg17 : memref<2000xi32, #tpu.memory_space<vmem>>)
    %parallel_loop3A_415 = arith.constant 0 : i32
    %parallel_loop3A_416 = arith.constant 2000 : i32
    %parallel_loop3A_417 = arith.constant 16 : i32
    scf.for %parallel_loop3A_464 = %parallel_loop3A_415 to %parallel_loop3A_416 step %parallel_loop3A_417  : i32 {
      %parallel_loop3A_465 = arith.index_cast %parallel_loop3A_464 : i32 to index
      %parallel_loop3A_466 = tpu.vector_load %arg15[%parallel_loop3A_465] {strides = array<i32>} : memref<2000xi32, #tpu.memory_space<vmem>>, vector<16xi32>,
      %parallel_loop3A_467 = arith.index_cast %parallel_loop3A_464 : i32 to index
      %parallel_loop3A_468 = tpu.vector_load %arg17[%parallel_loop3A_467] {strides = array<i32>} : memref<2000xi32, #tpu.memory_space<vmem>>, vector<16xi32>,
      %parallel_loop3A_469 = arith.constant 65535 : i32
      %parallel_loop3A_470 = vector.broadcast %parallel_loop3A_469 : i32 to vector<16xi32>
      %parallel_loop3A_471 = arith.andi %parallel_loop3A_466, %parallel_loop3A_470 : vector<16xi32>
      %parallel_loop3A_472 = arith.constant 16 : i32
      %parallel_loop3A_473 = vector.broadcast %parallel_loop3A_472 : i32 to vector<16xi32>
      %parallel_loop3A_474 = arith.shrui %parallel_loop3A_466, %parallel_loop3A_473 : vector<16xi32>
      %parallel_loop3A_475 = tpu.vector_load_idx %arg20[%parallel_loop3A_474] : memref<16xf32, #tpu.memory_space<vmem>>[vector<16xi32>], vector<16xf32>,
      %parallel_loop3A_476 = tpu.vector_load_idx %arg11[%parallel_loop3A_471] : memref<50176xf32, #tpu.memory_space<vmem>>[vector<16xi32>], vector<16xf32>,
      %parallel_loop3A_477 = arith.constant 4 : i32
      %parallel_loop3A_478 = vector.broadcast %parallel_loop3A_477 : i32 to vector<16xi32>
      %parallel_loop3A_479 = arith.shrui %parallel_loop3A_468, %parallel_loop3A_478 : vector<16xi32>
      %parallel_loop3A_480 = arith.constant 15 : i32
      %parallel_loop3A_481 = vector.broadcast %parallel_loop3A_480 : i32 to vector<16xi32>
      %parallel_loop3A_482 = arith.andi %parallel_loop3A_468, %parallel_loop3A_481 : vector<16xi32>
      %parallel_loop3A_483 = arith.mulf %parallel_loop3A_475, %parallel_loop3A_476 : vector<16xf32>
      tpu.vector_store_idx %arg12[%parallel_loop3A_479, %parallel_loop3A_482], %parallel_loop3A_483 {add = true} : memref<3136x16xf32, #tpu.memory_space<vmem>>[vector<16xi32>, vector<16xi32>], vector<16xf32>,
    } {sc.loop_unroll_factor = 8 : i64, sc.parallel_access}
    %add3A_418 = arith.constant 48000 : i32
    %add3A_419 = arith.addi %mul3A_20, %add3A_418 : i32
    %dma_start3A_420 = tpu.memref_slice %arg4[%add3A_419] : memref<1600000xi32, #tpu.memory_space<hbm>> -> memref<2000xi32, #tpu.memory_space<hbm>>
    %dma_start3A_421 = tpu.memref_slice %arg4[%add3A_419] : memref<1600000xi32, #tpu.memory_space<hbm>> -> memref<2000xi32, #tpu.memory_space<hbm>>
    tpu.enqueue_dma source(%dma_start3A_421 : memref<2000xi32, #tpu.memory_space<hbm>>) target(%arg15 : memref<2000xi32, #tpu.memory_space<vmem>>) target_semaphore(%arg27 : memref<!tpu.dma_semaphore, #tpu.memory_space<semaphore_mem>>)
    %dma_start3A_422 = tpu.memref_slice %arg5[%add3A_419] : memref<1600000xi32, #tpu.memory_space<hbm>> -> memref<2000xi32, #tpu.memory_space<hbm>>
    %dma_start3A_423 = tpu.memref_slice %arg5[%add3A_419] : memref<1600000xi32, #tpu.memory_space<hbm>> -> memref<2000xi32, #tpu.memory_space<hbm>>
    tpu.enqueue_dma source(%dma_start3A_423 : memref<2000xi32, #tpu.memory_space<hbm>>) target(%arg17 : memref<2000xi32, #tpu.memory_space<vmem>>) target_semaphore(%arg27 : memref<!tpu.dma_semaphore, #tpu.memory_space<semaphore_mem>>)
    %dma_wait3A_424 = arith.constant 0 : i32
    %dma_wait3A_425 = tpu.memref_slice %arg4[%dma_wait3A_424] : memref<1600000xi32, #tpu.memory_space<hbm>> -> memref<2000xi32, #tpu.memory_space<hbm>>
    %dma_wait3A_426 = arith.constant 0 : i32
    %dma_wait3A_427 = tpu.memref_slice %arg4[%dma_wait3A_426] : memref<1600000xi32, #tpu.memory_space<hbm>> -> memref<2000xi32, #tpu.memory_space<hbm>>
    tpu.wait_dma2 semaphore(%arg28 : memref<!tpu.dma_semaphore, #tpu.memory_space<semaphore_mem>>) src(%dma_wait3A_427 : memref<2000xi32, #tpu.memory_space<hbm>>) dst(%arg16 : memref<2000xi32, #tpu.memory_space<vmem>>)
    %dma_wait3A_428 = arith.constant 0 : i32
    %dma_wait3A_429 = tpu.memref_slice %arg5[%dma_wait3A_428] : memref<1600000xi32, #tpu.memory_space<hbm>> -> memref<2000xi32, #tpu.memory_space<hbm>>
    %dma_wait3A_430 = arith.constant 0 : i32
    %dma_wait3A_431 = tpu.memref_slice %arg5[%dma_wait3A_430] : memref<1600000xi32, #tpu.memory_space<hbm>> -> memref<2000xi32, #tpu.memory_space<hbm>>
    tpu.wait_dma2 semaphore(%arg28 : memref<!tpu.dma_semaphore, #tpu.memory_space<semaphore_mem>>) src(%dma_wait3A_431 : memref<2000xi32, #tpu.memory_space<hbm>>) dst(%arg18 : memref<2000xi32, #tpu.memory_space<vmem>>)
    %parallel_loop3A_432 = arith.constant 0 : i32
    %parallel_loop3A_433 = arith.constant 2000 : i32
    %parallel_loop3A_434 = arith.constant 16 : i32
    scf.for %parallel_loop3A_464 = %parallel_loop3A_432 to %parallel_loop3A_433 step %parallel_loop3A_434  : i32 {
      %parallel_loop3A_465 = arith.index_cast %parallel_loop3A_464 : i32 to index
      %parallel_loop3A_466 = tpu.vector_load %arg16[%parallel_loop3A_465] {strides = array<i32>} : memref<2000xi32, #tpu.memory_space<vmem>>, vector<16xi32>,
      %parallel_loop3A_467 = arith.index_cast %parallel_loop3A_464 : i32 to index
      %parallel_loop3A_468 = tpu.vector_load %arg18[%parallel_loop3A_467] {strides = array<i32>} : memref<2000xi32, #tpu.memory_space<vmem>>, vector<16xi32>,
      %parallel_loop3A_469 = arith.constant 65535 : i32
      %parallel_loop3A_470 = vector.broadcast %parallel_loop3A_469 : i32 to vector<16xi32>
      %parallel_loop3A_471 = arith.andi %parallel_loop3A_466, %parallel_loop3A_470 : vector<16xi32>
      %parallel_loop3A_472 = arith.constant 16 : i32
      %parallel_loop3A_473 = vector.broadcast %parallel_loop3A_472 : i32 to vector<16xi32>
      %parallel_loop3A_474 = arith.shrui %parallel_loop3A_466, %parallel_loop3A_473 : vector<16xi32>
      %parallel_loop3A_475 = tpu.vector_load_idx %arg20[%parallel_loop3A_474] : memref<16xf32, #tpu.memory_space<vmem>>[vector<16xi32>], vector<16xf32>,
      %parallel_loop3A_476 = tpu.vector_load_idx %arg11[%parallel_loop3A_471] : memref<50176xf32, #tpu.memory_space<vmem>>[vector<16xi32>], vector<16xf32>,
      %parallel_loop3A_477 = arith.constant 4 : i32
      %parallel_loop3A_478 = vector.broadcast %parallel_loop3A_477 : i32 to vector<16xi32>
      %parallel_loop3A_479 = arith.shrui %parallel_loop3A_468, %parallel_loop3A_478 : vector<16xi32>
      %parallel_loop3A_480 = arith.constant 15 : i32
      %parallel_loop3A_481 = vector.broadcast %parallel_loop3A_480 : i32 to vector<16xi32>
      %parallel_loop3A_482 = arith.andi %parallel_loop3A_468, %parallel_loop3A_481 : vector<16xi32>
      %parallel_loop3A_483 = arith.mulf %parallel_loop3A_475, %parallel_loop3A_476 : vector<16xf32>
      tpu.vector_store_idx %arg12[%parallel_loop3A_479, %parallel_loop3A_482], %parallel_loop3A_483 {add = true} : memref<3136x16xf32, #tpu.memory_space<vmem>>[vector<16xi32>, vector<16xi32>], vector<16xf32>,
    } {sc.loop_unroll_factor = 8 : i64, sc.parallel_access}
    %dma_wait3A_435 = arith.constant 0 : i32
    %dma_wait3A_436 = tpu.memref_slice %arg4[%dma_wait3A_435] : memref<1600000xi32, #tpu.memory_space<hbm>> -> memref<2000xi32, #tpu.memory_space<hbm>>
    %dma_wait3A_437 = arith.constant 0 : i32
    %dma_wait3A_438 = tpu.memref_slice %arg4[%dma_wait3A_437] : memref<1600000xi32, #tpu.memory_space<hbm>> -> memref<2000xi32, #tpu.memory_space<hbm>>
    tpu.wait_dma2 semaphore(%arg27 : memref<!tpu.dma_semaphore, #tpu.memory_space<semaphore_mem>>) src(%dma_wait3A_438 : memref<2000xi32, #tpu.memory_space<hbm>>) dst(%arg15 : memref<2000xi32, #tpu.memory_space<vmem>>)
    %dma_wait3A_439 = arith.constant 0 : i32
    %dma_wait3A_440 = tpu.memref_slice %arg5[%dma_wait3A_439] : memref<1600000xi32, #tpu.memory_space<hbm>> -> memref<2000xi32, #tpu.memory_space<hbm>>
    %dma_wait3A_441 = arith.constant 0 : i32
    %dma_wait3A_442 = tpu.memref_slice %arg5[%dma_wait3A_441] : memref<1600000xi32, #tpu.memory_space<hbm>> -> memref<2000xi32, #tpu.memory_space<hbm>>
    tpu.wait_dma2 semaphore(%arg27 : memref<!tpu.dma_semaphore, #tpu.memory_space<semaphore_mem>>) src(%dma_wait3A_442 : memref<2000xi32, #tpu.memory_space<hbm>>) dst(%arg17 : memref<2000xi32, #tpu.memory_space<vmem>>)
    %parallel_loop3A_443 = arith.constant 0 : i32
    %parallel_loop3A_444 = arith.constant 2000 : i32
    %parallel_loop3A_445 = arith.constant 16 : i32
    scf.for %parallel_loop3A_464 = %parallel_loop3A_443 to %parallel_loop3A_444 step %parallel_loop3A_445  : i32 {
      %parallel_loop3A_465 = arith.index_cast %parallel_loop3A_464 : i32 to index
      %parallel_loop3A_466 = tpu.vector_load %arg15[%parallel_loop3A_465] {strides = array<i32>} : memref<2000xi32, #tpu.memory_space<vmem>>, vector<16xi32>,
      %parallel_loop3A_467 = arith.index_cast %parallel_loop3A_464 : i32 to index
      %parallel_loop3A_468 = tpu.vector_load %arg17[%parallel_loop3A_467] {strides = array<i32>} : memref<2000xi32, #tpu.memory_space<vmem>>, vector<16xi32>,
      %parallel_loop3A_469 = arith.constant 65535 : i32
      %parallel_loop3A_470 = vector.broadcast %parallel_loop3A_469 : i32 to vector<16xi32>
      %parallel_loop3A_471 = arith.andi %parallel_loop3A_466, %parallel_loop3A_470 : vector<16xi32>
      %parallel_loop3A_472 = arith.constant 16 : i32
      %parallel_loop3A_473 = vector.broadcast %parallel_loop3A_472 : i32 to vector<16xi32>
      %parallel_loop3A_474 = arith.shrui %parallel_loop3A_466, %parallel_loop3A_473 : vector<16xi32>
      %parallel_loop3A_475 = tpu.vector_load_idx %arg20[%parallel_loop3A_474] : memref<16xf32, #tpu.memory_space<vmem>>[vector<16xi32>], vector<16xf32>,
      %parallel_loop3A_476 = tpu.vector_load_idx %arg11[%parallel_loop3A_471] : memref<50176xf32, #tpu.memory_space<vmem>>[vector<16xi32>], vector<16xf32>,
      %parallel_loop3A_477 = arith.constant 4 : i32
      %parallel_loop3A_478 = vector.broadcast %parallel_loop3A_477 : i32 to vector<16xi32>
      %parallel_loop3A_479 = arith.shrui %parallel_loop3A_468, %parallel_loop3A_478 : vector<16xi32>
      %parallel_loop3A_480 = arith.constant 15 : i32
      %parallel_loop3A_481 = vector.broadcast %parallel_loop3A_480 : i32 to vector<16xi32>
      %parallel_loop3A_482 = arith.andi %parallel_loop3A_468, %parallel_loop3A_481 : vector<16xi32>
      %parallel_loop3A_483 = arith.mulf %parallel_loop3A_475, %parallel_loop3A_476 : vector<16xf32>
      tpu.vector_store_idx %arg12[%parallel_loop3A_479, %parallel_loop3A_482], %parallel_loop3A_483 {add = true} : memref<3136x16xf32, #tpu.memory_space<vmem>>[vector<16xi32>, vector<16xi32>], vector<16xf32>,
    } {sc.loop_unroll_factor = 8 : i64, sc.parallel_access}
    %get3A = arith.constant 0 : index
    %get3A_446 = tpu.vector_load %arg21[%get3A] {strides = array<i32>} : memref<16xf32, #tpu.memory_space<vmem>>, vector<16xf32>,
    %get3A_447 = arith.constant 0 : index
    %get3A_448 = tpu.vector_load %arg22[%get3A_447] {strides = array<i32>} : memref<16xf32, #tpu.memory_space<vmem>>, vector<16xf32>,
    %eq3A = arith.constant 0 : i32
    %eq3A_449 = arith.cmpi eq, %arg0, %eq3A : i32
    %convert_element_type3A = arith.extui %eq3A_449 : i1 to i32
    %cond3A = arith.constant 0 : i32
    %cond3A_450 = arith.cmpi ne, %convert_element_type3A, %cond3A : i32
    scf.if %cond3A_450 {
      %parallel_loop3A_464 = arith.constant 0 : i32
      %parallel_loop3A_465 = arith.constant 196 : i32
      %parallel_loop3A_466 = arith.constant 1 : i32
      scf.for %parallel_loop3A_467 = %parallel_loop3A_464 to %parallel_loop3A_465 step %parallel_loop3A_466  : i32 {
        %parallel_loop3A_468 = arith.constant 196 : i32
        %parallel_loop3A_469 = arith.muli %arg1, %parallel_loop3A_468 : i32
        %parallel_loop3A_470 = arith.addi %parallel_loop3A_469, %parallel_loop3A_467 : i32
        %parallel_loop3A_471 = arith.index_cast %parallel_loop3A_470 : i32 to index
        %parallel_loop3A_472 = arith.constant 0 : index
        %parallel_loop3A_473 = tpu.vector_load %arg12[%parallel_loop3A_471, %parallel_loop3A_472] {strides = array<i32>} : memref<3136x16xf32, #tpu.memory_space<vmem>>, vector<16xf32>,
        %parallel_loop3A_474 = arith.constant 16 : i32
        %parallel_loop3A_475 = arith.muli %parallel_loop3A_470, %parallel_loop3A_474 : i32
        %parallel_loop3A_476 = arith.index_cast %parallel_loop3A_475 : i32 to index
        %parallel_loop3A_477 = tpu.vector_load %arg11[%parallel_loop3A_476] {strides = array<i32>} : memref<50176xf32, #tpu.memory_space<vmem>>, vector<16xf32>,
        %parallel_loop3A_478 = arith.mulf %get3A_446, %parallel_loop3A_477 : vector<16xf32>
        %parallel_loop3A_479 = arith.addf %parallel_loop3A_473, %parallel_loop3A_478 : vector<16xf32>
        %parallel_loop3A_480 = arith.addf %parallel_loop3A_479, %get3A_448 : vector<16xf32>
        %parallel_loop3A_481 = arith.index_cast %parallel_loop3A_470 : i32 to index
        %parallel_loop3A_482 = arith.constant 0 : index
        %parallel_loop3A_483 = tpu.vector_load %arg12[%parallel_loop3A_481, %parallel_loop3A_482] {strides = array<i32>} : memref<3136x16xf32, #tpu.memory_space<vmem>>, vector<16xf32>,
        tpu.vector_store %arg12[%parallel_loop3A_481, %parallel_loop3A_482], %parallel_loop3A_480 {strides = array<i32>} : memref<3136x16xf32, #tpu.memory_space<vmem>>, vector<16xf32>,
      } {sc.loop_unroll_factor = 4 : i64, sc.parallel_access}
    } else {
    }
    tpu.wait_dma2 semaphore(%arg29 : memref<!tpu.dma_semaphore, #tpu.memory_space<semaphore_mem>>) src(%arg9 : memref<28x112xi32, #tpu.memory_space<hbm>>) dst(%arg19 : memref<28x112xi32, #tpu.memory_space<vmem>>)
    %eq3A_451 = arith.constant 0 : i32
    %eq3A_452 = arith.cmpi eq, %arg1, %eq3A_451 : i32
    %convert_element_type3A_453 = arith.extui %eq3A_452 : i1 to i32
    %cond3A_454 = arith.constant 0 : i32
    %cond3A_455 = arith.cmpi ne, %convert_element_type3A_453, %cond3A_454 : i32
    scf.if %cond3A_455 {
      "tpu.region"() ({
        %run_scoped3A = tpu.sem_alloc : memref<!tpu.dma_semaphore, #tpu.memory_space<semaphore_mem>>
        tpu.enqueue_dma source(%arg12 : memref<3136x16xf32, #tpu.memory_space<vmem>>) target(%arg24 : memref<3136x16xf32, #tpu.memory_space<vmem_shared>>) target_semaphore(%run_scoped3A : memref<!tpu.dma_semaphore, #tpu.memory_space<semaphore_mem>>)
        tpu.wait_dma2 semaphore(%run_scoped3A : memref<!tpu.dma_semaphore, #tpu.memory_space<semaphore_mem>>) src(%arg12 : memref<3136x16xf32, #tpu.memory_space<vmem>>) dst(%arg24 : memref<3136x16xf32, #tpu.memory_space<vmem_shared>>)
        tpu.yield
      }) : () -> ()
    } else {
    }
    %barrier3A_456 = arith.constant 0 : index
    tpu.barrier barrier_id(%barrier3A_456)
    %ne3A = arith.constant 0 : i32
    %ne3A_457 = arith.cmpi ne, %arg1, %ne3A : i32
    %convert_element_type3A_458 = arith.extui %ne3A_457 : i1 to i32
    %cond3A_459 = arith.constant 0 : i32
    %cond3A_460 = arith.cmpi ne, %convert_element_type3A_458, %cond3A_459 : i32
    scf.if %cond3A_460 {
      %dma_start3A_464 = arith.constant 0 : i32
      %dma_start3A_465 = arith.constant 0 : i32
      %dma_start3A_466 = arith.constant 0 : i32
      %dma_start3A_467 = tpu.memref_slice %arg12[%dma_start3A_465, %dma_start3A_466] : memref<3136x16xf32, #tpu.memory_space<vmem>> -> memref<112x16xf32, #tpu.memory_space<vmem>>
      %dma_start3A_468 = arith.constant 0 : i32
      %dma_start3A_469 = tpu.memref_slice %arg19[%dma_start3A_464, %dma_start3A_468] : memref<28x112xi32, #tpu.memory_space<vmem>> -> memref<1x112xi32, #tpu.memory_space<vmem>>
      %dma_start3A_470 = tpu.memref_squeeze %dma_start3A_469 : memref<1x112xi32, #tpu.memory_space<vmem>> -> memref<112xi32, #tpu.memory_space<vmem>>
      %dma_start3A_471 = arith.constant 0 : i32
      %dma_start3A_472 = arith.constant 0 : i32
      %dma_start3A_473 = tpu.memref_slice %arg24[%dma_start3A_471, %dma_start3A_472] : memref<3136x16xf32, #tpu.memory_space<vmem_shared>> -> memref<3136x16xf32, #tpu.memory_space<vmem_shared>>
      tpu.enqueue_indirect_dma source(%dma_start3A_467 : memref<112x16xf32, #tpu.memory_space<vmem>>) target(%dma_start3A_473 : memref<3136x16xf32, #tpu.memory_space<vmem_shared>>) offsets(%dma_start3A_470 : memref<112xi32, #tpu.memory_space<vmem>>) semaphore(%arg29 : memref<!tpu.dma_semaphore, #tpu.memory_space<semaphore_mem>>) {add = true}
      %dma_start3A_474 = arith.constant 1 : i32
      %dma_start3A_475 = arith.constant 112 : i32
      %dma_start3A_476 = arith.constant 0 : i32
      %dma_start3A_477 = tpu.memref_slice %arg12[%dma_start3A_475, %dma_start3A_476] : memref<3136x16xf32, #tpu.memory_space<vmem>> -> memref<112x16xf32, #tpu.memory_space<vmem>>
      %dma_start3A_478 = arith.constant 0 : i32
      %dma_start3A_479 = tpu.memref_slice %arg19[%dma_start3A_474, %dma_start3A_478] : memref<28x112xi32, #tpu.memory_space<vmem>> -> memref<1x112xi32, #tpu.memory_space<vmem>>
      %dma_start3A_480 = tpu.memref_squeeze %dma_start3A_479 : memref<1x112xi32, #tpu.memory_space<vmem>> -> memref<112xi32, #tpu.memory_space<vmem>>
      %dma_start3A_481 = arith.constant 0 : i32
      %dma_start3A_482 = arith.constant 0 : i32
      %dma_start3A_483 = tpu.memref_slice %arg24[%dma_start3A_481, %dma_start3A_482] : memref<3136x16xf32, #tpu.memory_space<vmem_shared>> -> memref<3136x16xf32, #tpu.memory_space<vmem_shared>>
      tpu.enqueue_indirect_dma source(%dma_start3A_477 : memref<112x16xf32, #tpu.memory_space<vmem>>) target(%dma_start3A_483 : memref<3136x16xf32, #tpu.memory_space<vmem_shared>>) offsets(%dma_start3A_480 : memref<112xi32, #tpu.memory_space<vmem>>) semaphore(%arg29 : memref<!tpu.dma_semaphore, #tpu.memory_space<semaphore_mem>>) {add = true}
      %dma_start3A_484 = arith.constant 2 : i32
      %dma_start3A_485 = arith.constant 224 : i32
      %dma_start3A_486 = arith.constant 0 : i32
      %dma_start3A_487 = tpu.memref_slice %arg12[%dma_start3A_485, %dma_start3A_486] : memref<3136x16xf32, #tpu.memory_space<vmem>> -> memref<112x16xf32, #tpu.memory_space<vmem>>
      %dma_start3A_488 = arith.constant 0 : i32
      %dma_start3A_489 = tpu.memref_slice %arg19[%dma_start3A_484, %dma_start3A_488] : memref<28x112xi32, #tpu.memory_space<vmem>> -> memref<1x112xi32, #tpu.memory_space<vmem>>
      %dma_start3A_490 = tpu.memref_squeeze %dma_start3A_489 : memref<1x112xi32, #tpu.memory_space<vmem>> -> memref<112xi32, #tpu.memory_space<vmem>>
      %dma_start3A_491 = arith.constant 0 : i32
      %dma_start3A_492 = arith.constant 0 : i32
      %dma_start3A_493 = tpu.memref_slice %arg24[%dma_start3A_491, %dma_start3A_492] : memref<3136x16xf32, #tpu.memory_space<vmem_shared>> -> memref<3136x16xf32, #tpu.memory_space<vmem_shared>>
      tpu.enqueue_indirect_dma source(%dma_start3A_487 : memref<112x16xf32, #tpu.memory_space<vmem>>) target(%dma_start3A_493 : memref<3136x16xf32, #tpu.memory_space<vmem_shared>>) offsets(%dma_start3A_490 : memref<112xi32, #tpu.memory_space<vmem>>) semaphore(%arg29 : memref<!tpu.dma_semaphore, #tpu.memory_space<semaphore_mem>>) {add = true}
      %dma_start3A_494 = arith.constant 3 : i32
      %dma_start3A_495 = arith.constant 336 : i32
      %dma_start3A_496 = arith.constant 0 : i32
      %dma_start3A_497 = tpu.memref_slice %arg12[%dma_start3A_495, %dma_start3A_496] : memref<3136x16xf32, #tpu.memory_space<vmem>> -> memref<112x16xf32, #tpu.memory_space<vmem>>
      %dma_start3A_498 = arith.constant 0 : i32
      %dma_start3A_499 = tpu.memref_slice %arg19[%dma_start3A_494, %dma_start3A_498] : memref<28x112xi32, #tpu.memory_space<vmem>> -> memref<1x112xi32, #tpu.memory_space<vmem>>
      %dma_start3A_500 = tpu.memref_squeeze %dma_start3A_499 : memref<1x112xi32, #tpu.memory_space<vmem>> -> memref<112xi32, #tpu.memory_space<vmem>>
      %dma_start3A_501 = arith.constant 0 : i32
      %dma_start3A_502 = arith.constant 0 : i32
      %dma_start3A_503 = tpu.memref_slice %arg24[%dma_start3A_501, %dma_start3A_502] : memref<3136x16xf32, #tpu.memory_space<vmem_shared>> -> memref<3136x16xf32, #tpu.memory_space<vmem_shared>>
      tpu.enqueue_indirect_dma source(%dma_start3A_497 : memref<112x16xf32, #tpu.memory_space<vmem>>) target(%dma_start3A_503 : memref<3136x16xf32, #tpu.memory_space<vmem_shared>>) offsets(%dma_start3A_500 : memref<112xi32, #tpu.memory_space<vmem>>) semaphore(%arg29 : memref<!tpu.dma_semaphore, #tpu.memory_space<semaphore_mem>>) {add = true}
      %dma_start3A_504 = arith.constant 4 : i32
      %dma_start3A_505 = arith.constant 448 : i32
      %dma_start3A_506 = arith.constant 0 : i32
      %dma_start3A_507 = tpu.memref_slice %arg12[%dma_start3A_505, %dma_start3A_506] : memref<3136x16xf32, #tpu.memory_space<vmem>> -> memref<112x16xf32, #tpu.memory_space<vmem>>
      %dma_start3A_508 = arith.constant 0 : i32
      %dma_start3A_509 = tpu.memref_slice %arg19[%dma_start3A_504, %dma_start3A_508] : memref<28x112xi32, #tpu.memory_space<vmem>> -> memref<1x112xi32, #tpu.memory_space<vmem>>
      %dma_start3A_510 = tpu.memref_squeeze %dma_start3A_509 : memref<1x112xi32, #tpu.memory_space<vmem>> -> memref<112xi32, #tpu.memory_space<vmem>>
      %dma_start3A_511 = arith.constant 0 : i32
      %dma_start3A_512 = arith.constant 0 : i32
      %dma_start3A_513 = tpu.memref_slice %arg24[%dma_start3A_511, %dma_start3A_512] : memref<3136x16xf32, #tpu.memory_space<vmem_shared>> -> memref<3136x16xf32, #tpu.memory_space<vmem_shared>>
      tpu.enqueue_indirect_dma source(%dma_start3A_507 : memref<112x16xf32, #tpu.memory_space<vmem>>) target(%dma_start3A_513 : memref<3136x16xf32, #tpu.memory_space<vmem_shared>>) offsets(%dma_start3A_510 : memref<112xi32, #tpu.memory_space<vmem>>) semaphore(%arg29 : memref<!tpu.dma_semaphore, #tpu.memory_space<semaphore_mem>>) {add = true}
      %dma_start3A_514 = arith.constant 5 : i32
      %dma_start3A_515 = arith.constant 560 : i32
      %dma_start3A_516 = arith.constant 0 : i32
      %dma_start3A_517 = tpu.memref_slice %arg12[%dma_start3A_515, %dma_start3A_516] : memref<3136x16xf32, #tpu.memory_space<vmem>> -> memref<112x16xf32, #tpu.memory_space<vmem>>
      %dma_start3A_518 = arith.constant 0 : i32
      %dma_start3A_519 = tpu.memref_slice %arg19[%dma_start3A_514, %dma_start3A_518] : memref<28x112xi32, #tpu.memory_space<vmem>> -> memref<1x112xi32, #tpu.memory_space<vmem>>
      %dma_start3A_520 = tpu.memref_squeeze %dma_start3A_519 : memref<1x112xi32, #tpu.memory_space<vmem>> -> memref<112xi32, #tpu.memory_space<vmem>>
      %dma_start3A_521 = arith.constant 0 : i32
      %dma_start3A_522 = arith.constant 0 : i32
      %dma_start3A_523 = tpu.memref_slice %arg24[%dma_start3A_521, %dma_start3A_522] : memref<3136x16xf32, #tpu.memory_space<vmem_shared>> -> memref<3136x16xf32, #tpu.memory_space<vmem_shared>>
      tpu.enqueue_indirect_dma source(%dma_start3A_517 : memref<112x16xf32, #tpu.memory_space<vmem>>) target(%dma_start3A_523 : memref<3136x16xf32, #tpu.memory_space<vmem_shared>>) offsets(%dma_start3A_520 : memref<112xi32, #tpu.memory_space<vmem>>) semaphore(%arg29 : memref<!tpu.dma_semaphore, #tpu.memory_space<semaphore_mem>>) {add = true}
      %dma_start3A_524 = arith.constant 6 : i32
      %dma_start3A_525 = arith.constant 672 : i32
      %dma_start3A_526 = arith.constant 0 : i32
      %dma_start3A_527 = tpu.memref_slice %arg12[%dma_start3A_525, %dma_start3A_526] : memref<3136x16xf32, #tpu.memory_space<vmem>> -> memref<112x16xf32, #tpu.memory_space<vmem>>
      %dma_start3A_528 = arith.constant 0 : i32
      %dma_start3A_529 = tpu.memref_slice %arg19[%dma_start3A_524, %dma_start3A_528] : memref<28x112xi32, #tpu.memory_space<vmem>> -> memref<1x112xi32, #tpu.memory_space<vmem>>
      %dma_start3A_530 = tpu.memref_squeeze %dma_start3A_529 : memref<1x112xi32, #tpu.memory_space<vmem>> -> memref<112xi32, #tpu.memory_space<vmem>>
      %dma_start3A_531 = arith.constant 0 : i32
      %dma_start3A_532 = arith.constant 0 : i32
      %dma_start3A_533 = tpu.memref_slice %arg24[%dma_start3A_531, %dma_start3A_532] : memref<3136x16xf32, #tpu.memory_space<vmem_shared>> -> memref<3136x16xf32, #tpu.memory_space<vmem_shared>>
      tpu.enqueue_indirect_dma source(%dma_start3A_527 : memref<112x16xf32, #tpu.memory_space<vmem>>) target(%dma_start3A_533 : memref<3136x16xf32, #tpu.memory_space<vmem_shared>>) offsets(%dma_start3A_530 : memref<112xi32, #tpu.memory_space<vmem>>) semaphore(%arg29 : memref<!tpu.dma_semaphore, #tpu.memory_space<semaphore_mem>>) {add = true}
      %dma_start3A_534 = arith.constant 7 : i32
      %dma_start3A_535 = arith.constant 784 : i32
      %dma_start3A_536 = arith.constant 0 : i32
      %dma_start3A_537 = tpu.memref_slice %arg12[%dma_start3A_535, %dma_start3A_536] : memref<3136x16xf32, #tpu.memory_space<vmem>> -> memref<112x16xf32, #tpu.memory_space<vmem>>
      %dma_start3A_538 = arith.constant 0 : i32
      %dma_start3A_539 = tpu.memref_slice %arg19[%dma_start3A_534, %dma_start3A_538] : memref<28x112xi32, #tpu.memory_space<vmem>> -> memref<1x112xi32, #tpu.memory_space<vmem>>
      %dma_start3A_540 = tpu.memref_squeeze %dma_start3A_539 : memref<1x112xi32, #tpu.memory_space<vmem>> -> memref<112xi32, #tpu.memory_space<vmem>>
      %dma_start3A_541 = arith.constant 0 : i32
      %dma_start3A_542 = arith.constant 0 : i32
      %dma_start3A_543 = tpu.memref_slice %arg24[%dma_start3A_541, %dma_start3A_542] : memref<3136x16xf32, #tpu.memory_space<vmem_shared>> -> memref<3136x16xf32, #tpu.memory_space<vmem_shared>>
      tpu.enqueue_indirect_dma source(%dma_start3A_537 : memref<112x16xf32, #tpu.memory_space<vmem>>) target(%dma_start3A_543 : memref<3136x16xf32, #tpu.memory_space<vmem_shared>>) offsets(%dma_start3A_540 : memref<112xi32, #tpu.memory_space<vmem>>) semaphore(%arg29 : memref<!tpu.dma_semaphore, #tpu.memory_space<semaphore_mem>>) {add = true}
      %dma_start3A_544 = arith.constant 8 : i32
      %dma_start3A_545 = arith.constant 896 : i32
      %dma_start3A_546 = arith.constant 0 : i32
      %dma_start3A_547 = tpu.memref_slice %arg12[%dma_start3A_545, %dma_start3A_546] : memref<3136x16xf32, #tpu.memory_space<vmem>> -> memref<112x16xf32, #tpu.memory_space<vmem>>
      %dma_start3A_548 = arith.constant 0 : i32
      %dma_start3A_549 = tpu.memref_slice %arg19[%dma_start3A_544, %dma_start3A_548] : memref<28x112xi32, #tpu.memory_space<vmem>> -> memref<1x112xi32, #tpu.memory_space<vmem>>
      %dma_start3A_550 = tpu.memref_squeeze %dma_start3A_549 : memref<1x112xi32, #tpu.memory_space<vmem>> -> memref<112xi32, #tpu.memory_space<vmem>>
      %dma_start3A_551 = arith.constant 0 : i32
      %dma_start3A_552 = arith.constant 0 : i32
      %dma_start3A_553 = tpu.memref_slice %arg24[%dma_start3A_551, %dma_start3A_552] : memref<3136x16xf32, #tpu.memory_space<vmem_shared>> -> memref<3136x16xf32, #tpu.memory_space<vmem_shared>>
      tpu.enqueue_indirect_dma source(%dma_start3A_547 : memref<112x16xf32, #tpu.memory_space<vmem>>) target(%dma_start3A_553 : memref<3136x16xf32, #tpu.memory_space<vmem_shared>>) offsets(%dma_start3A_550 : memref<112xi32, #tpu.memory_space<vmem>>) semaphore(%arg29 : memref<!tpu.dma_semaphore, #tpu.memory_space<semaphore_mem>>) {add = true}
      %dma_start3A_554 = arith.constant 9 : i32
      %dma_start3A_555 = arith.constant 1008 : i32
      %dma_start3A_556 = arith.constant 0 : i32
      %dma_start3A_557 = tpu.memref_slice %arg12[%dma_start3A_555, %dma_start3A_556] : memref<3136x16xf32, #tpu.memory_space<vmem>> -> memref<112x16xf32, #tpu.memory_space<vmem>>
      %dma_start3A_558 = arith.constant 0 : i32
      %dma_start3A_559 = tpu.memref_slice %arg19[%dma_start3A_554, %dma_start3A_558] : memref<28x112xi32, #tpu.memory_space<vmem>> -> memref<1x112xi32, #tpu.memory_space<vmem>>
      %dma_start3A_560 = tpu.memref_squeeze %dma_start3A_559 : memref<1x112xi32, #tpu.memory_space<vmem>> -> memref<112xi32, #tpu.memory_space<vmem>>
      %dma_start3A_561 = arith.constant 0 : i32
      %dma_start3A_562 = arith.constant 0 : i32
      %dma_start3A_563 = tpu.memref_slice %arg24[%dma_start3A_561, %dma_start3A_562] : memref<3136x16xf32, #tpu.memory_space<vmem_shared>> -> memref<3136x16xf32, #tpu.memory_space<vmem_shared>>
      tpu.enqueue_indirect_dma source(%dma_start3A_557 : memref<112x16xf32, #tpu.memory_space<vmem>>) target(%dma_start3A_563 : memref<3136x16xf32, #tpu.memory_space<vmem_shared>>) offsets(%dma_start3A_560 : memref<112xi32, #tpu.memory_space<vmem>>) semaphore(%arg29 : memref<!tpu.dma_semaphore, #tpu.memory_space<semaphore_mem>>) {add = true}
      %dma_start3A_564 = arith.constant 10 : i32
      %dma_start3A_565 = arith.constant 1120 : i32
      %dma_start3A_566 = arith.constant 0 : i32
      %dma_start3A_567 = tpu.memref_slice %arg12[%dma_start3A_565, %dma_start3A_566] : memref<3136x16xf32, #tpu.memory_space<vmem>> -> memref<112x16xf32, #tpu.memory_space<vmem>>
      %dma_start3A_568 = arith.constant 0 : i32
      %dma_start3A_569 = tpu.memref_slice %arg19[%dma_start3A_564, %dma_start3A_568] : memref<28x112xi32, #tpu.memory_space<vmem>> -> memref<1x112xi32, #tpu.memory_space<vmem>>
      %dma_start3A_570 = tpu.memref_squeeze %dma_start3A_569 : memref<1x112xi32, #tpu.memory_space<vmem>> -> memref<112xi32, #tpu.memory_space<vmem>>
      %dma_start3A_571 = arith.constant 0 : i32
      %dma_start3A_572 = arith.constant 0 : i32
      %dma_start3A_573 = tpu.memref_slice %arg24[%dma_start3A_571, %dma_start3A_572] : memref<3136x16xf32, #tpu.memory_space<vmem_shared>> -> memref<3136x16xf32, #tpu.memory_space<vmem_shared>>
      tpu.enqueue_indirect_dma source(%dma_start3A_567 : memref<112x16xf32, #tpu.memory_space<vmem>>) target(%dma_start3A_573 : memref<3136x16xf32, #tpu.memory_space<vmem_shared>>) offsets(%dma_start3A_570 : memref<112xi32, #tpu.memory_space<vmem>>) semaphore(%arg29 : memref<!tpu.dma_semaphore, #tpu.memory_space<semaphore_mem>>) {add = true}
      %dma_start3A_574 = arith.constant 11 : i32
      %dma_start3A_575 = arith.constant 1232 : i32
      %dma_start3A_576 = arith.constant 0 : i32
      %dma_start3A_577 = tpu.memref_slice %arg12[%dma_start3A_575, %dma_start3A_576] : memref<3136x16xf32, #tpu.memory_space<vmem>> -> memref<112x16xf32, #tpu.memory_space<vmem>>
      %dma_start3A_578 = arith.constant 0 : i32
      %dma_start3A_579 = tpu.memref_slice %arg19[%dma_start3A_574, %dma_start3A_578] : memref<28x112xi32, #tpu.memory_space<vmem>> -> memref<1x112xi32, #tpu.memory_space<vmem>>
      %dma_start3A_580 = tpu.memref_squeeze %dma_start3A_579 : memref<1x112xi32, #tpu.memory_space<vmem>> -> memref<112xi32, #tpu.memory_space<vmem>>
      %dma_start3A_581 = arith.constant 0 : i32
      %dma_start3A_582 = arith.constant 0 : i32
      %dma_start3A_583 = tpu.memref_slice %arg24[%dma_start3A_581, %dma_start3A_582] : memref<3136x16xf32, #tpu.memory_space<vmem_shared>> -> memref<3136x16xf32, #tpu.memory_space<vmem_shared>>
      tpu.enqueue_indirect_dma source(%dma_start3A_577 : memref<112x16xf32, #tpu.memory_space<vmem>>) target(%dma_start3A_583 : memref<3136x16xf32, #tpu.memory_space<vmem_shared>>) offsets(%dma_start3A_580 : memref<112xi32, #tpu.memory_space<vmem>>) semaphore(%arg29 : memref<!tpu.dma_semaphore, #tpu.memory_space<semaphore_mem>>) {add = true}
      %dma_start3A_584 = arith.constant 12 : i32
      %dma_start3A_585 = arith.constant 1344 : i32
      %dma_start3A_586 = arith.constant 0 : i32
      %dma_start3A_587 = tpu.memref_slice %arg12[%dma_start3A_585, %dma_start3A_586] : memref<3136x16xf32, #tpu.memory_space<vmem>> -> memref<112x16xf32, #tpu.memory_space<vmem>>
      %dma_start3A_588 = arith.constant 0 : i32
      %dma_start3A_589 = tpu.memref_slice %arg19[%dma_start3A_584, %dma_start3A_588] : memref<28x112xi32, #tpu.memory_space<vmem>> -> memref<1x112xi32, #tpu.memory_space<vmem>>
      %dma_start3A_590 = tpu.memref_squeeze %dma_start3A_589 : memref<1x112xi32, #tpu.memory_space<vmem>> -> memref<112xi32, #tpu.memory_space<vmem>>
      %dma_start3A_591 = arith.constant 0 : i32
      %dma_start3A_592 = arith.constant 0 : i32
      %dma_start3A_593 = tpu.memref_slice %arg24[%dma_start3A_591, %dma_start3A_592] : memref<3136x16xf32, #tpu.memory_space<vmem_shared>> -> memref<3136x16xf32, #tpu.memory_space<vmem_shared>>
      tpu.enqueue_indirect_dma source(%dma_start3A_587 : memref<112x16xf32, #tpu.memory_space<vmem>>) target(%dma_start3A_593 : memref<3136x16xf32, #tpu.memory_space<vmem_shared>>) offsets(%dma_start3A_590 : memref<112xi32, #tpu.memory_space<vmem>>) semaphore(%arg29 : memref<!tpu.dma_semaphore, #tpu.memory_space<semaphore_mem>>) {add = true}
      %dma_start3A_594 = arith.constant 13 : i32
      %dma_start3A_595 = arith.constant 1456 : i32
      %dma_start3A_596 = arith.constant 0 : i32
      %dma_start3A_597 = tpu.memref_slice %arg12[%dma_start3A_595, %dma_start3A_596] : memref<3136x16xf32, #tpu.memory_space<vmem>> -> memref<112x16xf32, #tpu.memory_space<vmem>>
      %dma_start3A_598 = arith.constant 0 : i32
      %dma_start3A_599 = tpu.memref_slice %arg19[%dma_start3A_594, %dma_start3A_598] : memref<28x112xi32, #tpu.memory_space<vmem>> -> memref<1x112xi32, #tpu.memory_space<vmem>>
      %dma_start3A_600 = tpu.memref_squeeze %dma_start3A_599 : memref<1x112xi32, #tpu.memory_space<vmem>> -> memref<112xi32, #tpu.memory_space<vmem>>
      %dma_start3A_601 = arith.constant 0 : i32
      %dma_start3A_602 = arith.constant 0 : i32
      %dma_start3A_603 = tpu.memref_slice %arg24[%dma_start3A_601, %dma_start3A_602] : memref<3136x16xf32, #tpu.memory_space<vmem_shared>> -> memref<3136x16xf32, #tpu.memory_space<vmem_shared>>
      tpu.enqueue_indirect_dma source(%dma_start3A_597 : memref<112x16xf32, #tpu.memory_space<vmem>>) target(%dma_start3A_603 : memref<3136x16xf32, #tpu.memory_space<vmem_shared>>) offsets(%dma_start3A_600 : memref<112xi32, #tpu.memory_space<vmem>>) semaphore(%arg29 : memref<!tpu.dma_semaphore, #tpu.memory_space<semaphore_mem>>) {add = true}
      %dma_start3A_604 = arith.constant 14 : i32
      %dma_start3A_605 = arith.constant 1568 : i32
      %dma_start3A_606 = arith.constant 0 : i32
      %dma_start3A_607 = tpu.memref_slice %arg12[%dma_start3A_605, %dma_start3A_606] : memref<3136x16xf32, #tpu.memory_space<vmem>> -> memref<112x16xf32, #tpu.memory_space<vmem>>
      %dma_start3A_608 = arith.constant 0 : i32
      %dma_start3A_609 = tpu.memref_slice %arg19[%dma_start3A_604, %dma_start3A_608] : memref<28x112xi32, #tpu.memory_space<vmem>> -> memref<1x112xi32, #tpu.memory_space<vmem>>
      %dma_start3A_610 = tpu.memref_squeeze %dma_start3A_609 : memref<1x112xi32, #tpu.memory_space<vmem>> -> memref<112xi32, #tpu.memory_space<vmem>>
      %dma_start3A_611 = arith.constant 0 : i32
      %dma_start3A_612 = arith.constant 0 : i32
      %dma_start3A_613 = tpu.memref_slice %arg24[%dma_start3A_611, %dma_start3A_612] : memref<3136x16xf32, #tpu.memory_space<vmem_shared>> -> memref<3136x16xf32, #tpu.memory_space<vmem_shared>>
      tpu.enqueue_indirect_dma source(%dma_start3A_607 : memref<112x16xf32, #tpu.memory_space<vmem>>) target(%dma_start3A_613 : memref<3136x16xf32, #tpu.memory_space<vmem_shared>>) offsets(%dma_start3A_610 : memref<112xi32, #tpu.memory_space<vmem>>) semaphore(%arg29 : memref<!tpu.dma_semaphore, #tpu.memory_space<semaphore_mem>>) {add = true}
      %dma_start3A_614 = arith.constant 15 : i32
      %dma_start3A_615 = arith.constant 1680 : i32
      %dma_start3A_616 = arith.constant 0 : i32
      %dma_start3A_617 = tpu.memref_slice %arg12[%dma_start3A_615, %dma_start3A_616] : memref<3136x16xf32, #tpu.memory_space<vmem>> -> memref<112x16xf32, #tpu.memory_space<vmem>>
      %dma_start3A_618 = arith.constant 0 : i32
      %dma_start3A_619 = tpu.memref_slice %arg19[%dma_start3A_614, %dma_start3A_618] : memref<28x112xi32, #tpu.memory_space<vmem>> -> memref<1x112xi32, #tpu.memory_space<vmem>>
      %dma_start3A_620 = tpu.memref_squeeze %dma_start3A_619 : memref<1x112xi32, #tpu.memory_space<vmem>> -> memref<112xi32, #tpu.memory_space<vmem>>
      %dma_start3A_621 = arith.constant 0 : i32
      %dma_start3A_622 = arith.constant 0 : i32
      %dma_start3A_623 = tpu.memref_slice %arg24[%dma_start3A_621, %dma_start3A_622] : memref<3136x16xf32, #tpu.memory_space<vmem_shared>> -> memref<3136x16xf32, #tpu.memory_space<vmem_shared>>
      tpu.enqueue_indirect_dma source(%dma_start3A_617 : memref<112x16xf32, #tpu.memory_space<vmem>>) target(%dma_start3A_623 : memref<3136x16xf32, #tpu.memory_space<vmem_shared>>) offsets(%dma_start3A_620 : memref<112xi32, #tpu.memory_space<vmem>>) semaphore(%arg29 : memref<!tpu.dma_semaphore, #tpu.memory_space<semaphore_mem>>) {add = true}
      %dma_start3A_624 = arith.constant 16 : i32
      %dma_start3A_625 = arith.constant 1792 : i32
      %dma_start3A_626 = arith.constant 0 : i32
      %dma_start3A_627 = tpu.memref_slice %arg12[%dma_start3A_625, %dma_start3A_626] : memref<3136x16xf32, #tpu.memory_space<vmem>> -> memref<112x16xf32, #tpu.memory_space<vmem>>
      %dma_start3A_628 = arith.constant 0 : i32
      %dma_start3A_629 = tpu.memref_slice %arg19[%dma_start3A_624, %dma_start3A_628] : memref<28x112xi32, #tpu.memory_space<vmem>> -> memref<1x112xi32, #tpu.memory_space<vmem>>
      %dma_start3A_630 = tpu.memref_squeeze %dma_start3A_629 : memref<1x112xi32, #tpu.memory_space<vmem>> -> memref<112xi32, #tpu.memory_space<vmem>>
      %dma_start3A_631 = arith.constant 0 : i32
      %dma_start3A_632 = arith.constant 0 : i32
      %dma_start3A_633 = tpu.memref_slice %arg24[%dma_start3A_631, %dma_start3A_632] : memref<3136x16xf32, #tpu.memory_space<vmem_shared>> -> memref<3136x16xf32, #tpu.memory_space<vmem_shared>>
      tpu.enqueue_indirect_dma source(%dma_start3A_627 : memref<112x16xf32, #tpu.memory_space<vmem>>) target(%dma_start3A_633 : memref<3136x16xf32, #tpu.memory_space<vmem_shared>>) offsets(%dma_start3A_630 : memref<112xi32, #tpu.memory_space<vmem>>) semaphore(%arg29 : memref<!tpu.dma_semaphore, #tpu.memory_space<semaphore_mem>>) {add = true}
      %dma_start3A_634 = arith.constant 17 : i32
      %dma_start3A_635 = arith.constant 1904 : i32
      %dma_start3A_636 = arith.constant 0 : i32
      %dma_start3A_637 = tpu.memref_slice %arg12[%dma_start3A_635, %dma_start3A_636] : memref<3136x16xf32, #tpu.memory_space<vmem>> -> memref<112x16xf32, #tpu.memory_space<vmem>>
      %dma_start3A_638 = arith.constant 0 : i32
      %dma_start3A_639 = tpu.memref_slice %arg19[%dma_start3A_634, %dma_start3A_638] : memref<28x112xi32, #tpu.memory_space<vmem>> -> memref<1x112xi32, #tpu.memory_space<vmem>>
      %dma_start3A_640 = tpu.memref_squeeze %dma_start3A_639 : memref<1x112xi32, #tpu.memory_space<vmem>> -> memref<112xi32, #tpu.memory_space<vmem>>
      %dma_start3A_641 = arith.constant 0 : i32
      %dma_start3A_642 = arith.constant 0 : i32
      %dma_start3A_643 = tpu.memref_slice %arg24[%dma_start3A_641, %dma_start3A_642] : memref<3136x16xf32, #tpu.memory_space<vmem_shared>> -> memref<3136x16xf32, #tpu.memory_space<vmem_shared>>
      tpu.enqueue_indirect_dma source(%dma_start3A_637 : memref<112x16xf32, #tpu.memory_space<vmem>>) target(%dma_start3A_643 : memref<3136x16xf32, #tpu.memory_space<vmem_shared>>) offsets(%dma_start3A_640 : memref<112xi32, #tpu.memory_space<vmem>>) semaphore(%arg29 : memref<!tpu.dma_semaphore, #tpu.memory_space<semaphore_mem>>) {add = true}
      %dma_start3A_644 = arith.constant 18 : i32
      %dma_start3A_645 = arith.constant 2016 : i32
      %dma_start3A_646 = arith.constant 0 : i32
      %dma_start3A_647 = tpu.memref_slice %arg12[%dma_start3A_645, %dma_start3A_646] : memref<3136x16xf32, #tpu.memory_space<vmem>> -> memref<112x16xf32, #tpu.memory_space<vmem>>
      %dma_start3A_648 = arith.constant 0 : i32
      %dma_start3A_649 = tpu.memref_slice %arg19[%dma_start3A_644, %dma_start3A_648] : memref<28x112xi32, #tpu.memory_space<vmem>> -> memref<1x112xi32, #tpu.memory_space<vmem>>
      %dma_start3A_650 = tpu.memref_squeeze %dma_start3A_649 : memref<1x112xi32, #tpu.memory_space<vmem>> -> memref<112xi32, #tpu.memory_space<vmem>>
      %dma_start3A_651 = arith.constant 0 : i32
      %dma_start3A_652 = arith.constant 0 : i32
      %dma_start3A_653 = tpu.memref_slice %arg24[%dma_start3A_651, %dma_start3A_652] : memref<3136x16xf32, #tpu.memory_space<vmem_shared>> -> memref<3136x16xf32, #tpu.memory_space<vmem_shared>>
      tpu.enqueue_indirect_dma source(%dma_start3A_647 : memref<112x16xf32, #tpu.memory_space<vmem>>) target(%dma_start3A_653 : memref<3136x16xf32, #tpu.memory_space<vmem_shared>>) offsets(%dma_start3A_650 : memref<112xi32, #tpu.memory_space<vmem>>) semaphore(%arg29 : memref<!tpu.dma_semaphore, #tpu.memory_space<semaphore_mem>>) {add = true}
      %dma_start3A_654 = arith.constant 19 : i32
      %dma_start3A_655 = arith.constant 2128 : i32
      %dma_start3A_656 = arith.constant 0 : i32
      %dma_start3A_657 = tpu.memref_slice %arg12[%dma_start3A_655, %dma_start3A_656] : memref<3136x16xf32, #tpu.memory_space<vmem>> -> memref<112x16xf32, #tpu.memory_space<vmem>>
      %dma_start3A_658 = arith.constant 0 : i32
      %dma_start3A_659 = tpu.memref_slice %arg19[%dma_start3A_654, %dma_start3A_658] : memref<28x112xi32, #tpu.memory_space<vmem>> -> memref<1x112xi32, #tpu.memory_space<vmem>>
      %dma_start3A_660 = tpu.memref_squeeze %dma_start3A_659 : memref<1x112xi32, #tpu.memory_space<vmem>> -> memref<112xi32, #tpu.memory_space<vmem>>
      %dma_start3A_661 = arith.constant 0 : i32
      %dma_start3A_662 = arith.constant 0 : i32
      %dma_start3A_663 = tpu.memref_slice %arg24[%dma_start3A_661, %dma_start3A_662] : memref<3136x16xf32, #tpu.memory_space<vmem_shared>> -> memref<3136x16xf32, #tpu.memory_space<vmem_shared>>
      tpu.enqueue_indirect_dma source(%dma_start3A_657 : memref<112x16xf32, #tpu.memory_space<vmem>>) target(%dma_start3A_663 : memref<3136x16xf32, #tpu.memory_space<vmem_shared>>) offsets(%dma_start3A_660 : memref<112xi32, #tpu.memory_space<vmem>>) semaphore(%arg29 : memref<!tpu.dma_semaphore, #tpu.memory_space<semaphore_mem>>) {add = true}
      %dma_start3A_664 = arith.constant 20 : i32
      %dma_start3A_665 = arith.constant 2240 : i32
      %dma_start3A_666 = arith.constant 0 : i32
      %dma_start3A_667 = tpu.memref_slice %arg12[%dma_start3A_665, %dma_start3A_666] : memref<3136x16xf32, #tpu.memory_space<vmem>> -> memref<112x16xf32, #tpu.memory_space<vmem>>
      %dma_start3A_668 = arith.constant 0 : i32
      %dma_start3A_669 = tpu.memref_slice %arg19[%dma_start3A_664, %dma_start3A_668] : memref<28x112xi32, #tpu.memory_space<vmem>> -> memref<1x112xi32, #tpu.memory_space<vmem>>
      %dma_start3A_670 = tpu.memref_squeeze %dma_start3A_669 : memref<1x112xi32, #tpu.memory_space<vmem>> -> memref<112xi32, #tpu.memory_space<vmem>>
      %dma_start3A_671 = arith.constant 0 : i32
      %dma_start3A_672 = arith.constant 0 : i32
      %dma_start3A_673 = tpu.memref_slice %arg24[%dma_start3A_671, %dma_start3A_672] : memref<3136x16xf32, #tpu.memory_space<vmem_shared>> -> memref<3136x16xf32, #tpu.memory_space<vmem_shared>>
      tpu.enqueue_indirect_dma source(%dma_start3A_667 : memref<112x16xf32, #tpu.memory_space<vmem>>) target(%dma_start3A_673 : memref<3136x16xf32, #tpu.memory_space<vmem_shared>>) offsets(%dma_start3A_670 : memref<112xi32, #tpu.memory_space<vmem>>) semaphore(%arg29 : memref<!tpu.dma_semaphore, #tpu.memory_space<semaphore_mem>>) {add = true}
      %dma_start3A_674 = arith.constant 21 : i32
      %dma_start3A_675 = arith.constant 2352 : i32
      %dma_start3A_676 = arith.constant 0 : i32
      %dma_start3A_677 = tpu.memref_slice %arg12[%dma_start3A_675, %dma_start3A_676] : memref<3136x16xf32, #tpu.memory_space<vmem>> -> memref<112x16xf32, #tpu.memory_space<vmem>>
      %dma_start3A_678 = arith.constant 0 : i32
      %dma_start3A_679 = tpu.memref_slice %arg19[%dma_start3A_674, %dma_start3A_678] : memref<28x112xi32, #tpu.memory_space<vmem>> -> memref<1x112xi32, #tpu.memory_space<vmem>>
      %dma_start3A_680 = tpu.memref_squeeze %dma_start3A_679 : memref<1x112xi32, #tpu.memory_space<vmem>> -> memref<112xi32, #tpu.memory_space<vmem>>
      %dma_start3A_681 = arith.constant 0 : i32
      %dma_start3A_682 = arith.constant 0 : i32
      %dma_start3A_683 = tpu.memref_slice %arg24[%dma_start3A_681, %dma_start3A_682] : memref<3136x16xf32, #tpu.memory_space<vmem_shared>> -> memref<3136x16xf32, #tpu.memory_space<vmem_shared>>
      tpu.enqueue_indirect_dma source(%dma_start3A_677 : memref<112x16xf32, #tpu.memory_space<vmem>>) target(%dma_start3A_683 : memref<3136x16xf32, #tpu.memory_space<vmem_shared>>) offsets(%dma_start3A_680 : memref<112xi32, #tpu.memory_space<vmem>>) semaphore(%arg29 : memref<!tpu.dma_semaphore, #tpu.memory_space<semaphore_mem>>) {add = true}
      %dma_start3A_684 = arith.constant 22 : i32
      %dma_start3A_685 = arith.constant 2464 : i32
      %dma_start3A_686 = arith.constant 0 : i32
      %dma_start3A_687 = tpu.memref_slice %arg12[%dma_start3A_685, %dma_start3A_686] : memref<3136x16xf32, #tpu.memory_space<vmem>> -> memref<112x16xf32, #tpu.memory_space<vmem>>
      %dma_start3A_688 = arith.constant 0 : i32
      %dma_start3A_689 = tpu.memref_slice %arg19[%dma_start3A_684, %dma_start3A_688] : memref<28x112xi32, #tpu.memory_space<vmem>> -> memref<1x112xi32, #tpu.memory_space<vmem>>
      %dma_start3A_690 = tpu.memref_squeeze %dma_start3A_689 : memref<1x112xi32, #tpu.memory_space<vmem>> -> memref<112xi32, #tpu.memory_space<vmem>>
      %dma_start3A_691 = arith.constant 0 : i32
      %dma_start3A_692 = arith.constant 0 : i32
      %dma_start3A_693 = tpu.memref_slice %arg24[%dma_start3A_691, %dma_start3A_692] : memref<3136x16xf32, #tpu.memory_space<vmem_shared>> -> memref<3136x16xf32, #tpu.memory_space<vmem_shared>>
      tpu.enqueue_indirect_dma source(%dma_start3A_687 : memref<112x16xf32, #tpu.memory_space<vmem>>) target(%dma_start3A_693 : memref<3136x16xf32, #tpu.memory_space<vmem_shared>>) offsets(%dma_start3A_690 : memref<112xi32, #tpu.memory_space<vmem>>) semaphore(%arg29 : memref<!tpu.dma_semaphore, #tpu.memory_space<semaphore_mem>>) {add = true}
      %dma_start3A_694 = arith.constant 23 : i32
      %dma_start3A_695 = arith.constant 2576 : i32
      %dma_start3A_696 = arith.constant 0 : i32
      %dma_start3A_697 = tpu.memref_slice %arg12[%dma_start3A_695, %dma_start3A_696] : memref<3136x16xf32, #tpu.memory_space<vmem>> -> memref<112x16xf32, #tpu.memory_space<vmem>>
      %dma_start3A_698 = arith.constant 0 : i32
      %dma_start3A_699 = tpu.memref_slice %arg19[%dma_start3A_694, %dma_start3A_698] : memref<28x112xi32, #tpu.memory_space<vmem>> -> memref<1x112xi32, #tpu.memory_space<vmem>>
      %dma_start3A_700 = tpu.memref_squeeze %dma_start3A_699 : memref<1x112xi32, #tpu.memory_space<vmem>> -> memref<112xi32, #tpu.memory_space<vmem>>
      %dma_start3A_701 = arith.constant 0 : i32
      %dma_start3A_702 = arith.constant 0 : i32
      %dma_start3A_703 = tpu.memref_slice %arg24[%dma_start3A_701, %dma_start3A_702] : memref<3136x16xf32, #tpu.memory_space<vmem_shared>> -> memref<3136x16xf32, #tpu.memory_space<vmem_shared>>
      tpu.enqueue_indirect_dma source(%dma_start3A_697 : memref<112x16xf32, #tpu.memory_space<vmem>>) target(%dma_start3A_703 : memref<3136x16xf32, #tpu.memory_space<vmem_shared>>) offsets(%dma_start3A_700 : memref<112xi32, #tpu.memory_space<vmem>>) semaphore(%arg29 : memref<!tpu.dma_semaphore, #tpu.memory_space<semaphore_mem>>) {add = true}
      %dma_start3A_704 = arith.constant 24 : i32
      %dma_start3A_705 = arith.constant 2688 : i32
      %dma_start3A_706 = arith.constant 0 : i32
      %dma_start3A_707 = tpu.memref_slice %arg12[%dma_start3A_705, %dma_start3A_706] : memref<3136x16xf32, #tpu.memory_space<vmem>> -> memref<112x16xf32, #tpu.memory_space<vmem>>
      %dma_start3A_708 = arith.constant 0 : i32
      %dma_start3A_709 = tpu.memref_slice %arg19[%dma_start3A_704, %dma_start3A_708] : memref<28x112xi32, #tpu.memory_space<vmem>> -> memref<1x112xi32, #tpu.memory_space<vmem>>
      %dma_start3A_710 = tpu.memref_squeeze %dma_start3A_709 : memref<1x112xi32, #tpu.memory_space<vmem>> -> memref<112xi32, #tpu.memory_space<vmem>>
      %dma_start3A_711 = arith.constant 0 : i32
      %dma_start3A_712 = arith.constant 0 : i32
      %dma_start3A_713 = tpu.memref_slice %arg24[%dma_start3A_711, %dma_start3A_712] : memref<3136x16xf32, #tpu.memory_space<vmem_shared>> -> memref<3136x16xf32, #tpu.memory_space<vmem_shared>>
      tpu.enqueue_indirect_dma source(%dma_start3A_707 : memref<112x16xf32, #tpu.memory_space<vmem>>) target(%dma_start3A_713 : memref<3136x16xf32, #tpu.memory_space<vmem_shared>>) offsets(%dma_start3A_710 : memref<112xi32, #tpu.memory_space<vmem>>) semaphore(%arg29 : memref<!tpu.dma_semaphore, #tpu.memory_space<semaphore_mem>>) {add = true}
      %dma_start3A_714 = arith.constant 25 : i32
      %dma_start3A_715 = arith.constant 2800 : i32
      %dma_start3A_716 = arith.constant 0 : i32
      %dma_start3A_717 = tpu.memref_slice %arg12[%dma_start3A_715, %dma_start3A_716] : memref<3136x16xf32, #tpu.memory_space<vmem>> -> memref<112x16xf32, #tpu.memory_space<vmem>>
      %dma_start3A_718 = arith.constant 0 : i32
      %dma_start3A_719 = tpu.memref_slice %arg19[%dma_start3A_714, %dma_start3A_718] : memref<28x112xi32, #tpu.memory_space<vmem>> -> memref<1x112xi32, #tpu.memory_space<vmem>>
      %dma_start3A_720 = tpu.memref_squeeze %dma_start3A_719 : memref<1x112xi32, #tpu.memory_space<vmem>> -> memref<112xi32, #tpu.memory_space<vmem>>
      %dma_start3A_721 = arith.constant 0 : i32
      %dma_start3A_722 = arith.constant 0 : i32
      %dma_start3A_723 = tpu.memref_slice %arg24[%dma_start3A_721, %dma_start3A_722] : memref<3136x16xf32, #tpu.memory_space<vmem_shared>> -> memref<3136x16xf32, #tpu.memory_space<vmem_shared>>
      tpu.enqueue_indirect_dma source(%dma_start3A_717 : memref<112x16xf32, #tpu.memory_space<vmem>>) target(%dma_start3A_723 : memref<3136x16xf32, #tpu.memory_space<vmem_shared>>) offsets(%dma_start3A_720 : memref<112xi32, #tpu.memory_space<vmem>>) semaphore(%arg29 : memref<!tpu.dma_semaphore, #tpu.memory_space<semaphore_mem>>) {add = true}
      %dma_start3A_724 = arith.constant 26 : i32
      %dma_start3A_725 = arith.constant 2912 : i32
      %dma_start3A_726 = arith.constant 0 : i32
      %dma_start3A_727 = tpu.memref_slice %arg12[%dma_start3A_725, %dma_start3A_726] : memref<3136x16xf32, #tpu.memory_space<vmem>> -> memref<112x16xf32, #tpu.memory_space<vmem>>
      %dma_start3A_728 = arith.constant 0 : i32
      %dma_start3A_729 = tpu.memref_slice %arg19[%dma_start3A_724, %dma_start3A_728] : memref<28x112xi32, #tpu.memory_space<vmem>> -> memref<1x112xi32, #tpu.memory_space<vmem>>
      %dma_start3A_730 = tpu.memref_squeeze %dma_start3A_729 : memref<1x112xi32, #tpu.memory_space<vmem>> -> memref<112xi32, #tpu.memory_space<vmem>>
      %dma_start3A_731 = arith.constant 0 : i32
      %dma_start3A_732 = arith.constant 0 : i32
      %dma_start3A_733 = tpu.memref_slice %arg24[%dma_start3A_731, %dma_start3A_732] : memref<3136x16xf32, #tpu.memory_space<vmem_shared>> -> memref<3136x16xf32, #tpu.memory_space<vmem_shared>>
      tpu.enqueue_indirect_dma source(%dma_start3A_727 : memref<112x16xf32, #tpu.memory_space<vmem>>) target(%dma_start3A_733 : memref<3136x16xf32, #tpu.memory_space<vmem_shared>>) offsets(%dma_start3A_730 : memref<112xi32, #tpu.memory_space<vmem>>) semaphore(%arg29 : memref<!tpu.dma_semaphore, #tpu.memory_space<semaphore_mem>>) {add = true}
      %dma_start3A_734 = arith.constant 27 : i32
      %dma_start3A_735 = arith.constant 3024 : i32
      %dma_start3A_736 = arith.constant 0 : i32
      %dma_start3A_737 = tpu.memref_slice %arg12[%dma_start3A_735, %dma_start3A_736] : memref<3136x16xf32, #tpu.memory_space<vmem>> -> memref<112x16xf32, #tpu.memory_space<vmem>>
      %dma_start3A_738 = arith.constant 0 : i32
      %dma_start3A_739 = tpu.memref_slice %arg19[%dma_start3A_734, %dma_start3A_738] : memref<28x112xi32, #tpu.memory_space<vmem>> -> memref<1x112xi32, #tpu.memory_space<vmem>>
      %dma_start3A_740 = tpu.memref_squeeze %dma_start3A_739 : memref<1x112xi32, #tpu.memory_space<vmem>> -> memref<112xi32, #tpu.memory_space<vmem>>
      %dma_start3A_741 = arith.constant 0 : i32
      %dma_start3A_742 = arith.constant 0 : i32
      %dma_start3A_743 = tpu.memref_slice %arg24[%dma_start3A_741, %dma_start3A_742] : memref<3136x16xf32, #tpu.memory_space<vmem_shared>> -> memref<3136x16xf32, #tpu.memory_space<vmem_shared>>
      tpu.enqueue_indirect_dma source(%dma_start3A_737 : memref<112x16xf32, #tpu.memory_space<vmem>>) target(%dma_start3A_743 : memref<3136x16xf32, #tpu.memory_space<vmem_shared>>) offsets(%dma_start3A_740 : memref<112xi32, #tpu.memory_space<vmem>>) semaphore(%arg29 : memref<!tpu.dma_semaphore, #tpu.memory_space<semaphore_mem>>) {add = true}
      %dma_wait3A_744 = arith.constant 0 : i32
      %dma_wait3A_745 = arith.constant 0 : i32
      %dma_wait3A_746 = arith.constant 0 : i32
      %dma_wait3A_747 = tpu.memref_slice %arg12[%dma_wait3A_745, %dma_wait3A_746] : memref<3136x16xf32, #tpu.memory_space<vmem>> -> memref<112x16xf32, #tpu.memory_space<vmem>>
      %dma_wait3A_748 = arith.constant 0 : i32
      %dma_wait3A_749 = tpu.memref_slice %arg19[%dma_wait3A_744, %dma_wait3A_748] : memref<28x112xi32, #tpu.memory_space<vmem>> -> memref<1x112xi32, #tpu.memory_space<vmem>>
      %dma_wait3A_750 = tpu.memref_squeeze %dma_wait3A_749 : memref<1x112xi32, #tpu.memory_space<vmem>> -> memref<112xi32, #tpu.memory_space<vmem>>
      %dma_wait3A_751 = arith.constant 0 : i32
      %dma_wait3A_752 = arith.constant 0 : i32
      %dma_wait3A_753 = tpu.memref_slice %arg24[%dma_wait3A_751, %dma_wait3A_752] : memref<3136x16xf32, #tpu.memory_space<vmem_shared>> -> memref<3136x16xf32, #tpu.memory_space<vmem_shared>>
      tpu.wait_indirect_dma semaphore(%arg29 : memref<!tpu.dma_semaphore, #tpu.memory_space<semaphore_mem>>) src(%dma_wait3A_747 : memref<112x16xf32, #tpu.memory_space<vmem>>) dst(%dma_wait3A_753 : memref<3136x16xf32, #tpu.memory_space<vmem_shared>>)
      %dma_wait3A_754 = arith.constant 1 : i32
      %dma_wait3A_755 = arith.constant 112 : i32
      %dma_wait3A_756 = arith.constant 0 : i32
      %dma_wait3A_757 = tpu.memref_slice %arg12[%dma_wait3A_755, %dma_wait3A_756] : memref<3136x16xf32, #tpu.memory_space<vmem>> -> memref<112x16xf32, #tpu.memory_space<vmem>>
      %dma_wait3A_758 = arith.constant 0 : i32
      %dma_wait3A_759 = tpu.memref_slice %arg19[%dma_wait3A_754, %dma_wait3A_758] : memref<28x112xi32, #tpu.memory_space<vmem>> -> memref<1x112xi32, #tpu.memory_space<vmem>>
      %dma_wait3A_760 = tpu.memref_squeeze %dma_wait3A_759 : memref<1x112xi32, #tpu.memory_space<vmem>> -> memref<112xi32, #tpu.memory_space<vmem>>
      %dma_wait3A_761 = arith.constant 0 : i32
      %dma_wait3A_762 = arith.constant 0 : i32
      %dma_wait3A_763 = tpu.memref_slice %arg24[%dma_wait3A_761, %dma_wait3A_762] : memref<3136x16xf32, #tpu.memory_space<vmem_shared>> -> memref<3136x16xf32, #tpu.memory_space<vmem_shared>>
      tpu.wait_indirect_dma semaphore(%arg29 : memref<!tpu.dma_semaphore, #tpu.memory_space<semaphore_mem>>) src(%dma_wait3A_757 : memref<112x16xf32, #tpu.memory_space<vmem>>) dst(%dma_wait3A_763 : memref<3136x16xf32, #tpu.memory_space<vmem_shared>>)
      %dma_wait3A_764 = arith.constant 2 : i32
      %dma_wait3A_765 = arith.constant 224 : i32
      %dma_wait3A_766 = arith.constant 0 : i32
      %dma_wait3A_767 = tpu.memref_slice %arg12[%dma_wait3A_765, %dma_wait3A_766] : memref<3136x16xf32, #tpu.memory_space<vmem>> -> memref<112x16xf32, #tpu.memory_space<vmem>>
      %dma_wait3A_768 = arith.constant 0 : i32
      %dma_wait3A_769 = tpu.memref_slice %arg19[%dma_wait3A_764, %dma_wait3A_768] : memref<28x112xi32, #tpu.memory_space<vmem>> -> memref<1x112xi32, #tpu.memory_space<vmem>>
      %dma_wait3A_770 = tpu.memref_squeeze %dma_wait3A_769 : memref<1x112xi32, #tpu.memory_space<vmem>> -> memref<112xi32, #tpu.memory_space<vmem>>
      %dma_wait3A_771 = arith.constant 0 : i32
      %dma_wait3A_772 = arith.constant 0 : i32
      %dma_wait3A_773 = tpu.memref_slice %arg24[%dma_wait3A_771, %dma_wait3A_772] : memref<3136x16xf32, #tpu.memory_space<vmem_shared>> -> memref<3136x16xf32, #tpu.memory_space<vmem_shared>>
      tpu.wait_indirect_dma semaphore(%arg29 : memref<!tpu.dma_semaphore, #tpu.memory_space<semaphore_mem>>) src(%dma_wait3A_767 : memref<112x16xf32, #tpu.memory_space<vmem>>) dst(%dma_wait3A_773 : memref<3136x16xf32, #tpu.memory_space<vmem_shared>>)
      %dma_wait3A_774 = arith.constant 3 : i32
      %dma_wait3A_775 = arith.constant 336 : i32
      %dma_wait3A_776 = arith.constant 0 : i32
      %dma_wait3A_777 = tpu.memref_slice %arg12[%dma_wait3A_775, %dma_wait3A_776] : memref<3136x16xf32, #tpu.memory_space<vmem>> -> memref<112x16xf32, #tpu.memory_space<vmem>>
      %dma_wait3A_778 = arith.constant 0 : i32
      %dma_wait3A_779 = tpu.memref_slice %arg19[%dma_wait3A_774, %dma_wait3A_778] : memref<28x112xi32, #tpu.memory_space<vmem>> -> memref<1x112xi32, #tpu.memory_space<vmem>>
      %dma_wait3A_780 = tpu.memref_squeeze %dma_wait3A_779 : memref<1x112xi32, #tpu.memory_space<vmem>> -> memref<112xi32, #tpu.memory_space<vmem>>
      %dma_wait3A_781 = arith.constant 0 : i32
      %dma_wait3A_782 = arith.constant 0 : i32
      %dma_wait3A_783 = tpu.memref_slice %arg24[%dma_wait3A_781, %dma_wait3A_782] : memref<3136x16xf32, #tpu.memory_space<vmem_shared>> -> memref<3136x16xf32, #tpu.memory_space<vmem_shared>>
      tpu.wait_indirect_dma semaphore(%arg29 : memref<!tpu.dma_semaphore, #tpu.memory_space<semaphore_mem>>) src(%dma_wait3A_777 : memref<112x16xf32, #tpu.memory_space<vmem>>) dst(%dma_wait3A_783 : memref<3136x16xf32, #tpu.memory_space<vmem_shared>>)
      %dma_wait3A_784 = arith.constant 4 : i32
      %dma_wait3A_785 = arith.constant 448 : i32
      %dma_wait3A_786 = arith.constant 0 : i32
      %dma_wait3A_787 = tpu.memref_slice %arg12[%dma_wait3A_785, %dma_wait3A_786] : memref<3136x16xf32, #tpu.memory_space<vmem>> -> memref<112x16xf32, #tpu.memory_space<vmem>>
      %dma_wait3A_788 = arith.constant 0 : i32
      %dma_wait3A_789 = tpu.memref_slice %arg19[%dma_wait3A_784, %dma_wait3A_788] : memref<28x112xi32, #tpu.memory_space<vmem>> -> memref<1x112xi32, #tpu.memory_space<vmem>>
      %dma_wait3A_790 = tpu.memref_squeeze %dma_wait3A_789 : memref<1x112xi32, #tpu.memory_space<vmem>> -> memref<112xi32, #tpu.memory_space<vmem>>
      %dma_wait3A_791 = arith.constant 0 : i32
      %dma_wait3A_792 = arith.constant 0 : i32
      %dma_wait3A_793 = tpu.memref_slice %arg24[%dma_wait3A_791, %dma_wait3A_792] : memref<3136x16xf32, #tpu.memory_space<vmem_shared>> -> memref<3136x16xf32, #tpu.memory_space<vmem_shared>>
      tpu.wait_indirect_dma semaphore(%arg29 : memref<!tpu.dma_semaphore, #tpu.memory_space<semaphore_mem>>) src(%dma_wait3A_787 : memref<112x16xf32, #tpu.memory_space<vmem>>) dst(%dma_wait3A_793 : memref<3136x16xf32, #tpu.memory_space<vmem_shared>>)
      %dma_wait3A_794 = arith.constant 5 : i32
      %dma_wait3A_795 = arith.constant 560 : i32
      %dma_wait3A_796 = arith.constant 0 : i32
      %dma_wait3A_797 = tpu.memref_slice %arg12[%dma_wait3A_795, %dma_wait3A_796] : memref<3136x16xf32, #tpu.memory_space<vmem>> -> memref<112x16xf32, #tpu.memory_space<vmem>>
      %dma_wait3A_798 = arith.constant 0 : i32
      %dma_wait3A_799 = tpu.memref_slice %arg19[%dma_wait3A_794, %dma_wait3A_798] : memref<28x112xi32, #tpu.memory_space<vmem>> -> memref<1x112xi32, #tpu.memory_space<vmem>>
      %dma_wait3A_800 = tpu.memref_squeeze %dma_wait3A_799 : memref<1x112xi32, #tpu.memory_space<vmem>> -> memref<112xi32, #tpu.memory_space<vmem>>
      %dma_wait3A_801 = arith.constant 0 : i32
      %dma_wait3A_802 = arith.constant 0 : i32
      %dma_wait3A_803 = tpu.memref_slice %arg24[%dma_wait3A_801, %dma_wait3A_802] : memref<3136x16xf32, #tpu.memory_space<vmem_shared>> -> memref<3136x16xf32, #tpu.memory_space<vmem_shared>>
      tpu.wait_indirect_dma semaphore(%arg29 : memref<!tpu.dma_semaphore, #tpu.memory_space<semaphore_mem>>) src(%dma_wait3A_797 : memref<112x16xf32, #tpu.memory_space<vmem>>) dst(%dma_wait3A_803 : memref<3136x16xf32, #tpu.memory_space<vmem_shared>>)
      %dma_wait3A_804 = arith.constant 6 : i32
      %dma_wait3A_805 = arith.constant 672 : i32
      %dma_wait3A_806 = arith.constant 0 : i32
      %dma_wait3A_807 = tpu.memref_slice %arg12[%dma_wait3A_805, %dma_wait3A_806] : memref<3136x16xf32, #tpu.memory_space<vmem>> -> memref<112x16xf32, #tpu.memory_space<vmem>>
      %dma_wait3A_808 = arith.constant 0 : i32
      %dma_wait3A_809 = tpu.memref_slice %arg19[%dma_wait3A_804, %dma_wait3A_808] : memref<28x112xi32, #tpu.memory_space<vmem>> -> memref<1x112xi32, #tpu.memory_space<vmem>>
      %dma_wait3A_810 = tpu.memref_squeeze %dma_wait3A_809 : memref<1x112xi32, #tpu.memory_space<vmem>> -> memref<112xi32, #tpu.memory_space<vmem>>
      %dma_wait3A_811 = arith.constant 0 : i32
      %dma_wait3A_812 = arith.constant 0 : i32
      %dma_wait3A_813 = tpu.memref_slice %arg24[%dma_wait3A_811, %dma_wait3A_812] : memref<3136x16xf32, #tpu.memory_space<vmem_shared>> -> memref<3136x16xf32, #tpu.memory_space<vmem_shared>>
      tpu.wait_indirect_dma semaphore(%arg29 : memref<!tpu.dma_semaphore, #tpu.memory_space<semaphore_mem>>) src(%dma_wait3A_807 : memref<112x16xf32, #tpu.memory_space<vmem>>) dst(%dma_wait3A_813 : memref<3136x16xf32, #tpu.memory_space<vmem_shared>>)
      %dma_wait3A_814 = arith.constant 7 : i32
      %dma_wait3A_815 = arith.constant 784 : i32
      %dma_wait3A_816 = arith.constant 0 : i32
      %dma_wait3A_817 = tpu.memref_slice %arg12[%dma_wait3A_815, %dma_wait3A_816] : memref<3136x16xf32, #tpu.memory_space<vmem>> -> memref<112x16xf32, #tpu.memory_space<vmem>>
      %dma_wait3A_818 = arith.constant 0 : i32
      %dma_wait3A_819 = tpu.memref_slice %arg19[%dma_wait3A_814, %dma_wait3A_818] : memref<28x112xi32, #tpu.memory_space<vmem>> -> memref<1x112xi32, #tpu.memory_space<vmem>>
      %dma_wait3A_820 = tpu.memref_squeeze %dma_wait3A_819 : memref<1x112xi32, #tpu.memory_space<vmem>> -> memref<112xi32, #tpu.memory_space<vmem>>
      %dma_wait3A_821 = arith.constant 0 : i32
      %dma_wait3A_822 = arith.constant 0 : i32
      %dma_wait3A_823 = tpu.memref_slice %arg24[%dma_wait3A_821, %dma_wait3A_822] : memref<3136x16xf32, #tpu.memory_space<vmem_shared>> -> memref<3136x16xf32, #tpu.memory_space<vmem_shared>>
      tpu.wait_indirect_dma semaphore(%arg29 : memref<!tpu.dma_semaphore, #tpu.memory_space<semaphore_mem>>) src(%dma_wait3A_817 : memref<112x16xf32, #tpu.memory_space<vmem>>) dst(%dma_wait3A_823 : memref<3136x16xf32, #tpu.memory_space<vmem_shared>>)
      %dma_wait3A_824 = arith.constant 8 : i32
      %dma_wait3A_825 = arith.constant 896 : i32
      %dma_wait3A_826 = arith.constant 0 : i32
      %dma_wait3A_827 = tpu.memref_slice %arg12[%dma_wait3A_825, %dma_wait3A_826] : memref<3136x16xf32, #tpu.memory_space<vmem>> -> memref<112x16xf32, #tpu.memory_space<vmem>>
      %dma_wait3A_828 = arith.constant 0 : i32
      %dma_wait3A_829 = tpu.memref_slice %arg19[%dma_wait3A_824, %dma_wait3A_828] : memref<28x112xi32, #tpu.memory_space<vmem>> -> memref<1x112xi32, #tpu.memory_space<vmem>>
      %dma_wait3A_830 = tpu.memref_squeeze %dma_wait3A_829 : memref<1x112xi32, #tpu.memory_space<vmem>> -> memref<112xi32, #tpu.memory_space<vmem>>
      %dma_wait3A_831 = arith.constant 0 : i32
      %dma_wait3A_832 = arith.constant 0 : i32
      %dma_wait3A_833 = tpu.memref_slice %arg24[%dma_wait3A_831, %dma_wait3A_832] : memref<3136x16xf32, #tpu.memory_space<vmem_shared>> -> memref<3136x16xf32, #tpu.memory_space<vmem_shared>>
      tpu.wait_indirect_dma semaphore(%arg29 : memref<!tpu.dma_semaphore, #tpu.memory_space<semaphore_mem>>) src(%dma_wait3A_827 : memref<112x16xf32, #tpu.memory_space<vmem>>) dst(%dma_wait3A_833 : memref<3136x16xf32, #tpu.memory_space<vmem_shared>>)
      %dma_wait3A_834 = arith.constant 9 : i32
      %dma_wait3A_835 = arith.constant 1008 : i32
      %dma_wait3A_836 = arith.constant 0 : i32
      %dma_wait3A_837 = tpu.memref_slice %arg12[%dma_wait3A_835, %dma_wait3A_836] : memref<3136x16xf32, #tpu.memory_space<vmem>> -> memref<112x16xf32, #tpu.memory_space<vmem>>
      %dma_wait3A_838 = arith.constant 0 : i32
      %dma_wait3A_839 = tpu.memref_slice %arg19[%dma_wait3A_834, %dma_wait3A_838] : memref<28x112xi32, #tpu.memory_space<vmem>> -> memref<1x112xi32, #tpu.memory_space<vmem>>
      %dma_wait3A_840 = tpu.memref_squeeze %dma_wait3A_839 : memref<1x112xi32, #tpu.memory_space<vmem>> -> memref<112xi32, #tpu.memory_space<vmem>>
      %dma_wait3A_841 = arith.constant 0 : i32
      %dma_wait3A_842 = arith.constant 0 : i32
      %dma_wait3A_843 = tpu.memref_slice %arg24[%dma_wait3A_841, %dma_wait3A_842] : memref<3136x16xf32, #tpu.memory_space<vmem_shared>> -> memref<3136x16xf32, #tpu.memory_space<vmem_shared>>
      tpu.wait_indirect_dma semaphore(%arg29 : memref<!tpu.dma_semaphore, #tpu.memory_space<semaphore_mem>>) src(%dma_wait3A_837 : memref<112x16xf32, #tpu.memory_space<vmem>>) dst(%dma_wait3A_843 : memref<3136x16xf32, #tpu.memory_space<vmem_shared>>)
      %dma_wait3A_844 = arith.constant 10 : i32
      %dma_wait3A_845 = arith.constant 1120 : i32
      %dma_wait3A_846 = arith.constant 0 : i32
      %dma_wait3A_847 = tpu.memref_slice %arg12[%dma_wait3A_845, %dma_wait3A_846] : memref<3136x16xf32, #tpu.memory_space<vmem>> -> memref<112x16xf32, #tpu.memory_space<vmem>>
      %dma_wait3A_848 = arith.constant 0 : i32
      %dma_wait3A_849 = tpu.memref_slice %arg19[%dma_wait3A_844, %dma_wait3A_848] : memref<28x112xi32, #tpu.memory_space<vmem>> -> memref<1x112xi32, #tpu.memory_space<vmem>>
      %dma_wait3A_850 = tpu.memref_squeeze %dma_wait3A_849 : memref<1x112xi32, #tpu.memory_space<vmem>> -> memref<112xi32, #tpu.memory_space<vmem>>
      %dma_wait3A_851 = arith.constant 0 : i32
      %dma_wait3A_852 = arith.constant 0 : i32
      %dma_wait3A_853 = tpu.memref_slice %arg24[%dma_wait3A_851, %dma_wait3A_852] : memref<3136x16xf32, #tpu.memory_space<vmem_shared>> -> memref<3136x16xf32, #tpu.memory_space<vmem_shared>>
      tpu.wait_indirect_dma semaphore(%arg29 : memref<!tpu.dma_semaphore, #tpu.memory_space<semaphore_mem>>) src(%dma_wait3A_847 : memref<112x16xf32, #tpu.memory_space<vmem>>) dst(%dma_wait3A_853 : memref<3136x16xf32, #tpu.memory_space<vmem_shared>>)
      %dma_wait3A_854 = arith.constant 11 : i32
      %dma_wait3A_855 = arith.constant 1232 : i32
      %dma_wait3A_856 = arith.constant 0 : i32
      %dma_wait3A_857 = tpu.memref_slice %arg12[%dma_wait3A_855, %dma_wait3A_856] : memref<3136x16xf32, #tpu.memory_space<vmem>> -> memref<112x16xf32, #tpu.memory_space<vmem>>
      %dma_wait3A_858 = arith.constant 0 : i32
      %dma_wait3A_859 = tpu.memref_slice %arg19[%dma_wait3A_854, %dma_wait3A_858] : memref<28x112xi32, #tpu.memory_space<vmem>> -> memref<1x112xi32, #tpu.memory_space<vmem>>
      %dma_wait3A_860 = tpu.memref_squeeze %dma_wait3A_859 : memref<1x112xi32, #tpu.memory_space<vmem>> -> memref<112xi32, #tpu.memory_space<vmem>>
      %dma_wait3A_861 = arith.constant 0 : i32
      %dma_wait3A_862 = arith.constant 0 : i32
      %dma_wait3A_863 = tpu.memref_slice %arg24[%dma_wait3A_861, %dma_wait3A_862] : memref<3136x16xf32, #tpu.memory_space<vmem_shared>> -> memref<3136x16xf32, #tpu.memory_space<vmem_shared>>
      tpu.wait_indirect_dma semaphore(%arg29 : memref<!tpu.dma_semaphore, #tpu.memory_space<semaphore_mem>>) src(%dma_wait3A_857 : memref<112x16xf32, #tpu.memory_space<vmem>>) dst(%dma_wait3A_863 : memref<3136x16xf32, #tpu.memory_space<vmem_shared>>)
      %dma_wait3A_864 = arith.constant 12 : i32
      %dma_wait3A_865 = arith.constant 1344 : i32
      %dma_wait3A_866 = arith.constant 0 : i32
      %dma_wait3A_867 = tpu.memref_slice %arg12[%dma_wait3A_865, %dma_wait3A_866] : memref<3136x16xf32, #tpu.memory_space<vmem>> -> memref<112x16xf32, #tpu.memory_space<vmem>>
      %dma_wait3A_868 = arith.constant 0 : i32
      %dma_wait3A_869 = tpu.memref_slice %arg19[%dma_wait3A_864, %dma_wait3A_868] : memref<28x112xi32, #tpu.memory_space<vmem>> -> memref<1x112xi32, #tpu.memory_space<vmem>>
      %dma_wait3A_870 = tpu.memref_squeeze %dma_wait3A_869 : memref<1x112xi32, #tpu.memory_space<vmem>> -> memref<112xi32, #tpu.memory_space<vmem>>
      %dma_wait3A_871 = arith.constant 0 : i32
      %dma_wait3A_872 = arith.constant 0 : i32
      %dma_wait3A_873 = tpu.memref_slice %arg24[%dma_wait3A_871, %dma_wait3A_872] : memref<3136x16xf32, #tpu.memory_space<vmem_shared>> -> memref<3136x16xf32, #tpu.memory_space<vmem_shared>>
      tpu.wait_indirect_dma semaphore(%arg29 : memref<!tpu.dma_semaphore, #tpu.memory_space<semaphore_mem>>) src(%dma_wait3A_867 : memref<112x16xf32, #tpu.memory_space<vmem>>) dst(%dma_wait3A_873 : memref<3136x16xf32, #tpu.memory_space<vmem_shared>>)
      %dma_wait3A_874 = arith.constant 13 : i32
      %dma_wait3A_875 = arith.constant 1456 : i32
      %dma_wait3A_876 = arith.constant 0 : i32
      %dma_wait3A_877 = tpu.memref_slice %arg12[%dma_wait3A_875, %dma_wait3A_876] : memref<3136x16xf32, #tpu.memory_space<vmem>> -> memref<112x16xf32, #tpu.memory_space<vmem>>
      %dma_wait3A_878 = arith.constant 0 : i32
      %dma_wait3A_879 = tpu.memref_slice %arg19[%dma_wait3A_874, %dma_wait3A_878] : memref<28x112xi32, #tpu.memory_space<vmem>> -> memref<1x112xi32, #tpu.memory_space<vmem>>
      %dma_wait3A_880 = tpu.memref_squeeze %dma_wait3A_879 : memref<1x112xi32, #tpu.memory_space<vmem>> -> memref<112xi32, #tpu.memory_space<vmem>>
      %dma_wait3A_881 = arith.constant 0 : i32
      %dma_wait3A_882 = arith.constant 0 : i32
      %dma_wait3A_883 = tpu.memref_slice %arg24[%dma_wait3A_881, %dma_wait3A_882] : memref<3136x16xf32, #tpu.memory_space<vmem_shared>> -> memref<3136x16xf32, #tpu.memory_space<vmem_shared>>
      tpu.wait_indirect_dma semaphore(%arg29 : memref<!tpu.dma_semaphore, #tpu.memory_space<semaphore_mem>>) src(%dma_wait3A_877 : memref<112x16xf32, #tpu.memory_space<vmem>>) dst(%dma_wait3A_883 : memref<3136x16xf32, #tpu.memory_space<vmem_shared>>)
      %dma_wait3A_884 = arith.constant 14 : i32
      %dma_wait3A_885 = arith.constant 1568 : i32
      %dma_wait3A_886 = arith.constant 0 : i32
      %dma_wait3A_887 = tpu.memref_slice %arg12[%dma_wait3A_885, %dma_wait3A_886] : memref<3136x16xf32, #tpu.memory_space<vmem>> -> memref<112x16xf32, #tpu.memory_space<vmem>>
      %dma_wait3A_888 = arith.constant 0 : i32
      %dma_wait3A_889 = tpu.memref_slice %arg19[%dma_wait3A_884, %dma_wait3A_888] : memref<28x112xi32, #tpu.memory_space<vmem>> -> memref<1x112xi32, #tpu.memory_space<vmem>>
      %dma_wait3A_890 = tpu.memref_squeeze %dma_wait3A_889 : memref<1x112xi32, #tpu.memory_space<vmem>> -> memref<112xi32, #tpu.memory_space<vmem>>
      %dma_wait3A_891 = arith.constant 0 : i32
      %dma_wait3A_892 = arith.constant 0 : i32
      %dma_wait3A_893 = tpu.memref_slice %arg24[%dma_wait3A_891, %dma_wait3A_892] : memref<3136x16xf32, #tpu.memory_space<vmem_shared>> -> memref<3136x16xf32, #tpu.memory_space<vmem_shared>>
      tpu.wait_indirect_dma semaphore(%arg29 : memref<!tpu.dma_semaphore, #tpu.memory_space<semaphore_mem>>) src(%dma_wait3A_887 : memref<112x16xf32, #tpu.memory_space<vmem>>) dst(%dma_wait3A_893 : memref<3136x16xf32, #tpu.memory_space<vmem_shared>>)
      %dma_wait3A_894 = arith.constant 15 : i32
      %dma_wait3A_895 = arith.constant 1680 : i32
      %dma_wait3A_896 = arith.constant 0 : i32
      %dma_wait3A_897 = tpu.memref_slice %arg12[%dma_wait3A_895, %dma_wait3A_896] : memref<3136x16xf32, #tpu.memory_space<vmem>> -> memref<112x16xf32, #tpu.memory_space<vmem>>
      %dma_wait3A_898 = arith.constant 0 : i32
      %dma_wait3A_899 = tpu.memref_slice %arg19[%dma_wait3A_894, %dma_wait3A_898] : memref<28x112xi32, #tpu.memory_space<vmem>> -> memref<1x112xi32, #tpu.memory_space<vmem>>
      %dma_wait3A_900 = tpu.memref_squeeze %dma_wait3A_899 : memref<1x112xi32, #tpu.memory_space<vmem>> -> memref<112xi32, #tpu.memory_space<vmem>>
      %dma_wait3A_901 = arith.constant 0 : i32
      %dma_wait3A_902 = arith.constant 0 : i32
      %dma_wait3A_903 = tpu.memref_slice %arg24[%dma_wait3A_901, %dma_wait3A_902] : memref<3136x16xf32, #tpu.memory_space<vmem_shared>> -> memref<3136x16xf32, #tpu.memory_space<vmem_shared>>
      tpu.wait_indirect_dma semaphore(%arg29 : memref<!tpu.dma_semaphore, #tpu.memory_space<semaphore_mem>>) src(%dma_wait3A_897 : memref<112x16xf32, #tpu.memory_space<vmem>>) dst(%dma_wait3A_903 : memref<3136x16xf32, #tpu.memory_space<vmem_shared>>)
      %dma_wait3A_904 = arith.constant 16 : i32
      %dma_wait3A_905 = arith.constant 1792 : i32
      %dma_wait3A_906 = arith.constant 0 : i32
      %dma_wait3A_907 = tpu.memref_slice %arg12[%dma_wait3A_905, %dma_wait3A_906] : memref<3136x16xf32, #tpu.memory_space<vmem>> -> memref<112x16xf32, #tpu.memory_space<vmem>>
      %dma_wait3A_908 = arith.constant 0 : i32
      %dma_wait3A_909 = tpu.memref_slice %arg19[%dma_wait3A_904, %dma_wait3A_908] : memref<28x112xi32, #tpu.memory_space<vmem>> -> memref<1x112xi32, #tpu.memory_space<vmem>>
      %dma_wait3A_910 = tpu.memref_squeeze %dma_wait3A_909 : memref<1x112xi32, #tpu.memory_space<vmem>> -> memref<112xi32, #tpu.memory_space<vmem>>
      %dma_wait3A_911 = arith.constant 0 : i32
      %dma_wait3A_912 = arith.constant 0 : i32
      %dma_wait3A_913 = tpu.memref_slice %arg24[%dma_wait3A_911, %dma_wait3A_912] : memref<3136x16xf32, #tpu.memory_space<vmem_shared>> -> memref<3136x16xf32, #tpu.memory_space<vmem_shared>>
      tpu.wait_indirect_dma semaphore(%arg29 : memref<!tpu.dma_semaphore, #tpu.memory_space<semaphore_mem>>) src(%dma_wait3A_907 : memref<112x16xf32, #tpu.memory_space<vmem>>) dst(%dma_wait3A_913 : memref<3136x16xf32, #tpu.memory_space<vmem_shared>>)
      %dma_wait3A_914 = arith.constant 17 : i32
      %dma_wait3A_915 = arith.constant 1904 : i32
      %dma_wait3A_916 = arith.constant 0 : i32
      %dma_wait3A_917 = tpu.memref_slice %arg12[%dma_wait3A_915, %dma_wait3A_916] : memref<3136x16xf32, #tpu.memory_space<vmem>> -> memref<112x16xf32, #tpu.memory_space<vmem>>
      %dma_wait3A_918 = arith.constant 0 : i32
      %dma_wait3A_919 = tpu.memref_slice %arg19[%dma_wait3A_914, %dma_wait3A_918] : memref<28x112xi32, #tpu.memory_space<vmem>> -> memref<1x112xi32, #tpu.memory_space<vmem>>
      %dma_wait3A_920 = tpu.memref_squeeze %dma_wait3A_919 : memref<1x112xi32, #tpu.memory_space<vmem>> -> memref<112xi32, #tpu.memory_space<vmem>>
      %dma_wait3A_921 = arith.constant 0 : i32
      %dma_wait3A_922 = arith.constant 0 : i32
      %dma_wait3A_923 = tpu.memref_slice %arg24[%dma_wait3A_921, %dma_wait3A_922] : memref<3136x16xf32, #tpu.memory_space<vmem_shared>> -> memref<3136x16xf32, #tpu.memory_space<vmem_shared>>
      tpu.wait_indirect_dma semaphore(%arg29 : memref<!tpu.dma_semaphore, #tpu.memory_space<semaphore_mem>>) src(%dma_wait3A_917 : memref<112x16xf32, #tpu.memory_space<vmem>>) dst(%dma_wait3A_923 : memref<3136x16xf32, #tpu.memory_space<vmem_shared>>)
      %dma_wait3A_924 = arith.constant 18 : i32
      %dma_wait3A_925 = arith.constant 2016 : i32
      %dma_wait3A_926 = arith.constant 0 : i32
      %dma_wait3A_927 = tpu.memref_slice %arg12[%dma_wait3A_925, %dma_wait3A_926] : memref<3136x16xf32, #tpu.memory_space<vmem>> -> memref<112x16xf32, #tpu.memory_space<vmem>>
      %dma_wait3A_928 = arith.constant 0 : i32
      %dma_wait3A_929 = tpu.memref_slice %arg19[%dma_wait3A_924, %dma_wait3A_928] : memref<28x112xi32, #tpu.memory_space<vmem>> -> memref<1x112xi32, #tpu.memory_space<vmem>>
      %dma_wait3A_930 = tpu.memref_squeeze %dma_wait3A_929 : memref<1x112xi32, #tpu.memory_space<vmem>> -> memref<112xi32, #tpu.memory_space<vmem>>
      %dma_wait3A_931 = arith.constant 0 : i32
      %dma_wait3A_932 = arith.constant 0 : i32
      %dma_wait3A_933 = tpu.memref_slice %arg24[%dma_wait3A_931, %dma_wait3A_932] : memref<3136x16xf32, #tpu.memory_space<vmem_shared>> -> memref<3136x16xf32, #tpu.memory_space<vmem_shared>>
      tpu.wait_indirect_dma semaphore(%arg29 : memref<!tpu.dma_semaphore, #tpu.memory_space<semaphore_mem>>) src(%dma_wait3A_927 : memref<112x16xf32, #tpu.memory_space<vmem>>) dst(%dma_wait3A_933 : memref<3136x16xf32, #tpu.memory_space<vmem_shared>>)
      %dma_wait3A_934 = arith.constant 19 : i32
      %dma_wait3A_935 = arith.constant 2128 : i32
      %dma_wait3A_936 = arith.constant 0 : i32
      %dma_wait3A_937 = tpu.memref_slice %arg12[%dma_wait3A_935, %dma_wait3A_936] : memref<3136x16xf32, #tpu.memory_space<vmem>> -> memref<112x16xf32, #tpu.memory_space<vmem>>
      %dma_wait3A_938 = arith.constant 0 : i32
      %dma_wait3A_939 = tpu.memref_slice %arg19[%dma_wait3A_934, %dma_wait3A_938] : memref<28x112xi32, #tpu.memory_space<vmem>> -> memref<1x112xi32, #tpu.memory_space<vmem>>
      %dma_wait3A_940 = tpu.memref_squeeze %dma_wait3A_939 : memref<1x112xi32, #tpu.memory_space<vmem>> -> memref<112xi32, #tpu.memory_space<vmem>>
      %dma_wait3A_941 = arith.constant 0 : i32
      %dma_wait3A_942 = arith.constant 0 : i32
      %dma_wait3A_943 = tpu.memref_slice %arg24[%dma_wait3A_941, %dma_wait3A_942] : memref<3136x16xf32, #tpu.memory_space<vmem_shared>> -> memref<3136x16xf32, #tpu.memory_space<vmem_shared>>
      tpu.wait_indirect_dma semaphore(%arg29 : memref<!tpu.dma_semaphore, #tpu.memory_space<semaphore_mem>>) src(%dma_wait3A_937 : memref<112x16xf32, #tpu.memory_space<vmem>>) dst(%dma_wait3A_943 : memref<3136x16xf32, #tpu.memory_space<vmem_shared>>)
      %dma_wait3A_944 = arith.constant 20 : i32
      %dma_wait3A_945 = arith.constant 2240 : i32
      %dma_wait3A_946 = arith.constant 0 : i32
      %dma_wait3A_947 = tpu.memref_slice %arg12[%dma_wait3A_945, %dma_wait3A_946] : memref<3136x16xf32, #tpu.memory_space<vmem>> -> memref<112x16xf32, #tpu.memory_space<vmem>>
      %dma_wait3A_948 = arith.constant 0 : i32
      %dma_wait3A_949 = tpu.memref_slice %arg19[%dma_wait3A_944, %dma_wait3A_948] : memref<28x112xi32, #tpu.memory_space<vmem>> -> memref<1x112xi32, #tpu.memory_space<vmem>>
      %dma_wait3A_950 = tpu.memref_squeeze %dma_wait3A_949 : memref<1x112xi32, #tpu.memory_space<vmem>> -> memref<112xi32, #tpu.memory_space<vmem>>
      %dma_wait3A_951 = arith.constant 0 : i32
      %dma_wait3A_952 = arith.constant 0 : i32
      %dma_wait3A_953 = tpu.memref_slice %arg24[%dma_wait3A_951, %dma_wait3A_952] : memref<3136x16xf32, #tpu.memory_space<vmem_shared>> -> memref<3136x16xf32, #tpu.memory_space<vmem_shared>>
      tpu.wait_indirect_dma semaphore(%arg29 : memref<!tpu.dma_semaphore, #tpu.memory_space<semaphore_mem>>) src(%dma_wait3A_947 : memref<112x16xf32, #tpu.memory_space<vmem>>) dst(%dma_wait3A_953 : memref<3136x16xf32, #tpu.memory_space<vmem_shared>>)
      %dma_wait3A_954 = arith.constant 21 : i32
      %dma_wait3A_955 = arith.constant 2352 : i32
      %dma_wait3A_956 = arith.constant 0 : i32
      %dma_wait3A_957 = tpu.memref_slice %arg12[%dma_wait3A_955, %dma_wait3A_956] : memref<3136x16xf32, #tpu.memory_space<vmem>> -> memref<112x16xf32, #tpu.memory_space<vmem>>
      %dma_wait3A_958 = arith.constant 0 : i32
      %dma_wait3A_959 = tpu.memref_slice %arg19[%dma_wait3A_954, %dma_wait3A_958] : memref<28x112xi32, #tpu.memory_space<vmem>> -> memref<1x112xi32, #tpu.memory_space<vmem>>
      %dma_wait3A_960 = tpu.memref_squeeze %dma_wait3A_959 : memref<1x112xi32, #tpu.memory_space<vmem>> -> memref<112xi32, #tpu.memory_space<vmem>>
      %dma_wait3A_961 = arith.constant 0 : i32
      %dma_wait3A_962 = arith.constant 0 : i32
      %dma_wait3A_963 = tpu.memref_slice %arg24[%dma_wait3A_961, %dma_wait3A_962] : memref<3136x16xf32, #tpu.memory_space<vmem_shared>> -> memref<3136x16xf32, #tpu.memory_space<vmem_shared>>
      tpu.wait_indirect_dma semaphore(%arg29 : memref<!tpu.dma_semaphore, #tpu.memory_space<semaphore_mem>>) src(%dma_wait3A_957 : memref<112x16xf32, #tpu.memory_space<vmem>>) dst(%dma_wait3A_963 : memref<3136x16xf32, #tpu.memory_space<vmem_shared>>)
      %dma_wait3A_964 = arith.constant 22 : i32
      %dma_wait3A_965 = arith.constant 2464 : i32
      %dma_wait3A_966 = arith.constant 0 : i32
      %dma_wait3A_967 = tpu.memref_slice %arg12[%dma_wait3A_965, %dma_wait3A_966] : memref<3136x16xf32, #tpu.memory_space<vmem>> -> memref<112x16xf32, #tpu.memory_space<vmem>>
      %dma_wait3A_968 = arith.constant 0 : i32
      %dma_wait3A_969 = tpu.memref_slice %arg19[%dma_wait3A_964, %dma_wait3A_968] : memref<28x112xi32, #tpu.memory_space<vmem>> -> memref<1x112xi32, #tpu.memory_space<vmem>>
      %dma_wait3A_970 = tpu.memref_squeeze %dma_wait3A_969 : memref<1x112xi32, #tpu.memory_space<vmem>> -> memref<112xi32, #tpu.memory_space<vmem>>
      %dma_wait3A_971 = arith.constant 0 : i32
      %dma_wait3A_972 = arith.constant 0 : i32
      %dma_wait3A_973 = tpu.memref_slice %arg24[%dma_wait3A_971, %dma_wait3A_972] : memref<3136x16xf32, #tpu.memory_space<vmem_shared>> -> memref<3136x16xf32, #tpu.memory_space<vmem_shared>>
      tpu.wait_indirect_dma semaphore(%arg29 : memref<!tpu.dma_semaphore, #tpu.memory_space<semaphore_mem>>) src(%dma_wait3A_967 : memref<112x16xf32, #tpu.memory_space<vmem>>) dst(%dma_wait3A_973 : memref<3136x16xf32, #tpu.memory_space<vmem_shared>>)
      %dma_wait3A_974 = arith.constant 23 : i32
      %dma_wait3A_975 = arith.constant 2576 : i32
      %dma_wait3A_976 = arith.constant 0 : i32
      %dma_wait3A_977 = tpu.memref_slice %arg12[%dma_wait3A_975, %dma_wait3A_976] : memref<3136x16xf32, #tpu.memory_space<vmem>> -> memref<112x16xf32, #tpu.memory_space<vmem>>
      %dma_wait3A_978 = arith.constant 0 : i32
      %dma_wait3A_979 = tpu.memref_slice %arg19[%dma_wait3A_974, %dma_wait3A_978] : memref<28x112xi32, #tpu.memory_space<vmem>> -> memref<1x112xi32, #tpu.memory_space<vmem>>
      %dma_wait3A_980 = tpu.memref_squeeze %dma_wait3A_979 : memref<1x112xi32, #tpu.memory_space<vmem>> -> memref<112xi32, #tpu.memory_space<vmem>>
      %dma_wait3A_981 = arith.constant 0 : i32
      %dma_wait3A_982 = arith.constant 0 : i32
      %dma_wait3A_983 = tpu.memref_slice %arg24[%dma_wait3A_981, %dma_wait3A_982] : memref<3136x16xf32, #tpu.memory_space<vmem_shared>> -> memref<3136x16xf32, #tpu.memory_space<vmem_shared>>
      tpu.wait_indirect_dma semaphore(%arg29 : memref<!tpu.dma_semaphore, #tpu.memory_space<semaphore_mem>>) src(%dma_wait3A_977 : memref<112x16xf32, #tpu.memory_space<vmem>>) dst(%dma_wait3A_983 : memref<3136x16xf32, #tpu.memory_space<vmem_shared>>)
      %dma_wait3A_984 = arith.constant 24 : i32
      %dma_wait3A_985 = arith.constant 2688 : i32
      %dma_wait3A_986 = arith.constant 0 : i32
      %dma_wait3A_987 = tpu.memref_slice %arg12[%dma_wait3A_985, %dma_wait3A_986] : memref<3136x16xf32, #tpu.memory_space<vmem>> -> memref<112x16xf32, #tpu.memory_space<vmem>>
      %dma_wait3A_988 = arith.constant 0 : i32
      %dma_wait3A_989 = tpu.memref_slice %arg19[%dma_wait3A_984, %dma_wait3A_988] : memref<28x112xi32, #tpu.memory_space<vmem>> -> memref<1x112xi32, #tpu.memory_space<vmem>>
      %dma_wait3A_990 = tpu.memref_squeeze %dma_wait3A_989 : memref<1x112xi32, #tpu.memory_space<vmem>> -> memref<112xi32, #tpu.memory_space<vmem>>
      %dma_wait3A_991 = arith.constant 0 : i32
      %dma_wait3A_992 = arith.constant 0 : i32
      %dma_wait3A_993 = tpu.memref_slice %arg24[%dma_wait3A_991, %dma_wait3A_992] : memref<3136x16xf32, #tpu.memory_space<vmem_shared>> -> memref<3136x16xf32, #tpu.memory_space<vmem_shared>>
      tpu.wait_indirect_dma semaphore(%arg29 : memref<!tpu.dma_semaphore, #tpu.memory_space<semaphore_mem>>) src(%dma_wait3A_987 : memref<112x16xf32, #tpu.memory_space<vmem>>) dst(%dma_wait3A_993 : memref<3136x16xf32, #tpu.memory_space<vmem_shared>>)
      %dma_wait3A_994 = arith.constant 25 : i32
      %dma_wait3A_995 = arith.constant 2800 : i32
      %dma_wait3A_996 = arith.constant 0 : i32
      %dma_wait3A_997 = tpu.memref_slice %arg12[%dma_wait3A_995, %dma_wait3A_996] : memref<3136x16xf32, #tpu.memory_space<vmem>> -> memref<112x16xf32, #tpu.memory_space<vmem>>
      %dma_wait3A_998 = arith.constant 0 : i32
      %dma_wait3A_999 = tpu.memref_slice %arg19[%dma_wait3A_994, %dma_wait3A_998] : memref<28x112xi32, #tpu.memory_space<vmem>> -> memref<1x112xi32, #tpu.memory_space<vmem>>
      %dma_wait3A_1000 = tpu.memref_squeeze %dma_wait3A_999 : memref<1x112xi32, #tpu.memory_space<vmem>> -> memref<112xi32, #tpu.memory_space<vmem>>
      %dma_wait3A_1001 = arith.constant 0 : i32
      %dma_wait3A_1002 = arith.constant 0 : i32
      %dma_wait3A_1003 = tpu.memref_slice %arg24[%dma_wait3A_1001, %dma_wait3A_1002] : memref<3136x16xf32, #tpu.memory_space<vmem_shared>> -> memref<3136x16xf32, #tpu.memory_space<vmem_shared>>
      tpu.wait_indirect_dma semaphore(%arg29 : memref<!tpu.dma_semaphore, #tpu.memory_space<semaphore_mem>>) src(%dma_wait3A_997 : memref<112x16xf32, #tpu.memory_space<vmem>>) dst(%dma_wait3A_1003 : memref<3136x16xf32, #tpu.memory_space<vmem_shared>>)
      %dma_wait3A_1004 = arith.constant 26 : i32
      %dma_wait3A_1005 = arith.constant 2912 : i32
      %dma_wait3A_1006 = arith.constant 0 : i32
      %dma_wait3A_1007 = tpu.memref_slice %arg12[%dma_wait3A_1005, %dma_wait3A_1006] : memref<3136x16xf32, #tpu.memory_space<vmem>> -> memref<112x16xf32, #tpu.memory_space<vmem>>
      %dma_wait3A_1008 = arith.constant 0 : i32
      %dma_wait3A_1009 = tpu.memref_slice %arg19[%dma_wait3A_1004, %dma_wait3A_1008] : memref<28x112xi32, #tpu.memory_space<vmem>> -> memref<1x112xi32, #tpu.memory_space<vmem>>
      %dma_wait3A_1010 = tpu.memref_squeeze %dma_wait3A_1009 : memref<1x112xi32, #tpu.memory_space<vmem>> -> memref<112xi32, #tpu.memory_space<vmem>>
      %dma_wait3A_1011 = arith.constant 0 : i32
      %dma_wait3A_1012 = arith.constant 0 : i32
      %dma_wait3A_1013 = tpu.memref_slice %arg24[%dma_wait3A_1011, %dma_wait3A_1012] : memref<3136x16xf32, #tpu.memory_space<vmem_shared>> -> memref<3136x16xf32, #tpu.memory_space<vmem_shared>>
      tpu.wait_indirect_dma semaphore(%arg29 : memref<!tpu.dma_semaphore, #tpu.memory_space<semaphore_mem>>) src(%dma_wait3A_1007 : memref<112x16xf32, #tpu.memory_space<vmem>>) dst(%dma_wait3A_1013 : memref<3136x16xf32, #tpu.memory_space<vmem_shared>>)
      %dma_wait3A_1014 = arith.constant 27 : i32
      %dma_wait3A_1015 = arith.constant 3024 : i32
      %dma_wait3A_1016 = arith.constant 0 : i32
      %dma_wait3A_1017 = tpu.memref_slice %arg12[%dma_wait3A_1015, %dma_wait3A_1016] : memref<3136x16xf32, #tpu.memory_space<vmem>> -> memref<112x16xf32, #tpu.memory_space<vmem>>
      %dma_wait3A_1018 = arith.constant 0 : i32
      %dma_wait3A_1019 = tpu.memref_slice %arg19[%dma_wait3A_1014, %dma_wait3A_1018] : memref<28x112xi32, #tpu.memory_space<vmem>> -> memref<1x112xi32, #tpu.memory_space<vmem>>
      %dma_wait3A_1020 = tpu.memref_squeeze %dma_wait3A_1019 : memref<1x112xi32, #tpu.memory_space<vmem>> -> memref<112xi32, #tpu.memory_space<vmem>>
      %dma_wait3A_1021 = arith.constant 0 : i32
      %dma_wait3A_1022 = arith.constant 0 : i32
      %dma_wait3A_1023 = tpu.memref_slice %arg24[%dma_wait3A_1021, %dma_wait3A_1022] : memref<3136x16xf32, #tpu.memory_space<vmem_shared>> -> memref<3136x16xf32, #tpu.memory_space<vmem_shared>>
      tpu.wait_indirect_dma semaphore(%arg29 : memref<!tpu.dma_semaphore, #tpu.memory_space<semaphore_mem>>) src(%dma_wait3A_1017 : memref<112x16xf32, #tpu.memory_space<vmem>>) dst(%dma_wait3A_1023 : memref<3136x16xf32, #tpu.memory_space<vmem_shared>>)
    } else {
    }
    %barrier3A_461 = arith.constant 0 : index
    tpu.barrier barrier_id(%barrier3A_461)
    %mul3A_462 = arith.constant 196 : i32
    %mul3A_463 = arith.muli %arg1, %mul3A_462 : i32
    "tpu.region"() ({
      %run_scoped3A = tpu.sem_alloc : memref<!tpu.dma_semaphore, #tpu.memory_space<semaphore_mem>>
      %dma_start3A_464 = arith.constant 0 : i32
      %dma_start3A_465 = arith.constant 0 : i32
      %dma_start3A_466 = tpu.memref_slice %arg10[%arg0, %arg1, %dma_start3A_464, %dma_start3A_465] : memref<2x16x196x16xf32, #tpu.memory_space<hbm>> -> memref<1x1x196x16xf32, #tpu.memory_space<hbm>>
      %dma_start3A_467 = tpu.memref_squeeze %dma_start3A_466 : memref<1x1x196x16xf32, #tpu.memory_space<hbm>> -> memref<196x16xf32, #tpu.memory_space<hbm>>
      %dma_start3A_468 = arith.constant 0 : i32
      %dma_start3A_469 = tpu.memref_slice %arg24[%mul3A_463, %dma_start3A_468] : memref<3136x16xf32, #tpu.memory_space<vmem_shared>> -> memref<196x16xf32, #tpu.memory_space<vmem_shared>>
      tpu.enqueue_dma source(%dma_start3A_469 : memref<196x16xf32, #tpu.memory_space<vmem_shared>>) target(%dma_start3A_467 : memref<196x16xf32, #tpu.memory_space<hbm>>) target_semaphore(%run_scoped3A : memref<!tpu.dma_semaphore, #tpu.memory_space<semaphore_mem>>)
      %dma_wait3A_470 = arith.constant 0 : i32
      %dma_wait3A_471 = arith.constant 0 : i32
      %dma_wait3A_472 = tpu.memref_slice %arg10[%arg0, %arg1, %dma_wait3A_470, %dma_wait3A_471] : memref<2x16x196x16xf32, #tpu.memory_space<hbm>> -> memref<1x1x196x16xf32, #tpu.memory_space<hbm>>
      %dma_wait3A_473 = tpu.memref_squeeze %dma_wait3A_472 : memref<1x1x196x16xf32, #tpu.memory_space<hbm>> -> memref<196x16xf32, #tpu.memory_space<hbm>>
      %dma_wait3A_474 = arith.constant 0 : i32
      %dma_wait3A_475 = tpu.memref_slice %arg24[%mul3A_463, %dma_wait3A_474] : memref<3136x16xf32, #tpu.memory_space<vmem_shared>> -> memref<196x16xf32, #tpu.memory_space<vmem_shared>>
      tpu.wait_dma2 semaphore(%run_scoped3A : memref<!tpu.dma_semaphore, #tpu.memory_space<semaphore_mem>>) src(%dma_wait3A_475 : memref<196x16xf32, #tpu.memory_space<vmem_shared>>) dst(%dma_wait3A_473 : memref<196x16xf32, #tpu.memory_space<hbm>>)
      tpu.yield
    }) : () -> ()
    return
  }
}

module attributes {stable_mosaic.version = 14 : i64} {
  func.func @_fc_body(%arg0: i32, %arg1: memref<8x10000xf32, #tpu.memory_space<vmem>>, %arg2: memref<8x10000xf32, #tpu.memory_space<vmem>>, %arg3: memref<1x400x10000xf32, #tpu.memory_space<vmem>>, %arg4: memref<1x1x400xf32, #tpu.memory_space<vmem>>, %arg5: memref<1x8x400xf32, #tpu.memory_space<vmem>>) attributes {dimension_semantics = [#tpu.dimension_semantics<arbitrary>], iteration_bounds = array<i64: 10>, scalar_prefetch = 0 : i64, scratch_operands = 0 : i64, tpu.core_type = #tpu.core_type<tc>, window_params = [{pipeline_mode = #tpu.pipeline_mode<synchronous>, transform_indices = @transform_0, window_bounds = array<i64: 8, 10000>}, {pipeline_mode = #tpu.pipeline_mode<synchronous>, transform_indices = @transform_1, window_bounds = array<i64: 8, 10000>}, {transform_indices = @transform_2, window_bounds = array<i64: 1, 400, 10000>}, {transform_indices = @transform_3, window_bounds = array<i64: 1, 1, 400>}, {transform_indices = @transform_4, window_bounds = array<i64: 1, 8, 400>}]} {
    %get3A = arith.constant 0 : index
    %get3A_0 = arith.constant 0 : index
    %get3A_1 = vector.load %arg1[%get3A, %get3A_0] : memref<8x10000xf32, #tpu.memory_space<vmem>>, vector<8x10000xf32>
    %get3A_2 = arith.constant 0 : index
    %get3A_3 = arith.constant 0 : index
    %get3A_4 = vector.load %arg2[%get3A_2, %get3A_3] : memref<8x10000xf32, #tpu.memory_space<vmem>>, vector<8x10000xf32>
    %add3A = arith.addf %get3A_1, %get3A_4 : vector<8x10000xf32>
    %get3A_5 = arith.constant 0 : index
    %get3A_6 = arith.constant 0 : index
    %get3A_7 = arith.constant 0 : index
    %get3A_8 = vector.load %arg3[%get3A_5, %get3A_6, %get3A_7] : memref<1x400x10000xf32, #tpu.memory_space<vmem>>, vector<1x400x10000xf32>
    %get3A_9 = vector.shape_cast %get3A_8 : vector<1x400x10000xf32> to vector<400x10000xf32>
    %dot_general3A = arith.constant dense<0.000000e+00> : vector<8x400xf32>
    %dot_general3A_10 = tpu.matmul %add3A, %get3A_9, %dot_general3A {dimension_numbers = #tpu.dot_dimension_numbers<[1], [1], [0], [0], [0, 0, 1, 0], [], []>, transpose_lhs_hint = false} : vector<8x10000xf32>, vector<400x10000xf32>, vector<8x400xf32> -> vector<8x400xf32>
    %get3A_11 = arith.constant 0 : index
    %get3A_12 = arith.constant 0 : index
    %get3A_13 = arith.constant 0 : index
    %get3A_14 = vector.load %arg4[%get3A_11, %get3A_12, %get3A_13] : memref<1x1x400xf32, #tpu.memory_space<vmem>>, vector<1x1x400xf32>
    %get3A_15 = vector.shape_cast %get3A_14 : vector<1x1x400xf32> to vector<1x400xf32>
    %add3A_16 = vector.broadcast %get3A_15 : vector<1x400xf32> to vector<8x400xf32>
    %add3A_17 = arith.addf %dot_general3A_10, %add3A_16 : vector<8x400xf32>
    %neg3A = arith.constant 0.000000e+00 : f32
    %neg3A_18 = vector.broadcast %neg3A : f32 to vector<8x400xf32>
    %neg3A_19 = arith.subf %neg3A_18, %add3A_17 : vector<8x400xf32>
    %exp3A = math.exp %neg3A_19 : vector<8x400xf32>
    %add3A_20 = arith.constant 1.000000e+00 : f32
    %add3A_21 = vector.broadcast %add3A_20 : f32 to vector<8x400xf32>
    %add3A_22 = arith.addf %add3A_21, %exp3A : vector<8x400xf32>
    %div3A = arith.constant 1.000000e+00 : f32
    %div3A_23 = vector.broadcast %div3A : f32 to vector<8x400xf32>
    %div3A_24 = arith.divf %div3A_23, %add3A_22 : vector<8x400xf32>
    %broadcast_in_dim3A = vector.shape_cast %div3A_24 : vector<8x400xf32> to vector<1x8x400xf32>
    %swap3A = arith.constant 0 : index
    %swap3A_25 = arith.constant 0 : index
    %swap3A_26 = arith.constant 0 : index
    %swap3A_27 = vector.load %arg5[%swap3A, %swap3A_25, %swap3A_26] : memref<1x8x400xf32, #tpu.memory_space<vmem>>, vector<1x8x400xf32>
    tpu.vector_store %arg5[%swap3A, %swap3A_25, %swap3A_26], %broadcast_in_dim3A {strides = array<i32>} : memref<1x8x400xf32, #tpu.memory_space<vmem>>, vector<1x8x400xf32>,
    return
  }
  func.func @transform_0(%arg0: i32) -> (i32, i32) {
    %c0_i32 = arith.constant 0 : i32
    %c0_i32_0 = arith.constant 0 : i32
    %c0_i32_1 = arith.constant 0 : i32
    return %c0_i32, %c0_i32_0 : i32, i32
  }
  func.func @transform_1(%arg0: i32) -> (i32, i32) {
    %c0_i32 = arith.constant 0 : i32
    %c0_i32_0 = arith.constant 0 : i32
    %c0_i32_1 = arith.constant 0 : i32
    return %c0_i32, %c0_i32_0 : i32, i32
  }
  func.func @transform_2(%arg0: i32) -> (i32, i32, i32) {
    %c0_i32 = arith.constant 0 : i32
    %c0_i32_0 = arith.constant 0 : i32
    %c0_i32_1 = arith.constant 0 : i32
    return %arg0, %c0_i32, %c0_i32_0 : i32, i32, i32
  }
  func.func @transform_3(%arg0: i32) -> (i32, i32, i32) {
    %c0_i32 = arith.constant 0 : i32
    %c0_i32_0 = arith.constant 0 : i32
    %c0_i32_1 = arith.constant 0 : i32
    return %arg0, %c0_i32, %c0_i32_0 : i32, i32, i32
  }
  func.func @transform_4(%arg0: i32) -> (i32, i32, i32) {
    %c0_i32 = arith.constant 0 : i32
    %c0_i32_0 = arith.constant 0 : i32
    %c0_i32_1 = arith.constant 0 : i32
    return %arg0, %c0_i32, %c0_i32_0 : i32, i32, i32
  }
}

</mosaic_0001>

<sc_bundles>
// kernel: closed_call.9.cloned.1.call-start
scs
__scs_entry_jumppad:
0x0: {  	(pc) =	sbr.rel $0x88, $3  }
0x1: {  	(tag) =	ssettag $0x0;
	lr =	simm.s32 $0x1  }
0x2: {  	[smem:$0x3F93] =	sst lr;
	_ =	strace $0xD0000000  }
0x3: {  	_ = 	snop  }
0x4: {  	_ = 	snop  }
0x5: {  	_ = 	snop  }
0x6: {  	_ = 	snop  }
0x7: {  	_ = 	snop  }
__scs_overlays_trampoline_lowered:
0x8: {  	[smem:$0x3FA2] =	sst s0  }
0x9: {  	[smem:$0x3FA3] =	sst s1  }
0xa: {  	[smem:$0x3FA4] =	sst s2  }
0xb: {  	[smem:$0x3FA5] =	sst s3  }
0xc: {  	[smem:$0x3FA6] =	sst s4  }
0xd: {  	[smem:$0x3FA7] =	sst s5  }
0xe: {  	[smem:$0x3FA8] =	sst s6  }
0xf: {  	[smem:$0x3FA9] =	sst s7  }
0x10: {  	[smem:$0x3FAA] =	sst s8  }
0x11: {  	[smem:$0x3FAB] =	sst s9;
	s0 =	simm.s32 @!p0 $0x0  }
0x12: {  	s1 =	sld [smem:$0x3F91];
	s0 =	simm.s32 @p0 $0x1  }
0x13: {  	[smem:$0x3FAC] =	sst s0;
	s0 =	simm.s32 @!p1 $0x0  }
0x14: {  	s2 =	sld [smem:$0x3F90];
	s0 =	simm.s32 @p1 $0x1  }
0x15: {  	[smem:$0x3FAD] =	sst s0;
	s0 =	simm.s32 @!p2 $0x0  }
0x16: {  	s3 =	sld [smem:$0x3FDB];
	s0 =	simm.s32 @p2 $0x1  }
0x17: {  	s4 =	simm.s32 $0x1BF5;
	[smem:$0x3FAF] =	sst s0  }
0x18: {  	s0 =	sld [smem:$0x3F92];
	_ =	swait.ge [sflag:s4], $0x0  }
0x19: {  	s7 =	sld [smem:$0x3F93]  }
0x1a: {  	s8 =	sadd.s32 $0xFFFFE003, lr  }
0x1b: {  	s9 =	sadd.s32 $0xFFFFFEF7, lr;
	s5 =	simm.s32 $0xFFFFFFFF;
	p2 =	slt.u32 s8, $0xFFFFF086  }
0x1c: {  	p1 =	slt.u32 s9, $0xF7A;
	s5 =	simm.s32 @!p2 $0x0  }
0x1d: {  	s5 =	simm.s32 @p1 $0x1;
	p0 =	seq.s32 s7, s2  }
0x1e: {  	s7 =	smul.u32 @!p0 $0xF7A, s2;
	p2 =	seq.s32 @!p0 s5, $0x0  }
0x1f: {  	s9 =	smul.u32 $0xF7A, s1;
	s8 =	simm.s32 @!p0 $0x1BF5;
	p2 =	por !p2, p0  }
0x20: {  	[sflag:s8] =	ssyncset.s32 @!p0 $0xFFFFF086;
	s6 =	sadd.s32 @!p0 s3, s7;
	s7 =	simm.s32 @!p0 $0x108  }
0x21: {  	s3 =	sadd.s32 s3, s9;
	s6 =	sadd.s32 @!p0 $0x88, s6;
	s7 =	simm.s32 @p2 $0x1082  }
0x22: {  	[simem:s7], [sflag:s8] =	dma.local @!p0 [hbm:s6], $0xF7A  }
0x23: {  	s9 =	sor.u32 $0xD0000000, s2;
	s6 =	simm.s32 $0x108;
	_ =	swait.ge @!p0 [sflag:s8], $0x0  }
0x24: {  	s3 =	sadd.s32 $0x88, s3;
	s6 =	simm.s32 @!p1 $0x1082;
	[sflag:s4] =	ssyncset.s32 $0xFFFFF086  }
0x25: {  	[simem:s6], [sflag:s4] =	dma.local [hbm:s3], $0xF7A  }
0x26: {  	[smem:$0x3F93] =	sst s1;
	(tag) =	ssettag s2;
	_ =	strace s9  }
0x27: {  	s1 =	sld [smem:$0x3FA3]  }
0x28: {  	s2 =	sld [smem:$0x3FA4]  }
0x29: {  	s4 =	sld [smem:$0x3FA6]  }
0x2a: {  	p0 =	seq.s32 s5, $0x0;
	s5 =	sld [smem:$0x3FA7]  }
0x2b: {  	s6 =	sld [smem:$0x3FA8]  }
0x2c: {  	s7 =	sld [smem:$0x3FA9]  }
0x2d: {  	s3 =	simm.s32 $0x108;
	s8 =	sld [smem:$0x3FAA]  }
0x2e: {  	s3 =	simm.s32 @!p0 $0x1082;
	s9 =	sld [smem:$0x3FAB]  }
0x2f: {  	lr =	sadd.s32 s0, s3;
	s0 =	sld [smem:$0x3FA2]  }
0x30: {  	s3 =	sld [smem:$0x3FA5]  }
0x31: {  	[smem:$0x3FAE] =	sst s10  }
0x32: {  	s10 =	sld [smem:$0x3FAC];
	_ =	sdelay $0x3  }
0x33: {  	p0 =	seq.s32 s10, $0x1;
	s10 =	sld [smem:$0x3FAE];
	_ =	sdelay $0x3  }
0x34: {  	[smem:$0x3FAE] =	sst s10  }
0x35: {  	s10 =	sld [smem:$0x3FAD];
	_ =	sdelay $0x3  }
0x36: {  	p1 =	seq.s32 s10, $0x1;
	s10 =	sld [smem:$0x3FAE];
	_ =	sdelay $0x3  }
0x37: {  	[smem:$0x3FAE] =	sst s10  }
0x38: {  	s10 =	sld [smem:$0x3FAF]  }
0x39: {  	_ = 	snop;
	(pc) =	sbr.ind lr, $3  }
0x3a: {  	_ = 	snop  }
0x3b: {  	_ = 	snop  }
0x3c: {  	p2 =	seq.s32 s10, $0x1;
	s10 =	sld [smem:$0x3FAE]  }
0x3d: {  	_ =	shalt  }
0x3e: {  	_ =	shalt  }
0x3f: {  	_ =	shalt  }
0x40: {  	_ =	shalt  }
0x41: {  	_ =	shalt  }
0x42: {  	_ =	shalt  }
0x43: {  	_ =	shalt  }
0x44: {  	_ =	shalt  }
0x45: {  	_ =	shalt  }
0x46: {  	_ =	shalt  }
0x47: {  	_ =	shalt  }
0x48: {  	_ =	shalt  }
0x49: {  	_ =	shalt  }
0x4a: {  	_ =	shalt  }
0x4b: {  	_ =	shalt  }
0x4c: {  	_ =	shalt  }
0x4d: {  	_ =	shalt  }
0x4e: {  	_ =	shalt  }
0x4f: {  	_ =	shalt  }
0x50: {  	_ =	shalt  }
0x51: {  	_ =	shalt  }
0x52: {  	_ =	shalt  }
0x53: {  	_ =	shalt  }
0x54: {  	_ =	shalt  }
0x55: {  	_ =	shalt  }
0x56: {  	_ =	shalt  }
0x57: {  	_ =	shalt  }
0x58: {  	_ =	shalt  }
0x59: {  	_ =	shalt  }
0x5a: {  	_ =	shalt  }
0x5b: {  	_ =	shalt  }
0x5c: {  	_ =	shalt  }
0x5d: {  	_ =	shalt  }
0x5e: {  	_ =	shalt  }
0x5f: {  	_ =	shalt  }
0x60: {  	_ =	shalt  }
0x61: {  	_ =	shalt  }
0x62: {  	_ =	shalt  }
0x63: {  	_ =	shalt  }
0x64: {  	_ =	shalt  }
0x65: {  	_ =	shalt  }
0x66: {  	_ =	shalt  }
0x67: {  	_ =	shalt  }
0x68: {  	_ =	shalt  }
0x69: {  	_ =	shalt  }
0x6a: {  	_ =	shalt  }
0x6b: {  	_ =	shalt  }
0x6c: {  	_ =	shalt  }
0x6d: {  	_ =	shalt  }
0x6e: {  	_ =	shalt  }
0x6f: {  	_ =	shalt  }
0x70: {  	_ =	shalt  }
0x71: {  	_ =	shalt  }
0x72: {  	_ =	shalt  }
0x73: {  	_ =	shalt  }
0x74: {  	_ =	shalt  }
0x75: {  	_ =	shalt  }
0x76: {  	_ =	shalt  }
0x77: {  	_ =	shalt  }
0x78: {  	_ =	shalt  }
0x79: {  	_ =	shalt  }
0x7a: {  	_ =	shalt  }
0x7b: {  	_ =	shalt  }
0x7c: {  	_ =	shalt  }
0x7d: {  	_ =	shalt  }
0x7e: {  	_ =	shalt  }
0x7f: {  	_ =	shalt  }
0x80: {  	_ =	shalt  }
0x81: {  	_ =	shalt  }
0x82: {  	_ =	shalt  }
0x83: {  	_ =	shalt  }
0x84: {  	_ =	shalt  }
0x85: {  	_ =	shalt  }
0x86: {  	_ =	shalt  }
0x87: {  	_ =	shalt  }
.Lfunc_end0:
.L_simem_size_0:
called_computation_lowered:
.L_overlay_start_0:
0x88: {  	s2 =	sld [smem:$0x3FD9]  }
0x89: {  	s3 =	sld [smem:$0x3FFE];
	_ =	sdelay $0x1  }
0x8a: {  	s1 =	srdreg.scid  }
0x8b: {  	s0 =	sand.u32 $0x1, s1  }
0x8c: {  	s17 =	sshll.u32 s0, $0xA;
	s2 =	sadd.s32 s3, s2  }
0x8d: {  	s2 =	sadd.s32 s2, s17  }
0x8e: {  	[smem:$0x3FBA] =	sst s2  }
0x8f: {  	_ = 	snop  }
0x90: {  	s2 =	sld [smem:$0x3FD0];
	(tm) =	ssettm $0x1  }
0x91: {  	s18 =	sld [smem:$0x3FFB];
	_ =	sdelay $0x3  }
0x92: {  	_ =	strace s18  }
0x93: {  	s3 =	sld [smem:$0x3FFC];
	_ =	sdelay $0x3  }
0x94: {  	_ =	strace s3  }
0x95: {  	s3 =	sld [smem:$0x3FFD];
	_ =	sdelay $0x3  }
0x96: {  	_ =	strace s3  }
0x97: {  	_ =	strace $0x8FFFFFFF  }
0x98: {  	s19 =	sld [smem:$0x3FDB];
	_ =	sdelay $0x1  }
0x99: {  	s4 =	simm.s32 $_scs_section_size  }
0x9a: {  	s5 =	simm.s32 $_size__tile_overlayer_lowered;
	s6 =	simm.s32 $_tile_overlayer_lowered  }
0x9b: {  	s22 =	simm.s32 $0x1BFF;
	s21 =	sshll.u32 s6, $0x1;
	s3 =	sadd.s32 s4, s19  }
0x9c: {  	s7 =	simm.s32 $0x0;
	s20 =	sshll.u32 s5, $0x1;
	s5 =	sadd.s32 s21, s3  }
0x9d: {  	[timem:s7], [sflag:s22] =	dma.local [hbm:s5], s20  }
0x9e: {  	_ =	swait.ge [sflag:s22], s20  }
0x9f: {  	s4 =	ssub.s32 $0x0, s20;
	[sflag:s22] =	ssyncset.done $0x0  }
0xa0: {  	[sflag:s22] =	ssyncadd.s32 s4;
	_ =	sdelay $0x1  }
0xa1: {  	s23 =	simm.s32 $0x1B8B  }
0xa2: {  	_ =	swait.ge [sflag:s23], $0x1  }
0xa3: {  	[sflag:s23] =	ssyncset.done $0x0  }
0xa4: {  	s25 =	simm.s32 $0x1B8E;
	s24 =	sld [smem:$0x3FFE];
	[sflag:s23] =	ssyncadd.s32 $0xFFFFFFFF  }
0xa5: {  	s26 =	simm.s32 $execute0_lowered;
	[smem:$0x3FD2] =	sst s25  }
0xa6: {  	s5 =	sshll.u32 s26, $0x1;
	_ =	strace $0x80000046;
	[dreg:$0x1] =	wrdreg $0xFFFFFFFF  }
0xa7: {  	s28 =	simm.s32 $_size_execute0_lowered;
	s3 =	sadd.s32 s3, s5;
	[dreg:$0x0] =	wrdreg $0x0  }
0xa8: {  	s5 =	sshll.u32 s28, $0x1;
	[dreg:$0x2] =	wrdreg s3  }
0xa9: {  	[dreg:$0x3] =	wrdreg s5  }
0xaa: {  	[dreg:$0x4] =	wrdreg $0xC0  }
0xab: {  	_ =	task [dreg:s7], $0x5FFFF  }
0xac: {  	[dreg:$0x1] =	wrdreg $0xFFFFFFFF  }
0xad: {  	[dreg:$0x0] =	wrdreg $0x60  }
0xae: {  	[dreg:$0x2] =	wrdreg s24  }
0xaf: {  	[dreg:$0x3] =	wrdreg s2  }
0xb0: {  	[dreg:$0x4] =	wrdreg $0x1CC300  }
0xb1: {  	[dreg:$0x5] =	wrdreg $0x1D8700  }
0xb2: {  	[dreg:$0x6] =	wrdreg $0x9  }
0xb3: {  	_ =	task.clear_ibuf [dreg:s7], $0x7FFFF;
	_ =	strace $0x90000046  }
0xb4: {  	s29 =	simm.s32 $0x9;
	_ =	strace $0x80000048  }
0xb5: {  	_ =	swait.ge [sflag:s29], $0x1  }
0xb6: {  	[sflag:s29] =	ssyncadd.s32 $0xFFFFFFFF  }
0xb7: {  	_ =	strace $0x90000048  }
0xb8: {  	_ =	sfence  }
0xb9: {  	s30 =	sld [smem:$0x0];
	_ =	sdelay $0x2  }
0xba: {  	s31 =	sshll.u32 s1, $0xD;
	s1 =	sshrl.u32 s1, $0x2  }
0xbb: {  	s3 =	sand.u32 $0x4000, s31;
	s1 =	sadd.s32 s1, s30  }
0xbc: {  	s0 =	sor.u32 s3, s0;
	s1 =	sshll.u32 s1, $0x11  }
0xbd: {  	s0 =	sor.u32 s1, s0  }
0xbe: {  	s0 =	sadd.s32 $0x8F2B, s0  }
0xbf: {  	[sflag:s0] =	ssyncadd.remote.s32 $0x1  }
0xc0: {  	_ =	sfence.sel $0xFFFF  }
0xc1: {  	[dreg:$0x0] =	wrdreg $0xFFFFFFFF;
	(pc) =	sbr.abs _section_cstart, $3  }
0xc2: {  	[dreg:$0x1] =	wrdreg $0xFFFFFFFF  }
0xc3: {  	_ =	task.clear_ibuf [dreg:s7], $0x2FFFF;
	_ =	strace $0x9FFFFFFF  }
0xc4: {  	(tm) =	ssettm $0x7FFFFFFF  }
0xc5: {  	_ =	shalt  }
tec
execute0_lowered:
.L_overlay_start_1:
0x0: {  	(tag) =	ssettag $0x1  }
0x1: {  	s0 =	srdreg.scid  }
0x2: {  	s3 =	sand.u32 $0x1, s0  }
0x3: {  	s9 =	stileid.u32;
	s0 =	sshll.u32 s3, $0x4  }
0x4: {  	s2 =	sor.u32 s9, s0  }
0x5: {  	s1 =	simm.s32 $0x0;
	s2 =	smul.u32 $0xC350, s2  }
0x6: {  	[smem:$0x7FF] =	sst s1  }
0x7: {  	s7 =	ssub.s32 $0x2, s3;
	s0 =	rddreg [dreg:$0x0];
	s6 =	sshrl.u32 s2, $0x3  }
0x8: {  	s8 =	sshrl.u32 s7, $0x1;
	s4 =	sadd.s32 $0x31200, s0;
	s17 =	sadd.s32 $0xFA, s6  }
0x9: {  	s5 =	sadd.s32 $0x400, s0;
	s2 =	ssub.s32 s7, s8;
	s18 =	sadd.s32 s4, s17  }
0xa: {  	s19 =	sadd.s32 $0x1F4, s6;
	s7 =	sadd.s32 s5, s17;
	[dreg:$0x5] =	wrdreg s18  }
0xb: {  	s21 =	sadd.s32 $0x2EE, s6;
	s20 =	sadd.s32 s4, s19;
	[dreg:$0x6] =	wrdreg s7  }
0xc: {  	s23 =	sadd.s32 $0x3E8, s6;
	s22 =	sadd.s32 s4, s21;
	[dreg:$0x7] =	wrdreg s20  }
0xd: {  	s25 =	sadd.s32 $0x4E2, s6;
	s24 =	sadd.s32 s4, s23;
	[dreg:$0x9] =	wrdreg s22  }
0xe: {  	s10 =	sadd.s32 $0x5DC, s6;
	s26 =	sadd.s32 s4, s25;
	[dreg:$0xb] =	wrdreg s24  }
0xf: {  	s12 =	sadd.s32 $0x6D6, s6;
	s11 =	sadd.s32 s4, s10;
	[dreg:$0xd] =	wrdreg s26  }
0x10: {  	s14 =	sadd.s32 $0x7D0, s6;
	s13 =	sadd.s32 s4, s12;
	[dreg:$0xf] =	wrdreg s11  }
0x11: {  	s16 =	sadd.s32 $0x8CA, s6;
	s15 =	sadd.s32 s4, s14;
	[dreg:$0x11] =	wrdreg s13  }
0x12: {  	s17 =	sadd.s32 s4, s16;
	[dreg:$0x13] =	wrdreg s15  }
0x13: {  	s7 =	sadd.s32 s5, s19;
	[dreg:$0x15] =	wrdreg s17  }
0x14: {  	s18 =	sadd.s32 $0x9C4, s6;
	[dreg:$0x8] =	wrdreg s7;
	s7 =	sadd.s32 s5, s21  }
0x15: {  	s20 =	sadd.s32 $0xABE, s6;
	s19 =	sadd.s32 s4, s18;
	[dreg:$0xa] =	wrdreg s7  }
0x16: {  	s21 =	sadd.s32 s4, s20;
	[dreg:$0x17] =	wrdreg s19  }
0x17: {  	s22 =	sadd.s32 $0xBB8, s6;
	s7 =	sadd.s32 s5, s23;
	[dreg:$0x19] =	wrdreg s21  }
0x18: {  	s23 =	sadd.s32 s4, s22;
	[dreg:$0xc] =	wrdreg s7  }
0x19: {  	s24 =	sadd.s32 $0xCB2, s6;
	s7 =	sadd.s32 s5, s25;
	[dreg:$0x1b] =	wrdreg s23  }
0x1a: {  	s25 =	sadd.s32 s4, s24;
	[dreg:$0xe] =	wrdreg s7  }
0x1b: {  	s26 =	sadd.s32 $0xDAC, s6;
	s7 =	sadd.s32 s5, s10;
	[dreg:$0x1d] =	wrdreg s25  }
0x1c: {  	s10 =	sadd.s32 s4, s26;
	[dreg:$0x10] =	wrdreg s7  }
0x1d: {  	s11 =	sadd.s32 $0xEA6, s6;
	s7 =	sadd.s32 s5, s12;
	[dreg:$0x1f] =	wrdreg s10  }
0x1e: {  	s12 =	sadd.s32 s4, s11;
	[dreg:$0x12] =	wrdreg s7  }
0x1f: {  	s13 =	sadd.s32 $0xFA0, s6;
	s7 =	sadd.s32 s5, s14;
	[smem:$0x7E6] =	sst s12  }
0x20: {  	s14 =	sadd.s32 s4, s13;
	[dreg:$0x14] =	wrdreg s7  }
0x21: {  	s15 =	sadd.s32 $0x109A, s6;
	s7 =	sadd.s32 s5, s16;
	[smem:$0x7E8] =	sst s14  }
0x22: {  	s16 =	sadd.s32 s4, s15;
	[dreg:$0x16] =	wrdreg s7  }
0x23: {  	s14 =	sadd.s32 s5, s6;
	[smem:$0x7EA] =	sst s16  }
0x24: {  	s17 =	sadd.s32 $0x1194, s6;
	s7 =	sadd.s32 s5, s18;
	[smem:$0x7F9] =	sst s14  }
0x25: {  	s18 =	sadd.s32 s4, s17;
	[dreg:$0x18] =	wrdreg s7  }
0x26: {  	s19 =	sadd.s32 $0x128E, s6;
	s7 =	sadd.s32 s5, s20;
	[smem:$0x7EC] =	sst s18  }
0x27: {  	p1 =	sne.s32 s9, $0x0;
	s20 =	sadd.s32 s4, s19;
	[dreg:$0x1a] =	wrdreg s7  }
0x28: {  	s21 =	sadd.s32 $0x1388, s6;
	s7 =	sadd.s32 s5, s22;
	[smem:$0x7EE] =	sst s20  }
0x29: {  	p0 =	sne.s32 s3, $0x0;
	s22 =	sadd.s32 s4, s21;
	[dreg:$0x1c] =	wrdreg s7  }
0x2a: {  	s8 =	simm.s32 $0x1A080;
	s31 =	smax.u32 s2, $0x1;
	[smem:$0x7F0] =	sst s22  }
0x2b: {  	s23 =	sadd.s32 $0x1482, s6;
	s7 =	sadd.s32 s5, s24;
	s22 =	rddreg [dreg:$0x3]  }
0x2c: {  	s25 =	sadd.s32 $0x157C, s6;
	s24 =	sadd.s32 s4, s23;
	[dreg:$0x1e] =	wrdreg s7  }
0x2d: {  	s10 =	sadd.s32 $0x1676, s6;
	s7 =	sadd.s32 s5, s26;
	[smem:$0x7F2] =	sst s24  }
0x2e: {  	s12 =	smul.u32 $0xC40, s9;
	s26 =	sadd.s32 s4, s25;
	[smem:$0x7E5] =	sst s7  }
0x2f: {  	s14 =	simm.s32 $0x4;
	s7 =	sadd.s32 s5, s11;
	[smem:$0x7F4] =	sst s26  }
0x30: {  	s18 =	sshrl.u32 s12, $0x3;
	s11 =	sadd.s32 s4, s10;
	[smem:$0x7E7] =	sst s7  }
0x31: {  	s20 =	sadd.s32 $0x65800, s0;
	s7 =	sadd.s32 s5, s13;
	[smem:$0x7F6] =	sst s11  }
0x32: {  	s13 =	sadd.s32 s4, s6;
	s6 =	sadd.s32 $0x1770, s6;
	[smem:$0x7E9] =	sst s7  }
0x33: {  	s11 =	simm.s32 $0x1B7F0;
	s7 =	sadd.s32 s5, s15;
	[smem:$0x7F8] =	sst s13  }
0x34: {  	s15 =	smul.u32 $0xC400, s3;
	s4 =	sadd.s32 s4, s6;
	[smem:$0x7EB] =	sst s7  }
0x35: {  	s16 =	sadd.s32 s5, s6;
	s6 =	simm.s32 $0x1;
	[smem:$0x7FA] =	sst s4  }
0x36: {  	s13 =	simm.s32 $0xC400;
	s7 =	sadd.s32 s5, s17;
	[smem:$0x7FB] =	sst s16  }
0x37: {  	s4 =	sadd.s32 s18, s0;
	s16 =	simm.s32 $0x70;
	[smem:$0x7ED] =	sst s7  }
0x38: {  	s7 =	sadd.s32 s5, s19;
	s17 =	sadd.s32 s12, s15;
	s19 =	sadd.s32 $0x65400, s0  }
0x39: {  	s26 =	sadd.s32 $0x62000, s4;
	s28 =	sadd.s32 $0x63A00, s4;
	s4 =	simm.s32 $0x1CC00  }
0x3a: {  	s15 =	simm.s32 $0x5;
	[smem:$0x7EF] =	sst s7;
	s7 =	sadd.s32 s5, s21  }
0x3b: {  	s3 =	sshrl.u32 s17, $0x3;
	s21 =	smul.u32 $0x3100, s9;
	s9 =	simm.s32 $0x1B020  }
0x3c: {  	s17 =	simm.s32 $0x0;
	[smem:$0x7F1] =	sst s7;
	s7 =	sadd.s32 s5, s23  }
0x3d: {  	s3 =	sadd.s32 s3, s0;
	[smem:$0x7F3] =	sst s7;
	s7 =	sadd.s32 s5, s25  }
0x3e: {  	s25 =	sadd.s32 $0x65600, s0;
	s30 =	sadd.s32 $0x65A00, s3;
	[smem:$0x7F5] =	sst s7  }
0x3f: {  	s23 =	sshrl.u32 s21, $0x2;
	s7 =	sadd.s32 s5, s10;
	s10 =	rddreg [dreg:$0x2]  }
.Ltmp0:
0x40: {  	s24 =	sadd.s32 s23, s22;
	s0 =	sor.u32 $0x20, s23;
	(pc) =	sbr.rel .LBB2_1-.Ltmp0, $4  }
0x41: {  	s2 =	sadd.s32 $0xC420, s23;
	s5 =	simm.s32 $0x6;
	s23 =	simm.s32 $0x18800  }
0x42: {  	[smem:$0x7F7] =	sst s7;
	s29 =	sadd.s32 s12, s10;
	s3 =	sshrl.u32 s24, $0x3  }
0x43: {  	s7 =	simm.s32 $0x2;
	_ =	strace $0x80000047;
	[smem:$0x7FC] =	sst s19  }
0x44: {  	v0 =	vimm.f32 $0.0e+00;
	s10 =	simm.s32 $0x1A850;
	s12 =	simm.s32 $0x3;
	[smem:$0x7FD] =	sst s20  }
.LBB2_108:
0x45: {  	v4 =	vmul.f32 v4, v2  }
0x46: {  	v2 =	vmul.f32 v3, v2  }
0x47: {  	v3 =	vadd.f32 v4, v6  }
0x48: {  	v63 =	vadd.f32 v10, v1;
	v2 =	vadd.f32 v2, v7  }
0x49: {  	[tilespmem:s20+$0xFFFFFFE0] =	vst v9;
	v5 =	vadd.f32 v5, v8;
	v3 =	vadd.f32 v3, v1  }
0x4a: {  	[tilespmem:s18+$0x10] =	vst v63;
	v2 =	vadd.f32 v2, v1  }
0x4b: {  	v1 =	vadd.f32 v5, v1;
	[tilespmem:s18+$0xFFFFFFF0] =	vst v3  }
0x4c: {  	[tilespmem:s18+$0x0] =	vst v2  }
0x4d: {  	[tilespmem:s18+$0xFFFFFFE0] =	vst v1  }
.LBB2_109:
.Ltmp1:
0x4e: {  	(pc) =	sbr.rel @!p1 .LBB2_110-.Ltmp1, $4  }
0x4f: {  	_ = 	snop  }
0x50: {  	_ =	swait.ge [sflag:s15], $0xC40  }
0x51: {  	[sflag:s15] =	ssyncset.done $0x0  }
0x52: {  	[sflag:s15] =	ssyncadd.s32 $0xFFFFF3C0  }
0x53: {  	[bflag:$0x0] =	sbarrier.arrive $0xFFFF;
	s18 =	simm.s32 $0x1BFC0  }
0x54: {  	[spmem:s22] =	stream.indirect.scatter.add.f32 [tilespmem:s13], [sflag:$0x5], $0x10, s18, s16, $0xb8;
	[tilespmem:$0x1E4B0] =	vst v63  }
0x55: {  	s24 =	simm.s32 $0x1C030;
	s19 =	simm.s32 $0xCB00  }
0x56: {  	[spmem:s22] =	stream.indirect.scatter.add.f32 [tilespmem:s19], [sflag:$0x5], $0x10, s24, s16, $0xb8;
	[tilespmem:$0x1E4B0] =	vst v63  }
0x57: {  	s20 =	simm.s32 $0xD200;
	s19 =	simm.s32 $0x1C0A0  }
0x58: {  	[spmem:s22] =	stream.indirect.scatter.add.f32 [tilespmem:s20], [sflag:$0x5], $0x10, s19, s16, $0xb8;
	[tilespmem:$0x1E4B0] =	vst v63  }
0x59: {  	s21 =	simm.s32 $0x1C110;
	s24 =	simm.s32 $0xD900  }
0x5a: {  	[spmem:s22] =	stream.indirect.scatter.add.f32 [tilespmem:s24], [sflag:$0x5], $0x10, s21, s16, $0xb8;
	[tilespmem:$0x1E4B0] =	vst v63  }
0x5b: {  	s19 =	simm.s32 $0x1C180;
	s20 =	simm.s32 $0xE000  }
0x5c: {  	[spmem:s22] =	stream.indirect.scatter.add.f32 [tilespmem:s20], [sflag:$0x5], $0x10, s19, s16, $0xb8;
	[tilespmem:$0x1E4B0] =	vst v63  }
0x5d: {  	s21 =	simm.s32 $0x1C1F0;
	s24 =	simm.s32 $0xE700  }
0x5e: {  	[spmem:s22] =	stream.indirect.scatter.add.f32 [tilespmem:s24], [sflag:$0x5], $0x10, s21, s16, $0xb8;
	[tilespmem:$0x1E4B0] =	vst v63  }
0x5f: {  	s19 =	simm.s32 $0x1C260;
	s20 =	simm.s32 $0xEE00  }
0x60: {  	[spmem:s22] =	stream.indirect.scatter.add.f32 [tilespmem:s20], [sflag:$0x5], $0x10, s19, s16, $0xb8;
	[tilespmem:$0x1E4B0] =	vst v63  }
0x61: {  	s21 =	simm.s32 $0x1C2D0;
	s24 =	simm.s32 $0xF500  }
0x62: {  	[spmem:s22] =	stream.indirect.scatter.add.f32 [tilespmem:s24], [sflag:$0x5], $0x10, s21, s16, $0xb8;
	[tilespmem:$0x1E4B0] =	vst v63  }
0x63: {  	s19 =	simm.s32 $0x1C340;
	s20 =	simm.s32 $0xFC00  }
0x64: {  	[spmem:s22] =	stream.indirect.scatter.add.f32 [tilespmem:s20], [sflag:$0x5], $0x10, s19, s16, $0xb8;
	[tilespmem:$0x1E4B0] =	vst v63  }
0x65: {  	s21 =	simm.s32 $0x1C3B0;
	s24 =	simm.s32 $0x10300  }
0x66: {  	[spmem:s22] =	stream.indirect.scatter.add.f32 [tilespmem:s24], [sflag:$0x5], $0x10, s21, s16, $0xb8;
	[tilespmem:$0x1E4B0] =	vst v63  }
0x67: {  	s19 =	simm.s32 $0x1C420;
	s20 =	simm.s32 $0x10A00  }
0x68: {  	[spmem:s22] =	stream.indirect.scatter.add.f32 [tilespmem:s20], [sflag:$0x5], $0x10, s19, s16, $0xb8;
	[tilespmem:$0x1E4B0] =	vst v63  }
0x69: {  	s21 =	simm.s32 $0x1C490;
	s24 =	simm.s32 $0x11100  }
0x6a: {  	[spmem:s22] =	stream.indirect.scatter.add.f32 [tilespmem:s24], [sflag:$0x5], $0x10, s21, s16, $0xb8;
	[tilespmem:$0x1E4B0] =	vst v63  }
0x6b: {  	s19 =	simm.s32 $0x1C500;
	s20 =	simm.s32 $0x11800  }
0x6c: {  	[spmem:s22] =	stream.indirect.scatter.add.f32 [tilespmem:s20], [sflag:$0x5], $0x10, s19, s16, $0xb8;
	[tilespmem:$0x1E4B0] =	vst v63  }
0x6d: {  	s21 =	simm.s32 $0x1C570;
	s24 =	simm.s32 $0x11F00  }
0x6e: {  	[spmem:s22] =	stream.indirect.scatter.add.f32 [tilespmem:s24], [sflag:$0x5], $0x10, s21, s16, $0xb8;
	[tilespmem:$0x1E4B0] =	vst v63  }
0x6f: {  	s19 =	simm.s32 $0x1C5E0;
	s20 =	simm.s32 $0x12600  }
0x70: {  	[spmem:s22] =	stream.indirect.scatter.add.f32 [tilespmem:s20], [sflag:$0x5], $0x10, s19, s16, $0xb8;
	[tilespmem:$0x1E4B0] =	vst v63  }
0x71: {  	s21 =	simm.s32 $0x1C650;
	s24 =	simm.s32 $0x12D00  }
0x72: {  	[spmem:s22] =	stream.indirect.scatter.add.f32 [tilespmem:s24], [sflag:$0x5], $0x10, s21, s16, $0xb8;
	[tilespmem:$0x1E4B0] =	vst v63  }
0x73: {  	s19 =	simm.s32 $0x1C6C0;
	s20 =	simm.s32 $0x13400  }
0x74: {  	[spmem:s22] =	stream.indirect.scatter.add.f32 [tilespmem:s20], [sflag:$0x5], $0x10, s19, s16, $0xb8;
	[tilespmem:$0x1E4B0] =	vst v63  }
0x75: {  	s21 =	simm.s32 $0x1C730;
	s24 =	simm.s32 $0x13B00  }
0x76: {  	[spmem:s22] =	stream.indirect.scatter.add.f32 [tilespmem:s24], [sflag:$0x5], $0x10, s21, s16, $0xb8;
	[tilespmem:$0x1E4B0] =	vst v63  }
0x77: {  	s19 =	simm.s32 $0x1C7A0;
	s20 =	simm.s32 $0x14200  }
0x78: {  	[spmem:s22] =	stream.indirect.scatter.add.f32 [tilespmem:s20], [sflag:$0x5], $0x10, s19, s16, $0xb8;
	[tilespmem:$0x1E4B0] =	vst v63  }
0x79: {  	s21 =	simm.s32 $0x1C810;
	s24 =	simm.s32 $0x14900  }
0x7a: {  	[spmem:s22] =	stream.indirect.scatter.add.f32 [tilespmem:s24], [sflag:$0x5], $0x10, s21, s16, $0xb8;
	[tilespmem:$0x1E4B0] =	vst v63  }
0x7b: {  	s19 =	simm.s32 $0x1C880;
	s20 =	simm.s32 $0x15000  }
0x7c: {  	[spmem:s22] =	stream.indirect.scatter.add.f32 [tilespmem:s20], [sflag:$0x5], $0x10, s19, s16, $0xb8;
	[tilespmem:$0x1E4B0] =	vst v63  }
0x7d: {  	s21 =	simm.s32 $0x1C8F0;
	s24 =	simm.s32 $0x15700  }
0x7e: {  	[spmem:s22] =	stream.indirect.scatter.add.f32 [tilespmem:s24], [sflag:$0x5], $0x10, s21, s16, $0xb8;
	[tilespmem:$0x1E4B0] =	vst v63  }
0x7f: {  	s19 =	simm.s32 $0x1C960;
	s20 =	simm.s32 $0x15E00  }
0x80: {  	[spmem:s22] =	stream.indirect.scatter.add.f32 [tilespmem:s20], [sflag:$0x5], $0x10, s19, s16, $0xb8;
	[tilespmem:$0x1E4B0] =	vst v63  }
0x81: {  	s21 =	simm.s32 $0x1C9D0;
	s24 =	simm.s32 $0x16500  }
0x82: {  	[spmem:s22] =	stream.indirect.scatter.add.f32 [tilespmem:s24], [sflag:$0x5], $0x10, s21, s16, $0xb8;
	[tilespmem:$0x1E4B0] =	vst v63  }
0x83: {  	s19 =	simm.s32 $0x1CA40;
	s20 =	simm.s32 $0x16C00  }
0x84: {  	[spmem:s22] =	stream.indirect.scatter.add.f32 [tilespmem:s20], [sflag:$0x5], $0x10, s19, s16, $0xb8;
	[tilespmem:$0x1E4B0] =	vst v63  }
0x85: {  	s21 =	simm.s32 $0x1CAB0;
	s24 =	simm.s32 $0x17300  }
0x86: {  	[spmem:s22] =	stream.indirect.scatter.add.f32 [tilespmem:s24], [sflag:$0x5], $0x10, s21, s16, $0xb8;
	[tilespmem:$0x1E4B0] =	vst v63  }
0x87: {  	s19 =	simm.s32 $0x1CB20;
	s20 =	simm.s32 $0x17A00  }
0x88: {  	[spmem:s22] =	stream.indirect.scatter.add.f32 [tilespmem:s20], [sflag:$0x5], $0x10, s19, s16, $0xb8;
	[tilespmem:$0x1E4B0] =	vst v63  }
0x89: {  	s21 =	simm.s32 $0x1CB90;
	s24 =	simm.s32 $0x18100  }
0x8a: {  	[spmem:s22] =	stream.indirect.scatter.add.f32 [tilespmem:s24], [sflag:$0x5], $0x10, s21, s16, $0xb8;
	[tilespmem:$0x1E4B0] =	vst v63  }
0x8b: {  	_ =	swait.ge [sflag:s15], $0x700  }
0x8c: {  	[sflag:s15] =	ssyncset.done $0x0  }
0x8d: {  	[sflag:s15] =	ssyncadd.s32 $0xFFFFF900  }
0x8e: {  	_ =	swait.ge [sflag:s15], $0x700  }
0x8f: {  	[sflag:s15] =	ssyncset.done $0x0  }
0x90: {  	[sflag:s15] =	ssyncadd.s32 $0xFFFFF900  }
0x91: {  	_ =	swait.ge [sflag:s15], $0x700  }
0x92: {  	[sflag:s15] =	ssyncset.done $0x0  }
0x93: {  	[sflag:s15] =	ssyncadd.s32 $0xFFFFF900  }
0x94: {  	_ =	swait.ge [sflag:s15], $0x700  }
0x95: {  	[sflag:s15] =	ssyncset.done $0x0  }
0x96: {  	[sflag:s15] =	ssyncadd.s32 $0xFFFFF900  }
0x97: {  	_ =	swait.ge [sflag:s15], $0x700  }
0x98: {  	[sflag:s15] =	ssyncset.done $0x0  }
0x99: {  	[sflag:s15] =	ssyncadd.s32 $0xFFFFF900  }
0x9a: {  	_ =	swait.ge [sflag:s15], $0x700  }
0x9b: {  	[sflag:s15] =	ssyncset.done $0x0  }
0x9c: {  	[sflag:s15] =	ssyncadd.s32 $0xFFFFF900  }
0x9d: {  	_ =	swait.ge [sflag:s15], $0x700  }
0x9e: {  	[sflag:s15] =	ssyncset.done $0x0  }
0x9f: {  	[sflag:s15] =	ssyncadd.s32 $0xFFFFF900  }
0xa0: {  	_ =	swait.ge [sflag:s15], $0x700  }
0xa1: {  	[sflag:s15] =	ssyncset.done $0x0  }
0xa2: {  	[sflag:s15] =	ssyncadd.s32 $0xFFFFF900  }
0xa3: {  	_ =	swait.ge [sflag:s15], $0x700  }
0xa4: {  	[sflag:s15] =	ssyncset.done $0x0  }
0xa5: {  	[sflag:s15] =	ssyncadd.s32 $0xFFFFF900  }
0xa6: {  	_ =	swait.ge [sflag:s15], $0x700  }
0xa7: {  	[sflag:s15] =	ssyncset.done $0x0  }
0xa8: {  	[sflag:s15] =	ssyncadd.s32 $0xFFFFF900  }
0xa9: {  	_ =	swait.ge [sflag:s15], $0x700  }
0xaa: {  	[sflag:s15] =	ssyncset.done $0x0  }
0xab: {  	[sflag:s15] =	ssyncadd.s32 $0xFFFFF900  }
0xac: {  	_ =	swait.ge [sflag:s15], $0x700  }
0xad: {  	[sflag:s15] =	ssyncset.done $0x0  }
0xae: {  	[sflag:s15] =	ssyncadd.s32 $0xFFFFF900  }
0xaf: {  	_ =	swait.ge [sflag:s15], $0x700  }
0xb0: {  	[sflag:s15] =	ssyncset.done $0x0  }
0xb1: {  	[sflag:s15] =	ssyncadd.s32 $0xFFFFF900  }
0xb2: {  	_ =	swait.ge [sflag:s15], $0x700  }
0xb3: {  	[sflag:s15] =	ssyncset.done $0x0  }
0xb4: {  	[sflag:s15] =	ssyncadd.s32 $0xFFFFF900  }
0xb5: {  	_ =	swait.ge [sflag:s15], $0x700  }
0xb6: {  	[sflag:s15] =	ssyncset.done $0x0  }
0xb7: {  	[sflag:s15] =	ssyncadd.s32 $0xFFFFF900  }
0xb8: {  	_ =	swait.ge [sflag:s15], $0x700  }
0xb9: {  	[sflag:s15] =	ssyncset.done $0x0  }
0xba: {  	[sflag:s15] =	ssyncadd.s32 $0xFFFFF900  }
0xbb: {  	_ =	swait.ge [sflag:s15], $0x700  }
0xbc: {  	[sflag:s15] =	ssyncset.done $0x0  }
0xbd: {  	[sflag:s15] =	ssyncadd.s32 $0xFFFFF900  }
0xbe: {  	_ =	swait.ge [sflag:s15], $0x700  }
0xbf: {  	[sflag:s15] =	ssyncset.done $0x0  }
0xc0: {  	[sflag:s15] =	ssyncadd.s32 $0xFFFFF900  }
0xc1: {  	_ =	swait.ge [sflag:s15], $0x700  }
0xc2: {  	[sflag:s15] =	ssyncset.done $0x0  }
0xc3: {  	[sflag:s15] =	ssyncadd.s32 $0xFFFFF900  }
0xc4: {  	_ =	swait.ge [sflag:s15], $0x700  }
0xc5: {  	[sflag:s15] =	ssyncset.done $0x0  }
0xc6: {  	[sflag:s15] =	ssyncadd.s32 $0xFFFFF900  }
0xc7: {  	_ =	swait.ge [sflag:s15], $0x700  }
0xc8: {  	[sflag:s15] =	ssyncset.done $0x0  }
0xc9: {  	[sflag:s15] =	ssyncadd.s32 $0xFFFFF900  }
0xca: {  	_ =	swait.ge [sflag:s15], $0x700  }
0xcb: {  	[sflag:s15] =	ssyncset.done $0x0  }
0xcc: {  	[sflag:s15] =	ssyncadd.s32 $0xFFFFF900  }
0xcd: {  	_ =	swait.ge [sflag:s15], $0x700  }
0xce: {  	[sflag:s15] =	ssyncset.done $0x0  }
0xcf: {  	[sflag:s15] =	ssyncadd.s32 $0xFFFFF900  }
0xd0: {  	_ =	swait.ge [sflag:s15], $0x700  }
0xd1: {  	[sflag:s15] =	ssyncset.done $0x0  }
0xd2: {  	[sflag:s15] =	ssyncadd.s32 $0xFFFFF900  }
0xd3: {  	_ =	swait.ge [sflag:s15], $0x700  }
0xd4: {  	[sflag:s15] =	ssyncset.done $0x0  }
0xd5: {  	[sflag:s15] =	ssyncadd.s32 $0xFFFFF900  }
0xd6: {  	_ =	swait.ge [sflag:s15], $0x700  }
0xd7: {  	[sflag:s15] =	ssyncset.done $0x0  }
0xd8: {  	[sflag:s15] =	ssyncadd.s32 $0xFFFFF900  }
0xd9: {  	_ =	swait.ge [sflag:s15], $0x700  }
0xda: {  	[sflag:s15] =	ssyncset.done $0x0  }
0xdb: {  	[sflag:s15] =	ssyncadd.s32 $0xFFFFF900  }
0xdc: {  	_ =	swait.ge [sflag:s15], $0x700  }
0xdd: {  	[sflag:s15] =	ssyncset.done $0x0  }
0xde: {  	[sflag:s15] =	ssyncadd.s32 $0xFFFFF900  }
.LBB2_112:
0xdf: {  	s18 =	stileid.u32;
	s17 =	sadd.s32 $0x1, s17  }
0xe0: {  	s18 =	sshll.u32 s18, $0x6;
	p2 =	sne.s32 s17, s31  }
.Ltmp2:
0xe1: {  	[bflag:$0x0] =	sbarrier.arrive $0xFFFF;
	s18 =	sor.u32 $0x1C06, s18;
	(pc) =	sbr.rel @!p2 .LBB2_113-.Ltmp2, $4  }
0xe2: {  	[hbm:s30], [sflag:s18] =	dma.local [spmem:s3], $0x188  }
0xe3: {  	_ =	swait.ge [sflag:s5], $0x188  }
0xe4: {  	[sflag:s5] =	ssyncset.done $0x0  }
0xe5: {  	[sflag:s5] =	ssyncadd.s32 $0xFFFFFE78  }
.LBB2_1:
0xe6: {  	s18 =	sld [smem:$0x7FC];
	_ =	sdelay $0x2  }
0xe7: {  	[tilespmem:s4], [sflag:$0x6] =	stream.linear.gather [hbm4b:s18+s1], $0x10, $0x38;
	[tilespmem:$0x1E4B0] =	vst v63  }
0xe8: {  	_ =	swait.ge [sflag:s5], $0x10  }
0xe9: {  	s24 =	sld [smem:$0x7FD]  }
0xea: {  	[sflag:s5] =	ssyncset.done $0x0  }
0xeb: {  	s19 =	simm.s32 $0x1CC10;
	[sflag:s5] =	ssyncadd.s32 $0xFFFFFFF0  }
0xec: {  	[tilespmem:s19], [sflag:$0x6] =	stream.linear.gather [hbm4b:s24+s1], $0x10, $0x38;
	[tilespmem:$0x1E4B0] =	vst v63  }
0xed: {  	_ =	swait.ge [sflag:s5], $0x10  }
0xee: {  	[sflag:s5] =	ssyncset.done $0x0  }
0xef: {  	s19 =	simm.s32 $0x1CC20;
	[sflag:s5] =	ssyncadd.s32 $0xFFFFFFF0  }
0xf0: {  	[tilespmem:s19], [sflag:$0x6] =	stream.linear.gather [hbm4b:s25+s1], $0x10, $0x38;
	[tilespmem:$0x1E4B0] =	vst v63  }
0xf1: {  	_ =	swait.ge [sflag:s5], $0x10  }
0xf2: {  	[sflag:s5] =	ssyncset.done $0x0  }
0xf3: {  	[sflag:s5] =	ssyncadd.s32 $0xFFFFFFF0  }
0xf4: {  	[tilespmem:s23], [sflag:$0x1] =	stream.linear.gather [hbm4b:s26+s1], $0xC40, $0x38;
	[tilespmem:$0x1E4B0] =	vst v63  }
0xf5: {  	s20 =	simm.s32 $0x19440  }
0xf6: {  	[tilespmem:s20], [sflag:$0x2] =	stream.linear.gather [hbm4b:s28+s1], $0xC40, $0x38;
	[tilespmem:$0x1E4B0] =	vst v63  }
0xf7: {  	s18 =	simm.s32 $0xC440;
	s24 =	simm.s32 $0x1BFC0;
	s21 =	rddreg [dreg:$0x1]  }
0xf8: {  	[tilespmem:s24], [sflag:$0x5] =	stream.linear.gather [hbm4b:s21+s1], $0xC40, $0x38;
	[tilespmem:$0x1E4B0] =	vst v63  }
0xf9: {  	[tilespmem:s18+$0xFFFFFFC0] =	vst v0  }
0xfa: {  	[tilespmem:s18+$0x30] =	vst v0  }
0xfb: {  	[tilespmem:s18+$0x20] =	vst v0  }
0xfc: {  	[tilespmem:s18+$0x10] =	vst v0  }
0xfd: {  	[tilespmem:s18+$0x0] =	vst v0  }
0xfe: {  	[tilespmem:s18+$0xFFFFFFF0] =	vst v0  }
0xff: {  	s19 =	simm.s32 $0x0;
	[tilespmem:s18+$0xFFFFFFE0] =	vst v0  }
.LBB2_2:
0x100: {  	s19 =	sadd.s32 $0x8, s19;
	[tilespmem:s18+$0xFFFFFFD0] =	vst v0;
	s18 =	sadd.s32 $0x80, s18  }
0x101: {  	[tilespmem:s18+$0xFFFFFFC0] =	vst v0;
	p2 =	slt.u32 s19, $0xC38  }
0x102: {  	[tilespmem:s18+$0x30] =	vst v0  }
.Ltmp3:
0x103: {  	[tilespmem:s18+$0x20] =	vst v0;
	(pc) =	sbr.rel @p2 .LBB2_2-.Ltmp3, $4  }
0x104: {  	[tilespmem:s18+$0x10] =	vst v0  }
0x105: {  	[tilespmem:s18+$0x0] =	vst v0  }
0x106: {  	[tilespmem:s18+$0xFFFFFFF0] =	vst v0  }
0x107: {  	[tilespmem:s18+$0xFFFFFFE0] =	vst v0  }
0x108: {  	[tilespmem:s18+$0xFFFFFFD0] =	vst v0  }
0x109: {  	_ =	swait.ge [sflag:s6], $0xC40  }
0x10a: {  	[sflag:s6] =	ssyncset.done $0x0  }
0x10b: {  	[sflag:s6] =	ssyncadd.s32 $0xFFFFF3C0  }
0x10c: {  	_ =	swait.ge [sflag:s7], $0xC40  }
0x10d: {  	[sflag:s7] =	ssyncset.done $0x0  }
0x10e: {  	s18 =	simm.s32 $0x18820;
	[sflag:s7] =	ssyncadd.s32 $0xFFFFF3C0  }
0x10f: {  	s19 =	simm.s32 $0x19460;
	v6 =	vld [tilespmem:s18+$0x10]  }
0x110: {  	v7 =	vld [tilespmem:s19+$0x10]  }
0x111: {  	v3 =	vld [tilespmem:s19+$0xFFFFFFE0]  }
0x112: {  	v1 =	vld [tilespmem:s18+$0xFFFFFFF0]  }
0x113: {  	v5 =	vld [tilespmem:s19+$0xFFFFFFF0]  }
0x114: {  	v2 =	vld [tilespmem:s18+$0x0]  }
0x115: {  	v4 =	vld [tilespmem:s19+$0x0];
	v7 =	vadd.f32 v7, v6  }
0x116: {  	s20 =	simm.s32 $0x0;
	s21 =	simm.s32 $0x18860;
	v6 =	vld [tilespmem:s18+$0xFFFFFFE0]  }
.LBB2_4:
0x117: {  	v8 =	vld [tilespmem:s21+$0x10];
	[tilespmem:s18+$0x10] =	vst v7;
	s19 =	sadd.s32 $0x40, s19  }
0x118: {  	s20 =	sadd.s32 $0x40, s20;
	v7 =	vld [tilespmem:s19+$0x10];
	v5 =	vadd.f32 v5, v1  }
0x119: {  	p2 =	slt.u32 s20, $0xC00;
	v9 =	vld [tilespmem:s19+$0xFFFFFFE0]  }
.Ltmp4:
0x11a: {  	v1 =	vld [tilespmem:s21+$0xFFFFFFF0];
	[tilespmem:s18+$0xFFFFFFF0] =	vst v5;
	v4 =	vadd.f32 v4, v2;
	(pc) =	sbr.rel @p2 .LBB2_4-.Ltmp4, $4  }
0x11b: {  	v5 =	vld [tilespmem:s19+$0xFFFFFFF0];
	v10 =	vadd.f32 v3, v6  }
0x11c: {  	v2 =	vld [tilespmem:s21+$0x0];
	[tilespmem:s18+$0x0] =	vst v4  }
0x11d: {  	v4 =	vld [tilespmem:s19+$0x0];
	v7 =	vadd.f32 v7, v8;
	[tilespmem:s18+$0xFFFFFFE0] =	vst v10;
	s18 =	smov.u32 s21  }
0x11e: {  	s21 =	sadd.s32 $0x40, s21;
	v6 =	vld [tilespmem:s18+$0xFFFFFFE0];
	v3 =	vmov v9  }
0x11f: {  	_ =	sdelay $0x1  }
0x120: {  	v1 =	vadd.f32 v5, v1  }
0x121: {  	[tilespmem:s18+$0x10] =	vst v7;
	v2 =	vadd.f32 v4, v2  }
0x122: {  	[tilespmem:s18+$0xFFFFFFF0] =	vst v1;
	v1 =	vadd.f32 v3, v6  }
0x123: {  	[tilespmem:s18+$0x0] =	vst v2  }
0x124: {  	[tilespmem:s18+$0xFFFFFFE0] =	vst v1  }
0x125: {  	[spmem:s29] =	stream.linear.scatter [tilespmem:s23], [sflag:$0x6], $0xC40, $0x38;
	[tilespmem:$0x1E4B0] =	vst v63  }
0x126: {  	_ =	swait.ge [sflag:s5], $0xC40  }
0x127: {  	[sflag:s5] =	ssyncset.done $0x0  }
0x128: {  	[sflag:s5] =	ssyncadd.s32 $0xFFFFF3C0  }
0x129: {  	[bflag:$0x0] =	sbarrier.arrive $0xFFFF  }
0x12a: {  	s19 =	rddreg [dreg:$0x2]  }
0x12b: {  	[tilespmem:s1], [sflag:$0x6] =	stream.linear.gather [spmem:s19], $0xC400, $0x38;
	[tilespmem:$0x1E4B0] =	vst v63  }
0x12c: {  	_ =	swait.ge [sflag:s5], $0xC400  }
0x12d: {  	s20 =	sld [smem:$0x7F8]  }
0x12e: {  	[sflag:s5] =	ssyncset.done $0x0  }
0x12f: {  	s21 =	sld [smem:$0x7F9];
	[sflag:s5] =	ssyncadd.s32 $0xFFFF3C00  }
0x130: {  	[tilespmem:s8], [sflag:$0x3] =	stream.linear.gather [hbm4b:s20+s1], $0x7D0, $0x38;
	[tilespmem:$0x1E4B0] =	vst v63  }
0x131: {  	_ = 	snop  }
0x132: {  	[tilespmem:s9], [sflag:$0x3] =	stream.linear.gather [hbm4b:s21+s1], $0x7D0, $0x38;
	[tilespmem:$0x1E4B0] =	vst v63  }
0x133: {  	s23 =	rddreg [dreg:$0x5]  }
0x134: {  	[tilespmem:s10], [sflag:$0x4] =	stream.linear.gather [hbm4b:s23+s1], $0x7D0, $0x38;
	[tilespmem:$0x1E4B0] =	vst v63  }
0x135: {  	s24 =	rddreg [dreg:$0x6]  }
0x136: {  	[tilespmem:s11], [sflag:$0x4] =	stream.linear.gather [hbm4b:s24+s1], $0x7D0, $0x38;
	[tilespmem:$0x1E4B0] =	vst v63  }
0x137: {  	_ =	swait.ge [sflag:s12], $0x7D0  }
0x138: {  	[sflag:s12] =	ssyncset.done $0x0  }
0x139: {  	[sflag:s12] =	ssyncadd.s32 $0xFFFFF830  }
0x13a: {  	_ =	swait.ge [sflag:s12], $0x7D0  }
0x13b: {  	[sflag:s12] =	ssyncset.done $0x0  }
0x13c: {  	s19 =	simm.s32 $0x1A0C0;
	[sflag:s12] =	ssyncadd.s32 $0xFFFFF830  }
0x13d: {  	v1 =	vld [tilespmem:s19+$0x30]  }
0x13e: {  	v2 =	vld [tilespmem:s19+$0xFFFFFFD0]  }
0x13f: {  	v3 =	vld [tilespmem:s19+$0xFFFFFFE0]  }
0x140: {  	v4 =	vld [tilespmem:s19+$0xFFFFFFF0]  }
0x141: {  	v5 =	vld [tilespmem:s19+$0x0]  }
0x142: {  	v7 =	vld [tilespmem:s19+$0x10]  }
0x143: {  	v9 =	vld [tilespmem:s19+$0xFFFFFFC0];
	v6 =	vshrl.u32 v1, $0x10  }
0x144: {  	s18 =	simm.s32 $0x1B060;
	v10 =	vld [tilespmem:s19+$0x20];
	v1 =	vand.u32 $0xFFFF, v1  }
0x145: {  	v12 =	vld [tilespmem:s18+$0x30]  }
0x146: {  	v17 =	vld [tilespmem:s18+$0xFFFFFFD0];
	v8 =	vshrl.u32 v2, $0x10  }
0x147: {  	v61 =	vld [tilespmem:s18+$0xFFFFFFE0];
	v2 =	vand.u32 $0xFFFF, v2  }
0x148: {  	v11 =	vshrl.u32 v3, $0x10;
	v6 =	vld.idx.msk [tilespmem:v6+s4+$0x0], $0xffff  }
0x149: {  	v3 =	vand.u32 $0xFFFF, v3;
	v1 =	vld.idx.msk [tilespmem:v1+s1+$0x0], $0xffff  }
0x14a: {  	v62 =	vld [tilespmem:s18+$0xFFFFFFF0];
	v14 =	vshrl.u32 v9, $0x10  }
0x14b: {  	v8 =	vld.idx.msk [tilespmem:v8+s4+$0x0], $0xffff  }
0x14c: {  	v2 =	vld.idx.msk [tilespmem:v2+s1+$0x0], $0xffff  }
0x14d: {  	v9 =	vand.u32 $0xFFFF, v9;
	v11 =	vld.idx.msk [tilespmem:v11+s4+$0x0], $0xffff  }
0x14e: {  	v13 =	vshrl.u32 v4, $0x10;
	v15 =	vld.idx.msk [tilespmem:v3+s1+$0x0], $0xffff;
	v1 =	vmul.f32 v1, v6  }
0x14f: {  	v4 =	vand.u32 $0xFFFF, v4;
	v14 =	vld.idx.msk [tilespmem:v14+s4+$0x0], $0xffff  }
0x150: {  	v3 =	vshrl.u32 v5, $0x10;
	[tilespmem:v12+s13+$0x0] =	vst.idx.add.f32.msk $0xffff, v1  }
0x151: {  	v59 =	vshrl.u32 v7, $0x10;
	v5 =	vand.u32 $0xFFFF, v5;
	v1 =	vand.u32 $0xFFFF, v7;
	v7 =	vld [tilespmem:s18+$0xFFFFFFC0]  }
0x152: {  	v6 =	vld.idx.msk [tilespmem:v9+s1+$0x0], $0xffff  }
0x153: {  	v13 =	vld.idx.msk [tilespmem:v13+s4+$0x0], $0xffff  }
0x154: {  	v4 =	vld.idx.msk [tilespmem:v4+s1+$0x0], $0xffff  }
0x155: {  	v60 =	vld.idx.msk [tilespmem:v3+s4+$0x0], $0xffff  }
0x156: {  	v5 =	vld.idx.msk [tilespmem:v5+s1+$0x0], $0xffff  }
0x157: {  	v9 =	vld.idx.msk [tilespmem:v59+s4+$0x0], $0xffff;
	v3 =	vand.u32 $0xFFFF, v10;
	v6 =	vmul.f32 v6, v14  }
0x158: {  	v16 =	vld.idx.msk [tilespmem:v1+s1+$0x0], $0xffff;
	v1 =	vshrl.u32 v10, $0x10  }
0x159: {  	v2 =	vmul.f32 v2, v8;
	[tilespmem:v7+s13+$0x0] =	vst.idx.add.f32.msk $0xffff, v6  }
0x15a: {  	v6 =	vld [tilespmem:s18+$0x0]  }
0x15b: {  	[tilespmem:v17+s13+$0x0] =	vst.idx.add.f32.msk $0xffff, v2  }
0x15c: {  	v63 =	vmul.f32 v15, v11;
	v18 =	vld.idx.msk [tilespmem:v3+s1+$0x0], $0xffff  }
0x15d: {  	v4 =	vmul.f32 v4, v13;
	v7 =	vld.idx.msk [tilespmem:v1+s4+$0x0], $0xffff  }
0x15e: {  	[tilespmem:v61+s13+$0x0] =	vst.idx.add.f32.msk $0xffff, v63  }
0x15f: {  	[tilespmem:v62+s13+$0x0] =	vst.idx.add.f32.msk $0xffff, v4  }
0x160: {  	v3 =	vld [tilespmem:s18+$0x10];
	v5 =	vmul.f32 v5, v60  }
0x161: {  	s20 =	simm.s32 $0x1B7A0;
	s21 =	simm.s32 $0x1A800;
	v1 =	vld [tilespmem:s18+$0x20]  }
0x162: {  	s23 =	simm.s32 $0x0;
	s24 =	simm.s32 $0x1A140;
	s19 =	simm.s32 $0x770;
	v4 =	vmul.f32 v16, v9;
	v2 =	vmul.f32 v18, v7;
	[tilespmem:v6+s13+$0x0] =	vst.idx.add.f32.msk $0xffff, v5  }
.LBB2_6:
0x163: {  	v5 =	vld [tilespmem:s24+$0x30]  }
0x164: {  	s23 =	sadd.s32 $0x80, s23;
	v6 =	vld [tilespmem:s24+$0xFFFFFFD0]  }
0x165: {  	p2 =	slt.u32 s23, $0x700;
	v7 =	vld [tilespmem:s24+$0xFFFFFFE0]  }
0x166: {  	v8 =	vld [tilespmem:s24+$0xFFFFFFF0]  }
0x167: {  	v9 =	vld [tilespmem:s24+$0x0]  }
0x168: {  	v10 =	vld [tilespmem:s24+$0x10];
	v11 =	vshrl.u32 v5, $0x10  }
0x169: {  	v5 =	vand.u32 $0xFFFF, v5;
	v12 =	vshrl.u32 v6, $0x10;
	v6 =	vand.u32 $0xFFFF, v6;
	v13 =	vld [tilespmem:s24+$0x20]  }
0x16a: {  	v14 =	vld [tilespmem:s24+$0xFFFFFFC0];
	v15 =	vshrl.u32 v7, $0x10;
	v7 =	vand.u32 $0xFFFF, v7  }
0x16b: {  	s18 =	sadd.s32 $0x80, s18;
	v16 =	vshrl.u32 v8, $0x10;
	v8 =	vand.u32 $0xFFFF, v8;
	[tilespmem:v3+s13+$0x0] =	vst.idx.add.f32.msk $0xffff, v4  }
0x16c: {  	v3 =	vshrl.u32 v9, $0x10;
	v4 =	vand.u32 $0xFFFF, v9;
	v9 =	vld [tilespmem:s18+$0x30]  }
0x16d: {  	v17 =	vshrl.u32 v10, $0x10;
	v10 =	vand.u32 $0xFFFF, v10;
	v11 =	vld.idx.msk [tilespmem:v11+s4+$0x0], $0xffff  }
0x16e: {  	v18 =	vshrl.u32 v13, $0x10;
	v13 =	vand.u32 $0xFFFF, v13;
	v5 =	vld.idx.msk [tilespmem:v5+s1+$0x0], $0xffff  }
0x16f: {  	v19 =	vshrl.u32 v14, $0x10;
	v14 =	vand.u32 $0xFFFF, v14;
	v12 =	vld.idx.msk [tilespmem:v12+s4+$0x0], $0xffff  }
0x170: {  	v6 =	vld.idx.msk [tilespmem:v6+s1+$0x0], $0xffff  }
0x171: {  	v15 =	vld.idx.msk [tilespmem:v15+s4+$0x0], $0xffff  }
0x172: {  	v7 =	vld.idx.msk [tilespmem:v7+s1+$0x0], $0xffff  }
0x173: {  	v16 =	vld.idx.msk [tilespmem:v16+s4+$0x0], $0xffff  }
0x174: {  	v5 =	vmul.f32 v5, v11;
	v19 =	vld.idx.msk [tilespmem:v19+s4+$0x0], $0xffff  }
0x175: {  	v11 =	vld.idx.msk [tilespmem:v14+s1+$0x0], $0xffff  }
0x176: {  	v6 =	vmul.f32 v6, v12;
	[tilespmem:v9+s13+$0x0] =	vst.idx.add.f32.msk $0xffff, v5  }
0x177: {  	v5 =	vld.idx.msk [tilespmem:v8+s1+$0x0], $0xffff  }
0x178: {  	v7 =	vmul.f32 v7, v15;
	v3 =	vld.idx.msk [tilespmem:v3+s4+$0x0], $0xffff  }
0x179: {  	v4 =	vld.idx.msk [tilespmem:v4+s1+$0x0], $0xffff  }
0x17a: {  	v8 =	vld.idx.msk [tilespmem:v17+s4+$0x0], $0xffff  }
0x17b: {  	v9 =	vmul.f32 v11, v19;
	v10 =	vld.idx.msk [tilespmem:v10+s1+$0x0], $0xffff  }
0x17c: {  	v11 =	vld.idx.msk [tilespmem:v18+s4+$0x0], $0xffff  }
0x17d: {  	v5 =	vmul.f32 v5, v16;
	v12 =	vld.idx.msk [tilespmem:v13+s1+$0x0], $0xffff  }
0x17e: {  	v13 =	vld [tilespmem:s18+$0xFFFFFFC0]  }
0x17f: {  	v15 =	vmul.f32 v4, v3;
	v14 =	vld [tilespmem:s18+$0xFFFFFFD0]  }
0x180: {  	v16 =	vld [tilespmem:s18+$0xFFFFFFE0]  }
0x181: {  	v4 =	vmul.f32 v10, v8;
	v17 =	vld [tilespmem:s18+$0xFFFFFFF0]  }
0x182: {  	v8 =	vld [tilespmem:s18+$0x0]  }
0x183: {  	v10 =	vmul.f32 v12, v11;
	v3 =	vld [tilespmem:s18+$0x10]  }
0x184: {  	v11 =	vld [tilespmem:s18+$0x20]  }
0x185: {  	[tilespmem:v1+s13+$0x0] =	vst.idx.add.f32.msk $0xffff, v2;
	v2 =	vmov v10  }
.Ltmp5:
0x186: {  	[tilespmem:v13+s13+$0x0] =	vst.idx.add.f32.msk $0xffff, v9;
	(pc) =	sbr.rel @p2 .LBB2_6-.Ltmp5, $4  }
0x187: {  	[tilespmem:v14+s13+$0x0] =	vst.idx.add.f32.msk $0xffff, v6  }
0x188: {  	[tilespmem:v16+s13+$0x0] =	vst.idx.add.f32.msk $0xffff, v7  }
0x189: {  	[tilespmem:v17+s13+$0x0] =	vst.idx.add.f32.msk $0xffff, v5;
	v1 =	vmov v11  }
0x18a: {  	s24 =	sadd.s32 $0x80, s24;
	[tilespmem:v8+s13+$0x0] =	vst.idx.add.f32.msk $0xffff, v15  }
0x18b: {  	_ =	sdelay $0x3  }
0x18c: {  	[tilespmem:v3+s13+$0x0] =	vst.idx.add.f32.msk $0xffff, v4  }
0x18d: {  	[tilespmem:v1+s13+$0x0] =	vst.idx.add.f32.msk $0xffff, v2  }
.LBB2_8:
0x18e: {  	v1 =	vld [tilespmem:s21+$0x0];
	_ =	sdelay $0x4  }
0x18f: {  	v2 =	vshrl.u32 v1, $0x10  }
0x190: {  	v1 =	vand.u32 $0xFFFF, v1;
	_ =	sdelay $0x2  }
0x191: {  	v3 =	vld [tilespmem:s20+$0x0]  }
0x192: {  	v2 =	vld.idx.msk [tilespmem:v2+s4+$0x0], $0xffff  }
0x193: {  	v1 =	vld.idx.msk [tilespmem:v1+s1+$0x0], $0xffff  }
0x194: {  	s19 =	sadd.s32 $0x10, s19  }
0x195: {  	p2 =	slt.u32 s19, $0x7C0  }
.Ltmp6:
0x196: {  	_ = 	snop;
	(pc) =	sbr.rel @p2 .LBB2_8-.Ltmp6, $3  }
0x197: {  	_ = 	snop  }
0x198: {  	v1 =	vmul.f32 v1, v2;
	_ =	sdelay $0x1  }
0x199: {  	s20 =	sadd.s32 $0x10, s20;
	s21 =	sadd.s32 $0x10, s21;
	[tilespmem:v3+s13+$0x0] =	vst.idx.add.f32.msk $0xffff, v1  }
0x19a: {  	s18 =	rddreg [dreg:$0x7]  }
0x19b: {  	[tilespmem:s8], [sflag:$0x3] =	stream.linear.gather [hbm4b:s18+s1], $0x7D0, $0x38;
	[tilespmem:$0x1E4B0] =	vst v63  }
0x19c: {  	s24 =	rddreg [dreg:$0x8]  }
0x19d: {  	[tilespmem:s9], [sflag:$0x3] =	stream.linear.gather [hbm4b:s24+s1], $0x7D0, $0x38;
	[tilespmem:$0x1E4B0] =	vst v63  }
0x19e: {  	_ =	swait.ge [sflag:s14], $0x7D0  }
0x19f: {  	[sflag:s14] =	ssyncset.done $0x0  }
0x1a0: {  	[sflag:s14] =	ssyncadd.s32 $0xFFFFF830  }
0x1a1: {  	_ =	swait.ge [sflag:s14], $0x7D0  }
0x1a2: {  	[sflag:s14] =	ssyncset.done $0x0  }
0x1a3: {  	s19 =	simm.s32 $0x1A890;
	[sflag:s14] =	ssyncadd.s32 $0xFFFFF830  }
0x1a4: {  	v1 =	vld [tilespmem:s19+$0x30]  }
0x1a5: {  	v2 =	vld [tilespmem:s19+$0xFFFFFFD0]  }
0x1a6: {  	v3 =	vld [tilespmem:s19+$0xFFFFFFE0]  }
0x1a7: {  	v4 =	vld [tilespmem:s19+$0xFFFFFFF0]  }
0x1a8: {  	v5 =	vld [tilespmem:s19+$0x0]  }
0x1a9: {  	v7 =	vld [tilespmem:s19+$0x10]  }
0x1aa: {  	v9 =	vld [tilespmem:s19+$0xFFFFFFC0];
	v6 =	vshrl.u32 v1, $0x10  }
0x1ab: {  	s18 =	simm.s32 $0x1B830;
	v10 =	vld [tilespmem:s19+$0x20];
	v1 =	vand.u32 $0xFFFF, v1  }
0x1ac: {  	v12 =	vld [tilespmem:s18+$0x30]  }
0x1ad: {  	v17 =	vld [tilespmem:s18+$0xFFFFFFD0];
	v8 =	vshrl.u32 v2, $0x10  }
0x1ae: {  	v61 =	vld [tilespmem:s18+$0xFFFFFFE0];
	v2 =	vand.u32 $0xFFFF, v2  }
0x1af: {  	v11 =	vshrl.u32 v3, $0x10;
	v6 =	vld.idx.msk [tilespmem:v6+s4+$0x0], $0xffff  }
0x1b0: {  	v3 =	vand.u32 $0xFFFF, v3;
	v1 =	vld.idx.msk [tilespmem:v1+s1+$0x0], $0xffff  }
0x1b1: {  	v62 =	vld [tilespmem:s18+$0xFFFFFFF0];
	v14 =	vshrl.u32 v9, $0x10  }
0x1b2: {  	v8 =	vld.idx.msk [tilespmem:v8+s4+$0x0], $0xffff  }
0x1b3: {  	v2 =	vld.idx.msk [tilespmem:v2+s1+$0x0], $0xffff  }
0x1b4: {  	v9 =	vand.u32 $0xFFFF, v9;
	v11 =	vld.idx.msk [tilespmem:v11+s4+$0x0], $0xffff  }
0x1b5: {  	v13 =	vshrl.u32 v4, $0x10;
	v15 =	vld.idx.msk [tilespmem:v3+s1+$0x0], $0xffff;
	v1 =	vmul.f32 v1, v6  }
0x1b6: {  	v4 =	vand.u32 $0xFFFF, v4;
	v14 =	vld.idx.msk [tilespmem:v14+s4+$0x0], $0xffff  }
0x1b7: {  	v3 =	vshrl.u32 v5, $0x10;
	[tilespmem:v12+s13+$0x0] =	vst.idx.add.f32.msk $0xffff, v1  }
0x1b8: {  	v59 =	vshrl.u32 v7, $0x10;
	v5 =	vand.u32 $0xFFFF, v5;
	v1 =	vand.u32 $0xFFFF, v7;
	v7 =	vld [tilespmem:s18+$0xFFFFFFC0]  }
0x1b9: {  	v6 =	vld.idx.msk [tilespmem:v9+s1+$0x0], $0xffff  }
0x1ba: {  	v13 =	vld.idx.msk [tilespmem:v13+s4+$0x0], $0xffff  }
0x1bb: {  	v4 =	vld.idx.msk [tilespmem:v4+s1+$0x0], $0xffff  }
0x1bc: {  	v60 =	vld.idx.msk [tilespmem:v3+s4+$0x0], $0xffff  }
0x1bd: {  	v5 =	vld.idx.msk [tilespmem:v5+s1+$0x0], $0xffff  }
0x1be: {  	v9 =	vld.idx.msk [tilespmem:v59+s4+$0x0], $0xffff;
	v3 =	vand.u32 $0xFFFF, v10;
	v6 =	vmul.f32 v6, v14  }
0x1bf: {  	v16 =	vld.idx.msk [tilespmem:v1+s1+$0x0], $0xffff;
	v1 =	vshrl.u32 v10, $0x10  }
0x1c0: {  	v2 =	vmul.f32 v2, v8;
	[tilespmem:v7+s13+$0x0] =	vst.idx.add.f32.msk $0xffff, v6  }
0x1c1: {  	v6 =	vld [tilespmem:s18+$0x0]  }
0x1c2: {  	[tilespmem:v17+s13+$0x0] =	vst.idx.add.f32.msk $0xffff, v2  }
0x1c3: {  	v63 =	vmul.f32 v15, v11;
	v18 =	vld.idx.msk [tilespmem:v3+s1+$0x0], $0xffff  }
0x1c4: {  	v4 =	vmul.f32 v4, v13;
	v7 =	vld.idx.msk [tilespmem:v1+s4+$0x0], $0xffff  }
0x1c5: {  	[tilespmem:v61+s13+$0x0] =	vst.idx.add.f32.msk $0xffff, v63  }
0x1c6: {  	[tilespmem:v62+s13+$0x0] =	vst.idx.add.f32.msk $0xffff, v4  }
0x1c7: {  	v3 =	vld [tilespmem:s18+$0x10];
	v5 =	vmul.f32 v5, v60  }
0x1c8: {  	s21 =	simm.s32 $0x0;
	v1 =	vld [tilespmem:s18+$0x20]  }
0x1c9: {  	s20 =	simm.s32 $0x1AFD0;
	s23 =	simm.s32 $0x1A910;
	s19 =	simm.s32 $0x1BF70;
	v4 =	vmul.f32 v16, v9;
	v2 =	vmul.f32 v18, v7;
	[tilespmem:v6+s13+$0x0] =	vst.idx.add.f32.msk $0xffff, v5  }
.LBB2_10:
0x1ca: {  	v5 =	vld [tilespmem:s23+$0x30]  }
0x1cb: {  	s21 =	sadd.s32 $0x80, s21;
	v6 =	vld [tilespmem:s23+$0xFFFFFFD0]  }
0x1cc: {  	p2 =	slt.u32 s21, $0x700;
	v7 =	vld [tilespmem:s23+$0xFFFFFFE0]  }
0x1cd: {  	v8 =	vld [tilespmem:s23+$0xFFFFFFF0]  }
0x1ce: {  	v9 =	vld [tilespmem:s23+$0x0]  }
0x1cf: {  	v10 =	vld [tilespmem:s23+$0x10];
	v11 =	vshrl.u32 v5, $0x10  }
0x1d0: {  	v5 =	vand.u32 $0xFFFF, v5;
	v12 =	vshrl.u32 v6, $0x10;
	v6 =	vand.u32 $0xFFFF, v6;
	v13 =	vld [tilespmem:s23+$0x20]  }
0x1d1: {  	v14 =	vld [tilespmem:s23+$0xFFFFFFC0];
	v15 =	vshrl.u32 v7, $0x10;
	v7 =	vand.u32 $0xFFFF, v7  }
0x1d2: {  	s18 =	sadd.s32 $0x80, s18;
	v16 =	vshrl.u32 v8, $0x10;
	v8 =	vand.u32 $0xFFFF, v8;
	[tilespmem:v3+s13+$0x0] =	vst.idx.add.f32.msk $0xffff, v4  }
0x1d3: {  	v3 =	vshrl.u32 v9, $0x10;
	v4 =	vand.u32 $0xFFFF, v9;
	v9 =	vld [tilespmem:s18+$0x30]  }
0x1d4: {  	v17 =	vshrl.u32 v10, $0x10;
	v10 =	vand.u32 $0xFFFF, v10;
	v11 =	vld.idx.msk [tilespmem:v11+s4+$0x0], $0xffff  }
0x1d5: {  	v18 =	vshrl.u32 v13, $0x10;
	v13 =	vand.u32 $0xFFFF, v13;
	v5 =	vld.idx.msk [tilespmem:v5+s1+$0x0], $0xffff  }
0x1d6: {  	v19 =	vshrl.u32 v14, $0x10;
	v14 =	vand.u32 $0xFFFF, v14;
	v12 =	vld.idx.msk [tilespmem:v12+s4+$0x0], $0xffff  }
0x1d7: {  	v6 =	vld.idx.msk [tilespmem:v6+s1+$0x0], $0xffff  }
0x1d8: {  	v15 =	vld.idx.msk [tilespmem:v15+s4+$0x0], $0xffff  }
0x1d9: {  	v7 =	vld.idx.msk [tilespmem:v7+s1+$0x0], $0xffff  }
0x1da: {  	v16 =	vld.idx.msk [tilespmem:v16+s4+$0x0], $0xffff  }
0x1db: {  	v5 =	vmul.f32 v5, v11;
	v19 =	vld.idx.msk [tilespmem:v19+s4+$0x0], $0xffff  }
0x1dc: {  	v11 =	vld.idx.msk [tilespmem:v14+s1+$0x0], $0xffff  }
0x1dd: {  	s24 =	simm.s32 $0x770;
	v6 =	vmul.f32 v6, v12;
	[tilespmem:v9+s13+$0x0] =	vst.idx.add.f32.msk $0xffff, v5  }
0x1de: {  	v5 =	vld.idx.msk [tilespmem:v8+s1+$0x0], $0xffff  }
0x1df: {  	v7 =	vmul.f32 v7, v15;
	v3 =	vld.idx.msk [tilespmem:v3+s4+$0x0], $0xffff  }
0x1e0: {  	v4 =	vld.idx.msk [tilespmem:v4+s1+$0x0], $0xffff  }
0x1e1: {  	v8 =	vld.idx.msk [tilespmem:v17+s4+$0x0], $0xffff  }
0x1e2: {  	v9 =	vmul.f32 v11, v19;
	v10 =	vld.idx.msk [tilespmem:v10+s1+$0x0], $0xffff  }
0x1e3: {  	v11 =	vld.idx.msk [tilespmem:v18+s4+$0x0], $0xffff  }
0x1e4: {  	v5 =	vmul.f32 v5, v16;
	v12 =	vld.idx.msk [tilespmem:v13+s1+$0x0], $0xffff  }
0x1e5: {  	v13 =	vld [tilespmem:s18+$0xFFFFFFC0]  }
0x1e6: {  	v15 =	vmul.f32 v4, v3;
	v14 =	vld [tilespmem:s18+$0xFFFFFFD0]  }
0x1e7: {  	v16 =	vld [tilespmem:s18+$0xFFFFFFE0]  }
0x1e8: {  	v4 =	vmul.f32 v10, v8;
	v17 =	vld [tilespmem:s18+$0xFFFFFFF0]  }
0x1e9: {  	v8 =	vld [tilespmem:s18+$0x0]  }
0x1ea: {  	v10 =	vmul.f32 v12, v11;
	v3 =	vld [tilespmem:s18+$0x10]  }
0x1eb: {  	v11 =	vld [tilespmem:s18+$0x20]  }
0x1ec: {  	[tilespmem:v1+s13+$0x0] =	vst.idx.add.f32.msk $0xffff, v2;
	v2 =	vmov v10  }
.Ltmp7:
0x1ed: {  	[tilespmem:v13+s13+$0x0] =	vst.idx.add.f32.msk $0xffff, v9;
	(pc) =	sbr.rel @p2 .LBB2_10-.Ltmp7, $4  }
0x1ee: {  	[tilespmem:v14+s13+$0x0] =	vst.idx.add.f32.msk $0xffff, v6  }
0x1ef: {  	[tilespmem:v16+s13+$0x0] =	vst.idx.add.f32.msk $0xffff, v7  }
0x1f0: {  	[tilespmem:v17+s13+$0x0] =	vst.idx.add.f32.msk $0xffff, v5;
	v1 =	vmov v11  }
0x1f1: {  	s23 =	sadd.s32 $0x80, s23;
	[tilespmem:v8+s13+$0x0] =	vst.idx.add.f32.msk $0xffff, v15  }
0x1f2: {  	_ =	sdelay $0x3  }
0x1f3: {  	[tilespmem:v3+s13+$0x0] =	vst.idx.add.f32.msk $0xffff, v4  }
0x1f4: {  	[tilespmem:v1+s13+$0x0] =	vst.idx.add.f32.msk $0xffff, v2  }
.LBB2_12:
0x1f5: {  	v1 =	vld [tilespmem:s20+$0x0];
	_ =	sdelay $0x4  }
0x1f6: {  	v2 =	vshrl.u32 v1, $0x10  }
0x1f7: {  	v1 =	vand.u32 $0xFFFF, v1;
	_ =	sdelay $0x2  }
0x1f8: {  	v3 =	vld [tilespmem:s19+$0x0]  }
0x1f9: {  	v2 =	vld.idx.msk [tilespmem:v2+s4+$0x0], $0xffff  }
0x1fa: {  	v1 =	vld.idx.msk [tilespmem:v1+s1+$0x0], $0xffff  }
0x1fb: {  	s24 =	sadd.s32 $0x10, s24  }
0x1fc: {  	p2 =	slt.u32 s24, $0x7C0  }
.Ltmp8:
0x1fd: {  	_ = 	snop;
	(pc) =	sbr.rel @p2 .LBB2_12-.Ltmp8, $3  }
0x1fe: {  	_ = 	snop  }
0x1ff: {  	v1 =	vmul.f32 v1, v2;
	_ =	sdelay $0x1  }
0x200: {  	s19 =	sadd.s32 $0x10, s19;
	s20 =	sadd.s32 $0x10, s20;
	[tilespmem:v3+s13+$0x0] =	vst.idx.add.f32.msk $0xffff, v1  }
0x201: {  	s18 =	rddreg [dreg:$0x9]  }
0x202: {  	[tilespmem:s10], [sflag:$0x4] =	stream.linear.gather [hbm4b:s18+s1], $0x7D0, $0x38;
	[tilespmem:$0x1E4B0] =	vst v63  }
0x203: {  	s24 =	rddreg [dreg:$0xa]  }
0x204: {  	[tilespmem:s11], [sflag:$0x4] =	stream.linear.gather [hbm4b:s24+s1], $0x7D0, $0x38;
	[tilespmem:$0x1E4B0] =	vst v63  }
0x205: {  	_ =	swait.ge [sflag:s12], $0x7D0  }
0x206: {  	[sflag:s12] =	ssyncset.done $0x0  }
0x207: {  	[sflag:s12] =	ssyncadd.s32 $0xFFFFF830  }
0x208: {  	_ =	swait.ge [sflag:s12], $0x7D0  }
0x209: {  	[sflag:s12] =	ssyncset.done $0x0  }
0x20a: {  	s19 =	simm.s32 $0x1A0C0;
	[sflag:s12] =	ssyncadd.s32 $0xFFFFF830  }
0x20b: {  	v1 =	vld [tilespmem:s19+$0x30]  }
0x20c: {  	v2 =	vld [tilespmem:s19+$0xFFFFFFD0]  }
0x20d: {  	v3 =	vld [tilespmem:s19+$0xFFFFFFE0]  }
0x20e: {  	v4 =	vld [tilespmem:s19+$0xFFFFFFF0]  }
0x20f: {  	v5 =	vld [tilespmem:s19+$0x0]  }
0x210: {  	v7 =	vld [tilespmem:s19+$0x10]  }
0x211: {  	v9 =	vld [tilespmem:s19+$0xFFFFFFC0];
	v6 =	vshrl.u32 v1, $0x10  }
0x212: {  	s18 =	simm.s32 $0x1B060;
	v10 =	vld [tilespmem:s19+$0x20];
	v1 =	vand.u32 $0xFFFF, v1  }
0x213: {  	v12 =	vld [tilespmem:s18+$0x30]  }
0x214: {  	v16 =	vld [tilespmem:s18+$0xFFFFFFD0];
	v8 =	vshrl.u32 v2, $0x10  }
0x215: {  	v63 =	vld [tilespmem:s18+$0xFFFFFFE0];
	v2 =	vand.u32 $0xFFFF, v2  }
0x216: {  	v11 =	vshrl.u32 v3, $0x10;
	v6 =	vld.idx.msk [tilespmem:v6+s4+$0x0], $0xffff  }
0x217: {  	v3 =	vand.u32 $0xFFFF, v3;
	v1 =	vld.idx.msk [tilespmem:v1+s1+$0x0], $0xffff  }
0x218: {  	v17 =	vld [tilespmem:s18+$0xFFFFFFF0];
	v14 =	vshrl.u32 v9, $0x10  }
0x219: {  	v8 =	vld.idx.msk [tilespmem:v8+s4+$0x0], $0xffff  }
0x21a: {  	v2 =	vld.idx.msk [tilespmem:v2+s1+$0x0], $0xffff  }
0x21b: {  	v9 =	vand.u32 $0xFFFF, v9;
	v11 =	vld.idx.msk [tilespmem:v11+s4+$0x0], $0xffff  }
0x21c: {  	v13 =	vshrl.u32 v4, $0x10;
	v15 =	vld.idx.msk [tilespmem:v3+s1+$0x0], $0xffff;
	v1 =	vmul.f32 v1, v6  }
0x21d: {  	v4 =	vand.u32 $0xFFFF, v4;
	v14 =	vld.idx.msk [tilespmem:v14+s4+$0x0], $0xffff  }
0x21e: {  	v3 =	vshrl.u32 v5, $0x10;
	[tilespmem:v12+s13+$0x0] =	vst.idx.add.f32.msk $0xffff, v1  }
0x21f: {  	v61 =	vshrl.u32 v7, $0x10;
	v5 =	vand.u32 $0xFFFF, v5;
	v1 =	vand.u32 $0xFFFF, v7;
	v7 =	vld [tilespmem:s18+$0xFFFFFFC0]  }
0x220: {  	v6 =	vld.idx.msk [tilespmem:v9+s1+$0x0], $0xffff  }
0x221: {  	v13 =	vld.idx.msk [tilespmem:v13+s4+$0x0], $0xffff  }
0x222: {  	v4 =	vld.idx.msk [tilespmem:v4+s1+$0x0], $0xffff  }
0x223: {  	v62 =	vld.idx.msk [tilespmem:v3+s4+$0x0], $0xffff  }
0x224: {  	v5 =	vld.idx.msk [tilespmem:v5+s1+$0x0], $0xffff;
	v3 =	vshrl.u32 v10, $0x10;
	v10 =	vand.u32 $0xFFFF, v10  }
0x225: {  	v9 =	vld.idx.msk [tilespmem:v61+s4+$0x0], $0xffff;
	v6 =	vmul.f32 v6, v14  }
0x226: {  	v8 =	vmul.f32 v2, v8;
	v2 =	vld [tilespmem:s18+$0x20]  }
0x227: {  	[tilespmem:v7+s13+$0x0] =	vst.idx.add.f32.msk $0xffff, v6  }
0x228: {  	v6 =	vld [tilespmem:s18+$0x0]  }
0x229: {  	v10 =	vld.idx.msk [tilespmem:v10+s1+$0x0], $0xffff  }
0x22a: {  	v1 =	vld.idx.msk [tilespmem:v1+s1+$0x0], $0xffff  }
0x22b: {  	v11 =	vmul.f32 v15, v11;
	v7 =	vld.idx.msk [tilespmem:v3+s4+$0x0], $0xffff  }
0x22c: {  	v4 =	vmul.f32 v4, v13;
	[tilespmem:v16+s13+$0x0] =	vst.idx.add.f32.msk $0xffff, v8  }
0x22d: {  	[tilespmem:v63+s13+$0x0] =	vst.idx.add.f32.msk $0xffff, v11  }
0x22e: {  	[tilespmem:v17+s13+$0x0] =	vst.idx.add.f32.msk $0xffff, v4;
	v5 =	vmul.f32 v5, v62  }
0x22f: {  	v3 =	vld [tilespmem:s18+$0x10]  }
0x230: {  	s20 =	simm.s32 $0x1A140;
	s19 =	simm.s32 $0x0;
	v4 =	vmul.f32 v1, v9;
	v1 =	vmul.f32 v10, v7;
	[tilespmem:v6+s13+$0x0] =	vst.idx.add.f32.msk $0xffff, v5  }
.LBB2_14:
0x231: {  	v5 =	vld [tilespmem:s20+$0x30]  }
0x232: {  	s19 =	sadd.s32 $0x80, s19;
	v6 =	vld [tilespmem:s20+$0xFFFFFFD0]  }
0x233: {  	p2 =	slt.u32 s19, $0x700;
	v7 =	vld [tilespmem:s20+$0xFFFFFFE0]  }
0x234: {  	v8 =	vld [tilespmem:s20+$0xFFFFFFF0]  }
0x235: {  	v9 =	vld [tilespmem:s20+$0x0]  }
0x236: {  	v10 =	vld [tilespmem:s20+$0x10];
	v11 =	vshrl.u32 v5, $0x10  }
0x237: {  	v5 =	vand.u32 $0xFFFF, v5;
	v12 =	vshrl.u32 v6, $0x10;
	v6 =	vand.u32 $0xFFFF, v6;
	v13 =	vld [tilespmem:s20+$0x20]  }
0x238: {  	v14 =	vld [tilespmem:s20+$0xFFFFFFC0];
	v15 =	vshrl.u32 v7, $0x10;
	v7 =	vand.u32 $0xFFFF, v7  }
0x239: {  	s18 =	sadd.s32 $0x80, s18;
	v16 =	vshrl.u32 v8, $0x10;
	v8 =	vand.u32 $0xFFFF, v8;
	[tilespmem:v3+s13+$0x0] =	vst.idx.add.f32.msk $0xffff, v4  }
0x23a: {  	v3 =	vshrl.u32 v9, $0x10;
	v4 =	vand.u32 $0xFFFF, v9;
	v9 =	vld [tilespmem:s18+$0x30]  }
0x23b: {  	v17 =	vshrl.u32 v10, $0x10;
	v10 =	vand.u32 $0xFFFF, v10;
	v11 =	vld.idx.msk [tilespmem:v11+s4+$0x0], $0xffff  }
0x23c: {  	v18 =	vshrl.u32 v13, $0x10;
	v13 =	vand.u32 $0xFFFF, v13;
	v5 =	vld.idx.msk [tilespmem:v5+s1+$0x0], $0xffff  }
0x23d: {  	v19 =	vshrl.u32 v14, $0x10;
	v14 =	vand.u32 $0xFFFF, v14;
	v12 =	vld.idx.msk [tilespmem:v12+s4+$0x0], $0xffff  }
0x23e: {  	v6 =	vld.idx.msk [tilespmem:v6+s1+$0x0], $0xffff  }
0x23f: {  	v15 =	vld.idx.msk [tilespmem:v15+s4+$0x0], $0xffff  }
0x240: {  	v7 =	vld.idx.msk [tilespmem:v7+s1+$0x0], $0xffff  }
0x241: {  	v16 =	vld.idx.msk [tilespmem:v16+s4+$0x0], $0xffff  }
0x242: {  	v5 =	vmul.f32 v5, v11;
	v19 =	vld.idx.msk [tilespmem:v19+s4+$0x0], $0xffff  }
0x243: {  	v11 =	vld.idx.msk [tilespmem:v14+s1+$0x0], $0xffff  }
0x244: {  	s21 =	simm.s32 $0x770;
	s23 =	simm.s32 $0x1B7A0;
	s24 =	simm.s32 $0x1A800;
	v6 =	vmul.f32 v6, v12;
	[tilespmem:v9+s13+$0x0] =	vst.idx.add.f32.msk $0xffff, v5  }
0x245: {  	v5 =	vld.idx.msk [tilespmem:v8+s1+$0x0], $0xffff  }
0x246: {  	v7 =	vmul.f32 v7, v15;
	v3 =	vld.idx.msk [tilespmem:v3+s4+$0x0], $0xffff  }
0x247: {  	v4 =	vld.idx.msk [tilespmem:v4+s1+$0x0], $0xffff  }
0x248: {  	v8 =	vld.idx.msk [tilespmem:v17+s4+$0x0], $0xffff  }
0x249: {  	v9 =	vmul.f32 v11, v19;
	v10 =	vld.idx.msk [tilespmem:v10+s1+$0x0], $0xffff  }
0x24a: {  	v11 =	vld.idx.msk [tilespmem:v18+s4+$0x0], $0xffff  }
0x24b: {  	v5 =	vmul.f32 v5, v16;
	v12 =	vld.idx.msk [tilespmem:v13+s1+$0x0], $0xffff  }
0x24c: {  	v13 =	vld [tilespmem:s18+$0xFFFFFFC0]  }
0x24d: {  	v15 =	vmul.f32 v4, v3;
	v14 =	vld [tilespmem:s18+$0xFFFFFFD0]  }
0x24e: {  	v16 =	vld [tilespmem:s18+$0xFFFFFFE0]  }
0x24f: {  	v4 =	vmul.f32 v10, v8;
	v17 =	vld [tilespmem:s18+$0xFFFFFFF0]  }
0x250: {  	v8 =	vld [tilespmem:s18+$0x0]  }
0x251: {  	v10 =	vmul.f32 v12, v11;
	v3 =	vld [tilespmem:s18+$0x10]  }
0x252: {  	v11 =	vld [tilespmem:s18+$0x20]  }
0x253: {  	[tilespmem:v2+s13+$0x0] =	vst.idx.add.f32.msk $0xffff, v1;
	v1 =	vmov v10  }
.Ltmp9:
0x254: {  	[tilespmem:v13+s13+$0x0] =	vst.idx.add.f32.msk $0xffff, v9;
	(pc) =	sbr.rel @p2 .LBB2_14-.Ltmp9, $4  }
0x255: {  	[tilespmem:v14+s13+$0x0] =	vst.idx.add.f32.msk $0xffff, v6  }
0x256: {  	[tilespmem:v16+s13+$0x0] =	vst.idx.add.f32.msk $0xffff, v7  }
0x257: {  	[tilespmem:v17+s13+$0x0] =	vst.idx.add.f32.msk $0xffff, v5;
	v2 =	vmov v11  }
0x258: {  	s20 =	sadd.s32 $0x80, s20;
	[tilespmem:v8+s13+$0x0] =	vst.idx.add.f32.msk $0xffff, v15  }
0x259: {  	_ =	sdelay $0x3  }
0x25a: {  	[tilespmem:v3+s13+$0x0] =	vst.idx.add.f32.msk $0xffff, v4  }
0x25b: {  	[tilespmem:v2+s13+$0x0] =	vst.idx.add.f32.msk $0xffff, v1  }
.LBB2_16:
0x25c: {  	v1 =	vld [tilespmem:s24+$0x0];
	_ =	sdelay $0x4  }
0x25d: {  	v2 =	vshrl.u32 v1, $0x10  }
0x25e: {  	v1 =	vand.u32 $0xFFFF, v1;
	_ =	sdelay $0x2  }
0x25f: {  	v3 =	vld [tilespmem:s23+$0x0]  }
0x260: {  	v2 =	vld.idx.msk [tilespmem:v2+s4+$0x0], $0xffff  }
0x261: {  	v1 =	vld.idx.msk [tilespmem:v1+s1+$0x0], $0xffff  }
0x262: {  	s21 =	sadd.s32 $0x10, s21  }
0x263: {  	p2 =	slt.u32 s21, $0x7C0  }
.Ltmp10:
0x264: {  	_ = 	snop;
	(pc) =	sbr.rel @p2 .LBB2_16-.Ltmp10, $3  }
0x265: {  	_ = 	snop  }
0x266: {  	v1 =	vmul.f32 v1, v2;
	_ =	sdelay $0x1  }
0x267: {  	s23 =	sadd.s32 $0x10, s23;
	s24 =	sadd.s32 $0x10, s24;
	[tilespmem:v3+s13+$0x0] =	vst.idx.add.f32.msk $0xffff, v1  }
0x268: {  	s18 =	rddreg [dreg:$0xb]  }
0x269: {  	[tilespmem:s8], [sflag:$0x3] =	stream.linear.gather [hbm4b:s18+s1], $0x7D0, $0x38;
	[tilespmem:$0x1E4B0] =	vst v63  }
0x26a: {  	s24 =	rddreg [dreg:$0xc]  }
0x26b: {  	[tilespmem:s9], [sflag:$0x3] =	stream.linear.gather [hbm4b:s24+s1], $0x7D0, $0x38;
	[tilespmem:$0x1E4B0] =	vst v63  }
0x26c: {  	_ =	swait.ge [sflag:s14], $0x7D0  }
0x26d: {  	[sflag:s14] =	ssyncset.done $0x0  }
0x26e: {  	[sflag:s14] =	ssyncadd.s32 $0xFFFFF830  }
0x26f: {  	_ =	swait.ge [sflag:s14], $0x7D0  }
0x270: {  	[sflag:s14] =	ssyncset.done $0x0  }
0x271: {  	s19 =	simm.s32 $0x1A890;
	[sflag:s14] =	ssyncadd.s32 $0xFFFFF830  }
0x272: {  	v1 =	vld [tilespmem:s19+$0x30]  }
0x273: {  	v2 =	vld [tilespmem:s19+$0xFFFFFFD0]  }
0x274: {  	v3 =	vld [tilespmem:s19+$0xFFFFFFE0]  }
0x275: {  	v4 =	vld [tilespmem:s19+$0xFFFFFFF0]  }
0x276: {  	v5 =	vld [tilespmem:s19+$0x0]  }
0x277: {  	v7 =	vld [tilespmem:s19+$0x10]  }
0x278: {  	v9 =	vld [tilespmem:s19+$0xFFFFFFC0];
	v6 =	vshrl.u32 v1, $0x10  }
0x279: {  	s18 =	simm.s32 $0x1B830;
	v10 =	vld [tilespmem:s19+$0x20];
	v1 =	vand.u32 $0xFFFF, v1  }
0x27a: {  	v12 =	vld [tilespmem:s18+$0x30]  }
0x27b: {  	v16 =	vld [tilespmem:s18+$0xFFFFFFD0];
	v8 =	vshrl.u32 v2, $0x10  }
0x27c: {  	v63 =	vld [tilespmem:s18+$0xFFFFFFE0];
	v2 =	vand.u32 $0xFFFF, v2  }
0x27d: {  	v11 =	vshrl.u32 v3, $0x10;
	v6 =	vld.idx.msk [tilespmem:v6+s4+$0x0], $0xffff  }
0x27e: {  	v3 =	vand.u32 $0xFFFF, v3;
	v1 =	vld.idx.msk [tilespmem:v1+s1+$0x0], $0xffff  }
0x27f: {  	v17 =	vld [tilespmem:s18+$0xFFFFFFF0];
	v14 =	vshrl.u32 v9, $0x10  }
0x280: {  	v8 =	vld.idx.msk [tilespmem:v8+s4+$0x0], $0xffff  }
0x281: {  	v2 =	vld.idx.msk [tilespmem:v2+s1+$0x0], $0xffff  }
0x282: {  	v9 =	vand.u32 $0xFFFF, v9;
	v11 =	vld.idx.msk [tilespmem:v11+s4+$0x0], $0xffff  }
0x283: {  	v13 =	vshrl.u32 v4, $0x10;
	v15 =	vld.idx.msk [tilespmem:v3+s1+$0x0], $0xffff;
	v1 =	vmul.f32 v1, v6  }
0x284: {  	v4 =	vand.u32 $0xFFFF, v4;
	v14 =	vld.idx.msk [tilespmem:v14+s4+$0x0], $0xffff  }
0x285: {  	v3 =	vshrl.u32 v5, $0x10;
	[tilespmem:v12+s13+$0x0] =	vst.idx.add.f32.msk $0xffff, v1  }
0x286: {  	v61 =	vshrl.u32 v7, $0x10;
	v5 =	vand.u32 $0xFFFF, v5;
	v1 =	vand.u32 $0xFFFF, v7;
	v7 =	vld [tilespmem:s18+$0xFFFFFFC0]  }
0x287: {  	v6 =	vld.idx.msk [tilespmem:v9+s1+$0x0], $0xffff  }
0x288: {  	v13 =	vld.idx.msk [tilespmem:v13+s4+$0x0], $0xffff  }
0x289: {  	v4 =	vld.idx.msk [tilespmem:v4+s1+$0x0], $0xffff  }
0x28a: {  	v62 =	vld.idx.msk [tilespmem:v3+s4+$0x0], $0xffff  }
0x28b: {  	v5 =	vld.idx.msk [tilespmem:v5+s1+$0x0], $0xffff;
	v3 =	vshrl.u32 v10, $0x10;
	v10 =	vand.u32 $0xFFFF, v10  }
0x28c: {  	v9 =	vld.idx.msk [tilespmem:v61+s4+$0x0], $0xffff;
	v6 =	vmul.f32 v6, v14  }
0x28d: {  	v8 =	vmul.f32 v2, v8;
	v2 =	vld [tilespmem:s18+$0x20]  }
0x28e: {  	[tilespmem:v7+s13+$0x0] =	vst.idx.add.f32.msk $0xffff, v6  }
0x28f: {  	v6 =	vld [tilespmem:s18+$0x0]  }
0x290: {  	v10 =	vld.idx.msk [tilespmem:v10+s1+$0x0], $0xffff  }
0x291: {  	v1 =	vld.idx.msk [tilespmem:v1+s1+$0x0], $0xffff  }
0x292: {  	v11 =	vmul.f32 v15, v11;
	v7 =	vld.idx.msk [tilespmem:v3+s4+$0x0], $0xffff  }
0x293: {  	v4 =	vmul.f32 v4, v13;
	[tilespmem:v16+s13+$0x0] =	vst.idx.add.f32.msk $0xffff, v8  }
0x294: {  	[tilespmem:v63+s13+$0x0] =	vst.idx.add.f32.msk $0xffff, v11  }
0x295: {  	[tilespmem:v17+s13+$0x0] =	vst.idx.add.f32.msk $0xffff, v4;
	v5 =	vmul.f32 v5, v62  }
0x296: {  	v3 =	vld [tilespmem:s18+$0x10]  }
0x297: {  	s20 =	simm.s32 $0x1A910;
	s19 =	simm.s32 $0x0;
	v4 =	vmul.f32 v1, v9;
	v1 =	vmul.f32 v10, v7;
	[tilespmem:v6+s13+$0x0] =	vst.idx.add.f32.msk $0xffff, v5  }
.LBB2_18:
0x298: {  	v5 =	vld [tilespmem:s20+$0x30]  }
0x299: {  	s19 =	sadd.s32 $0x80, s19;
	v6 =	vld [tilespmem:s20+$0xFFFFFFD0]  }
0x29a: {  	p2 =	slt.u32 s19, $0x700;
	v7 =	vld [tilespmem:s20+$0xFFFFFFE0]  }
0x29b: {  	v8 =	vld [tilespmem:s20+$0xFFFFFFF0]  }
0x29c: {  	v9 =	vld [tilespmem:s20+$0x0]  }
0x29d: {  	v10 =	vld [tilespmem:s20+$0x10];
	v11 =	vshrl.u32 v5, $0x10  }
0x29e: {  	v5 =	vand.u32 $0xFFFF, v5;
	v12 =	vshrl.u32 v6, $0x10;
	v6 =	vand.u32 $0xFFFF, v6;
	v13 =	vld [tilespmem:s20+$0x20]  }
0x29f: {  	v14 =	vld [tilespmem:s20+$0xFFFFFFC0];
	v15 =	vshrl.u32 v7, $0x10;
	v7 =	vand.u32 $0xFFFF, v7  }
0x2a0: {  	s18 =	sadd.s32 $0x80, s18;
	v16 =	vshrl.u32 v8, $0x10;
	v8 =	vand.u32 $0xFFFF, v8;
	[tilespmem:v3+s13+$0x0] =	vst.idx.add.f32.msk $0xffff, v4  }
0x2a1: {  	v3 =	vshrl.u32 v9, $0x10;
	v4 =	vand.u32 $0xFFFF, v9;
	v9 =	vld [tilespmem:s18+$0x30]  }
0x2a2: {  	v17 =	vshrl.u32 v10, $0x10;
	v10 =	vand.u32 $0xFFFF, v10;
	v11 =	vld.idx.msk [tilespmem:v11+s4+$0x0], $0xffff  }
0x2a3: {  	v18 =	vshrl.u32 v13, $0x10;
	v13 =	vand.u32 $0xFFFF, v13;
	v5 =	vld.idx.msk [tilespmem:v5+s1+$0x0], $0xffff  }
0x2a4: {  	v19 =	vshrl.u32 v14, $0x10;
	v14 =	vand.u32 $0xFFFF, v14;
	v12 =	vld.idx.msk [tilespmem:v12+s4+$0x0], $0xffff  }
0x2a5: {  	v6 =	vld.idx.msk [tilespmem:v6+s1+$0x0], $0xffff  }
0x2a6: {  	v15 =	vld.idx.msk [tilespmem:v15+s4+$0x0], $0xffff  }
0x2a7: {  	v7 =	vld.idx.msk [tilespmem:v7+s1+$0x0], $0xffff  }
0x2a8: {  	v16 =	vld.idx.msk [tilespmem:v16+s4+$0x0], $0xffff  }
0x2a9: {  	v5 =	vmul.f32 v5, v11;
	v19 =	vld.idx.msk [tilespmem:v19+s4+$0x0], $0xffff  }
0x2aa: {  	v11 =	vld.idx.msk [tilespmem:v14+s1+$0x0], $0xffff  }
0x2ab: {  	s21 =	simm.s32 $0x770;
	s23 =	simm.s32 $0x1BF70;
	s24 =	simm.s32 $0x1AFD0;
	v6 =	vmul.f32 v6, v12;
	[tilespmem:v9+s13+$0x0] =	vst.idx.add.f32.msk $0xffff, v5  }
0x2ac: {  	v5 =	vld.idx.msk [tilespmem:v8+s1+$0x0], $0xffff  }
0x2ad: {  	v7 =	vmul.f32 v7, v15;
	v3 =	vld.idx.msk [tilespmem:v3+s4+$0x0], $0xffff  }
0x2ae: {  	v4 =	vld.idx.msk [tilespmem:v4+s1+$0x0], $0xffff  }
0x2af: {  	v8 =	vld.idx.msk [tilespmem:v17+s4+$0x0], $0xffff  }
0x2b0: {  	v9 =	vmul.f32 v11, v19;
	v10 =	vld.idx.msk [tilespmem:v10+s1+$0x0], $0xffff  }
0x2b1: {  	v11 =	vld.idx.msk [tilespmem:v18+s4+$0x0], $0xffff  }
0x2b2: {  	v5 =	vmul.f32 v5, v16;
	v12 =	vld.idx.msk [tilespmem:v13+s1+$0x0], $0xffff  }
0x2b3: {  	v13 =	vld [tilespmem:s18+$0xFFFFFFC0]  }
0x2b4: {  	v15 =	vmul.f32 v4, v3;
	v14 =	vld [tilespmem:s18+$0xFFFFFFD0]  }
0x2b5: {  	v16 =	vld [tilespmem:s18+$0xFFFFFFE0]  }
0x2b6: {  	v4 =	vmul.f32 v10, v8;
	v17 =	vld [tilespmem:s18+$0xFFFFFFF0]  }
0x2b7: {  	v8 =	vld [tilespmem:s18+$0x0]  }
0x2b8: {  	v10 =	vmul.f32 v12, v11;
	v3 =	vld [tilespmem:s18+$0x10]  }
0x2b9: {  	v11 =	vld [tilespmem:s18+$0x20]  }
0x2ba: {  	[tilespmem:v2+s13+$0x0] =	vst.idx.add.f32.msk $0xffff, v1;
	v1 =	vmov v10  }
.Ltmp11:
0x2bb: {  	[tilespmem:v13+s13+$0x0] =	vst.idx.add.f32.msk $0xffff, v9;
	(pc) =	sbr.rel @p2 .LBB2_18-.Ltmp11, $4  }
0x2bc: {  	[tilespmem:v14+s13+$0x0] =	vst.idx.add.f32.msk $0xffff, v6  }
0x2bd: {  	[tilespmem:v16+s13+$0x0] =	vst.idx.add.f32.msk $0xffff, v7  }
0x2be: {  	[tilespmem:v17+s13+$0x0] =	vst.idx.add.f32.msk $0xffff, v5;
	v2 =	vmov v11  }
0x2bf: {  	s20 =	sadd.s32 $0x80, s20;
	[tilespmem:v8+s13+$0x0] =	vst.idx.add.f32.msk $0xffff, v15  }
0x2c0: {  	_ =	sdelay $0x3  }
0x2c1: {  	[tilespmem:v3+s13+$0x0] =	vst.idx.add.f32.msk $0xffff, v4  }
0x2c2: {  	[tilespmem:v2+s13+$0x0] =	vst.idx.add.f32.msk $0xffff, v1  }
.LBB2_20:
0x2c3: {  	v1 =	vld [tilespmem:s24+$0x0];
	_ =	sdelay $0x4  }
0x2c4: {  	v2 =	vshrl.u32 v1, $0x10  }
0x2c5: {  	v1 =	vand.u32 $0xFFFF, v1;
	_ =	sdelay $0x2  }
0x2c6: {  	v3 =	vld [tilespmem:s23+$0x0]  }
0x2c7: {  	v2 =	vld.idx.msk [tilespmem:v2+s4+$0x0], $0xffff  }
0x2c8: {  	v1 =	vld.idx.msk [tilespmem:v1+s1+$0x0], $0xffff  }
0x2c9: {  	s21 =	sadd.s32 $0x10, s21  }
0x2ca: {  	p2 =	slt.u32 s21, $0x7C0  }
.Ltmp12:
0x2cb: {  	_ = 	snop;
	(pc) =	sbr.rel @p2 .LBB2_20-.Ltmp12, $3  }
0x2cc: {  	_ = 	snop  }
0x2cd: {  	v1 =	vmul.f32 v1, v2;
	_ =	sdelay $0x1  }
0x2ce: {  	s23 =	sadd.s32 $0x10, s23;
	s24 =	sadd.s32 $0x10, s24;
	[tilespmem:v3+s13+$0x0] =	vst.idx.add.f32.msk $0xffff, v1  }
0x2cf: {  	s18 =	rddreg [dreg:$0xd]  }
0x2d0: {  	[tilespmem:s10], [sflag:$0x4] =	stream.linear.gather [hbm4b:s18+s1], $0x7D0, $0x38;
	[tilespmem:$0x1E4B0] =	vst v63  }
0x2d1: {  	s24 =	rddreg [dreg:$0xe]  }
0x2d2: {  	[tilespmem:s11], [sflag:$0x4] =	stream.linear.gather [hbm4b:s24+s1], $0x7D0, $0x38;
	[tilespmem:$0x1E4B0] =	vst v63  }
0x2d3: {  	_ =	swait.ge [sflag:s12], $0x7D0  }
0x2d4: {  	[sflag:s12] =	ssyncset.done $0x0  }
0x2d5: {  	[sflag:s12] =	ssyncadd.s32 $0xFFFFF830  }
0x2d6: {  	_ =	swait.ge [sflag:s12], $0x7D0  }
0x2d7: {  	[sflag:s12] =	ssyncset.done $0x0  }
0x2d8: {  	s19 =	simm.s32 $0x1A0C0;
	[sflag:s12] =	ssyncadd.s32 $0xFFFFF830  }
0x2d9: {  	v1 =	vld [tilespmem:s19+$0x30]  }
0x2da: {  	v2 =	vld [tilespmem:s19+$0xFFFFFFD0]  }
0x2db: {  	v3 =	vld [tilespmem:s19+$0xFFFFFFE0]  }
0x2dc: {  	v4 =	vld [tilespmem:s19+$0xFFFFFFF0]  }
0x2dd: {  	v5 =	vld [tilespmem:s19+$0x0]  }
0x2de: {  	v7 =	vld [tilespmem:s19+$0x10]  }
0x2df: {  	v9 =	vld [tilespmem:s19+$0xFFFFFFC0];
	v6 =	vshrl.u32 v1, $0x10  }
0x2e0: {  	s18 =	simm.s32 $0x1B060;
	v10 =	vld [tilespmem:s19+$0x20];
	v1 =	vand.u32 $0xFFFF, v1  }
0x2e1: {  	v12 =	vld [tilespmem:s18+$0x30]  }
0x2e2: {  	v16 =	vld [tilespmem:s18+$0xFFFFFFD0];
	v8 =	vshrl.u32 v2, $0x10  }
0x2e3: {  	v63 =	vld [tilespmem:s18+$0xFFFFFFE0];
	v2 =	vand.u32 $0xFFFF, v2  }
0x2e4: {  	v11 =	vshrl.u32 v3, $0x10;
	v6 =	vld.idx.msk [tilespmem:v6+s4+$0x0], $0xffff  }
0x2e5: {  	v3 =	vand.u32 $0xFFFF, v3;
	v1 =	vld.idx.msk [tilespmem:v1+s1+$0x0], $0xffff  }
0x2e6: {  	v17 =	vld [tilespmem:s18+$0xFFFFFFF0];
	v14 =	vshrl.u32 v9, $0x10  }
0x2e7: {  	v8 =	vld.idx.msk [tilespmem:v8+s4+$0x0], $0xffff  }
0x2e8: {  	v2 =	vld.idx.msk [tilespmem:v2+s1+$0x0], $0xffff  }
0x2e9: {  	v9 =	vand.u32 $0xFFFF, v9;
	v11 =	vld.idx.msk [tilespmem:v11+s4+$0x0], $0xffff  }
0x2ea: {  	v13 =	vshrl.u32 v4, $0x10;
	v15 =	vld.idx.msk [tilespmem:v3+s1+$0x0], $0xffff;
	v1 =	vmul.f32 v1, v6  }
0x2eb: {  	v4 =	vand.u32 $0xFFFF, v4;
	v14 =	vld.idx.msk [tilespmem:v14+s4+$0x0], $0xffff  }
0x2ec: {  	v3 =	vshrl.u32 v5, $0x10;
	[tilespmem:v12+s13+$0x0] =	vst.idx.add.f32.msk $0xffff, v1  }
0x2ed: {  	v61 =	vshrl.u32 v7, $0x10;
	v5 =	vand.u32 $0xFFFF, v5;
	v1 =	vand.u32 $0xFFFF, v7;
	v7 =	vld [tilespmem:s18+$0xFFFFFFC0]  }
0x2ee: {  	v6 =	vld.idx.msk [tilespmem:v9+s1+$0x0], $0xffff  }
0x2ef: {  	v13 =	vld.idx.msk [tilespmem:v13+s4+$0x0], $0xffff  }
0x2f0: {  	v4 =	vld.idx.msk [tilespmem:v4+s1+$0x0], $0xffff  }
0x2f1: {  	v62 =	vld.idx.msk [tilespmem:v3+s4+$0x0], $0xffff  }
0x2f2: {  	v5 =	vld.idx.msk [tilespmem:v5+s1+$0x0], $0xffff;
	v3 =	vshrl.u32 v10, $0x10;
	v10 =	vand.u32 $0xFFFF, v10  }
0x2f3: {  	v9 =	vld.idx.msk [tilespmem:v61+s4+$0x0], $0xffff;
	v6 =	vmul.f32 v6, v14  }
0x2f4: {  	v8 =	vmul.f32 v2, v8;
	v2 =	vld [tilespmem:s18+$0x20]  }
0x2f5: {  	[tilespmem:v7+s13+$0x0] =	vst.idx.add.f32.msk $0xffff, v6  }
0x2f6: {  	v6 =	vld [tilespmem:s18+$0x0]  }
0x2f7: {  	v10 =	vld.idx.msk [tilespmem:v10+s1+$0x0], $0xffff  }
0x2f8: {  	v1 =	vld.idx.msk [tilespmem:v1+s1+$0x0], $0xffff  }
0x2f9: {  	v11 =	vmul.f32 v15, v11;
	v7 =	vld.idx.msk [tilespmem:v3+s4+$0x0], $0xffff  }
0x2fa: {  	v4 =	vmul.f32 v4, v13;
	[tilespmem:v16+s13+$0x0] =	vst.idx.add.f32.msk $0xffff, v8  }
0x2fb: {  	[tilespmem:v63+s13+$0x0] =	vst.idx.add.f32.msk $0xffff, v11  }
0x2fc: {  	[tilespmem:v17+s13+$0x0] =	vst.idx.add.f32.msk $0xffff, v4;
	v5 =	vmul.f32 v5, v62  }
0x2fd: {  	v3 =	vld [tilespmem:s18+$0x10]  }
0x2fe: {  	s20 =	simm.s32 $0x1A140;
	s19 =	simm.s32 $0x0;
	v4 =	vmul.f32 v1, v9;
	v1 =	vmul.f32 v10, v7;
	[tilespmem:v6+s13+$0x0] =	vst.idx.add.f32.msk $0xffff, v5  }
.LBB2_22:
0x2ff: {  	v5 =	vld [tilespmem:s20+$0x30]  }
0x300: {  	s19 =	sadd.s32 $0x80, s19;
	v6 =	vld [tilespmem:s20+$0xFFFFFFD0]  }
0x301: {  	p2 =	slt.u32 s19, $0x700;
	v7 =	vld [tilespmem:s20+$0xFFFFFFE0]  }
0x302: {  	v8 =	vld [tilespmem:s20+$0xFFFFFFF0]  }
0x303: {  	v9 =	vld [tilespmem:s20+$0x0]  }
0x304: {  	v10 =	vld [tilespmem:s20+$0x10];
	v11 =	vshrl.u32 v5, $0x10  }
0x305: {  	v5 =	vand.u32 $0xFFFF, v5;
	v12 =	vshrl.u32 v6, $0x10;
	v6 =	vand.u32 $0xFFFF, v6;
	v13 =	vld [tilespmem:s20+$0x20]  }
0x306: {  	v14 =	vld [tilespmem:s20+$0xFFFFFFC0];
	v15 =	vshrl.u32 v7, $0x10;
	v7 =	vand.u32 $0xFFFF, v7  }
0x307: {  	s18 =	sadd.s32 $0x80, s18;
	v16 =	vshrl.u32 v8, $0x10;
	v8 =	vand.u32 $0xFFFF, v8;
	[tilespmem:v3+s13+$0x0] =	vst.idx.add.f32.msk $0xffff, v4  }
0x308: {  	v3 =	vshrl.u32 v9, $0x10;
	v4 =	vand.u32 $0xFFFF, v9;
	v9 =	vld [tilespmem:s18+$0x30]  }
0x309: {  	v17 =	vshrl.u32 v10, $0x10;
	v10 =	vand.u32 $0xFFFF, v10;
	v11 =	vld.idx.msk [tilespmem:v11+s4+$0x0], $0xffff  }
0x30a: {  	v18 =	vshrl.u32 v13, $0x10;
	v13 =	vand.u32 $0xFFFF, v13;
	v5 =	vld.idx.msk [tilespmem:v5+s1+$0x0], $0xffff  }
0x30b: {  	v19 =	vshrl.u32 v14, $0x10;
	v14 =	vand.u32 $0xFFFF, v14;
	v12 =	vld.idx.msk [tilespmem:v12+s4+$0x0], $0xffff  }
0x30c: {  	v6 =	vld.idx.msk [tilespmem:v6+s1+$0x0], $0xffff  }
0x30d: {  	v15 =	vld.idx.msk [tilespmem:v15+s4+$0x0], $0xffff  }
0x30e: {  	v7 =	vld.idx.msk [tilespmem:v7+s1+$0x0], $0xffff  }
0x30f: {  	v16 =	vld.idx.msk [tilespmem:v16+s4+$0x0], $0xffff  }
0x310: {  	v5 =	vmul.f32 v5, v11;
	v19 =	vld.idx.msk [tilespmem:v19+s4+$0x0], $0xffff  }
0x311: {  	v11 =	vld.idx.msk [tilespmem:v14+s1+$0x0], $0xffff  }
0x312: {  	s21 =	simm.s32 $0x770;
	s23 =	simm.s32 $0x1B7A0;
	s24 =	simm.s32 $0x1A800;
	v6 =	vmul.f32 v6, v12;
	[tilespmem:v9+s13+$0x0] =	vst.idx.add.f32.msk $0xffff, v5  }
0x313: {  	v5 =	vld.idx.msk [tilespmem:v8+s1+$0x0], $0xffff  }
0x314: {  	v7 =	vmul.f32 v7, v15;
	v3 =	vld.idx.msk [tilespmem:v3+s4+$0x0], $0xffff  }
0x315: {  	v4 =	vld.idx.msk [tilespmem:v4+s1+$0x0], $0xffff  }
0x316: {  	v8 =	vld.idx.msk [tilespmem:v17+s4+$0x0], $0xffff  }
0x317: {  	v9 =	vmul.f32 v11, v19;
	v10 =	vld.idx.msk [tilespmem:v10+s1+$0x0], $0xffff  }
0x318: {  	v11 =	vld.idx.msk [tilespmem:v18+s4+$0x0], $0xffff  }
0x319: {  	v5 =	vmul.f32 v5, v16;
	v12 =	vld.idx.msk [tilespmem:v13+s1+$0x0], $0xffff  }
0x31a: {  	v13 =	vld [tilespmem:s18+$0xFFFFFFC0]  }
0x31b: {  	v15 =	vmul.f32 v4, v3;
	v14 =	vld [tilespmem:s18+$0xFFFFFFD0]  }
0x31c: {  	v16 =	vld [tilespmem:s18+$0xFFFFFFE0]  }
0x31d: {  	v4 =	vmul.f32 v10, v8;
	v17 =	vld [tilespmem:s18+$0xFFFFFFF0]  }
0x31e: {  	v8 =	vld [tilespmem:s18+$0x0]  }
0x31f: {  	v10 =	vmul.f32 v12, v11;
	v3 =	vld [tilespmem:s18+$0x10]  }
0x320: {  	v11 =	vld [tilespmem:s18+$0x20]  }
0x321: {  	[tilespmem:v2+s13+$0x0] =	vst.idx.add.f32.msk $0xffff, v1;
	v1 =	vmov v10  }
.Ltmp13:
0x322: {  	[tilespmem:v13+s13+$0x0] =	vst.idx.add.f32.msk $0xffff, v9;
	(pc) =	sbr.rel @p2 .LBB2_22-.Ltmp13, $4  }
0x323: {  	[tilespmem:v14+s13+$0x0] =	vst.idx.add.f32.msk $0xffff, v6  }
0x324: {  	[tilespmem:v16+s13+$0x0] =	vst.idx.add.f32.msk $0xffff, v7  }
0x325: {  	[tilespmem:v17+s13+$0x0] =	vst.idx.add.f32.msk $0xffff, v5;
	v2 =	vmov v11  }
0x326: {  	s20 =	sadd.s32 $0x80, s20;
	[tilespmem:v8+s13+$0x0] =	vst.idx.add.f32.msk $0xffff, v15  }
0x327: {  	_ =	sdelay $0x3  }
0x328: {  	[tilespmem:v3+s13+$0x0] =	vst.idx.add.f32.msk $0xffff, v4  }
0x329: {  	[tilespmem:v2+s13+$0x0] =	vst.idx.add.f32.msk $0xffff, v1  }
.LBB2_24:
0x32a: {  	v1 =	vld [tilespmem:s24+$0x0];
	_ =	sdelay $0x4  }
0x32b: {  	v2 =	vshrl.u32 v1, $0x10  }
0x32c: {  	v1 =	vand.u32 $0xFFFF, v1;
	_ =	sdelay $0x2  }
0x32d: {  	v3 =	vld [tilespmem:s23+$0x0]  }
0x32e: {  	v2 =	vld.idx.msk [tilespmem:v2+s4+$0x0], $0xffff  }
0x32f: {  	v1 =	vld.idx.msk [tilespmem:v1+s1+$0x0], $0xffff  }
0x330: {  	s21 =	sadd.s32 $0x10, s21  }
0x331: {  	p2 =	slt.u32 s21, $0x7C0  }
.Ltmp14:
0x332: {  	_ = 	snop;
	(pc) =	sbr.rel @p2 .LBB2_24-.Ltmp14, $3  }
0x333: {  	_ = 	snop  }
0x334: {  	v1 =	vmul.f32 v1, v2;
	_ =	sdelay $0x1  }
0x335: {  	s23 =	sadd.s32 $0x10, s23;
	s24 =	sadd.s32 $0x10, s24;
	[tilespmem:v3+s13+$0x0] =	vst.idx.add.f32.msk $0xffff, v1  }
0x336: {  	s18 =	rddreg [dreg:$0xf]  }
0x337: {  	[tilespmem:s8], [sflag:$0x3] =	stream.linear.gather [hbm4b:s18+s1], $0x7D0, $0x38;
	[tilespmem:$0x1E4B0] =	vst v63  }
0x338: {  	s24 =	rddreg [dreg:$0x10]  }
0x339: {  	[tilespmem:s9], [sflag:$0x3] =	stream.linear.gather [hbm4b:s24+s1], $0x7D0, $0x38;
	[tilespmem:$0x1E4B0] =	vst v63  }
0x33a: {  	_ =	swait.ge [sflag:s14], $0x7D0  }
0x33b: {  	[sflag:s14] =	ssyncset.done $0x0  }
0x33c: {  	[sflag:s14] =	ssyncadd.s32 $0xFFFFF830  }
0x33d: {  	_ =	swait.ge [sflag:s14], $0x7D0  }
0x33e: {  	[sflag:s14] =	ssyncset.done $0x0  }
0x33f: {  	s19 =	simm.s32 $0x1A890;
	[sflag:s14] =	ssyncadd.s32 $0xFFFFF830  }
0x340: {  	v1 =	vld [tilespmem:s19+$0x30]  }
0x341: {  	v2 =	vld [tilespmem:s19+$0xFFFFFFD0]  }
0x342: {  	v3 =	vld [tilespmem:s19+$0xFFFFFFE0]  }
0x343: {  	v4 =	vld [tilespmem:s19+$0xFFFFFFF0]  }
0x344: {  	v5 =	vld [tilespmem:s19+$0x0]  }
0x345: {  	v7 =	vld [tilespmem:s19+$0x10]  }
0x346: {  	v9 =	vld [tilespmem:s19+$0xFFFFFFC0];
	v6 =	vshrl.u32 v1, $0x10  }
0x347: {  	s18 =	simm.s32 $0x1B830;
	v10 =	vld [tilespmem:s19+$0x20];
	v1 =	vand.u32 $0xFFFF, v1  }
0x348: {  	v12 =	vld [tilespmem:s18+$0x30]  }
0x349: {  	v16 =	vld [tilespmem:s18+$0xFFFFFFD0];
	v8 =	vshrl.u32 v2, $0x10  }
0x34a: {  	v63 =	vld [tilespmem:s18+$0xFFFFFFE0];
	v2 =	vand.u32 $0xFFFF, v2  }
0x34b: {  	v11 =	vshrl.u32 v3, $0x10;
	v6 =	vld.idx.msk [tilespmem:v6+s4+$0x0], $0xffff  }
0x34c: {  	v3 =	vand.u32 $0xFFFF, v3;
	v1 =	vld.idx.msk [tilespmem:v1+s1+$0x0], $0xffff  }
0x34d: {  	v17 =	vld [tilespmem:s18+$0xFFFFFFF0];
	v14 =	vshrl.u32 v9, $0x10  }
0x34e: {  	v8 =	vld.idx.msk [tilespmem:v8+s4+$0x0], $0xffff  }
0x34f: {  	v2 =	vld.idx.msk [tilespmem:v2+s1+$0x0], $0xffff  }
0x350: {  	v9 =	vand.u32 $0xFFFF, v9;
	v11 =	vld.idx.msk [tilespmem:v11+s4+$0x0], $0xffff  }
0x351: {  	v13 =	vshrl.u32 v4, $0x10;
	v15 =	vld.idx.msk [tilespmem:v3+s1+$0x0], $0xffff;
	v1 =	vmul.f32 v1, v6  }
0x352: {  	v4 =	vand.u32 $0xFFFF, v4;
	v14 =	vld.idx.msk [tilespmem:v14+s4+$0x0], $0xffff  }
0x353: {  	v3 =	vshrl.u32 v5, $0x10;
	[tilespmem:v12+s13+$0x0] =	vst.idx.add.f32.msk $0xffff, v1  }
0x354: {  	v61 =	vshrl.u32 v7, $0x10;
	v5 =	vand.u32 $0xFFFF, v5;
	v1 =	vand.u32 $0xFFFF, v7;
	v7 =	vld [tilespmem:s18+$0xFFFFFFC0]  }
0x355: {  	v6 =	vld.idx.msk [tilespmem:v9+s1+$0x0], $0xffff  }
0x356: {  	v13 =	vld.idx.msk [tilespmem:v13+s4+$0x0], $0xffff  }
0x357: {  	v4 =	vld.idx.msk [tilespmem:v4+s1+$0x0], $0xffff  }
0x358: {  	v62 =	vld.idx.msk [tilespmem:v3+s4+$0x0], $0xffff  }
0x359: {  	v5 =	vld.idx.msk [tilespmem:v5+s1+$0x0], $0xffff;
	v3 =	vshrl.u32 v10, $0x10;
	v10 =	vand.u32 $0xFFFF, v10  }
0x35a: {  	v9 =	vld.idx.msk [tilespmem:v61+s4+$0x0], $0xffff;
	v6 =	vmul.f32 v6, v14  }
0x35b: {  	v8 =	vmul.f32 v2, v8;
	v2 =	vld [tilespmem:s18+$0x20]  }
0x35c: {  	[tilespmem:v7+s13+$0x0] =	vst.idx.add.f32.msk $0xffff, v6  }
0x35d: {  	v6 =	vld [tilespmem:s18+$0x0]  }
0x35e: {  	v10 =	vld.idx.msk [tilespmem:v10+s1+$0x0], $0xffff  }
0x35f: {  	v1 =	vld.idx.msk [tilespmem:v1+s1+$0x0], $0xffff  }
0x360: {  	v11 =	vmul.f32 v15, v11;
	v7 =	vld.idx.msk [tilespmem:v3+s4+$0x0], $0xffff  }
0x361: {  	v4 =	vmul.f32 v4, v13;
	[tilespmem:v16+s13+$0x0] =	vst.idx.add.f32.msk $0xffff, v8  }
0x362: {  	[tilespmem:v63+s13+$0x0] =	vst.idx.add.f32.msk $0xffff, v11  }
0x363: {  	[tilespmem:v17+s13+$0x0] =	vst.idx.add.f32.msk $0xffff, v4;
	v5 =	vmul.f32 v5, v62  }
0x364: {  	v3 =	vld [tilespmem:s18+$0x10]  }
0x365: {  	s20 =	simm.s32 $0x1A910;
	s19 =	simm.s32 $0x0;
	v4 =	vmul.f32 v1, v9;
	v1 =	vmul.f32 v10, v7;
	[tilespmem:v6+s13+$0x0] =	vst.idx.add.f32.msk $0xffff, v5  }
.LBB2_26:
0x366: {  	v5 =	vld [tilespmem:s20+$0x30]  }
0x367: {  	s19 =	sadd.s32 $0x80, s19;
	v6 =	vld [tilespmem:s20+$0xFFFFFFD0]  }
0x368: {  	p2 =	slt.u32 s19, $0x700;
	v7 =	vld [tilespmem:s20+$0xFFFFFFE0]  }
0x369: {  	v8 =	vld [tilespmem:s20+$0xFFFFFFF0]  }
0x36a: {  	v9 =	vld [tilespmem:s20+$0x0]  }
0x36b: {  	v10 =	vld [tilespmem:s20+$0x10];
	v11 =	vshrl.u32 v5, $0x10  }
0x36c: {  	v5 =	vand.u32 $0xFFFF, v5;
	v12 =	vshrl.u32 v6, $0x10;
	v6 =	vand.u32 $0xFFFF, v6;
	v13 =	vld [tilespmem:s20+$0x20]  }
0x36d: {  	v14 =	vld [tilespmem:s20+$0xFFFFFFC0];
	v15 =	vshrl.u32 v7, $0x10;
	v7 =	vand.u32 $0xFFFF, v7  }
0x36e: {  	s18 =	sadd.s32 $0x80, s18;
	v16 =	vshrl.u32 v8, $0x10;
	v8 =	vand.u32 $0xFFFF, v8;
	[tilespmem:v3+s13+$0x0] =	vst.idx.add.f32.msk $0xffff, v4  }
0x36f: {  	v3 =	vshrl.u32 v9, $0x10;
	v4 =	vand.u32 $0xFFFF, v9;
	v9 =	vld [tilespmem:s18+$0x30]  }
0x370: {  	v17 =	vshrl.u32 v10, $0x10;
	v10 =	vand.u32 $0xFFFF, v10;
	v11 =	vld.idx.msk [tilespmem:v11+s4+$0x0], $0xffff  }
0x371: {  	v18 =	vshrl.u32 v13, $0x10;
	v13 =	vand.u32 $0xFFFF, v13;
	v5 =	vld.idx.msk [tilespmem:v5+s1+$0x0], $0xffff  }
0x372: {  	v19 =	vshrl.u32 v14, $0x10;
	v14 =	vand.u32 $0xFFFF, v14;
	v12 =	vld.idx.msk [tilespmem:v12+s4+$0x0], $0xffff  }
0x373: {  	v6 =	vld.idx.msk [tilespmem:v6+s1+$0x0], $0xffff  }
0x374: {  	v15 =	vld.idx.msk [tilespmem:v15+s4+$0x0], $0xffff  }
0x375: {  	v7 =	vld.idx.msk [tilespmem:v7+s1+$0x0], $0xffff  }
0x376: {  	v16 =	vld.idx.msk [tilespmem:v16+s4+$0x0], $0xffff  }
0x377: {  	v5 =	vmul.f32 v5, v11;
	v19 =	vld.idx.msk [tilespmem:v19+s4+$0x0], $0xffff  }
0x378: {  	v11 =	vld.idx.msk [tilespmem:v14+s1+$0x0], $0xffff  }
0x379: {  	s21 =	simm.s32 $0x770;
	s23 =	simm.s32 $0x1BF70;
	s24 =	simm.s32 $0x1AFD0;
	v6 =	vmul.f32 v6, v12;
	[tilespmem:v9+s13+$0x0] =	vst.idx.add.f32.msk $0xffff, v5  }
0x37a: {  	v5 =	vld.idx.msk [tilespmem:v8+s1+$0x0], $0xffff  }
0x37b: {  	v7 =	vmul.f32 v7, v15;
	v3 =	vld.idx.msk [tilespmem:v3+s4+$0x0], $0xffff  }
0x37c: {  	v4 =	vld.idx.msk [tilespmem:v4+s1+$0x0], $0xffff  }
0x37d: {  	v8 =	vld.idx.msk [tilespmem:v17+s4+$0x0], $0xffff  }
0x37e: {  	v9 =	vmul.f32 v11, v19;
	v10 =	vld.idx.msk [tilespmem:v10+s1+$0x0], $0xffff  }
0x37f: {  	v11 =	vld.idx.msk [tilespmem:v18+s4+$0x0], $0xffff  }
0x380: {  	v5 =	vmul.f32 v5, v16;
	v12 =	vld.idx.msk [tilespmem:v13+s1+$0x0], $0xffff  }
0x381: {  	v13 =	vld [tilespmem:s18+$0xFFFFFFC0]  }
0x382: {  	v15 =	vmul.f32 v4, v3;
	v14 =	vld [tilespmem:s18+$0xFFFFFFD0]  }
0x383: {  	v16 =	vld [tilespmem:s18+$0xFFFFFFE0]  }
0x384: {  	v4 =	vmul.f32 v10, v8;
	v17 =	vld [tilespmem:s18+$0xFFFFFFF0]  }
0x385: {  	v8 =	vld [tilespmem:s18+$0x0]  }
0x386: {  	v10 =	vmul.f32 v12, v11;
	v3 =	vld [tilespmem:s18+$0x10]  }
0x387: {  	v11 =	vld [tilespmem:s18+$0x20]  }
0x388: {  	[tilespmem:v2+s13+$0x0] =	vst.idx.add.f32.msk $0xffff, v1;
	v1 =	vmov v10  }
.Ltmp15:
0x389: {  	[tilespmem:v13+s13+$0x0] =	vst.idx.add.f32.msk $0xffff, v9;
	(pc) =	sbr.rel @p2 .LBB2_26-.Ltmp15, $4  }
0x38a: {  	[tilespmem:v14+s13+$0x0] =	vst.idx.add.f32.msk $0xffff, v6  }
0x38b: {  	[tilespmem:v16+s13+$0x0] =	vst.idx.add.f32.msk $0xffff, v7  }
0x38c: {  	[tilespmem:v17+s13+$0x0] =	vst.idx.add.f32.msk $0xffff, v5;
	v2 =	vmov v11  }
0x38d: {  	s20 =	sadd.s32 $0x80, s20;
	[tilespmem:v8+s13+$0x0] =	vst.idx.add.f32.msk $0xffff, v15  }
0x38e: {  	_ =	sdelay $0x3  }
0x38f: {  	[tilespmem:v3+s13+$0x0] =	vst.idx.add.f32.msk $0xffff, v4  }
0x390: {  	[tilespmem:v2+s13+$0x0] =	vst.idx.add.f32.msk $0xffff, v1  }
.LBB2_28:
0x391: {  	v1 =	vld [tilespmem:s24+$0x0];
	_ =	sdelay $0x4  }
0x392: {  	v2 =	vshrl.u32 v1, $0x10  }
0x393: {  	v1 =	vand.u32 $0xFFFF, v1;
	_ =	sdelay $0x2  }
0x394: {  	v3 =	vld [tilespmem:s23+$0x0]  }
0x395: {  	v2 =	vld.idx.msk [tilespmem:v2+s4+$0x0], $0xffff  }
0x396: {  	v1 =	vld.idx.msk [tilespmem:v1+s1+$0x0], $0xffff  }
0x397: {  	s21 =	sadd.s32 $0x10, s21  }
0x398: {  	p2 =	slt.u32 s21, $0x7C0  }
.Ltmp16:
0x399: {  	_ = 	snop;
	(pc) =	sbr.rel @p2 .LBB2_28-.Ltmp16, $3  }
0x39a: {  	_ = 	snop  }
0x39b: {  	v1 =	vmul.f32 v1, v2;
	_ =	sdelay $0x1  }
0x39c: {  	s23 =	sadd.s32 $0x10, s23;
	s24 =	sadd.s32 $0x10, s24;
	[tilespmem:v3+s13+$0x0] =	vst.idx.add.f32.msk $0xffff, v1  }
0x39d: {  	s18 =	rddreg [dreg:$0x11]  }
0x39e: {  	[tilespmem:s10], [sflag:$0x4] =	stream.linear.gather [hbm4b:s18+s1], $0x7D0, $0x38;
	[tilespmem:$0x1E4B0] =	vst v63  }
0x39f: {  	s24 =	rddreg [dreg:$0x12]  }
0x3a0: {  	[tilespmem:s11], [sflag:$0x4] =	stream.linear.gather [hbm4b:s24+s1], $0x7D0, $0x38;
	[tilespmem:$0x1E4B0] =	vst v63  }
0x3a1: {  	_ =	swait.ge [sflag:s12], $0x7D0  }
0x3a2: {  	[sflag:s12] =	ssyncset.done $0x0  }
0x3a3: {  	[sflag:s12] =	ssyncadd.s32 $0xFFFFF830  }
0x3a4: {  	_ =	swait.ge [sflag:s12], $0x7D0  }
0x3a5: {  	[sflag:s12] =	ssyncset.done $0x0  }
0x3a6: {  	s19 =	simm.s32 $0x1A0C0;
	[sflag:s12] =	ssyncadd.s32 $0xFFFFF830  }
0x3a7: {  	v1 =	vld [tilespmem:s19+$0x30]  }
0x3a8: {  	v2 =	vld [tilespmem:s19+$0xFFFFFFD0]  }
0x3a9: {  	v3 =	vld [tilespmem:s19+$0xFFFFFFE0]  }
0x3aa: {  	v4 =	vld [tilespmem:s19+$0xFFFFFFF0]  }
0x3ab: {  	v5 =	vld [tilespmem:s19+$0x0]  }
0x3ac: {  	v7 =	vld [tilespmem:s19+$0x10]  }
0x3ad: {  	v9 =	vld [tilespmem:s19+$0xFFFFFFC0];
	v6 =	vshrl.u32 v1, $0x10  }
0x3ae: {  	s18 =	simm.s32 $0x1B060;
	v10 =	vld [tilespmem:s19+$0x20];
	v1 =	vand.u32 $0xFFFF, v1  }
0x3af: {  	v12 =	vld [tilespmem:s18+$0x30]  }
0x3b0: {  	v16 =	vld [tilespmem:s18+$0xFFFFFFD0];
	v8 =	vshrl.u32 v2, $0x10  }
0x3b1: {  	v63 =	vld [tilespmem:s18+$0xFFFFFFE0];
	v2 =	vand.u32 $0xFFFF, v2  }
0x3b2: {  	v11 =	vshrl.u32 v3, $0x10;
	v6 =	vld.idx.msk [tilespmem:v6+s4+$0x0], $0xffff  }
0x3b3: {  	v3 =	vand.u32 $0xFFFF, v3;
	v1 =	vld.idx.msk [tilespmem:v1+s1+$0x0], $0xffff  }
0x3b4: {  	v17 =	vld [tilespmem:s18+$0xFFFFFFF0];
	v14 =	vshrl.u32 v9, $0x10  }
0x3b5: {  	v8 =	vld.idx.msk [tilespmem:v8+s4+$0x0], $0xffff  }
0x3b6: {  	v2 =	vld.idx.msk [tilespmem:v2+s1+$0x0], $0xffff  }
0x3b7: {  	v9 =	vand.u32 $0xFFFF, v9;
	v11 =	vld.idx.msk [tilespmem:v11+s4+$0x0], $0xffff  }
0x3b8: {  	v13 =	vshrl.u32 v4, $0x10;
	v15 =	vld.idx.msk [tilespmem:v3+s1+$0x0], $0xffff;
	v1 =	vmul.f32 v1, v6  }
0x3b9: {  	v4 =	vand.u32 $0xFFFF, v4;
	v14 =	vld.idx.msk [tilespmem:v14+s4+$0x0], $0xffff  }
0x3ba: {  	v3 =	vshrl.u32 v5, $0x10;
	[tilespmem:v12+s13+$0x0] =	vst.idx.add.f32.msk $0xffff, v1  }
0x3bb: {  	v61 =	vshrl.u32 v7, $0x10;
	v5 =	vand.u32 $0xFFFF, v5;
	v1 =	vand.u32 $0xFFFF, v7;
	v7 =	vld [tilespmem:s18+$0xFFFFFFC0]  }
0x3bc: {  	v6 =	vld.idx.msk [tilespmem:v9+s1+$0x0], $0xffff  }
0x3bd: {  	v13 =	vld.idx.msk [tilespmem:v13+s4+$0x0], $0xffff  }
0x3be: {  	v4 =	vld.idx.msk [tilespmem:v4+s1+$0x0], $0xffff  }
0x3bf: {  	v62 =	vld.idx.msk [tilespmem:v3+s4+$0x0], $0xffff  }
0x3c0: {  	v5 =	vld.idx.msk [tilespmem:v5+s1+$0x0], $0xffff;
	v3 =	vshrl.u32 v10, $0x10;
	v10 =	vand.u32 $0xFFFF, v10  }
0x3c1: {  	v9 =	vld.idx.msk [tilespmem:v61+s4+$0x0], $0xffff;
	v6 =	vmul.f32 v6, v14  }
0x3c2: {  	v8 =	vmul.f32 v2, v8;
	v2 =	vld [tilespmem:s18+$0x20]  }
0x3c3: {  	[tilespmem:v7+s13+$0x0] =	vst.idx.add.f32.msk $0xffff, v6  }
0x3c4: {  	v6 =	vld [tilespmem:s18+$0x0]  }
0x3c5: {  	v10 =	vld.idx.msk [tilespmem:v10+s1+$0x0], $0xffff  }
0x3c6: {  	v1 =	vld.idx.msk [tilespmem:v1+s1+$0x0], $0xffff  }
0x3c7: {  	v11 =	vmul.f32 v15, v11;
	v7 =	vld.idx.msk [tilespmem:v3+s4+$0x0], $0xffff  }
0x3c8: {  	v4 =	vmul.f32 v4, v13;
	[tilespmem:v16+s13+$0x0] =	vst.idx.add.f32.msk $0xffff, v8  }
0x3c9: {  	[tilespmem:v63+s13+$0x0] =	vst.idx.add.f32.msk $0xffff, v11  }
0x3ca: {  	[tilespmem:v17+s13+$0x0] =	vst.idx.add.f32.msk $0xffff, v4;
	v5 =	vmul.f32 v5, v62  }
0x3cb: {  	v3 =	vld [tilespmem:s18+$0x10]  }
0x3cc: {  	s20 =	simm.s32 $0x1A140;
	s19 =	simm.s32 $0x0;
	v4 =	vmul.f32 v1, v9;
	v1 =	vmul.f32 v10, v7;
	[tilespmem:v6+s13+$0x0] =	vst.idx.add.f32.msk $0xffff, v5  }
.LBB2_30:
0x3cd: {  	v5 =	vld [tilespmem:s20+$0x30]  }
0x3ce: {  	s19 =	sadd.s32 $0x80, s19;
	v6 =	vld [tilespmem:s20+$0xFFFFFFD0]  }
0x3cf: {  	p2 =	slt.u32 s19, $0x700;
	v7 =	vld [tilespmem:s20+$0xFFFFFFE0]  }
0x3d0: {  	v8 =	vld [tilespmem:s20+$0xFFFFFFF0]  }
0x3d1: {  	v9 =	vld [tilespmem:s20+$0x0]  }
0x3d2: {  	v10 =	vld [tilespmem:s20+$0x10];
	v11 =	vshrl.u32 v5, $0x10  }
0x3d3: {  	v5 =	vand.u32 $0xFFFF, v5;
	v12 =	vshrl.u32 v6, $0x10;
	v6 =	vand.u32 $0xFFFF, v6;
	v13 =	vld [tilespmem:s20+$0x20]  }
0x3d4: {  	v14 =	vld [tilespmem:s20+$0xFFFFFFC0];
	v15 =	vshrl.u32 v7, $0x10;
	v7 =	vand.u32 $0xFFFF, v7  }
0x3d5: {  	s18 =	sadd.s32 $0x80, s18;
	v16 =	vshrl.u32 v8, $0x10;
	v8 =	vand.u32 $0xFFFF, v8;
	[tilespmem:v3+s13+$0x0] =	vst.idx.add.f32.msk $0xffff, v4  }
0x3d6: {  	v3 =	vshrl.u32 v9, $0x10;
	v4 =	vand.u32 $0xFFFF, v9;
	v9 =	vld [tilespmem:s18+$0x30]  }
0x3d7: {  	v17 =	vshrl.u32 v10, $0x10;
	v10 =	vand.u32 $0xFFFF, v10;
	v11 =	vld.idx.msk [tilespmem:v11+s4+$0x0], $0xffff  }
0x3d8: {  	v18 =	vshrl.u32 v13, $0x10;
	v13 =	vand.u32 $0xFFFF, v13;
	v5 =	vld.idx.msk [tilespmem:v5+s1+$0x0], $0xffff  }
0x3d9: {  	v19 =	vshrl.u32 v14, $0x10;
	v14 =	vand.u32 $0xFFFF, v14;
	v12 =	vld.idx.msk [tilespmem:v12+s4+$0x0], $0xffff  }
0x3da: {  	v6 =	vld.idx.msk [tilespmem:v6+s1+$0x0], $0xffff  }
0x3db: {  	v15 =	vld.idx.msk [tilespmem:v15+s4+$0x0], $0xffff  }
0x3dc: {  	v7 =	vld.idx.msk [tilespmem:v7+s1+$0x0], $0xffff  }
0x3dd: {  	v16 =	vld.idx.msk [tilespmem:v16+s4+$0x0], $0xffff  }
0x3de: {  	v5 =	vmul.f32 v5, v11;
	v19 =	vld.idx.msk [tilespmem:v19+s4+$0x0], $0xffff  }
0x3df: {  	v11 =	vld.idx.msk [tilespmem:v14+s1+$0x0], $0xffff  }
0x3e0: {  	s21 =	simm.s32 $0x770;
	s23 =	simm.s32 $0x1B7A0;
	s24 =	simm.s32 $0x1A800;
	v6 =	vmul.f32 v6, v12;
	[tilespmem:v9+s13+$0x0] =	vst.idx.add.f32.msk $0xffff, v5  }
0x3e1: {  	v5 =	vld.idx.msk [tilespmem:v8+s1+$0x0], $0xffff  }
0x3e2: {  	v7 =	vmul.f32 v7, v15;
	v3 =	vld.idx.msk [tilespmem:v3+s4+$0x0], $0xffff  }
0x3e3: {  	v4 =	vld.idx.msk [tilespmem:v4+s1+$0x0], $0xffff  }
0x3e4: {  	v8 =	vld.idx.msk [tilespmem:v17+s4+$0x0], $0xffff  }
0x3e5: {  	v9 =	vmul.f32 v11, v19;
	v10 =	vld.idx.msk [tilespmem:v10+s1+$0x0], $0xffff  }
0x3e6: {  	v11 =	vld.idx.msk [tilespmem:v18+s4+$0x0], $0xffff  }
0x3e7: {  	v5 =	vmul.f32 v5, v16;
	v12 =	vld.idx.msk [tilespmem:v13+s1+$0x0], $0xffff  }
0x3e8: {  	v13 =	vld [tilespmem:s18+$0xFFFFFFC0]  }
0x3e9: {  	v15 =	vmul.f32 v4, v3;
	v14 =	vld [tilespmem:s18+$0xFFFFFFD0]  }
0x3ea: {  	v16 =	vld [tilespmem:s18+$0xFFFFFFE0]  }
0x3eb: {  	v4 =	vmul.f32 v10, v8;
	v17 =	vld [tilespmem:s18+$0xFFFFFFF0]  }
0x3ec: {  	v8 =	vld [tilespmem:s18+$0x0]  }
0x3ed: {  	v10 =	vmul.f32 v12, v11;
	v3 =	vld [tilespmem:s18+$0x10]  }
0x3ee: {  	v11 =	vld [tilespmem:s18+$0x20]  }
0x3ef: {  	[tilespmem:v2+s13+$0x0] =	vst.idx.add.f32.msk $0xffff, v1;
	v1 =	vmov v10  }
.Ltmp17:
0x3f0: {  	[tilespmem:v13+s13+$0x0] =	vst.idx.add.f32.msk $0xffff, v9;
	(pc) =	sbr.rel @p2 .LBB2_30-.Ltmp17, $4  }
0x3f1: {  	[tilespmem:v14+s13+$0x0] =	vst.idx.add.f32.msk $0xffff, v6  }
0x3f2: {  	[tilespmem:v16+s13+$0x0] =	vst.idx.add.f32.msk $0xffff, v7  }
0x3f3: {  	[tilespmem:v17+s13+$0x0] =	vst.idx.add.f32.msk $0xffff, v5;
	v2 =	vmov v11  }
0x3f4: {  	s20 =	sadd.s32 $0x80, s20;
	[tilespmem:v8+s13+$0x0] =	vst.idx.add.f32.msk $0xffff, v15  }
0x3f5: {  	_ =	sdelay $0x3  }
0x3f6: {  	[tilespmem:v3+s13+$0x0] =	vst.idx.add.f32.msk $0xffff, v4  }
0x3f7: {  	[tilespmem:v2+s13+$0x0] =	vst.idx.add.f32.msk $0xffff, v1  }
.LBB2_32:
0x3f8: {  	v1 =	vld [tilespmem:s24+$0x0];
	_ =	sdelay $0x4  }
0x3f9: {  	v2 =	vshrl.u32 v1, $0x10  }
0x3fa: {  	v1 =	vand.u32 $0xFFFF, v1;
	_ =	sdelay $0x2  }
0x3fb: {  	v3 =	vld [tilespmem:s23+$0x0]  }
0x3fc: {  	v2 =	vld.idx.msk [tilespmem:v2+s4+$0x0], $0xffff  }
0x3fd: {  	v1 =	vld.idx.msk [tilespmem:v1+s1+$0x0], $0xffff  }
0x3fe: {  	s21 =	sadd.s32 $0x10, s21  }
0x3ff: {  	p2 =	slt.u32 s21, $0x7C0  }
.Ltmp18:
0x400: {  	_ = 	snop;
	(pc) =	sbr.rel @p2 .LBB2_32-.Ltmp18, $3  }
0x401: {  	_ = 	snop  }
0x402: {  	v1 =	vmul.f32 v1, v2;
	_ =	sdelay $0x1  }
0x403: {  	s23 =	sadd.s32 $0x10, s23;
	s24 =	sadd.s32 $0x10, s24;
	[tilespmem:v3+s13+$0x0] =	vst.idx.add.f32.msk $0xffff, v1  }
0x404: {  	s18 =	rddreg [dreg:$0x13]  }
0x405: {  	[tilespmem:s8], [sflag:$0x3] =	stream.linear.gather [hbm4b:s18+s1], $0x7D0, $0x38;
	[tilespmem:$0x1E4B0] =	vst v63  }
0x406: {  	s24 =	rddreg [dreg:$0x14]  }
0x407: {  	[tilespmem:s9], [sflag:$0x3] =	stream.linear.gather [hbm4b:s24+s1], $0x7D0, $0x38;
	[tilespmem:$0x1E4B0] =	vst v63  }
0x408: {  	_ =	swait.ge [sflag:s14], $0x7D0  }
0x409: {  	[sflag:s14] =	ssyncset.done $0x0  }
0x40a: {  	[sflag:s14] =	ssyncadd.s32 $0xFFFFF830  }
0x40b: {  	_ =	swait.ge [sflag:s14], $0x7D0  }
0x40c: {  	[sflag:s14] =	ssyncset.done $0x0  }
0x40d: {  	s19 =	simm.s32 $0x1A890;
	[sflag:s14] =	ssyncadd.s32 $0xFFFFF830  }
0x40e: {  	v1 =	vld [tilespmem:s19+$0x30]  }
0x40f: {  	v2 =	vld [tilespmem:s19+$0xFFFFFFD0]  }
0x410: {  	v3 =	vld [tilespmem:s19+$0xFFFFFFE0]  }
0x411: {  	v4 =	vld [tilespmem:s19+$0xFFFFFFF0]  }
0x412: {  	v5 =	vld [tilespmem:s19+$0x0]  }
0x413: {  	v7 =	vld [tilespmem:s19+$0x10]  }
0x414: {  	v9 =	vld [tilespmem:s19+$0xFFFFFFC0];
	v6 =	vshrl.u32 v1, $0x10  }
0x415: {  	s18 =	simm.s32 $0x1B830;
	v10 =	vld [tilespmem:s19+$0x20];
	v1 =	vand.u32 $0xFFFF, v1  }
0x416: {  	v12 =	vld [tilespmem:s18+$0x30]  }
0x417: {  	v16 =	vld [tilespmem:s18+$0xFFFFFFD0];
	v8 =	vshrl.u32 v2, $0x10  }
0x418: {  	v63 =	vld [tilespmem:s18+$0xFFFFFFE0];
	v2 =	vand.u32 $0xFFFF, v2  }
0x419: {  	v11 =	vshrl.u32 v3, $0x10;
	v6 =	vld.idx.msk [tilespmem:v6+s4+$0x0], $0xffff  }
0x41a: {  	v3 =	vand.u32 $0xFFFF, v3;
	v1 =	vld.idx.msk [tilespmem:v1+s1+$0x0], $0xffff  }
0x41b: {  	v17 =	vld [tilespmem:s18+$0xFFFFFFF0];
	v14 =	vshrl.u32 v9, $0x10  }
0x41c: {  	v8 =	vld.idx.msk [tilespmem:v8+s4+$0x0], $0xffff  }
0x41d: {  	v2 =	vld.idx.msk [tilespmem:v2+s1+$0x0], $0xffff  }
0x41e: {  	v9 =	vand.u32 $0xFFFF, v9;
	v11 =	vld.idx.msk [tilespmem:v11+s4+$0x0], $0xffff  }
0x41f: {  	v13 =	vshrl.u32 v4, $0x10;
	v15 =	vld.idx.msk [tilespmem:v3+s1+$0x0], $0xffff;
	v1 =	vmul.f32 v1, v6  }
0x420: {  	v4 =	vand.u32 $0xFFFF, v4;
	v14 =	vld.idx.msk [tilespmem:v14+s4+$0x0], $0xffff  }
0x421: {  	v3 =	vshrl.u32 v5, $0x10;
	[tilespmem:v12+s13+$0x0] =	vst.idx.add.f32.msk $0xffff, v1  }
0x422: {  	v61 =	vshrl.u32 v7, $0x10;
	v5 =	vand.u32 $0xFFFF, v5;
	v1 =	vand.u32 $0xFFFF, v7;
	v7 =	vld [tilespmem:s18+$0xFFFFFFC0]  }
0x423: {  	v6 =	vld.idx.msk [tilespmem:v9+s1+$0x0], $0xffff  }
0x424: {  	v13 =	vld.idx.msk [tilespmem:v13+s4+$0x0], $0xffff  }
0x425: {  	v4 =	vld.idx.msk [tilespmem:v4+s1+$0x0], $0xffff  }
0x426: {  	v62 =	vld.idx.msk [tilespmem:v3+s4+$0x0], $0xffff  }
0x427: {  	v5 =	vld.idx.msk [tilespmem:v5+s1+$0x0], $0xffff;
	v3 =	vshrl.u32 v10, $0x10;
	v10 =	vand.u32 $0xFFFF, v10  }
0x428: {  	v9 =	vld.idx.msk [tilespmem:v61+s4+$0x0], $0xffff;
	v6 =	vmul.f32 v6, v14  }
0x429: {  	v8 =	vmul.f32 v2, v8;
	v2 =	vld [tilespmem:s18+$0x20]  }
0x42a: {  	[tilespmem:v7+s13+$0x0] =	vst.idx.add.f32.msk $0xffff, v6  }
0x42b: {  	v6 =	vld [tilespmem:s18+$0x0]  }
0x42c: {  	v10 =	vld.idx.msk [tilespmem:v10+s1+$0x0], $0xffff  }
0x42d: {  	v1 =	vld.idx.msk [tilespmem:v1+s1+$0x0], $0xffff  }
0x42e: {  	v11 =	vmul.f32 v15, v11;
	v7 =	vld.idx.msk [tilespmem:v3+s4+$0x0], $0xffff  }
0x42f: {  	v4 =	vmul.f32 v4, v13;
	[tilespmem:v16+s13+$0x0] =	vst.idx.add.f32.msk $0xffff, v8  }
0x430: {  	[tilespmem:v63+s13+$0x0] =	vst.idx.add.f32.msk $0xffff, v11  }
0x431: {  	[tilespmem:v17+s13+$0x0] =	vst.idx.add.f32.msk $0xffff, v4;
	v5 =	vmul.f32 v5, v62  }
0x432: {  	v3 =	vld [tilespmem:s18+$0x10]  }
0x433: {  	s20 =	simm.s32 $0x1A910;
	s19 =	simm.s32 $0x0;
	v4 =	vmul.f32 v1, v9;
	v1 =	vmul.f32 v10, v7;
	[tilespmem:v6+s13+$0x0] =	vst.idx.add.f32.msk $0xffff, v5  }
.LBB2_34:
0x434: {  	v5 =	vld [tilespmem:s20+$0x30]  }
0x435: {  	s19 =	sadd.s32 $0x80, s19;
	v6 =	vld [tilespmem:s20+$0xFFFFFFD0]  }
0x436: {  	p2 =	slt.u32 s19, $0x700;
	v7 =	vld [tilespmem:s20+$0xFFFFFFE0]  }
0x437: {  	v8 =	vld [tilespmem:s20+$0xFFFFFFF0]  }
0x438: {  	v9 =	vld [tilespmem:s20+$0x0]  }
0x439: {  	v10 =	vld [tilespmem:s20+$0x10];
	v11 =	vshrl.u32 v5, $0x10  }
0x43a: {  	v5 =	vand.u32 $0xFFFF, v5;
	v12 =	vshrl.u32 v6, $0x10;
	v6 =	vand.u32 $0xFFFF, v6;
	v13 =	vld [tilespmem:s20+$0x20]  }
0x43b: {  	v14 =	vld [tilespmem:s20+$0xFFFFFFC0];
	v15 =	vshrl.u32 v7, $0x10;
	v7 =	vand.u32 $0xFFFF, v7  }
0x43c: {  	s18 =	sadd.s32 $0x80, s18;
	v16 =	vshrl.u32 v8, $0x10;
	v8 =	vand.u32 $0xFFFF, v8;
	[tilespmem:v3+s13+$0x0] =	vst.idx.add.f32.msk $0xffff, v4  }
0x43d: {  	v3 =	vshrl.u32 v9, $0x10;
	v4 =	vand.u32 $0xFFFF, v9;
	v9 =	vld [tilespmem:s18+$0x30]  }
0x43e: {  	v17 =	vshrl.u32 v10, $0x10;
	v10 =	vand.u32 $0xFFFF, v10;
	v11 =	vld.idx.msk [tilespmem:v11+s4+$0x0], $0xffff  }
0x43f: {  	v18 =	vshrl.u32 v13, $0x10;
	v13 =	vand.u32 $0xFFFF, v13;
	v5 =	vld.idx.msk [tilespmem:v5+s1+$0x0], $0xffff  }
0x440: {  	v19 =	vshrl.u32 v14, $0x10;
	v14 =	vand.u32 $0xFFFF, v14;
	v12 =	vld.idx.msk [tilespmem:v12+s4+$0x0], $0xffff  }
0x441: {  	v6 =	vld.idx.msk [tilespmem:v6+s1+$0x0], $0xffff  }
0x442: {  	v15 =	vld.idx.msk [tilespmem:v15+s4+$0x0], $0xffff  }
0x443: {  	v7 =	vld.idx.msk [tilespmem:v7+s1+$0x0], $0xffff  }
0x444: {  	v16 =	vld.idx.msk [tilespmem:v16+s4+$0x0], $0xffff  }
0x445: {  	v5 =	vmul.f32 v5, v11;
	v19 =	vld.idx.msk [tilespmem:v19+s4+$0x0], $0xffff  }
0x446: {  	v11 =	vld.idx.msk [tilespmem:v14+s1+$0x0], $0xffff  }
0x447: {  	s21 =	simm.s32 $0x770;
	s23 =	simm.s32 $0x1BF70;
	s24 =	simm.s32 $0x1AFD0;
	v6 =	vmul.f32 v6, v12;
	[tilespmem:v9+s13+$0x0] =	vst.idx.add.f32.msk $0xffff, v5  }
0x448: {  	v5 =	vld.idx.msk [tilespmem:v8+s1+$0x0], $0xffff  }
0x449: {  	v7 =	vmul.f32 v7, v15;
	v3 =	vld.idx.msk [tilespmem:v3+s4+$0x0], $0xffff  }
0x44a: {  	v4 =	vld.idx.msk [tilespmem:v4+s1+$0x0], $0xffff  }
0x44b: {  	v8 =	vld.idx.msk [tilespmem:v17+s4+$0x0], $0xffff  }
0x44c: {  	v9 =	vmul.f32 v11, v19;
	v10 =	vld.idx.msk [tilespmem:v10+s1+$0x0], $0xffff  }
0x44d: {  	v11 =	vld.idx.msk [tilespmem:v18+s4+$0x0], $0xffff  }
0x44e: {  	v5 =	vmul.f32 v5, v16;
	v12 =	vld.idx.msk [tilespmem:v13+s1+$0x0], $0xffff  }
0x44f: {  	v13 =	vld [tilespmem:s18+$0xFFFFFFC0]  }
0x450: {  	v15 =	vmul.f32 v4, v3;
	v14 =	vld [tilespmem:s18+$0xFFFFFFD0]  }
0x451: {  	v16 =	vld [tilespmem:s18+$0xFFFFFFE0]  }
0x452: {  	v4 =	vmul.f32 v10, v8;
	v17 =	vld [tilespmem:s18+$0xFFFFFFF0]  }
0x453: {  	v8 =	vld [tilespmem:s18+$0x0]  }
0x454: {  	v10 =	vmul.f32 v12, v11;
	v3 =	vld [tilespmem:s18+$0x10]  }
0x455: {  	v11 =	vld [tilespmem:s18+$0x20]  }
0x456: {  	[tilespmem:v2+s13+$0x0] =	vst.idx.add.f32.msk $0xffff, v1;
	v1 =	vmov v10  }
.Ltmp19:
0x457: {  	[tilespmem:v13+s13+$0x0] =	vst.idx.add.f32.msk $0xffff, v9;
	(pc) =	sbr.rel @p2 .LBB2_34-.Ltmp19, $4  }
0x458: {  	[tilespmem:v14+s13+$0x0] =	vst.idx.add.f32.msk $0xffff, v6  }
0x459: {  	[tilespmem:v16+s13+$0x0] =	vst.idx.add.f32.msk $0xffff, v7  }
0x45a: {  	[tilespmem:v17+s13+$0x0] =	vst.idx.add.f32.msk $0xffff, v5;
	v2 =	vmov v11  }
0x45b: {  	s20 =	sadd.s32 $0x80, s20;
	[tilespmem:v8+s13+$0x0] =	vst.idx.add.f32.msk $0xffff, v15  }
0x45c: {  	_ =	sdelay $0x3  }
0x45d: {  	[tilespmem:v3+s13+$0x0] =	vst.idx.add.f32.msk $0xffff, v4  }
0x45e: {  	[tilespmem:v2+s13+$0x0] =	vst.idx.add.f32.msk $0xffff, v1  }
.LBB2_36:
0x45f: {  	v1 =	vld [tilespmem:s24+$0x0];
	_ =	sdelay $0x4  }
0x460: {  	v2 =	vshrl.u32 v1, $0x10  }
0x461: {  	v1 =	vand.u32 $0xFFFF, v1;
	_ =	sdelay $0x2  }
0x462: {  	v3 =	vld [tilespmem:s23+$0x0]  }
0x463: {  	v2 =	vld.idx.msk [tilespmem:v2+s4+$0x0], $0xffff  }
0x464: {  	v1 =	vld.idx.msk [tilespmem:v1+s1+$0x0], $0xffff  }
0x465: {  	s21 =	sadd.s32 $0x10, s21  }
0x466: {  	p2 =	slt.u32 s21, $0x7C0  }
.Ltmp20:
0x467: {  	_ = 	snop;
	(pc) =	sbr.rel @p2 .LBB2_36-.Ltmp20, $3  }
0x468: {  	_ = 	snop  }
0x469: {  	v1 =	vmul.f32 v1, v2;
	_ =	sdelay $0x1  }
0x46a: {  	s23 =	sadd.s32 $0x10, s23;
	s24 =	sadd.s32 $0x10, s24;
	[tilespmem:v3+s13+$0x0] =	vst.idx.add.f32.msk $0xffff, v1  }
0x46b: {  	s18 =	rddreg [dreg:$0x15]  }
0x46c: {  	[tilespmem:s10], [sflag:$0x4] =	stream.linear.gather [hbm4b:s18+s1], $0x7D0, $0x38;
	[tilespmem:$0x1E4B0] =	vst v63  }
0x46d: {  	s24 =	rddreg [dreg:$0x16]  }
0x46e: {  	[tilespmem:s11], [sflag:$0x4] =	stream.linear.gather [hbm4b:s24+s1], $0x7D0, $0x38;
	[tilespmem:$0x1E4B0] =	vst v63  }
0x46f: {  	_ =	swait.ge [sflag:s12], $0x7D0  }
0x470: {  	[sflag:s12] =	ssyncset.done $0x0  }
0x471: {  	[sflag:s12] =	ssyncadd.s32 $0xFFFFF830  }
0x472: {  	_ =	swait.ge [sflag:s12], $0x7D0  }
0x473: {  	[sflag:s12] =	ssyncset.done $0x0  }
0x474: {  	s19 =	simm.s32 $0x1A0C0;
	[sflag:s12] =	ssyncadd.s32 $0xFFFFF830  }
0x475: {  	v1 =	vld [tilespmem:s19+$0x30]  }
0x476: {  	v2 =	vld [tilespmem:s19+$0xFFFFFFD0]  }
0x477: {  	v3 =	vld [tilespmem:s19+$0xFFFFFFE0]  }
0x478: {  	v4 =	vld [tilespmem:s19+$0xFFFFFFF0]  }
0x479: {  	v5 =	vld [tilespmem:s19+$0x0]  }
0x47a: {  	v7 =	vld [tilespmem:s19+$0x10]  }
0x47b: {  	v9 =	vld [tilespmem:s19+$0xFFFFFFC0];
	v6 =	vshrl.u32 v1, $0x10  }
0x47c: {  	s18 =	simm.s32 $0x1B060;
	v10 =	vld [tilespmem:s19+$0x20];
	v1 =	vand.u32 $0xFFFF, v1  }
0x47d: {  	v12 =	vld [tilespmem:s18+$0x30]  }
0x47e: {  	v16 =	vld [tilespmem:s18+$0xFFFFFFD0];
	v8 =	vshrl.u32 v2, $0x10  }
0x47f: {  	v63 =	vld [tilespmem:s18+$0xFFFFFFE0];
	v2 =	vand.u32 $0xFFFF, v2  }
0x480: {  	v11 =	vshrl.u32 v3, $0x10;
	v6 =	vld.idx.msk [tilespmem:v6+s4+$0x0], $0xffff  }
0x481: {  	v3 =	vand.u32 $0xFFFF, v3;
	v1 =	vld.idx.msk [tilespmem:v1+s1+$0x0], $0xffff  }
0x482: {  	v17 =	vld [tilespmem:s18+$0xFFFFFFF0];
	v14 =	vshrl.u32 v9, $0x10  }
0x483: {  	v8 =	vld.idx.msk [tilespmem:v8+s4+$0x0], $0xffff  }
0x484: {  	v2 =	vld.idx.msk [tilespmem:v2+s1+$0x0], $0xffff  }
0x485: {  	v9 =	vand.u32 $0xFFFF, v9;
	v11 =	vld.idx.msk [tilespmem:v11+s4+$0x0], $0xffff  }
0x486: {  	v13 =	vshrl.u32 v4, $0x10;
	v15 =	vld.idx.msk [tilespmem:v3+s1+$0x0], $0xffff;
	v1 =	vmul.f32 v1, v6  }
0x487: {  	v4 =	vand.u32 $0xFFFF, v4;
	v14 =	vld.idx.msk [tilespmem:v14+s4+$0x0], $0xffff  }
0x488: {  	v3 =	vshrl.u32 v5, $0x10;
	[tilespmem:v12+s13+$0x0] =	vst.idx.add.f32.msk $0xffff, v1  }
0x489: {  	v61 =	vshrl.u32 v7, $0x10;
	v5 =	vand.u32 $0xFFFF, v5;
	v1 =	vand.u32 $0xFFFF, v7;
	v7 =	vld [tilespmem:s18+$0xFFFFFFC0]  }
0x48a: {  	v6 =	vld.idx.msk [tilespmem:v9+s1+$0x0], $0xffff  }
0x48b: {  	v13 =	vld.idx.msk [tilespmem:v13+s4+$0x0], $0xffff  }
0x48c: {  	v4 =	vld.idx.msk [tilespmem:v4+s1+$0x0], $0xffff  }
0x48d: {  	v62 =	vld.idx.msk [tilespmem:v3+s4+$0x0], $0xffff  }
0x48e: {  	v5 =	vld.idx.msk [tilespmem:v5+s1+$0x0], $0xffff;
	v3 =	vshrl.u32 v10, $0x10;
	v10 =	vand.u32 $0xFFFF, v10  }
0x48f: {  	v9 =	vld.idx.msk [tilespmem:v61+s4+$0x0], $0xffff;
	v6 =	vmul.f32 v6, v14  }
0x490: {  	v8 =	vmul.f32 v2, v8;
	v2 =	vld [tilespmem:s18+$0x20]  }
0x491: {  	[tilespmem:v7+s13+$0x0] =	vst.idx.add.f32.msk $0xffff, v6  }
0x492: {  	v6 =	vld [tilespmem:s18+$0x0]  }
0x493: {  	v10 =	vld.idx.msk [tilespmem:v10+s1+$0x0], $0xffff  }
0x494: {  	v1 =	vld.idx.msk [tilespmem:v1+s1+$0x0], $0xffff  }
0x495: {  	v11 =	vmul.f32 v15, v11;
	v7 =	vld.idx.msk [tilespmem:v3+s4+$0x0], $0xffff  }
0x496: {  	v4 =	vmul.f32 v4, v13;
	[tilespmem:v16+s13+$0x0] =	vst.idx.add.f32.msk $0xffff, v8  }
0x497: {  	[tilespmem:v63+s13+$0x0] =	vst.idx.add.f32.msk $0xffff, v11  }
0x498: {  	[tilespmem:v17+s13+$0x0] =	vst.idx.add.f32.msk $0xffff, v4;
	v5 =	vmul.f32 v5, v62  }
0x499: {  	v3 =	vld [tilespmem:s18+$0x10]  }
0x49a: {  	s20 =	simm.s32 $0x1A140;
	s19 =	simm.s32 $0x0;
	v4 =	vmul.f32 v1, v9;
	v1 =	vmul.f32 v10, v7;
	[tilespmem:v6+s13+$0x0] =	vst.idx.add.f32.msk $0xffff, v5  }
.LBB2_38:
0x49b: {  	v5 =	vld [tilespmem:s20+$0x30]  }
0x49c: {  	s19 =	sadd.s32 $0x80, s19;
	v6 =	vld [tilespmem:s20+$0xFFFFFFD0]  }
0x49d: {  	p2 =	slt.u32 s19, $0x700;
	v7 =	vld [tilespmem:s20+$0xFFFFFFE0]  }
0x49e: {  	v8 =	vld [tilespmem:s20+$0xFFFFFFF0]  }
0x49f: {  	v9 =	vld [tilespmem:s20+$0x0]  }
0x4a0: {  	v10 =	vld [tilespmem:s20+$0x10];
	v11 =	vshrl.u32 v5, $0x10  }
0x4a1: {  	v5 =	vand.u32 $0xFFFF, v5;
	v12 =	vshrl.u32 v6, $0x10;
	v6 =	vand.u32 $0xFFFF, v6;
	v13 =	vld [tilespmem:s20+$0x20]  }
0x4a2: {  	v14 =	vld [tilespmem:s20+$0xFFFFFFC0];
	v15 =	vshrl.u32 v7, $0x10;
	v7 =	vand.u32 $0xFFFF, v7  }
0x4a3: {  	s18 =	sadd.s32 $0x80, s18;
	v16 =	vshrl.u32 v8, $0x10;
	v8 =	vand.u32 $0xFFFF, v8;
	[tilespmem:v3+s13+$0x0] =	vst.idx.add.f32.msk $0xffff, v4  }
0x4a4: {  	v3 =	vshrl.u32 v9, $0x10;
	v4 =	vand.u32 $0xFFFF, v9;
	v9 =	vld [tilespmem:s18+$0x30]  }
0x4a5: {  	v17 =	vshrl.u32 v10, $0x10;
	v10 =	vand.u32 $0xFFFF, v10;
	v11 =	vld.idx.msk [tilespmem:v11+s4+$0x0], $0xffff  }
0x4a6: {  	v18 =	vshrl.u32 v13, $0x10;
	v13 =	vand.u32 $0xFFFF, v13;
	v5 =	vld.idx.msk [tilespmem:v5+s1+$0x0], $0xffff  }
0x4a7: {  	v19 =	vshrl.u32 v14, $0x10;
	v14 =	vand.u32 $0xFFFF, v14;
	v12 =	vld.idx.msk [tilespmem:v12+s4+$0x0], $0xffff  }
0x4a8: {  	v6 =	vld.idx.msk [tilespmem:v6+s1+$0x0], $0xffff  }
0x4a9: {  	v15 =	vld.idx.msk [tilespmem:v15+s4+$0x0], $0xffff  }
0x4aa: {  	v7 =	vld.idx.msk [tilespmem:v7+s1+$0x0], $0xffff  }
0x4ab: {  	v16 =	vld.idx.msk [tilespmem:v16+s4+$0x0], $0xffff  }
0x4ac: {  	v5 =	vmul.f32 v5, v11;
	v19 =	vld.idx.msk [tilespmem:v19+s4+$0x0], $0xffff  }
0x4ad: {  	v11 =	vld.idx.msk [tilespmem:v14+s1+$0x0], $0xffff  }
0x4ae: {  	s21 =	simm.s32 $0x770;
	s23 =	simm.s32 $0x1B7A0;
	s24 =	simm.s32 $0x1A800;
	v6 =	vmul.f32 v6, v12;
	[tilespmem:v9+s13+$0x0] =	vst.idx.add.f32.msk $0xffff, v5  }
0x4af: {  	v5 =	vld.idx.msk [tilespmem:v8+s1+$0x0], $0xffff  }
0x4b0: {  	v7 =	vmul.f32 v7, v15;
	v3 =	vld.idx.msk [tilespmem:v3+s4+$0x0], $0xffff  }
0x4b1: {  	v4 =	vld.idx.msk [tilespmem:v4+s1+$0x0], $0xffff  }
0x4b2: {  	v8 =	vld.idx.msk [tilespmem:v17+s4+$0x0], $0xffff  }
0x4b3: {  	v9 =	vmul.f32 v11, v19;
	v10 =	vld.idx.msk [tilespmem:v10+s1+$0x0], $0xffff  }
0x4b4: {  	v11 =	vld.idx.msk [tilespmem:v18+s4+$0x0], $0xffff  }
0x4b5: {  	v5 =	vmul.f32 v5, v16;
	v12 =	vld.idx.msk [tilespmem:v13+s1+$0x0], $0xffff  }
0x4b6: {  	v13 =	vld [tilespmem:s18+$0xFFFFFFC0]  }
0x4b7: {  	v15 =	vmul.f32 v4, v3;
	v14 =	vld [tilespmem:s18+$0xFFFFFFD0]  }
0x4b8: {  	v16 =	vld [tilespmem:s18+$0xFFFFFFE0]  }
0x4b9: {  	v4 =	vmul.f32 v10, v8;
	v17 =	vld [tilespmem:s18+$0xFFFFFFF0]  }
0x4ba: {  	v8 =	vld [tilespmem:s18+$0x0]  }
0x4bb: {  	v10 =	vmul.f32 v12, v11;
	v3 =	vld [tilespmem:s18+$0x10]  }
0x4bc: {  	v11 =	vld [tilespmem:s18+$0x20]  }
0x4bd: {  	[tilespmem:v2+s13+$0x0] =	vst.idx.add.f32.msk $0xffff, v1;
	v1 =	vmov v10  }
.Ltmp21:
0x4be: {  	[tilespmem:v13+s13+$0x0] =	vst.idx.add.f32.msk $0xffff, v9;
	(pc) =	sbr.rel @p2 .LBB2_38-.Ltmp21, $4  }
0x4bf: {  	[tilespmem:v14+s13+$0x0] =	vst.idx.add.f32.msk $0xffff, v6  }
0x4c0: {  	[tilespmem:v16+s13+$0x0] =	vst.idx.add.f32.msk $0xffff, v7  }
0x4c1: {  	[tilespmem:v17+s13+$0x0] =	vst.idx.add.f32.msk $0xffff, v5;
	v2 =	vmov v11  }
0x4c2: {  	s20 =	sadd.s32 $0x80, s20;
	[tilespmem:v8+s13+$0x0] =	vst.idx.add.f32.msk $0xffff, v15  }
0x4c3: {  	_ =	sdelay $0x3  }
0x4c4: {  	[tilespmem:v3+s13+$0x0] =	vst.idx.add.f32.msk $0xffff, v4  }
0x4c5: {  	[tilespmem:v2+s13+$0x0] =	vst.idx.add.f32.msk $0xffff, v1  }
.LBB2_40:
0x4c6: {  	v1 =	vld [tilespmem:s24+$0x0];
	_ =	sdelay $0x4  }
0x4c7: {  	v2 =	vshrl.u32 v1, $0x10  }
0x4c8: {  	v1 =	vand.u32 $0xFFFF, v1;
	_ =	sdelay $0x2  }
0x4c9: {  	v3 =	vld [tilespmem:s23+$0x0]  }
0x4ca: {  	v2 =	vld.idx.msk [tilespmem:v2+s4+$0x0], $0xffff  }
0x4cb: {  	v1 =	vld.idx.msk [tilespmem:v1+s1+$0x0], $0xffff  }
0x4cc: {  	s21 =	sadd.s32 $0x10, s21  }
0x4cd: {  	p2 =	slt.u32 s21, $0x7C0  }
.Ltmp22:
0x4ce: {  	_ = 	snop;
	(pc) =	sbr.rel @p2 .LBB2_40-.Ltmp22, $3  }
0x4cf: {  	_ = 	snop  }
0x4d0: {  	v1 =	vmul.f32 v1, v2;
	_ =	sdelay $0x1  }
0x4d1: {  	s23 =	sadd.s32 $0x10, s23;
	s24 =	sadd.s32 $0x10, s24;
	[tilespmem:v3+s13+$0x0] =	vst.idx.add.f32.msk $0xffff, v1  }
0x4d2: {  	s18 =	rddreg [dreg:$0x17]  }
0x4d3: {  	[tilespmem:s8], [sflag:$0x3] =	stream.linear.gather [hbm4b:s18+s1], $0x7D0, $0x38;
	[tilespmem:$0x1E4B0] =	vst v63  }
0x4d4: {  	s24 =	rddreg [dreg:$0x18]  }
0x4d5: {  	[tilespmem:s9], [sflag:$0x3] =	stream.linear.gather [hbm4b:s24+s1], $0x7D0, $0x38;
	[tilespmem:$0x1E4B0] =	vst v63  }
0x4d6: {  	_ =	swait.ge [sflag:s14], $0x7D0  }
0x4d7: {  	[sflag:s14] =	ssyncset.done $0x0  }
0x4d8: {  	[sflag:s14] =	ssyncadd.s32 $0xFFFFF830  }
0x4d9: {  	_ =	swait.ge [sflag:s14], $0x7D0  }
0x4da: {  	[sflag:s14] =	ssyncset.done $0x0  }
0x4db: {  	s19 =	simm.s32 $0x1A890;
	[sflag:s14] =	ssyncadd.s32 $0xFFFFF830  }
0x4dc: {  	v1 =	vld [tilespmem:s19+$0x30]  }
0x4dd: {  	v2 =	vld [tilespmem:s19+$0xFFFFFFD0]  }
0x4de: {  	v3 =	vld [tilespmem:s19+$0xFFFFFFE0]  }
0x4df: {  	v4 =	vld [tilespmem:s19+$0xFFFFFFF0]  }
0x4e0: {  	v5 =	vld [tilespmem:s19+$0x0]  }
0x4e1: {  	v7 =	vld [tilespmem:s19+$0x10]  }
0x4e2: {  	v9 =	vld [tilespmem:s19+$0xFFFFFFC0];
	v6 =	vshrl.u32 v1, $0x10  }
0x4e3: {  	s18 =	simm.s32 $0x1B830;
	v10 =	vld [tilespmem:s19+$0x20];
	v1 =	vand.u32 $0xFFFF, v1  }
0x4e4: {  	v12 =	vld [tilespmem:s18+$0x30]  }
0x4e5: {  	v16 =	vld [tilespmem:s18+$0xFFFFFFD0];
	v8 =	vshrl.u32 v2, $0x10  }
0x4e6: {  	v63 =	vld [tilespmem:s18+$0xFFFFFFE0];
	v2 =	vand.u32 $0xFFFF, v2  }
0x4e7: {  	v11 =	vshrl.u32 v3, $0x10;
	v6 =	vld.idx.msk [tilespmem:v6+s4+$0x0], $0xffff  }
0x4e8: {  	v3 =	vand.u32 $0xFFFF, v3;
	v1 =	vld.idx.msk [tilespmem:v1+s1+$0x0], $0xffff  }
0x4e9: {  	v17 =	vld [tilespmem:s18+$0xFFFFFFF0];
	v14 =	vshrl.u32 v9, $0x10  }
0x4ea: {  	v8 =	vld.idx.msk [tilespmem:v8+s4+$0x0], $0xffff  }
0x4eb: {  	v2 =	vld.idx.msk [tilespmem:v2+s1+$0x0], $0xffff  }
0x4ec: {  	v9 =	vand.u32 $0xFFFF, v9;
	v11 =	vld.idx.msk [tilespmem:v11+s4+$0x0], $0xffff  }
0x4ed: {  	v13 =	vshrl.u32 v4, $0x10;
	v15 =	vld.idx.msk [tilespmem:v3+s1+$0x0], $0xffff;
	v1 =	vmul.f32 v1, v6  }
0x4ee: {  	v4 =	vand.u32 $0xFFFF, v4;
	v14 =	vld.idx.msk [tilespmem:v14+s4+$0x0], $0xffff  }
0x4ef: {  	v3 =	vshrl.u32 v5, $0x10;
	[tilespmem:v12+s13+$0x0] =	vst.idx.add.f32.msk $0xffff, v1  }
0x4f0: {  	v61 =	vshrl.u32 v7, $0x10;
	v5 =	vand.u32 $0xFFFF, v5;
	v1 =	vand.u32 $0xFFFF, v7;
	v7 =	vld [tilespmem:s18+$0xFFFFFFC0]  }
0x4f1: {  	v6 =	vld.idx.msk [tilespmem:v9+s1+$0x0], $0xffff  }
0x4f2: {  	v13 =	vld.idx.msk [tilespmem:v13+s4+$0x0], $0xffff  }
0x4f3: {  	v4 =	vld.idx.msk [tilespmem:v4+s1+$0x0], $0xffff  }
0x4f4: {  	v62 =	vld.idx.msk [tilespmem:v3+s4+$0x0], $0xffff  }
0x4f5: {  	v5 =	vld.idx.msk [tilespmem:v5+s1+$0x0], $0xffff;
	v3 =	vshrl.u32 v10, $0x10;
	v10 =	vand.u32 $0xFFFF, v10  }
0x4f6: {  	v9 =	vld.idx.msk [tilespmem:v61+s4+$0x0], $0xffff;
	v6 =	vmul.f32 v6, v14  }
0x4f7: {  	v8 =	vmul.f32 v2, v8;
	v2 =	vld [tilespmem:s18+$0x20]  }
0x4f8: {  	[tilespmem:v7+s13+$0x0] =	vst.idx.add.f32.msk $0xffff, v6  }
0x4f9: {  	v6 =	vld [tilespmem:s18+$0x0]  }
0x4fa: {  	v10 =	vld.idx.msk [tilespmem:v10+s1+$0x0], $0xffff  }
0x4fb: {  	v1 =	vld.idx.msk [tilespmem:v1+s1+$0x0], $0xffff  }
0x4fc: {  	v11 =	vmul.f32 v15, v11;
	v7 =	vld.idx.msk [tilespmem:v3+s4+$0x0], $0xffff  }
0x4fd: {  	v4 =	vmul.f32 v4, v13;
	[tilespmem:v16+s13+$0x0] =	vst.idx.add.f32.msk $0xffff, v8  }
0x4fe: {  	[tilespmem:v63+s13+$0x0] =	vst.idx.add.f32.msk $0xffff, v11  }
0x4ff: {  	[tilespmem:v17+s13+$0x0] =	vst.idx.add.f32.msk $0xffff, v4;
	v5 =	vmul.f32 v5, v62  }
0x500: {  	v3 =	vld [tilespmem:s18+$0x10]  }
0x501: {  	s20 =	simm.s32 $0x1A910;
	s19 =	simm.s32 $0x0;
	v4 =	vmul.f32 v1, v9;
	v1 =	vmul.f32 v10, v7;
	[tilespmem:v6+s13+$0x0] =	vst.idx.add.f32.msk $0xffff, v5  }
.LBB2_42:
0x502: {  	v5 =	vld [tilespmem:s20+$0x30]  }
0x503: {  	s19 =	sadd.s32 $0x80, s19;
	v6 =	vld [tilespmem:s20+$0xFFFFFFD0]  }
0x504: {  	p2 =	slt.u32 s19, $0x700;
	v7 =	vld [tilespmem:s20+$0xFFFFFFE0]  }
0x505: {  	v8 =	vld [tilespmem:s20+$0xFFFFFFF0]  }
0x506: {  	v9 =	vld [tilespmem:s20+$0x0]  }
0x507: {  	v10 =	vld [tilespmem:s20+$0x10];
	v11 =	vshrl.u32 v5, $0x10  }
0x508: {  	v5 =	vand.u32 $0xFFFF, v5;
	v12 =	vshrl.u32 v6, $0x10;
	v6 =	vand.u32 $0xFFFF, v6;
	v13 =	vld [tilespmem:s20+$0x20]  }
0x509: {  	v14 =	vld [tilespmem:s20+$0xFFFFFFC0];
	v15 =	vshrl.u32 v7, $0x10;
	v7 =	vand.u32 $0xFFFF, v7  }
0x50a: {  	s18 =	sadd.s32 $0x80, s18;
	v16 =	vshrl.u32 v8, $0x10;
	v8 =	vand.u32 $0xFFFF, v8;
	[tilespmem:v3+s13+$0x0] =	vst.idx.add.f32.msk $0xffff, v4  }
0x50b: {  	v3 =	vshrl.u32 v9, $0x10;
	v4 =	vand.u32 $0xFFFF, v9;
	v9 =	vld [tilespmem:s18+$0x30]  }
0x50c: {  	v17 =	vshrl.u32 v10, $0x10;
	v10 =	vand.u32 $0xFFFF, v10;
	v11 =	vld.idx.msk [tilespmem:v11+s4+$0x0], $0xffff  }
0x50d: {  	v18 =	vshrl.u32 v13, $0x10;
	v13 =	vand.u32 $0xFFFF, v13;
	v5 =	vld.idx.msk [tilespmem:v5+s1+$0x0], $0xffff  }
0x50e: {  	v19 =	vshrl.u32 v14, $0x10;
	v14 =	vand.u32 $0xFFFF, v14;
	v12 =	vld.idx.msk [tilespmem:v12+s4+$0x0], $0xffff  }
0x50f: {  	v6 =	vld.idx.msk [tilespmem:v6+s1+$0x0], $0xffff  }
0x510: {  	v15 =	vld.idx.msk [tilespmem:v15+s4+$0x0], $0xffff  }
0x511: {  	v7 =	vld.idx.msk [tilespmem:v7+s1+$0x0], $0xffff  }
0x512: {  	v16 =	vld.idx.msk [tilespmem:v16+s4+$0x0], $0xffff  }
0x513: {  	v5 =	vmul.f32 v5, v11;
	v19 =	vld.idx.msk [tilespmem:v19+s4+$0x0], $0xffff  }
0x514: {  	v11 =	vld.idx.msk [tilespmem:v14+s1+$0x0], $0xffff  }
0x515: {  	s21 =	simm.s32 $0x770;
	s23 =	simm.s32 $0x1BF70;
	s24 =	simm.s32 $0x1AFD0;
	v6 =	vmul.f32 v6, v12;
	[tilespmem:v9+s13+$0x0] =	vst.idx.add.f32.msk $0xffff, v5  }
0x516: {  	v5 =	vld.idx.msk [tilespmem:v8+s1+$0x0], $0xffff  }
0x517: {  	v7 =	vmul.f32 v7, v15;
	v3 =	vld.idx.msk [tilespmem:v3+s4+$0x0], $0xffff  }
0x518: {  	v4 =	vld.idx.msk [tilespmem:v4+s1+$0x0], $0xffff  }
0x519: {  	v8 =	vld.idx.msk [tilespmem:v17+s4+$0x0], $0xffff  }
0x51a: {  	v9 =	vmul.f32 v11, v19;
	v10 =	vld.idx.msk [tilespmem:v10+s1+$0x0], $0xffff  }
0x51b: {  	v11 =	vld.idx.msk [tilespmem:v18+s4+$0x0], $0xffff  }
0x51c: {  	v5 =	vmul.f32 v5, v16;
	v12 =	vld.idx.msk [tilespmem:v13+s1+$0x0], $0xffff  }
0x51d: {  	v13 =	vld [tilespmem:s18+$0xFFFFFFC0]  }
0x51e: {  	v15 =	vmul.f32 v4, v3;
	v14 =	vld [tilespmem:s18+$0xFFFFFFD0]  }
0x51f: {  	v16 =	vld [tilespmem:s18+$0xFFFFFFE0]  }
0x520: {  	v4 =	vmul.f32 v10, v8;
	v17 =	vld [tilespmem:s18+$0xFFFFFFF0]  }
0x521: {  	v8 =	vld [tilespmem:s18+$0x0]  }
0x522: {  	v10 =	vmul.f32 v12, v11;
	v3 =	vld [tilespmem:s18+$0x10]  }
0x523: {  	v11 =	vld [tilespmem:s18+$0x20]  }
0x524: {  	[tilespmem:v2+s13+$0x0] =	vst.idx.add.f32.msk $0xffff, v1;
	v1 =	vmov v10  }
.Ltmp23:
0x525: {  	[tilespmem:v13+s13+$0x0] =	vst.idx.add.f32.msk $0xffff, v9;
	(pc) =	sbr.rel @p2 .LBB2_42-.Ltmp23, $4  }
0x526: {  	[tilespmem:v14+s13+$0x0] =	vst.idx.add.f32.msk $0xffff, v6  }
0x527: {  	[tilespmem:v16+s13+$0x0] =	vst.idx.add.f32.msk $0xffff, v7  }
0x528: {  	[tilespmem:v17+s13+$0x0] =	vst.idx.add.f32.msk $0xffff, v5;
	v2 =	vmov v11  }
0x529: {  	s20 =	sadd.s32 $0x80, s20;
	[tilespmem:v8+s13+$0x0] =	vst.idx.add.f32.msk $0xffff, v15  }
0x52a: {  	_ =	sdelay $0x3  }
0x52b: {  	[tilespmem:v3+s13+$0x0] =	vst.idx.add.f32.msk $0xffff, v4  }
0x52c: {  	[tilespmem:v2+s13+$0x0] =	vst.idx.add.f32.msk $0xffff, v1  }
.LBB2_44:
0x52d: {  	v1 =	vld [tilespmem:s24+$0x0];
	_ =	sdelay $0x4  }
0x52e: {  	v2 =	vshrl.u32 v1, $0x10  }
0x52f: {  	v1 =	vand.u32 $0xFFFF, v1;
	_ =	sdelay $0x2  }
0x530: {  	v3 =	vld [tilespmem:s23+$0x0]  }
0x531: {  	v2 =	vld.idx.msk [tilespmem:v2+s4+$0x0], $0xffff  }
0x532: {  	v1 =	vld.idx.msk [tilespmem:v1+s1+$0x0], $0xffff  }
0x533: {  	s21 =	sadd.s32 $0x10, s21  }
0x534: {  	p2 =	slt.u32 s21, $0x7C0  }
.Ltmp24:
0x535: {  	_ = 	snop;
	(pc) =	sbr.rel @p2 .LBB2_44-.Ltmp24, $3  }
0x536: {  	_ = 	snop  }
0x537: {  	v1 =	vmul.f32 v1, v2;
	_ =	sdelay $0x1  }
0x538: {  	s23 =	sadd.s32 $0x10, s23;
	s24 =	sadd.s32 $0x10, s24;
	[tilespmem:v3+s13+$0x0] =	vst.idx.add.f32.msk $0xffff, v1  }
0x539: {  	s18 =	rddreg [dreg:$0x19]  }
0x53a: {  	[tilespmem:s10], [sflag:$0x4] =	stream.linear.gather [hbm4b:s18+s1], $0x7D0, $0x38;
	[tilespmem:$0x1E4B0] =	vst v63  }
0x53b: {  	s24 =	rddreg [dreg:$0x1a]  }
0x53c: {  	[tilespmem:s11], [sflag:$0x4] =	stream.linear.gather [hbm4b:s24+s1], $0x7D0, $0x38;
	[tilespmem:$0x1E4B0] =	vst v63  }
0x53d: {  	_ =	swait.ge [sflag:s12], $0x7D0  }
0x53e: {  	[sflag:s12] =	ssyncset.done $0x0  }
0x53f: {  	[sflag:s12] =	ssyncadd.s32 $0xFFFFF830  }
0x540: {  	_ =	swait.ge [sflag:s12], $0x7D0  }
0x541: {  	[sflag:s12] =	ssyncset.done $0x0  }
0x542: {  	s19 =	simm.s32 $0x1A0C0;
	[sflag:s12] =	ssyncadd.s32 $0xFFFFF830  }
0x543: {  	v1 =	vld [tilespmem:s19+$0x30]  }
0x544: {  	v2 =	vld [tilespmem:s19+$0xFFFFFFD0]  }
0x545: {  	v3 =	vld [tilespmem:s19+$0xFFFFFFE0]  }
0x546: {  	v4 =	vld [tilespmem:s19+$0xFFFFFFF0]  }
0x547: {  	v5 =	vld [tilespmem:s19+$0x0]  }
0x548: {  	v7 =	vld [tilespmem:s19+$0x10]  }
0x549: {  	v9 =	vld [tilespmem:s19+$0xFFFFFFC0];
	v6 =	vshrl.u32 v1, $0x10  }
0x54a: {  	s18 =	simm.s32 $0x1B060;
	v10 =	vld [tilespmem:s19+$0x20];
	v1 =	vand.u32 $0xFFFF, v1  }
0x54b: {  	v12 =	vld [tilespmem:s18+$0x30]  }
0x54c: {  	v16 =	vld [tilespmem:s18+$0xFFFFFFD0];
	v8 =	vshrl.u32 v2, $0x10  }
0x54d: {  	v63 =	vld [tilespmem:s18+$0xFFFFFFE0];
	v2 =	vand.u32 $0xFFFF, v2  }
0x54e: {  	v11 =	vshrl.u32 v3, $0x10;
	v6 =	vld.idx.msk [tilespmem:v6+s4+$0x0], $0xffff  }
0x54f: {  	v3 =	vand.u32 $0xFFFF, v3;
	v1 =	vld.idx.msk [tilespmem:v1+s1+$0x0], $0xffff  }
0x550: {  	v17 =	vld [tilespmem:s18+$0xFFFFFFF0];
	v14 =	vshrl.u32 v9, $0x10  }
0x551: {  	v8 =	vld.idx.msk [tilespmem:v8+s4+$0x0], $0xffff  }
0x552: {  	v2 =	vld.idx.msk [tilespmem:v2+s1+$0x0], $0xffff  }
0x553: {  	v9 =	vand.u32 $0xFFFF, v9;
	v11 =	vld.idx.msk [tilespmem:v11+s4+$0x0], $0xffff  }
0x554: {  	v13 =	vshrl.u32 v4, $0x10;
	v15 =	vld.idx.msk [tilespmem:v3+s1+$0x0], $0xffff;
	v1 =	vmul.f32 v1, v6  }
0x555: {  	v4 =	vand.u32 $0xFFFF, v4;
	v14 =	vld.idx.msk [tilespmem:v14+s4+$0x0], $0xffff  }
0x556: {  	v3 =	vshrl.u32 v5, $0x10;
	[tilespmem:v12+s13+$0x0] =	vst.idx.add.f32.msk $0xffff, v1  }
0x557: {  	v61 =	vshrl.u32 v7, $0x10;
	v5 =	vand.u32 $0xFFFF, v5;
	v1 =	vand.u32 $0xFFFF, v7;
	v7 =	vld [tilespmem:s18+$0xFFFFFFC0]  }
0x558: {  	v6 =	vld.idx.msk [tilespmem:v9+s1+$0x0], $0xffff  }
0x559: {  	v13 =	vld.idx.msk [tilespmem:v13+s4+$0x0], $0xffff  }
0x55a: {  	v4 =	vld.idx.msk [tilespmem:v4+s1+$0x0], $0xffff  }
0x55b: {  	v62 =	vld.idx.msk [tilespmem:v3+s4+$0x0], $0xffff  }
0x55c: {  	v5 =	vld.idx.msk [tilespmem:v5+s1+$0x0], $0xffff;
	v3 =	vshrl.u32 v10, $0x10;
	v10 =	vand.u32 $0xFFFF, v10  }
0x55d: {  	v9 =	vld.idx.msk [tilespmem:v61+s4+$0x0], $0xffff;
	v6 =	vmul.f32 v6, v14  }
0x55e: {  	v8 =	vmul.f32 v2, v8;
	v2 =	vld [tilespmem:s18+$0x20]  }
0x55f: {  	[tilespmem:v7+s13+$0x0] =	vst.idx.add.f32.msk $0xffff, v6  }
0x560: {  	v6 =	vld [tilespmem:s18+$0x0]  }
0x561: {  	v10 =	vld.idx.msk [tilespmem:v10+s1+$0x0], $0xffff  }
0x562: {  	v1 =	vld.idx.msk [tilespmem:v1+s1+$0x0], $0xffff  }
0x563: {  	v11 =	vmul.f32 v15, v11;
	v7 =	vld.idx.msk [tilespmem:v3+s4+$0x0], $0xffff  }
0x564: {  	v4 =	vmul.f32 v4, v13;
	[tilespmem:v16+s13+$0x0] =	vst.idx.add.f32.msk $0xffff, v8  }
0x565: {  	[tilespmem:v63+s13+$0x0] =	vst.idx.add.f32.msk $0xffff, v11  }
0x566: {  	[tilespmem:v17+s13+$0x0] =	vst.idx.add.f32.msk $0xffff, v4;
	v5 =	vmul.f32 v5, v62  }
0x567: {  	v3 =	vld [tilespmem:s18+$0x10]  }
0x568: {  	s20 =	simm.s32 $0x1A140;
	s19 =	simm.s32 $0x0;
	v4 =	vmul.f32 v1, v9;
	v1 =	vmul.f32 v10, v7;
	[tilespmem:v6+s13+$0x0] =	vst.idx.add.f32.msk $0xffff, v5  }
.LBB2_46:
0x569: {  	v5 =	vld [tilespmem:s20+$0x30]  }
0x56a: {  	s19 =	sadd.s32 $0x80, s19;
	v6 =	vld [tilespmem:s20+$0xFFFFFFD0]  }
0x56b: {  	p2 =	slt.u32 s19, $0x700;
	v7 =	vld [tilespmem:s20+$0xFFFFFFE0]  }
0x56c: {  	v8 =	vld [tilespmem:s20+$0xFFFFFFF0]  }
0x56d: {  	v9 =	vld [tilespmem:s20+$0x0]  }
0x56e: {  	v10 =	vld [tilespmem:s20+$0x10];
	v11 =	vshrl.u32 v5, $0x10  }
0x56f: {  	v5 =	vand.u32 $0xFFFF, v5;
	v12 =	vshrl.u32 v6, $0x10;
	v6 =	vand.u32 $0xFFFF, v6;
	v13 =	vld [tilespmem:s20+$0x20]  }
0x570: {  	v14 =	vld [tilespmem:s20+$0xFFFFFFC0];
	v15 =	vshrl.u32 v7, $0x10;
	v7 =	vand.u32 $0xFFFF, v7  }
0x571: {  	s18 =	sadd.s32 $0x80, s18;
	v16 =	vshrl.u32 v8, $0x10;
	v8 =	vand.u32 $0xFFFF, v8;
	[tilespmem:v3+s13+$0x0] =	vst.idx.add.f32.msk $0xffff, v4  }
0x572: {  	v3 =	vshrl.u32 v9, $0x10;
	v4 =	vand.u32 $0xFFFF, v9;
	v9 =	vld [tilespmem:s18+$0x30]  }
0x573: {  	v17 =	vshrl.u32 v10, $0x10;
	v10 =	vand.u32 $0xFFFF, v10;
	v11 =	vld.idx.msk [tilespmem:v11+s4+$0x0], $0xffff  }
0x574: {  	v18 =	vshrl.u32 v13, $0x10;
	v13 =	vand.u32 $0xFFFF, v13;
	v5 =	vld.idx.msk [tilespmem:v5+s1+$0x0], $0xffff  }
0x575: {  	v19 =	vshrl.u32 v14, $0x10;
	v14 =	vand.u32 $0xFFFF, v14;
	v12 =	vld.idx.msk [tilespmem:v12+s4+$0x0], $0xffff  }
0x576: {  	v6 =	vld.idx.msk [tilespmem:v6+s1+$0x0], $0xffff  }
0x577: {  	v15 =	vld.idx.msk [tilespmem:v15+s4+$0x0], $0xffff  }
0x578: {  	v7 =	vld.idx.msk [tilespmem:v7+s1+$0x0], $0xffff  }
0x579: {  	v16 =	vld.idx.msk [tilespmem:v16+s4+$0x0], $0xffff  }
0x57a: {  	v5 =	vmul.f32 v5, v11;
	v19 =	vld.idx.msk [tilespmem:v19+s4+$0x0], $0xffff  }
0x57b: {  	v11 =	vld.idx.msk [tilespmem:v14+s1+$0x0], $0xffff  }
0x57c: {  	s21 =	simm.s32 $0x770;
	s23 =	simm.s32 $0x1B7A0;
	s24 =	simm.s32 $0x1A800;
	v6 =	vmul.f32 v6, v12;
	[tilespmem:v9+s13+$0x0] =	vst.idx.add.f32.msk $0xffff, v5  }
0x57d: {  	v5 =	vld.idx.msk [tilespmem:v8+s1+$0x0], $0xffff  }
0x57e: {  	v7 =	vmul.f32 v7, v15;
	v3 =	vld.idx.msk [tilespmem:v3+s4+$0x0], $0xffff  }
0x57f: {  	v4 =	vld.idx.msk [tilespmem:v4+s1+$0x0], $0xffff  }
0x580: {  	v8 =	vld.idx.msk [tilespmem:v17+s4+$0x0], $0xffff  }
0x581: {  	v9 =	vmul.f32 v11, v19;
	v10 =	vld.idx.msk [tilespmem:v10+s1+$0x0], $0xffff  }
0x582: {  	v11 =	vld.idx.msk [tilespmem:v18+s4+$0x0], $0xffff  }
0x583: {  	v5 =	vmul.f32 v5, v16;
	v12 =	vld.idx.msk [tilespmem:v13+s1+$0x0], $0xffff  }
0x584: {  	v13 =	vld [tilespmem:s18+$0xFFFFFFC0]  }
0x585: {  	v15 =	vmul.f32 v4, v3;
	v14 =	vld [tilespmem:s18+$0xFFFFFFD0]  }
0x586: {  	v16 =	vld [tilespmem:s18+$0xFFFFFFE0]  }
0x587: {  	v4 =	vmul.f32 v10, v8;
	v17 =	vld [tilespmem:s18+$0xFFFFFFF0]  }
0x588: {  	v8 =	vld [tilespmem:s18+$0x0]  }
0x589: {  	v10 =	vmul.f32 v12, v11;
	v3 =	vld [tilespmem:s18+$0x10]  }
0x58a: {  	v11 =	vld [tilespmem:s18+$0x20]  }
0x58b: {  	[tilespmem:v2+s13+$0x0] =	vst.idx.add.f32.msk $0xffff, v1;
	v1 =	vmov v10  }
.Ltmp25:
0x58c: {  	[tilespmem:v13+s13+$0x0] =	vst.idx.add.f32.msk $0xffff, v9;
	(pc) =	sbr.rel @p2 .LBB2_46-.Ltmp25, $4  }
0x58d: {  	[tilespmem:v14+s13+$0x0] =	vst.idx.add.f32.msk $0xffff, v6  }
0x58e: {  	[tilespmem:v16+s13+$0x0] =	vst.idx.add.f32.msk $0xffff, v7  }
0x58f: {  	[tilespmem:v17+s13+$0x0] =	vst.idx.add.f32.msk $0xffff, v5;
	v2 =	vmov v11  }
0x590: {  	s20 =	sadd.s32 $0x80, s20;
	[tilespmem:v8+s13+$0x0] =	vst.idx.add.f32.msk $0xffff, v15  }
0x591: {  	_ =	sdelay $0x3  }
0x592: {  	[tilespmem:v3+s13+$0x0] =	vst.idx.add.f32.msk $0xffff, v4  }
0x593: {  	[tilespmem:v2+s13+$0x0] =	vst.idx.add.f32.msk $0xffff, v1  }
.LBB2_48:
0x594: {  	v1 =	vld [tilespmem:s24+$0x0];
	_ =	sdelay $0x4  }
0x595: {  	v2 =	vshrl.u32 v1, $0x10  }
0x596: {  	v1 =	vand.u32 $0xFFFF, v1;
	_ =	sdelay $0x2  }
0x597: {  	v3 =	vld [tilespmem:s23+$0x0]  }
0x598: {  	v2 =	vld.idx.msk [tilespmem:v2+s4+$0x0], $0xffff  }
0x599: {  	v1 =	vld.idx.msk [tilespmem:v1+s1+$0x0], $0xffff  }
0x59a: {  	s21 =	sadd.s32 $0x10, s21  }
0x59b: {  	p2 =	slt.u32 s21, $0x7C0  }
.Ltmp26:
0x59c: {  	_ = 	snop;
	(pc) =	sbr.rel @p2 .LBB2_48-.Ltmp26, $3  }
0x59d: {  	_ = 	snop  }
0x59e: {  	v1 =	vmul.f32 v1, v2;
	_ =	sdelay $0x1  }
0x59f: {  	s23 =	sadd.s32 $0x10, s23;
	s24 =	sadd.s32 $0x10, s24;
	[tilespmem:v3+s13+$0x0] =	vst.idx.add.f32.msk $0xffff, v1  }
0x5a0: {  	s18 =	rddreg [dreg:$0x1b]  }
0x5a1: {  	[tilespmem:s8], [sflag:$0x3] =	stream.linear.gather [hbm4b:s18+s1], $0x7D0, $0x38;
	[tilespmem:$0x1E4B0] =	vst v63  }
0x5a2: {  	s24 =	rddreg [dreg:$0x1c]  }
0x5a3: {  	[tilespmem:s9], [sflag:$0x3] =	stream.linear.gather [hbm4b:s24+s1], $0x7D0, $0x38;
	[tilespmem:$0x1E4B0] =	vst v63  }
0x5a4: {  	_ =	swait.ge [sflag:s14], $0x7D0  }
0x5a5: {  	[sflag:s14] =	ssyncset.done $0x0  }
0x5a6: {  	[sflag:s14] =	ssyncadd.s32 $0xFFFFF830  }
0x5a7: {  	_ =	swait.ge [sflag:s14], $0x7D0  }
0x5a8: {  	[sflag:s14] =	ssyncset.done $0x0  }
0x5a9: {  	s19 =	simm.s32 $0x1A890;
	[sflag:s14] =	ssyncadd.s32 $0xFFFFF830  }
0x5aa: {  	v1 =	vld [tilespmem:s19+$0x30]  }
0x5ab: {  	v2 =	vld [tilespmem:s19+$0xFFFFFFD0]  }
0x5ac: {  	v3 =	vld [tilespmem:s19+$0xFFFFFFE0]  }
0x5ad: {  	v4 =	vld [tilespmem:s19+$0xFFFFFFF0]  }
0x5ae: {  	v5 =	vld [tilespmem:s19+$0x0]  }
0x5af: {  	v7 =	vld [tilespmem:s19+$0x10]  }
0x5b0: {  	v9 =	vld [tilespmem:s19+$0xFFFFFFC0];
	v6 =	vshrl.u32 v1, $0x10  }
0x5b1: {  	s18 =	simm.s32 $0x1B830;
	v10 =	vld [tilespmem:s19+$0x20];
	v1 =	vand.u32 $0xFFFF, v1  }
0x5b2: {  	v12 =	vld [tilespmem:s18+$0x30]  }
0x5b3: {  	v16 =	vld [tilespmem:s18+$0xFFFFFFD0];
	v8 =	vshrl.u32 v2, $0x10  }
0x5b4: {  	v63 =	vld [tilespmem:s18+$0xFFFFFFE0];
	v2 =	vand.u32 $0xFFFF, v2  }
0x5b5: {  	v11 =	vshrl.u32 v3, $0x10;
	v6 =	vld.idx.msk [tilespmem:v6+s4+$0x0], $0xffff  }
0x5b6: {  	v3 =	vand.u32 $0xFFFF, v3;
	v1 =	vld.idx.msk [tilespmem:v1+s1+$0x0], $0xffff  }
0x5b7: {  	v17 =	vld [tilespmem:s18+$0xFFFFFFF0];
	v14 =	vshrl.u32 v9, $0x10  }
0x5b8: {  	v8 =	vld.idx.msk [tilespmem:v8+s4+$0x0], $0xffff  }
0x5b9: {  	v2 =	vld.idx.msk [tilespmem:v2+s1+$0x0], $0xffff  }
0x5ba: {  	v9 =	vand.u32 $0xFFFF, v9;
	v11 =	vld.idx.msk [tilespmem:v11+s4+$0x0], $0xffff  }
0x5bb: {  	v13 =	vshrl.u32 v4, $0x10;
	v15 =	vld.idx.msk [tilespmem:v3+s1+$0x0], $0xffff;
	v1 =	vmul.f32 v1, v6  }
0x5bc: {  	v4 =	vand.u32 $0xFFFF, v4;
	v14 =	vld.idx.msk [tilespmem:v14+s4+$0x0], $0xffff  }
0x5bd: {  	v3 =	vshrl.u32 v5, $0x10;
	[tilespmem:v12+s13+$0x0] =	vst.idx.add.f32.msk $0xffff, v1  }
0x5be: {  	v61 =	vshrl.u32 v7, $0x10;
	v5 =	vand.u32 $0xFFFF, v5;
	v1 =	vand.u32 $0xFFFF, v7;
	v7 =	vld [tilespmem:s18+$0xFFFFFFC0]  }
0x5bf: {  	v6 =	vld.idx.msk [tilespmem:v9+s1+$0x0], $0xffff  }
0x5c0: {  	v13 =	vld.idx.msk [tilespmem:v13+s4+$0x0], $0xffff  }
0x5c1: {  	v4 =	vld.idx.msk [tilespmem:v4+s1+$0x0], $0xffff  }
0x5c2: {  	v62 =	vld.idx.msk [tilespmem:v3+s4+$0x0], $0xffff  }
0x5c3: {  	v5 =	vld.idx.msk [tilespmem:v5+s1+$0x0], $0xffff;
	v3 =	vshrl.u32 v10, $0x10;
	v10 =	vand.u32 $0xFFFF, v10  }
0x5c4: {  	v9 =	vld.idx.msk [tilespmem:v61+s4+$0x0], $0xffff;
	v6 =	vmul.f32 v6, v14  }
0x5c5: {  	v8 =	vmul.f32 v2, v8;
	v2 =	vld [tilespmem:s18+$0x20]  }
0x5c6: {  	[tilespmem:v7+s13+$0x0] =	vst.idx.add.f32.msk $0xffff, v6  }
0x5c7: {  	v6 =	vld [tilespmem:s18+$0x0]  }
0x5c8: {  	v10 =	vld.idx.msk [tilespmem:v10+s1+$0x0], $0xffff  }
0x5c9: {  	v1 =	vld.idx.msk [tilespmem:v1+s1+$0x0], $0xffff  }
0x5ca: {  	v11 =	vmul.f32 v15, v11;
	v7 =	vld.idx.msk [tilespmem:v3+s4+$0x0], $0xffff  }
0x5cb: {  	v4 =	vmul.f32 v4, v13;
	[tilespmem:v16+s13+$0x0] =	vst.idx.add.f32.msk $0xffff, v8  }
0x5cc: {  	[tilespmem:v63+s13+$0x0] =	vst.idx.add.f32.msk $0xffff, v11  }
0x5cd: {  	[tilespmem:v17+s13+$0x0] =	vst.idx.add.f32.msk $0xffff, v4;
	v5 =	vmul.f32 v5, v62  }
0x5ce: {  	v3 =	vld [tilespmem:s18+$0x10]  }
0x5cf: {  	s20 =	simm.s32 $0x1A910;
	s19 =	simm.s32 $0x0;
	v4 =	vmul.f32 v1, v9;
	v1 =	vmul.f32 v10, v7;
	[tilespmem:v6+s13+$0x0] =	vst.idx.add.f32.msk $0xffff, v5  }
.LBB2_50:
0x5d0: {  	v5 =	vld [tilespmem:s20+$0x30]  }
0x5d1: {  	s19 =	sadd.s32 $0x80, s19;
	v6 =	vld [tilespmem:s20+$0xFFFFFFD0]  }
0x5d2: {  	p2 =	slt.u32 s19, $0x700;
	v7 =	vld [tilespmem:s20+$0xFFFFFFE0]  }
0x5d3: {  	v8 =	vld [tilespmem:s20+$0xFFFFFFF0]  }
0x5d4: {  	v9 =	vld [tilespmem:s20+$0x0]  }
0x5d5: {  	v10 =	vld [tilespmem:s20+$0x10];
	v11 =	vshrl.u32 v5, $0x10  }
0x5d6: {  	v5 =	vand.u32 $0xFFFF, v5;
	v12 =	vshrl.u32 v6, $0x10;
	v6 =	vand.u32 $0xFFFF, v6;
	v13 =	vld [tilespmem:s20+$0x20]  }
0x5d7: {  	v14 =	vld [tilespmem:s20+$0xFFFFFFC0];
	v15 =	vshrl.u32 v7, $0x10;
	v7 =	vand.u32 $0xFFFF, v7  }
0x5d8: {  	s18 =	sadd.s32 $0x80, s18;
	v16 =	vshrl.u32 v8, $0x10;
	v8 =	vand.u32 $0xFFFF, v8;
	[tilespmem:v3+s13+$0x0] =	vst.idx.add.f32.msk $0xffff, v4  }
0x5d9: {  	v3 =	vshrl.u32 v9, $0x10;
	v4 =	vand.u32 $0xFFFF, v9;
	v9 =	vld [tilespmem:s18+$0x30]  }
0x5da: {  	v17 =	vshrl.u32 v10, $0x10;
	v10 =	vand.u32 $0xFFFF, v10;
	v11 =	vld.idx.msk [tilespmem:v11+s4+$0x0], $0xffff  }
0x5db: {  	v18 =	vshrl.u32 v13, $0x10;
	v13 =	vand.u32 $0xFFFF, v13;
	v5 =	vld.idx.msk [tilespmem:v5+s1+$0x0], $0xffff  }
0x5dc: {  	v19 =	vshrl.u32 v14, $0x10;
	v14 =	vand.u32 $0xFFFF, v14;
	v12 =	vld.idx.msk [tilespmem:v12+s4+$0x0], $0xffff  }
0x5dd: {  	v6 =	vld.idx.msk [tilespmem:v6+s1+$0x0], $0xffff  }
0x5de: {  	v15 =	vld.idx.msk [tilespmem:v15+s4+$0x0], $0xffff  }
0x5df: {  	v7 =	vld.idx.msk [tilespmem:v7+s1+$0x0], $0xffff  }
0x5e0: {  	v16 =	vld.idx.msk [tilespmem:v16+s4+$0x0], $0xffff  }
0x5e1: {  	v5 =	vmul.f32 v5, v11;
	v19 =	vld.idx.msk [tilespmem:v19+s4+$0x0], $0xffff  }
0x5e2: {  	v11 =	vld.idx.msk [tilespmem:v14+s1+$0x0], $0xffff  }
0x5e3: {  	s21 =	simm.s32 $0x770;
	s23 =	simm.s32 $0x1BF70;
	s24 =	simm.s32 $0x1AFD0;
	v6 =	vmul.f32 v6, v12;
	[tilespmem:v9+s13+$0x0] =	vst.idx.add.f32.msk $0xffff, v5  }
0x5e4: {  	v5 =	vld.idx.msk [tilespmem:v8+s1+$0x0], $0xffff  }
0x5e5: {  	v7 =	vmul.f32 v7, v15;
	v3 =	vld.idx.msk [tilespmem:v3+s4+$0x0], $0xffff  }
0x5e6: {  	v4 =	vld.idx.msk [tilespmem:v4+s1+$0x0], $0xffff  }
0x5e7: {  	v8 =	vld.idx.msk [tilespmem:v17+s4+$0x0], $0xffff  }
0x5e8: {  	v9 =	vmul.f32 v11, v19;
	v10 =	vld.idx.msk [tilespmem:v10+s1+$0x0], $0xffff  }
0x5e9: {  	v11 =	vld.idx.msk [tilespmem:v18+s4+$0x0], $0xffff  }
0x5ea: {  	v5 =	vmul.f32 v5, v16;
	v12 =	vld.idx.msk [tilespmem:v13+s1+$0x0], $0xffff  }
0x5eb: {  	v13 =	vld [tilespmem:s18+$0xFFFFFFC0]  }
0x5ec: {  	v15 =	vmul.f32 v4, v3;
	v14 =	vld [tilespmem:s18+$0xFFFFFFD0]  }
0x5ed: {  	v16 =	vld [tilespmem:s18+$0xFFFFFFE0]  }
0x5ee: {  	v4 =	vmul.f32 v10, v8;
	v17 =	vld [tilespmem:s18+$0xFFFFFFF0]  }
0x5ef: {  	v8 =	vld [tilespmem:s18+$0x0]  }
0x5f0: {  	v10 =	vmul.f32 v12, v11;
	v3 =	vld [tilespmem:s18+$0x10]  }
0x5f1: {  	v11 =	vld [tilespmem:s18+$0x20]  }
0x5f2: {  	[tilespmem:v2+s13+$0x0] =	vst.idx.add.f32.msk $0xffff, v1;
	v1 =	vmov v10  }
.Ltmp27:
0x5f3: {  	[tilespmem:v13+s13+$0x0] =	vst.idx.add.f32.msk $0xffff, v9;
	(pc) =	sbr.rel @p2 .LBB2_50-.Ltmp27, $4  }
0x5f4: {  	[tilespmem:v14+s13+$0x0] =	vst.idx.add.f32.msk $0xffff, v6  }
0x5f5: {  	[tilespmem:v16+s13+$0x0] =	vst.idx.add.f32.msk $0xffff, v7  }
0x5f6: {  	[tilespmem:v17+s13+$0x0] =	vst.idx.add.f32.msk $0xffff, v5;
	v2 =	vmov v11  }
0x5f7: {  	s20 =	sadd.s32 $0x80, s20;
	[tilespmem:v8+s13+$0x0] =	vst.idx.add.f32.msk $0xffff, v15  }
0x5f8: {  	_ =	sdelay $0x3  }
0x5f9: {  	[tilespmem:v3+s13+$0x0] =	vst.idx.add.f32.msk $0xffff, v4  }
0x5fa: {  	[tilespmem:v2+s13+$0x0] =	vst.idx.add.f32.msk $0xffff, v1  }
.LBB2_52:
0x5fb: {  	v1 =	vld [tilespmem:s24+$0x0];
	_ =	sdelay $0x4  }
0x5fc: {  	v2 =	vshrl.u32 v1, $0x10  }
0x5fd: {  	v1 =	vand.u32 $0xFFFF, v1;
	_ =	sdelay $0x2  }
0x5fe: {  	v3 =	vld [tilespmem:s23+$0x0]  }
0x5ff: {  	v2 =	vld.idx.msk [tilespmem:v2+s4+$0x0], $0xffff  }
0x600: {  	v1 =	vld.idx.msk [tilespmem:v1+s1+$0x0], $0xffff  }
0x601: {  	s21 =	sadd.s32 $0x10, s21  }
0x602: {  	p2 =	slt.u32 s21, $0x7C0  }
.Ltmp28:
0x603: {  	_ = 	snop;
	(pc) =	sbr.rel @p2 .LBB2_52-.Ltmp28, $3  }
0x604: {  	_ = 	snop  }
0x605: {  	v1 =	vmul.f32 v1, v2;
	_ =	sdelay $0x1  }
0x606: {  	s23 =	sadd.s32 $0x10, s23;
	s24 =	sadd.s32 $0x10, s24;
	[tilespmem:v3+s13+$0x0] =	vst.idx.add.f32.msk $0xffff, v1  }
0x607: {  	s18 =	rddreg [dreg:$0x1d]  }
0x608: {  	[tilespmem:s10], [sflag:$0x4] =	stream.linear.gather [hbm4b:s18+s1], $0x7D0, $0x38;
	[tilespmem:$0x1E4B0] =	vst v63  }
0x609: {  	s24 =	rddreg [dreg:$0x1e]  }
0x60a: {  	[tilespmem:s11], [sflag:$0x4] =	stream.linear.gather [hbm4b:s24+s1], $0x7D0, $0x38;
	[tilespmem:$0x1E4B0] =	vst v63  }
0x60b: {  	_ =	swait.ge [sflag:s12], $0x7D0  }
0x60c: {  	[sflag:s12] =	ssyncset.done $0x0  }
0x60d: {  	[sflag:s12] =	ssyncadd.s32 $0xFFFFF830  }
0x60e: {  	_ =	swait.ge [sflag:s12], $0x7D0  }
0x60f: {  	[sflag:s12] =	ssyncset.done $0x0  }
0x610: {  	s19 =	simm.s32 $0x1A0C0;
	[sflag:s12] =	ssyncadd.s32 $0xFFFFF830  }
0x611: {  	v1 =	vld [tilespmem:s19+$0x30]  }
0x612: {  	v2 =	vld [tilespmem:s19+$0xFFFFFFD0]  }
0x613: {  	v3 =	vld [tilespmem:s19+$0xFFFFFFE0]  }
0x614: {  	v4 =	vld [tilespmem:s19+$0xFFFFFFF0]  }
0x615: {  	v5 =	vld [tilespmem:s19+$0x0]  }
0x616: {  	v7 =	vld [tilespmem:s19+$0x10]  }
0x617: {  	v9 =	vld [tilespmem:s19+$0xFFFFFFC0];
	v6 =	vshrl.u32 v1, $0x10  }
0x618: {  	s18 =	simm.s32 $0x1B060;
	v10 =	vld [tilespmem:s19+$0x20];
	v1 =	vand.u32 $0xFFFF, v1  }
0x619: {  	v12 =	vld [tilespmem:s18+$0x30]  }
0x61a: {  	v16 =	vld [tilespmem:s18+$0xFFFFFFD0];
	v8 =	vshrl.u32 v2, $0x10  }
0x61b: {  	v63 =	vld [tilespmem:s18+$0xFFFFFFE0];
	v2 =	vand.u32 $0xFFFF, v2  }
0x61c: {  	v11 =	vshrl.u32 v3, $0x10;
	v6 =	vld.idx.msk [tilespmem:v6+s4+$0x0], $0xffff  }
0x61d: {  	v3 =	vand.u32 $0xFFFF, v3;
	v1 =	vld.idx.msk [tilespmem:v1+s1+$0x0], $0xffff  }
0x61e: {  	v17 =	vld [tilespmem:s18+$0xFFFFFFF0];
	v14 =	vshrl.u32 v9, $0x10  }
0x61f: {  	v8 =	vld.idx.msk [tilespmem:v8+s4+$0x0], $0xffff  }
0x620: {  	v2 =	vld.idx.msk [tilespmem:v2+s1+$0x0], $0xffff  }
0x621: {  	v9 =	vand.u32 $0xFFFF, v9;
	v11 =	vld.idx.msk [tilespmem:v11+s4+$0x0], $0xffff  }
0x622: {  	v13 =	vshrl.u32 v4, $0x10;
	v15 =	vld.idx.msk [tilespmem:v3+s1+$0x0], $0xffff;
	v1 =	vmul.f32 v1, v6  }
0x623: {  	v4 =	vand.u32 $0xFFFF, v4;
	v14 =	vld.idx.msk [tilespmem:v14+s4+$0x0], $0xffff  }
0x624: {  	v3 =	vshrl.u32 v5, $0x10;
	[tilespmem:v12+s13+$0x0] =	vst.idx.add.f32.msk $0xffff, v1  }
0x625: {  	v61 =	vshrl.u32 v7, $0x10;
	v5 =	vand.u32 $0xFFFF, v5;
	v1 =	vand.u32 $0xFFFF, v7;
	v7 =	vld [tilespmem:s18+$0xFFFFFFC0]  }
0x626: {  	v6 =	vld.idx.msk [tilespmem:v9+s1+$0x0], $0xffff  }
0x627: {  	v13 =	vld.idx.msk [tilespmem:v13+s4+$0x0], $0xffff  }
0x628: {  	v4 =	vld.idx.msk [tilespmem:v4+s1+$0x0], $0xffff  }
0x629: {  	v62 =	vld.idx.msk [tilespmem:v3+s4+$0x0], $0xffff  }
0x62a: {  	v5 =	vld.idx.msk [tilespmem:v5+s1+$0x0], $0xffff;
	v3 =	vshrl.u32 v10, $0x10;
	v10 =	vand.u32 $0xFFFF, v10  }
0x62b: {  	v9 =	vld.idx.msk [tilespmem:v61+s4+$0x0], $0xffff;
	v6 =	vmul.f32 v6, v14  }
0x62c: {  	v8 =	vmul.f32 v2, v8;
	v2 =	vld [tilespmem:s18+$0x20]  }
0x62d: {  	[tilespmem:v7+s13+$0x0] =	vst.idx.add.f32.msk $0xffff, v6  }
0x62e: {  	v6 =	vld [tilespmem:s18+$0x0]  }
0x62f: {  	v10 =	vld.idx.msk [tilespmem:v10+s1+$0x0], $0xffff  }
0x630: {  	v1 =	vld.idx.msk [tilespmem:v1+s1+$0x0], $0xffff  }
0x631: {  	v11 =	vmul.f32 v15, v11;
	v7 =	vld.idx.msk [tilespmem:v3+s4+$0x0], $0xffff  }
0x632: {  	v4 =	vmul.f32 v4, v13;
	[tilespmem:v16+s13+$0x0] =	vst.idx.add.f32.msk $0xffff, v8  }
0x633: {  	[tilespmem:v63+s13+$0x0] =	vst.idx.add.f32.msk $0xffff, v11  }
0x634: {  	[tilespmem:v17+s13+$0x0] =	vst.idx.add.f32.msk $0xffff, v4;
	v5 =	vmul.f32 v5, v62  }
0x635: {  	v3 =	vld [tilespmem:s18+$0x10]  }
0x636: {  	s20 =	simm.s32 $0x1A140;
	s19 =	simm.s32 $0x0;
	v4 =	vmul.f32 v1, v9;
	v1 =	vmul.f32 v10, v7;
	[tilespmem:v6+s13+$0x0] =	vst.idx.add.f32.msk $0xffff, v5  }
.LBB2_54:
0x637: {  	v5 =	vld [tilespmem:s20+$0x30]  }
0x638: {  	s19 =	sadd.s32 $0x80, s19;
	v6 =	vld [tilespmem:s20+$0xFFFFFFD0]  }
0x639: {  	p2 =	slt.u32 s19, $0x700;
	v7 =	vld [tilespmem:s20+$0xFFFFFFE0]  }
0x63a: {  	v8 =	vld [tilespmem:s20+$0xFFFFFFF0]  }
0x63b: {  	v9 =	vld [tilespmem:s20+$0x0]  }
0x63c: {  	v10 =	vld [tilespmem:s20+$0x10];
	v11 =	vshrl.u32 v5, $0x10  }
0x63d: {  	v5 =	vand.u32 $0xFFFF, v5;
	v12 =	vshrl.u32 v6, $0x10;
	v6 =	vand.u32 $0xFFFF, v6;
	v13 =	vld [tilespmem:s20+$0x20]  }
0x63e: {  	v14 =	vld [tilespmem:s20+$0xFFFFFFC0];
	v15 =	vshrl.u32 v7, $0x10;
	v7 =	vand.u32 $0xFFFF, v7  }
0x63f: {  	s18 =	sadd.s32 $0x80, s18;
	v16 =	vshrl.u32 v8, $0x10;
	v8 =	vand.u32 $0xFFFF, v8;
	[tilespmem:v3+s13+$0x0] =	vst.idx.add.f32.msk $0xffff, v4  }
0x640: {  	v3 =	vshrl.u32 v9, $0x10;
	v4 =	vand.u32 $0xFFFF, v9;
	v9 =	vld [tilespmem:s18+$0x30]  }
0x641: {  	v17 =	vshrl.u32 v10, $0x10;
	v10 =	vand.u32 $0xFFFF, v10;
	v11 =	vld.idx.msk [tilespmem:v11+s4+$0x0], $0xffff  }
0x642: {  	v18 =	vshrl.u32 v13, $0x10;
	v13 =	vand.u32 $0xFFFF, v13;
	v5 =	vld.idx.msk [tilespmem:v5+s1+$0x0], $0xffff  }
0x643: {  	v19 =	vshrl.u32 v14, $0x10;
	v14 =	vand.u32 $0xFFFF, v14;
	v12 =	vld.idx.msk [tilespmem:v12+s4+$0x0], $0xffff  }
0x644: {  	v6 =	vld.idx.msk [tilespmem:v6+s1+$0x0], $0xffff  }
0x645: {  	v15 =	vld.idx.msk [tilespmem:v15+s4+$0x0], $0xffff  }
0x646: {  	v7 =	vld.idx.msk [tilespmem:v7+s1+$0x0], $0xffff  }
0x647: {  	v16 =	vld.idx.msk [tilespmem:v16+s4+$0x0], $0xffff  }
0x648: {  	v5 =	vmul.f32 v5, v11;
	v19 =	vld.idx.msk [tilespmem:v19+s4+$0x0], $0xffff  }
0x649: {  	v11 =	vld.idx.msk [tilespmem:v14+s1+$0x0], $0xffff  }
0x64a: {  	s21 =	simm.s32 $0x770;
	s23 =	simm.s32 $0x1B7A0;
	s24 =	simm.s32 $0x1A800;
	v6 =	vmul.f32 v6, v12;
	[tilespmem:v9+s13+$0x0] =	vst.idx.add.f32.msk $0xffff, v5  }
0x64b: {  	v5 =	vld.idx.msk [tilespmem:v8+s1+$0x0], $0xffff  }
0x64c: {  	v7 =	vmul.f32 v7, v15;
	v3 =	vld.idx.msk [tilespmem:v3+s4+$0x0], $0xffff  }
0x64d: {  	v4 =	vld.idx.msk [tilespmem:v4+s1+$0x0], $0xffff  }
0x64e: {  	v8 =	vld.idx.msk [tilespmem:v17+s4+$0x0], $0xffff  }
0x64f: {  	v9 =	vmul.f32 v11, v19;
	v10 =	vld.idx.msk [tilespmem:v10+s1+$0x0], $0xffff  }
0x650: {  	v11 =	vld.idx.msk [tilespmem:v18+s4+$0x0], $0xffff  }
0x651: {  	v5 =	vmul.f32 v5, v16;
	v12 =	vld.idx.msk [tilespmem:v13+s1+$0x0], $0xffff  }
0x652: {  	v13 =	vld [tilespmem:s18+$0xFFFFFFC0]  }
0x653: {  	v15 =	vmul.f32 v4, v3;
	v14 =	vld [tilespmem:s18+$0xFFFFFFD0]  }
0x654: {  	v16 =	vld [tilespmem:s18+$0xFFFFFFE0]  }
0x655: {  	v4 =	vmul.f32 v10, v8;
	v17 =	vld [tilespmem:s18+$0xFFFFFFF0]  }
0x656: {  	v8 =	vld [tilespmem:s18+$0x0]  }
0x657: {  	v10 =	vmul.f32 v12, v11;
	v3 =	vld [tilespmem:s18+$0x10]  }
0x658: {  	v11 =	vld [tilespmem:s18+$0x20]  }
0x659: {  	[tilespmem:v2+s13+$0x0] =	vst.idx.add.f32.msk $0xffff, v1;
	v1 =	vmov v10  }
.Ltmp29:
0x65a: {  	[tilespmem:v13+s13+$0x0] =	vst.idx.add.f32.msk $0xffff, v9;
	(pc) =	sbr.rel @p2 .LBB2_54-.Ltmp29, $4  }
0x65b: {  	[tilespmem:v14+s13+$0x0] =	vst.idx.add.f32.msk $0xffff, v6  }
0x65c: {  	[tilespmem:v16+s13+$0x0] =	vst.idx.add.f32.msk $0xffff, v7  }
0x65d: {  	[tilespmem:v17+s13+$0x0] =	vst.idx.add.f32.msk $0xffff, v5;
	v2 =	vmov v11  }
0x65e: {  	s20 =	sadd.s32 $0x80, s20;
	[tilespmem:v8+s13+$0x0] =	vst.idx.add.f32.msk $0xffff, v15  }
0x65f: {  	_ =	sdelay $0x3  }
0x660: {  	[tilespmem:v3+s13+$0x0] =	vst.idx.add.f32.msk $0xffff, v4  }
0x661: {  	[tilespmem:v2+s13+$0x0] =	vst.idx.add.f32.msk $0xffff, v1  }
.LBB2_56:
0x662: {  	v1 =	vld [tilespmem:s24+$0x0];
	_ =	sdelay $0x4  }
0x663: {  	v2 =	vshrl.u32 v1, $0x10  }
0x664: {  	v1 =	vand.u32 $0xFFFF, v1;
	_ =	sdelay $0x2  }
0x665: {  	v3 =	vld [tilespmem:s23+$0x0]  }
0x666: {  	v2 =	vld.idx.msk [tilespmem:v2+s4+$0x0], $0xffff  }
0x667: {  	v1 =	vld.idx.msk [tilespmem:v1+s1+$0x0], $0xffff  }
0x668: {  	s21 =	sadd.s32 $0x10, s21  }
0x669: {  	p2 =	slt.u32 s21, $0x7C0  }
.Ltmp30:
0x66a: {  	_ = 	snop;
	(pc) =	sbr.rel @p2 .LBB2_56-.Ltmp30, $3  }
0x66b: {  	_ = 	snop  }
0x66c: {  	v1 =	vmul.f32 v1, v2;
	_ =	sdelay $0x1  }
0x66d: {  	s23 =	sadd.s32 $0x10, s23;
	s24 =	sadd.s32 $0x10, s24;
	[tilespmem:v3+s13+$0x0] =	vst.idx.add.f32.msk $0xffff, v1  }
0x66e: {  	s18 =	rddreg [dreg:$0x1f]  }
0x66f: {  	s24 =	sld [smem:$0x7E5]  }
0x670: {  	[tilespmem:s8], [sflag:$0x3] =	stream.linear.gather [hbm4b:s18+s1], $0x7D0, $0x38;
	[tilespmem:$0x1E4B0] =	vst v63  }
0x671: {  	_ = 	snop  }
0x672: {  	[tilespmem:s9], [sflag:$0x3] =	stream.linear.gather [hbm4b:s24+s1], $0x7D0, $0x38;
	[tilespmem:$0x1E4B0] =	vst v63  }
0x673: {  	_ =	swait.ge [sflag:s14], $0x7D0  }
0x674: {  	[sflag:s14] =	ssyncset.done $0x0  }
0x675: {  	[sflag:s14] =	ssyncadd.s32 $0xFFFFF830  }
0x676: {  	_ =	swait.ge [sflag:s14], $0x7D0  }
0x677: {  	[sflag:s14] =	ssyncset.done $0x0  }
0x678: {  	s19 =	simm.s32 $0x1A890;
	[sflag:s14] =	ssyncadd.s32 $0xFFFFF830  }
0x679: {  	v1 =	vld [tilespmem:s19+$0x30]  }
0x67a: {  	v2 =	vld [tilespmem:s19+$0xFFFFFFD0]  }
0x67b: {  	v3 =	vld [tilespmem:s19+$0xFFFFFFE0]  }
0x67c: {  	v4 =	vld [tilespmem:s19+$0xFFFFFFF0]  }
0x67d: {  	v5 =	vld [tilespmem:s19+$0x0]  }
0x67e: {  	v7 =	vld [tilespmem:s19+$0x10]  }
0x67f: {  	v9 =	vld [tilespmem:s19+$0xFFFFFFC0];
	v6 =	vshrl.u32 v1, $0x10  }
0x680: {  	s18 =	simm.s32 $0x1B830;
	v10 =	vld [tilespmem:s19+$0x20];
	v1 =	vand.u32 $0xFFFF, v1  }
0x681: {  	v12 =	vld [tilespmem:s18+$0x30]  }
0x682: {  	v16 =	vld [tilespmem:s18+$0xFFFFFFD0];
	v8 =	vshrl.u32 v2, $0x10  }
0x683: {  	v63 =	vld [tilespmem:s18+$0xFFFFFFE0];
	v2 =	vand.u32 $0xFFFF, v2  }
0x684: {  	v11 =	vshrl.u32 v3, $0x10;
	v6 =	vld.idx.msk [tilespmem:v6+s4+$0x0], $0xffff  }
0x685: {  	v3 =	vand.u32 $0xFFFF, v3;
	v1 =	vld.idx.msk [tilespmem:v1+s1+$0x0], $0xffff  }
0x686: {  	v17 =	vld [tilespmem:s18+$0xFFFFFFF0];
	v14 =	vshrl.u32 v9, $0x10  }
0x687: {  	v8 =	vld.idx.msk [tilespmem:v8+s4+$0x0], $0xffff  }
0x688: {  	v2 =	vld.idx.msk [tilespmem:v2+s1+$0x0], $0xffff  }
0x689: {  	v9 =	vand.u32 $0xFFFF, v9;
	v11 =	vld.idx.msk [tilespmem:v11+s4+$0x0], $0xffff  }
0x68a: {  	v13 =	vshrl.u32 v4, $0x10;
	v15 =	vld.idx.msk [tilespmem:v3+s1+$0x0], $0xffff;
	v1 =	vmul.f32 v1, v6  }
0x68b: {  	v4 =	vand.u32 $0xFFFF, v4;
	v14 =	vld.idx.msk [tilespmem:v14+s4+$0x0], $0xffff  }
0x68c: {  	v3 =	vshrl.u32 v5, $0x10;
	[tilespmem:v12+s13+$0x0] =	vst.idx.add.f32.msk $0xffff, v1  }
0x68d: {  	v61 =	vshrl.u32 v7, $0x10;
	v5 =	vand.u32 $0xFFFF, v5;
	v1 =	vand.u32 $0xFFFF, v7;
	v7 =	vld [tilespmem:s18+$0xFFFFFFC0]  }
0x68e: {  	v6 =	vld.idx.msk [tilespmem:v9+s1+$0x0], $0xffff  }
0x68f: {  	v13 =	vld.idx.msk [tilespmem:v13+s4+$0x0], $0xffff  }
0x690: {  	v4 =	vld.idx.msk [tilespmem:v4+s1+$0x0], $0xffff  }
0x691: {  	v62 =	vld.idx.msk [tilespmem:v3+s4+$0x0], $0xffff  }
0x692: {  	v5 =	vld.idx.msk [tilespmem:v5+s1+$0x0], $0xffff;
	v3 =	vshrl.u32 v10, $0x10;
	v10 =	vand.u32 $0xFFFF, v10  }
0x693: {  	v9 =	vld.idx.msk [tilespmem:v61+s4+$0x0], $0xffff;
	v6 =	vmul.f32 v6, v14  }
0x694: {  	v8 =	vmul.f32 v2, v8;
	v2 =	vld [tilespmem:s18+$0x20]  }
0x695: {  	[tilespmem:v7+s13+$0x0] =	vst.idx.add.f32.msk $0xffff, v6  }
0x696: {  	v6 =	vld [tilespmem:s18+$0x0]  }
0x697: {  	v10 =	vld.idx.msk [tilespmem:v10+s1+$0x0], $0xffff  }
0x698: {  	v1 =	vld.idx.msk [tilespmem:v1+s1+$0x0], $0xffff  }
0x699: {  	v11 =	vmul.f32 v15, v11;
	v7 =	vld.idx.msk [tilespmem:v3+s4+$0x0], $0xffff  }
0x69a: {  	v4 =	vmul.f32 v4, v13;
	[tilespmem:v16+s13+$0x0] =	vst.idx.add.f32.msk $0xffff, v8  }
0x69b: {  	[tilespmem:v63+s13+$0x0] =	vst.idx.add.f32.msk $0xffff, v11  }
0x69c: {  	[tilespmem:v17+s13+$0x0] =	vst.idx.add.f32.msk $0xffff, v4;
	v5 =	vmul.f32 v5, v62  }
0x69d: {  	v3 =	vld [tilespmem:s18+$0x10]  }
0x69e: {  	s20 =	simm.s32 $0x1A910;
	s19 =	simm.s32 $0x0;
	v4 =	vmul.f32 v1, v9;
	v1 =	vmul.f32 v10, v7;
	[tilespmem:v6+s13+$0x0] =	vst.idx.add.f32.msk $0xffff, v5  }
.LBB2_58:
0x69f: {  	v5 =	vld [tilespmem:s20+$0x30]  }
0x6a0: {  	s19 =	sadd.s32 $0x80, s19;
	v6 =	vld [tilespmem:s20+$0xFFFFFFD0]  }
0x6a1: {  	p2 =	slt.u32 s19, $0x700;
	v7 =	vld [tilespmem:s20+$0xFFFFFFE0]  }
0x6a2: {  	v8 =	vld [tilespmem:s20+$0xFFFFFFF0]  }
0x6a3: {  	v9 =	vld [tilespmem:s20+$0x0]  }
0x6a4: {  	v10 =	vld [tilespmem:s20+$0x10];
	v11 =	vshrl.u32 v5, $0x10  }
0x6a5: {  	v5 =	vand.u32 $0xFFFF, v5;
	v12 =	vshrl.u32 v6, $0x10;
	v6 =	vand.u32 $0xFFFF, v6;
	v13 =	vld [tilespmem:s20+$0x20]  }
0x6a6: {  	v14 =	vld [tilespmem:s20+$0xFFFFFFC0];
	v15 =	vshrl.u32 v7, $0x10;
	v7 =	vand.u32 $0xFFFF, v7  }
0x6a7: {  	s18 =	sadd.s32 $0x80, s18;
	v16 =	vshrl.u32 v8, $0x10;
	v8 =	vand.u32 $0xFFFF, v8;
	[tilespmem:v3+s13+$0x0] =	vst.idx.add.f32.msk $0xffff, v4  }
0x6a8: {  	v3 =	vshrl.u32 v9, $0x10;
	v4 =	vand.u32 $0xFFFF, v9;
	v9 =	vld [tilespmem:s18+$0x30]  }
0x6a9: {  	v17 =	vshrl.u32 v10, $0x10;
	v10 =	vand.u32 $0xFFFF, v10;
	v11 =	vld.idx.msk [tilespmem:v11+s4+$0x0], $0xffff  }
0x6aa: {  	v18 =	vshrl.u32 v13, $0x10;
	v13 =	vand.u32 $0xFFFF, v13;
	v5 =	vld.idx.msk [tilespmem:v5+s1+$0x0], $0xffff  }
0x6ab: {  	v19 =	vshrl.u32 v14, $0x10;
	v14 =	vand.u32 $0xFFFF, v14;
	v12 =	vld.idx.msk [tilespmem:v12+s4+$0x0], $0xffff  }
0x6ac: {  	v6 =	vld.idx.msk [tilespmem:v6+s1+$0x0], $0xffff  }
0x6ad: {  	v15 =	vld.idx.msk [tilespmem:v15+s4+$0x0], $0xffff  }
0x6ae: {  	v7 =	vld.idx.msk [tilespmem:v7+s1+$0x0], $0xffff  }
0x6af: {  	v16 =	vld.idx.msk [tilespmem:v16+s4+$0x0], $0xffff  }
0x6b0: {  	v5 =	vmul.f32 v5, v11;
	v19 =	vld.idx.msk [tilespmem:v19+s4+$0x0], $0xffff  }
0x6b1: {  	v11 =	vld.idx.msk [tilespmem:v14+s1+$0x0], $0xffff  }
0x6b2: {  	s21 =	simm.s32 $0x770;
	s23 =	simm.s32 $0x1BF70;
	s24 =	simm.s32 $0x1AFD0;
	v6 =	vmul.f32 v6, v12;
	[tilespmem:v9+s13+$0x0] =	vst.idx.add.f32.msk $0xffff, v5  }
0x6b3: {  	v5 =	vld.idx.msk [tilespmem:v8+s1+$0x0], $0xffff  }
0x6b4: {  	v7 =	vmul.f32 v7, v15;
	v3 =	vld.idx.msk [tilespmem:v3+s4+$0x0], $0xffff  }
0x6b5: {  	v4 =	vld.idx.msk [tilespmem:v4+s1+$0x0], $0xffff  }
0x6b6: {  	v8 =	vld.idx.msk [tilespmem:v17+s4+$0x0], $0xffff  }
0x6b7: {  	v9 =	vmul.f32 v11, v19;
	v10 =	vld.idx.msk [tilespmem:v10+s1+$0x0], $0xffff  }
0x6b8: {  	v11 =	vld.idx.msk [tilespmem:v18+s4+$0x0], $0xffff  }
0x6b9: {  	v5 =	vmul.f32 v5, v16;
	v12 =	vld.idx.msk [tilespmem:v13+s1+$0x0], $0xffff  }
0x6ba: {  	v13 =	vld [tilespmem:s18+$0xFFFFFFC0]  }
0x6bb: {  	v15 =	vmul.f32 v4, v3;
	v14 =	vld [tilespmem:s18+$0xFFFFFFD0]  }
0x6bc: {  	v16 =	vld [tilespmem:s18+$0xFFFFFFE0]  }
0x6bd: {  	v4 =	vmul.f32 v10, v8;
	v17 =	vld [tilespmem:s18+$0xFFFFFFF0]  }
0x6be: {  	v8 =	vld [tilespmem:s18+$0x0]  }
0x6bf: {  	v10 =	vmul.f32 v12, v11;
	v3 =	vld [tilespmem:s18+$0x10]  }
0x6c0: {  	v11 =	vld [tilespmem:s18+$0x20]  }
0x6c1: {  	[tilespmem:v2+s13+$0x0] =	vst.idx.add.f32.msk $0xffff, v1;
	v1 =	vmov v10  }
.Ltmp31:
0x6c2: {  	[tilespmem:v13+s13+$0x0] =	vst.idx.add.f32.msk $0xffff, v9;
	(pc) =	sbr.rel @p2 .LBB2_58-.Ltmp31, $4  }
0x6c3: {  	[tilespmem:v14+s13+$0x0] =	vst.idx.add.f32.msk $0xffff, v6  }
0x6c4: {  	[tilespmem:v16+s13+$0x0] =	vst.idx.add.f32.msk $0xffff, v7  }
0x6c5: {  	[tilespmem:v17+s13+$0x0] =	vst.idx.add.f32.msk $0xffff, v5;
	v2 =	vmov v11  }
0x6c6: {  	s20 =	sadd.s32 $0x80, s20;
	[tilespmem:v8+s13+$0x0] =	vst.idx.add.f32.msk $0xffff, v15  }
0x6c7: {  	_ =	sdelay $0x3  }
0x6c8: {  	[tilespmem:v3+s13+$0x0] =	vst.idx.add.f32.msk $0xffff, v4  }
0x6c9: {  	[tilespmem:v2+s13+$0x0] =	vst.idx.add.f32.msk $0xffff, v1  }
.LBB2_60:
0x6ca: {  	v1 =	vld [tilespmem:s24+$0x0];
	_ =	sdelay $0x4  }
0x6cb: {  	v2 =	vshrl.u32 v1, $0x10  }
0x6cc: {  	v1 =	vand.u32 $0xFFFF, v1;
	_ =	sdelay $0x2  }
0x6cd: {  	v3 =	vld [tilespmem:s23+$0x0]  }
0x6ce: {  	v2 =	vld.idx.msk [tilespmem:v2+s4+$0x0], $0xffff  }
0x6cf: {  	v1 =	vld.idx.msk [tilespmem:v1+s1+$0x0], $0xffff  }
0x6d0: {  	s21 =	sadd.s32 $0x10, s21  }
0x6d1: {  	p2 =	slt.u32 s21, $0x7C0  }
.Ltmp32:
0x6d2: {  	_ = 	snop;
	(pc) =	sbr.rel @p2 .LBB2_60-.Ltmp32, $3  }
0x6d3: {  	_ = 	snop  }
0x6d4: {  	v1 =	vmul.f32 v1, v2;
	_ =	sdelay $0x1  }
0x6d5: {  	s23 =	sadd.s32 $0x10, s23;
	s24 =	sadd.s32 $0x10, s24;
	[tilespmem:v3+s13+$0x0] =	vst.idx.add.f32.msk $0xffff, v1  }
0x6d6: {  	s18 =	sld [smem:$0x7E6];
	_ =	sdelay $0x1  }
0x6d7: {  	s24 =	sld [smem:$0x7E7]  }
0x6d8: {  	[tilespmem:s10], [sflag:$0x4] =	stream.linear.gather [hbm4b:s18+s1], $0x7D0, $0x38;
	[tilespmem:$0x1E4B0] =	vst v63  }
0x6d9: {  	_ = 	snop  }
0x6da: {  	[tilespmem:s11], [sflag:$0x4] =	stream.linear.gather [hbm4b:s24+s1], $0x7D0, $0x38;
	[tilespmem:$0x1E4B0] =	vst v63  }
0x6db: {  	_ =	swait.ge [sflag:s12], $0x7D0  }
0x6dc: {  	[sflag:s12] =	ssyncset.done $0x0  }
0x6dd: {  	[sflag:s12] =	ssyncadd.s32 $0xFFFFF830  }
0x6de: {  	_ =	swait.ge [sflag:s12], $0x7D0  }
0x6df: {  	[sflag:s12] =	ssyncset.done $0x0  }
0x6e0: {  	s19 =	simm.s32 $0x1A0C0;
	[sflag:s12] =	ssyncadd.s32 $0xFFFFF830  }
0x6e1: {  	v1 =	vld [tilespmem:s19+$0x30]  }
0x6e2: {  	v2 =	vld [tilespmem:s19+$0xFFFFFFD0]  }
0x6e3: {  	v3 =	vld [tilespmem:s19+$0xFFFFFFE0]  }
0x6e4: {  	v4 =	vld [tilespmem:s19+$0xFFFFFFF0]  }
0x6e5: {  	v5 =	vld [tilespmem:s19+$0x0]  }
0x6e6: {  	v7 =	vld [tilespmem:s19+$0x10]  }
0x6e7: {  	v9 =	vld [tilespmem:s19+$0xFFFFFFC0];
	v6 =	vshrl.u32 v1, $0x10  }
0x6e8: {  	s18 =	simm.s32 $0x1B060;
	v10 =	vld [tilespmem:s19+$0x20];
	v1 =	vand.u32 $0xFFFF, v1  }
0x6e9: {  	v12 =	vld [tilespmem:s18+$0x30]  }
0x6ea: {  	v16 =	vld [tilespmem:s18+$0xFFFFFFD0];
	v8 =	vshrl.u32 v2, $0x10  }
0x6eb: {  	v63 =	vld [tilespmem:s18+$0xFFFFFFE0];
	v2 =	vand.u32 $0xFFFF, v2  }
0x6ec: {  	v11 =	vshrl.u32 v3, $0x10;
	v6 =	vld.idx.msk [tilespmem:v6+s4+$0x0], $0xffff  }
0x6ed: {  	v3 =	vand.u32 $0xFFFF, v3;
	v1 =	vld.idx.msk [tilespmem:v1+s1+$0x0], $0xffff  }
0x6ee: {  	v17 =	vld [tilespmem:s18+$0xFFFFFFF0];
	v14 =	vshrl.u32 v9, $0x10  }
0x6ef: {  	v8 =	vld.idx.msk [tilespmem:v8+s4+$0x0], $0xffff  }
0x6f0: {  	v2 =	vld.idx.msk [tilespmem:v2+s1+$0x0], $0xffff  }
0x6f1: {  	v9 =	vand.u32 $0xFFFF, v9;
	v11 =	vld.idx.msk [tilespmem:v11+s4+$0x0], $0xffff  }
0x6f2: {  	v13 =	vshrl.u32 v4, $0x10;
	v15 =	vld.idx.msk [tilespmem:v3+s1+$0x0], $0xffff;
	v1 =	vmul.f32 v1, v6  }
0x6f3: {  	v4 =	vand.u32 $0xFFFF, v4;
	v14 =	vld.idx.msk [tilespmem:v14+s4+$0x0], $0xffff  }
0x6f4: {  	v3 =	vshrl.u32 v5, $0x10;
	[tilespmem:v12+s13+$0x0] =	vst.idx.add.f32.msk $0xffff, v1  }
0x6f5: {  	v61 =	vshrl.u32 v7, $0x10;
	v5 =	vand.u32 $0xFFFF, v5;
	v1 =	vand.u32 $0xFFFF, v7;
	v7 =	vld [tilespmem:s18+$0xFFFFFFC0]  }
0x6f6: {  	v6 =	vld.idx.msk [tilespmem:v9+s1+$0x0], $0xffff  }
0x6f7: {  	v13 =	vld.idx.msk [tilespmem:v13+s4+$0x0], $0xffff  }
0x6f8: {  	v4 =	vld.idx.msk [tilespmem:v4+s1+$0x0], $0xffff  }
0x6f9: {  	v62 =	vld.idx.msk [tilespmem:v3+s4+$0x0], $0xffff  }
0x6fa: {  	v5 =	vld.idx.msk [tilespmem:v5+s1+$0x0], $0xffff;
	v3 =	vshrl.u32 v10, $0x10;
	v10 =	vand.u32 $0xFFFF, v10  }
0x6fb: {  	v9 =	vld.idx.msk [tilespmem:v61+s4+$0x0], $0xffff;
	v6 =	vmul.f32 v6, v14  }
0x6fc: {  	v8 =	vmul.f32 v2, v8;
	v2 =	vld [tilespmem:s18+$0x20]  }
0x6fd: {  	[tilespmem:v7+s13+$0x0] =	vst.idx.add.f32.msk $0xffff, v6  }
0x6fe: {  	v6 =	vld [tilespmem:s18+$0x0]  }
0x6ff: {  	v10 =	vld.idx.msk [tilespmem:v10+s1+$0x0], $0xffff  }
0x700: {  	v1 =	vld.idx.msk [tilespmem:v1+s1+$0x0], $0xffff  }
0x701: {  	v11 =	vmul.f32 v15, v11;
	v7 =	vld.idx.msk [tilespmem:v3+s4+$0x0], $0xffff  }
0x702: {  	v4 =	vmul.f32 v4, v13;
	[tilespmem:v16+s13+$0x0] =	vst.idx.add.f32.msk $0xffff, v8  }
0x703: {  	[tilespmem:v63+s13+$0x0] =	vst.idx.add.f32.msk $0xffff, v11  }
0x704: {  	[tilespmem:v17+s13+$0x0] =	vst.idx.add.f32.msk $0xffff, v4;
	v5 =	vmul.f32 v5, v62  }
0x705: {  	v3 =	vld [tilespmem:s18+$0x10]  }
0x706: {  	s20 =	simm.s32 $0x1A140;
	s19 =	simm.s32 $0x0;
	v4 =	vmul.f32 v1, v9;
	v1 =	vmul.f32 v10, v7;
	[tilespmem:v6+s13+$0x0] =	vst.idx.add.f32.msk $0xffff, v5  }
.LBB2_62:
0x707: {  	v5 =	vld [tilespmem:s20+$0x30]  }
0x708: {  	s19 =	sadd.s32 $0x80, s19;
	v6 =	vld [tilespmem:s20+$0xFFFFFFD0]  }
0x709: {  	p2 =	slt.u32 s19, $0x700;
	v7 =	vld [tilespmem:s20+$0xFFFFFFE0]  }
0x70a: {  	v8 =	vld [tilespmem:s20+$0xFFFFFFF0]  }
0x70b: {  	v9 =	vld [tilespmem:s20+$0x0]  }
0x70c: {  	v10 =	vld [tilespmem:s20+$0x10];
	v11 =	vshrl.u32 v5, $0x10  }
0x70d: {  	v5 =	vand.u32 $0xFFFF, v5;
	v12 =	vshrl.u32 v6, $0x10;
	v6 =	vand.u32 $0xFFFF, v6;
	v13 =	vld [tilespmem:s20+$0x20]  }
0x70e: {  	v14 =	vld [tilespmem:s20+$0xFFFFFFC0];
	v15 =	vshrl.u32 v7, $0x10;
	v7 =	vand.u32 $0xFFFF, v7  }
0x70f: {  	s18 =	sadd.s32 $0x80, s18;
	v16 =	vshrl.u32 v8, $0x10;
	v8 =	vand.u32 $0xFFFF, v8;
	[tilespmem:v3+s13+$0x0] =	vst.idx.add.f32.msk $0xffff, v4  }
0x710: {  	v3 =	vshrl.u32 v9, $0x10;
	v4 =	vand.u32 $0xFFFF, v9;
	v9 =	vld [tilespmem:s18+$0x30]  }
0x711: {  	v17 =	vshrl.u32 v10, $0x10;
	v10 =	vand.u32 $0xFFFF, v10;
	v11 =	vld.idx.msk [tilespmem:v11+s4+$0x0], $0xffff  }
0x712: {  	v18 =	vshrl.u32 v13, $0x10;
	v13 =	vand.u32 $0xFFFF, v13;
	v5 =	vld.idx.msk [tilespmem:v5+s1+$0x0], $0xffff  }
0x713: {  	v19 =	vshrl.u32 v14, $0x10;
	v14 =	vand.u32 $0xFFFF, v14;
	v12 =	vld.idx.msk [tilespmem:v12+s4+$0x0], $0xffff  }
0x714: {  	v6 =	vld.idx.msk [tilespmem:v6+s1+$0x0], $0xffff  }
0x715: {  	v15 =	vld.idx.msk [tilespmem:v15+s4+$0x0], $0xffff  }
0x716: {  	v7 =	vld.idx.msk [tilespmem:v7+s1+$0x0], $0xffff  }
0x717: {  	v16 =	vld.idx.msk [tilespmem:v16+s4+$0x0], $0xffff  }
0x718: {  	v5 =	vmul.f32 v5, v11;
	v19 =	vld.idx.msk [tilespmem:v19+s4+$0x0], $0xffff  }
0x719: {  	v11 =	vld.idx.msk [tilespmem:v14+s1+$0x0], $0xffff  }
0x71a: {  	s21 =	simm.s32 $0x770;
	s23 =	simm.s32 $0x1B7A0;
	s24 =	simm.s32 $0x1A800;
	v6 =	vmul.f32 v6, v12;
	[tilespmem:v9+s13+$0x0] =	vst.idx.add.f32.msk $0xffff, v5  }
0x71b: {  	v5 =	vld.idx.msk [tilespmem:v8+s1+$0x0], $0xffff  }
0x71c: {  	v7 =	vmul.f32 v7, v15;
	v3 =	vld.idx.msk [tilespmem:v3+s4+$0x0], $0xffff  }
0x71d: {  	v4 =	vld.idx.msk [tilespmem:v4+s1+$0x0], $0xffff  }
0x71e: {  	v8 =	vld.idx.msk [tilespmem:v17+s4+$0x0], $0xffff  }
0x71f: {  	v9 =	vmul.f32 v11, v19;
	v10 =	vld.idx.msk [tilespmem:v10+s1+$0x0], $0xffff  }
0x720: {  	v11 =	vld.idx.msk [tilespmem:v18+s4+$0x0], $0xffff  }
0x721: {  	v5 =	vmul.f32 v5, v16;
	v12 =	vld.idx.msk [tilespmem:v13+s1+$0x0], $0xffff  }
0x722: {  	v13 =	vld [tilespmem:s18+$0xFFFFFFC0]  }
0x723: {  	v15 =	vmul.f32 v4, v3;
	v14 =	vld [tilespmem:s18+$0xFFFFFFD0]  }
0x724: {  	v16 =	vld [tilespmem:s18+$0xFFFFFFE0]  }
0x725: {  	v4 =	vmul.f32 v10, v8;
	v17 =	vld [tilespmem:s18+$0xFFFFFFF0]  }
0x726: {  	v8 =	vld [tilespmem:s18+$0x0]  }
0x727: {  	v10 =	vmul.f32 v12, v11;
	v3 =	vld [tilespmem:s18+$0x10]  }
0x728: {  	v11 =	vld [tilespmem:s18+$0x20]  }
0x729: {  	[tilespmem:v2+s13+$0x0] =	vst.idx.add.f32.msk $0xffff, v1;
	v1 =	vmov v10  }
.Ltmp33:
0x72a: {  	[tilespmem:v13+s13+$0x0] =	vst.idx.add.f32.msk $0xffff, v9;
	(pc) =	sbr.rel @p2 .LBB2_62-.Ltmp33, $4  }
0x72b: {  	[tilespmem:v14+s13+$0x0] =	vst.idx.add.f32.msk $0xffff, v6  }
0x72c: {  	[tilespmem:v16+s13+$0x0] =	vst.idx.add.f32.msk $0xffff, v7  }
0x72d: {  	[tilespmem:v17+s13+$0x0] =	vst.idx.add.f32.msk $0xffff, v5;
	v2 =	vmov v11  }
0x72e: {  	s20 =	sadd.s32 $0x80, s20;
	[tilespmem:v8+s13+$0x0] =	vst.idx.add.f32.msk $0xffff, v15  }
0x72f: {  	_ =	sdelay $0x3  }
0x730: {  	[tilespmem:v3+s13+$0x0] =	vst.idx.add.f32.msk $0xffff, v4  }
0x731: {  	[tilespmem:v2+s13+$0x0] =	vst.idx.add.f32.msk $0xffff, v1  }
.LBB2_64:
0x732: {  	v1 =	vld [tilespmem:s24+$0x0];
	_ =	sdelay $0x4  }
0x733: {  	v2 =	vshrl.u32 v1, $0x10  }
0x734: {  	v1 =	vand.u32 $0xFFFF, v1;
	_ =	sdelay $0x2  }
0x735: {  	v3 =	vld [tilespmem:s23+$0x0]  }
0x736: {  	v2 =	vld.idx.msk [tilespmem:v2+s4+$0x0], $0xffff  }
0x737: {  	v1 =	vld.idx.msk [tilespmem:v1+s1+$0x0], $0xffff  }
0x738: {  	s21 =	sadd.s32 $0x10, s21  }
0x739: {  	p2 =	slt.u32 s21, $0x7C0  }
.Ltmp34:
0x73a: {  	_ = 	snop;
	(pc) =	sbr.rel @p2 .LBB2_64-.Ltmp34, $3  }
0x73b: {  	_ = 	snop  }
0x73c: {  	v1 =	vmul.f32 v1, v2;
	_ =	sdelay $0x1  }
0x73d: {  	s23 =	sadd.s32 $0x10, s23;
	s24 =	sadd.s32 $0x10, s24;
	[tilespmem:v3+s13+$0x0] =	vst.idx.add.f32.msk $0xffff, v1  }
0x73e: {  	s18 =	sld [smem:$0x7E8];
	_ =	sdelay $0x1  }
0x73f: {  	s24 =	sld [smem:$0x7E9]  }
0x740: {  	[tilespmem:s8], [sflag:$0x3] =	stream.linear.gather [hbm4b:s18+s1], $0x7D0, $0x38;
	[tilespmem:$0x1E4B0] =	vst v63  }
0x741: {  	_ = 	snop  }
0x742: {  	[tilespmem:s9], [sflag:$0x3] =	stream.linear.gather [hbm4b:s24+s1], $0x7D0, $0x38;
	[tilespmem:$0x1E4B0] =	vst v63  }
0x743: {  	_ =	swait.ge [sflag:s14], $0x7D0  }
0x744: {  	[sflag:s14] =	ssyncset.done $0x0  }
0x745: {  	[sflag:s14] =	ssyncadd.s32 $0xFFFFF830  }
0x746: {  	_ =	swait.ge [sflag:s14], $0x7D0  }
0x747: {  	[sflag:s14] =	ssyncset.done $0x0  }
0x748: {  	s19 =	simm.s32 $0x1A890;
	[sflag:s14] =	ssyncadd.s32 $0xFFFFF830  }
0x749: {  	v1 =	vld [tilespmem:s19+$0x30]  }
0x74a: {  	v2 =	vld [tilespmem:s19+$0xFFFFFFD0]  }
0x74b: {  	v3 =	vld [tilespmem:s19+$0xFFFFFFE0]  }
0x74c: {  	v4 =	vld [tilespmem:s19+$0xFFFFFFF0]  }
0x74d: {  	v5 =	vld [tilespmem:s19+$0x0]  }
0x74e: {  	v7 =	vld [tilespmem:s19+$0x10]  }
0x74f: {  	v9 =	vld [tilespmem:s19+$0xFFFFFFC0];
	v6 =	vshrl.u32 v1, $0x10  }
0x750: {  	s18 =	simm.s32 $0x1B830;
	v10 =	vld [tilespmem:s19+$0x20];
	v1 =	vand.u32 $0xFFFF, v1  }
0x751: {  	v12 =	vld [tilespmem:s18+$0x30]  }
0x752: {  	v16 =	vld [tilespmem:s18+$0xFFFFFFD0];
	v8 =	vshrl.u32 v2, $0x10  }
0x753: {  	v63 =	vld [tilespmem:s18+$0xFFFFFFE0];
	v2 =	vand.u32 $0xFFFF, v2  }
0x754: {  	v11 =	vshrl.u32 v3, $0x10;
	v6 =	vld.idx.msk [tilespmem:v6+s4+$0x0], $0xffff  }
0x755: {  	v3 =	vand.u32 $0xFFFF, v3;
	v1 =	vld.idx.msk [tilespmem:v1+s1+$0x0], $0xffff  }
0x756: {  	v17 =	vld [tilespmem:s18+$0xFFFFFFF0];
	v14 =	vshrl.u32 v9, $0x10  }
0x757: {  	v8 =	vld.idx.msk [tilespmem:v8+s4+$0x0], $0xffff  }
0x758: {  	v2 =	vld.idx.msk [tilespmem:v2+s1+$0x0], $0xffff  }
0x759: {  	v9 =	vand.u32 $0xFFFF, v9;
	v11 =	vld.idx.msk [tilespmem:v11+s4+$0x0], $0xffff  }
0x75a: {  	v13 =	vshrl.u32 v4, $0x10;
	v15 =	vld.idx.msk [tilespmem:v3+s1+$0x0], $0xffff;
	v1 =	vmul.f32 v1, v6  }
0x75b: {  	v4 =	vand.u32 $0xFFFF, v4;
	v14 =	vld.idx.msk [tilespmem:v14+s4+$0x0], $0xffff  }
0x75c: {  	v3 =	vshrl.u32 v5, $0x10;
	[tilespmem:v12+s13+$0x0] =	vst.idx.add.f32.msk $0xffff, v1  }
0x75d: {  	v61 =	vshrl.u32 v7, $0x10;
	v5 =	vand.u32 $0xFFFF, v5;
	v1 =	vand.u32 $0xFFFF, v7;
	v7 =	vld [tilespmem:s18+$0xFFFFFFC0]  }
0x75e: {  	v6 =	vld.idx.msk [tilespmem:v9+s1+$0x0], $0xffff  }
0x75f: {  	v13 =	vld.idx.msk [tilespmem:v13+s4+$0x0], $0xffff  }
0x760: {  	v4 =	vld.idx.msk [tilespmem:v4+s1+$0x0], $0xffff  }
0x761: {  	v62 =	vld.idx.msk [tilespmem:v3+s4+$0x0], $0xffff  }
0x762: {  	v5 =	vld.idx.msk [tilespmem:v5+s1+$0x0], $0xffff;
	v3 =	vshrl.u32 v10, $0x10;
	v10 =	vand.u32 $0xFFFF, v10  }
0x763: {  	v9 =	vld.idx.msk [tilespmem:v61+s4+$0x0], $0xffff;
	v6 =	vmul.f32 v6, v14  }
0x764: {  	v8 =	vmul.f32 v2, v8;
	v2 =	vld [tilespmem:s18+$0x20]  }
0x765: {  	[tilespmem:v7+s13+$0x0] =	vst.idx.add.f32.msk $0xffff, v6  }
0x766: {  	v6 =	vld [tilespmem:s18+$0x0]  }
0x767: {  	v10 =	vld.idx.msk [tilespmem:v10+s1+$0x0], $0xffff  }
0x768: {  	v1 =	vld.idx.msk [tilespmem:v1+s1+$0x0], $0xffff  }
0x769: {  	v11 =	vmul.f32 v15, v11;
	v7 =	vld.idx.msk [tilespmem:v3+s4+$0x0], $0xffff  }
0x76a: {  	v4 =	vmul.f32 v4, v13;
	[tilespmem:v16+s13+$0x0] =	vst.idx.add.f32.msk $0xffff, v8  }
0x76b: {  	[tilespmem:v63+s13+$0x0] =	vst.idx.add.f32.msk $0xffff, v11  }
0x76c: {  	[tilespmem:v17+s13+$0x0] =	vst.idx.add.f32.msk $0xffff, v4;
	v5 =	vmul.f32 v5, v62  }
0x76d: {  	v3 =	vld [tilespmem:s18+$0x10]  }
0x76e: {  	s20 =	simm.s32 $0x1A910;
	s19 =	simm.s32 $0x0;
	v4 =	vmul.f32 v1, v9;
	v1 =	vmul.f32 v10, v7;
	[tilespmem:v6+s13+$0x0] =	vst.idx.add.f32.msk $0xffff, v5  }
.LBB2_66:
0x76f: {  	v5 =	vld [tilespmem:s20+$0x30]  }
0x770: {  	s19 =	sadd.s32 $0x80, s19;
	v6 =	vld [tilespmem:s20+$0xFFFFFFD0]  }
0x771: {  	p2 =	slt.u32 s19, $0x700;
	v7 =	vld [tilespmem:s20+$0xFFFFFFE0]  }
0x772: {  	v8 =	vld [tilespmem:s20+$0xFFFFFFF0]  }
0x773: {  	v9 =	vld [tilespmem:s20+$0x0]  }
0x774: {  	v10 =	vld [tilespmem:s20+$0x10];
	v11 =	vshrl.u32 v5, $0x10  }
0x775: {  	v5 =	vand.u32 $0xFFFF, v5;
	v12 =	vshrl.u32 v6, $0x10;
	v6 =	vand.u32 $0xFFFF, v6;
	v13 =	vld [tilespmem:s20+$0x20]  }
0x776: {  	v14 =	vld [tilespmem:s20+$0xFFFFFFC0];
	v15 =	vshrl.u32 v7, $0x10;
	v7 =	vand.u32 $0xFFFF, v7  }
0x777: {  	s18 =	sadd.s32 $0x80, s18;
	v16 =	vshrl.u32 v8, $0x10;
	v8 =	vand.u32 $0xFFFF, v8;
	[tilespmem:v3+s13+$0x0] =	vst.idx.add.f32.msk $0xffff, v4  }
0x778: {  	v3 =	vshrl.u32 v9, $0x10;
	v4 =	vand.u32 $0xFFFF, v9;
	v9 =	vld [tilespmem:s18+$0x30]  }
0x779: {  	v17 =	vshrl.u32 v10, $0x10;
	v10 =	vand.u32 $0xFFFF, v10;
	v11 =	vld.idx.msk [tilespmem:v11+s4+$0x0], $0xffff  }
0x77a: {  	v18 =	vshrl.u32 v13, $0x10;
	v13 =	vand.u32 $0xFFFF, v13;
	v5 =	vld.idx.msk [tilespmem:v5+s1+$0x0], $0xffff  }
0x77b: {  	v19 =	vshrl.u32 v14, $0x10;
	v14 =	vand.u32 $0xFFFF, v14;
	v12 =	vld.idx.msk [tilespmem:v12+s4+$0x0], $0xffff  }
0x77c: {  	v6 =	vld.idx.msk [tilespmem:v6+s1+$0x0], $0xffff  }
0x77d: {  	v15 =	vld.idx.msk [tilespmem:v15+s4+$0x0], $0xffff  }
0x77e: {  	v7 =	vld.idx.msk [tilespmem:v7+s1+$0x0], $0xffff  }
0x77f: {  	v16 =	vld.idx.msk [tilespmem:v16+s4+$0x0], $0xffff  }
0x780: {  	v5 =	vmul.f32 v5, v11;
	v19 =	vld.idx.msk [tilespmem:v19+s4+$0x0], $0xffff  }
0x781: {  	v11 =	vld.idx.msk [tilespmem:v14+s1+$0x0], $0xffff  }
0x782: {  	s21 =	simm.s32 $0x770;
	s23 =	simm.s32 $0x1BF70;
	s24 =	simm.s32 $0x1AFD0;
	v6 =	vmul.f32 v6, v12;
	[tilespmem:v9+s13+$0x0] =	vst.idx.add.f32.msk $0xffff, v5  }
0x783: {  	v5 =	vld.idx.msk [tilespmem:v8+s1+$0x0], $0xffff  }
0x784: {  	v7 =	vmul.f32 v7, v15;
	v3 =	vld.idx.msk [tilespmem:v3+s4+$0x0], $0xffff  }
0x785: {  	v4 =	vld.idx.msk [tilespmem:v4+s1+$0x0], $0xffff  }
0x786: {  	v8 =	vld.idx.msk [tilespmem:v17+s4+$0x0], $0xffff  }
0x787: {  	v9 =	vmul.f32 v11, v19;
	v10 =	vld.idx.msk [tilespmem:v10+s1+$0x0], $0xffff  }
0x788: {  	v11 =	vld.idx.msk [tilespmem:v18+s4+$0x0], $0xffff  }
0x789: {  	v5 =	vmul.f32 v5, v16;
	v12 =	vld.idx.msk [tilespmem:v13+s1+$0x0], $0xffff  }
0x78a: {  	v13 =	vld [tilespmem:s18+$0xFFFFFFC0]  }
0x78b: {  	v15 =	vmul.f32 v4, v3;
	v14 =	vld [tilespmem:s18+$0xFFFFFFD0]  }
0x78c: {  	v16 =	vld [tilespmem:s18+$0xFFFFFFE0]  }
0x78d: {  	v4 =	vmul.f32 v10, v8;
	v17 =	vld [tilespmem:s18+$0xFFFFFFF0]  }
0x78e: {  	v8 =	vld [tilespmem:s18+$0x0]  }
0x78f: {  	v10 =	vmul.f32 v12, v11;
	v3 =	vld [tilespmem:s18+$0x10]  }
0x790: {  	v11 =	vld [tilespmem:s18+$0x20]  }
0x791: {  	[tilespmem:v2+s13+$0x0] =	vst.idx.add.f32.msk $0xffff, v1;
	v1 =	vmov v10  }
.Ltmp35:
0x792: {  	[tilespmem:v13+s13+$0x0] =	vst.idx.add.f32.msk $0xffff, v9;
	(pc) =	sbr.rel @p2 .LBB2_66-.Ltmp35, $4  }
0x793: {  	[tilespmem:v14+s13+$0x0] =	vst.idx.add.f32.msk $0xffff, v6  }
0x794: {  	[tilespmem:v16+s13+$0x0] =	vst.idx.add.f32.msk $0xffff, v7  }
0x795: {  	[tilespmem:v17+s13+$0x0] =	vst.idx.add.f32.msk $0xffff, v5;
	v2 =	vmov v11  }
0x796: {  	s20 =	sadd.s32 $0x80, s20;
	[tilespmem:v8+s13+$0x0] =	vst.idx.add.f32.msk $0xffff, v15  }
0x797: {  	_ =	sdelay $0x3  }
0x798: {  	[tilespmem:v3+s13+$0x0] =	vst.idx.add.f32.msk $0xffff, v4  }
0x799: {  	[tilespmem:v2+s13+$0x0] =	vst.idx.add.f32.msk $0xffff, v1  }
.LBB2_68:
0x79a: {  	v1 =	vld [tilespmem:s24+$0x0];
	_ =	sdelay $0x4  }
0x79b: {  	v2 =	vshrl.u32 v1, $0x10  }
0x79c: {  	v1 =	vand.u32 $0xFFFF, v1;
	_ =	sdelay $0x2  }
0x79d: {  	v3 =	vld [tilespmem:s23+$0x0]  }
0x79e: {  	v2 =	vld.idx.msk [tilespmem:v2+s4+$0x0], $0xffff  }
0x79f: {  	v1 =	vld.idx.msk [tilespmem:v1+s1+$0x0], $0xffff  }
0x7a0: {  	s21 =	sadd.s32 $0x10, s21  }
0x7a1: {  	p2 =	slt.u32 s21, $0x7C0  }
.Ltmp36:
0x7a2: {  	_ = 	snop;
	(pc) =	sbr.rel @p2 .LBB2_68-.Ltmp36, $3  }
0x7a3: {  	_ = 	snop  }
0x7a4: {  	v1 =	vmul.f32 v1, v2;
	_ =	sdelay $0x1  }
0x7a5: {  	s23 =	sadd.s32 $0x10, s23;
	s24 =	sadd.s32 $0x10, s24;
	[tilespmem:v3+s13+$0x0] =	vst.idx.add.f32.msk $0xffff, v1  }
0x7a6: {  	s18 =	sld [smem:$0x7EA];
	_ =	sdelay $0x1  }
0x7a7: {  	s24 =	sld [smem:$0x7EB]  }
0x7a8: {  	[tilespmem:s10], [sflag:$0x4] =	stream.linear.gather [hbm4b:s18+s1], $0x7D0, $0x38;
	[tilespmem:$0x1E4B0] =	vst v63  }
0x7a9: {  	_ = 	snop  }
0x7aa: {  	[tilespmem:s11], [sflag:$0x4] =	stream.linear.gather [hbm4b:s24+s1], $0x7D0, $0x38;
	[tilespmem:$0x1E4B0] =	vst v63  }
0x7ab: {  	_ =	swait.ge [sflag:s12], $0x7D0  }
0x7ac: {  	[sflag:s12] =	ssyncset.done $0x0  }
0x7ad: {  	[sflag:s12] =	ssyncadd.s32 $0xFFFFF830  }
0x7ae: {  	_ =	swait.ge [sflag:s12], $0x7D0  }
0x7af: {  	[sflag:s12] =	ssyncset.done $0x0  }
0x7b0: {  	s19 =	simm.s32 $0x1A0C0;
	[sflag:s12] =	ssyncadd.s32 $0xFFFFF830  }
0x7b1: {  	v1 =	vld [tilespmem:s19+$0x30]  }
0x7b2: {  	v2 =	vld [tilespmem:s19+$0xFFFFFFD0]  }
0x7b3: {  	v3 =	vld [tilespmem:s19+$0xFFFFFFE0]  }
0x7b4: {  	v4 =	vld [tilespmem:s19+$0xFFFFFFF0]  }
0x7b5: {  	v5 =	vld [tilespmem:s19+$0x0]  }
0x7b6: {  	v7 =	vld [tilespmem:s19+$0x10]  }
0x7b7: {  	v9 =	vld [tilespmem:s19+$0xFFFFFFC0];
	v6 =	vshrl.u32 v1, $0x10  }
0x7b8: {  	s18 =	simm.s32 $0x1B060;
	v10 =	vld [tilespmem:s19+$0x20];
	v1 =	vand.u32 $0xFFFF, v1  }
0x7b9: {  	v12 =	vld [tilespmem:s18+$0x30]  }
0x7ba: {  	v16 =	vld [tilespmem:s18+$0xFFFFFFD0];
	v8 =	vshrl.u32 v2, $0x10  }
0x7bb: {  	v63 =	vld [tilespmem:s18+$0xFFFFFFE0];
	v2 =	vand.u32 $0xFFFF, v2  }
0x7bc: {  	v11 =	vshrl.u32 v3, $0x10;
	v6 =	vld.idx.msk [tilespmem:v6+s4+$0x0], $0xffff  }
0x7bd: {  	v3 =	vand.u32 $0xFFFF, v3;
	v1 =	vld.idx.msk [tilespmem:v1+s1+$0x0], $0xffff  }
0x7be: {  	v17 =	vld [tilespmem:s18+$0xFFFFFFF0];
	v14 =	vshrl.u32 v9, $0x10  }
0x7bf: {  	v8 =	vld.idx.msk [tilespmem:v8+s4+$0x0], $0xffff  }
0x7c0: {  	v2 =	vld.idx.msk [tilespmem:v2+s1+$0x0], $0xffff  }
0x7c1: {  	v9 =	vand.u32 $0xFFFF, v9;
	v11 =	vld.idx.msk [tilespmem:v11+s4+$0x0], $0xffff  }
0x7c2: {  	v13 =	vshrl.u32 v4, $0x10;
	v15 =	vld.idx.msk [tilespmem:v3+s1+$0x0], $0xffff;
	v1 =	vmul.f32 v1, v6  }
0x7c3: {  	v4 =	vand.u32 $0xFFFF, v4;
	v14 =	vld.idx.msk [tilespmem:v14+s4+$0x0], $0xffff  }
0x7c4: {  	v3 =	vshrl.u32 v5, $0x10;
	[tilespmem:v12+s13+$0x0] =	vst.idx.add.f32.msk $0xffff, v1  }
0x7c5: {  	v61 =	vshrl.u32 v7, $0x10;
	v5 =	vand.u32 $0xFFFF, v5;
	v1 =	vand.u32 $0xFFFF, v7;
	v7 =	vld [tilespmem:s18+$0xFFFFFFC0]  }
0x7c6: {  	v6 =	vld.idx.msk [tilespmem:v9+s1+$0x0], $0xffff  }
0x7c7: {  	v13 =	vld.idx.msk [tilespmem:v13+s4+$0x0], $0xffff  }
0x7c8: {  	v4 =	vld.idx.msk [tilespmem:v4+s1+$0x0], $0xffff  }
0x7c9: {  	v62 =	vld.idx.msk [tilespmem:v3+s4+$0x0], $0xffff  }
0x7ca: {  	v5 =	vld.idx.msk [tilespmem:v5+s1+$0x0], $0xffff;
	v3 =	vshrl.u32 v10, $0x10;
	v10 =	vand.u32 $0xFFFF, v10  }
0x7cb: {  	v9 =	vld.idx.msk [tilespmem:v61+s4+$0x0], $0xffff;
	v6 =	vmul.f32 v6, v14  }
0x7cc: {  	v8 =	vmul.f32 v2, v8;
	v2 =	vld [tilespmem:s18+$0x20]  }
0x7cd: {  	[tilespmem:v7+s13+$0x0] =	vst.idx.add.f32.msk $0xffff, v6  }
0x7ce: {  	v6 =	vld [tilespmem:s18+$0x0]  }
0x7cf: {  	v10 =	vld.idx.msk [tilespmem:v10+s1+$0x0], $0xffff  }
0x7d0: {  	v1 =	vld.idx.msk [tilespmem:v1+s1+$0x0], $0xffff  }
0x7d1: {  	v11 =	vmul.f32 v15, v11;
	v7 =	vld.idx.msk [tilespmem:v3+s4+$0x0], $0xffff  }
0x7d2: {  	v4 =	vmul.f32 v4, v13;
	[tilespmem:v16+s13+$0x0] =	vst.idx.add.f32.msk $0xffff, v8  }
0x7d3: {  	[tilespmem:v63+s13+$0x0] =	vst.idx.add.f32.msk $0xffff, v11  }
0x7d4: {  	[tilespmem:v17+s13+$0x0] =	vst.idx.add.f32.msk $0xffff, v4;
	v5 =	vmul.f32 v5, v62  }
0x7d5: {  	v3 =	vld [tilespmem:s18+$0x10]  }
0x7d6: {  	s20 =	simm.s32 $0x1A140;
	s19 =	simm.s32 $0x0;
	v4 =	vmul.f32 v1, v9;
	v1 =	vmul.f32 v10, v7;
	[tilespmem:v6+s13+$0x0] =	vst.idx.add.f32.msk $0xffff, v5  }
.LBB2_70:
0x7d7: {  	v5 =	vld [tilespmem:s20+$0x30]  }
0x7d8: {  	s19 =	sadd.s32 $0x80, s19;
	v6 =	vld [tilespmem:s20+$0xFFFFFFD0]  }
0x7d9: {  	p2 =	slt.u32 s19, $0x700;
	v7 =	vld [tilespmem:s20+$0xFFFFFFE0]  }
0x7da: {  	v8 =	vld [tilespmem:s20+$0xFFFFFFF0]  }
0x7db: {  	v9 =	vld [tilespmem:s20+$0x0]  }
0x7dc: {  	v10 =	vld [tilespmem:s20+$0x10];
	v11 =	vshrl.u32 v5, $0x10  }
0x7dd: {  	v5 =	vand.u32 $0xFFFF, v5;
	v12 =	vshrl.u32 v6, $0x10;
	v6 =	vand.u32 $0xFFFF, v6;
	v13 =	vld [tilespmem:s20+$0x20]  }
0x7de: {  	v14 =	vld [tilespmem:s20+$0xFFFFFFC0];
	v15 =	vshrl.u32 v7, $0x10;
	v7 =	vand.u32 $0xFFFF, v7  }
0x7df: {  	s18 =	sadd.s32 $0x80, s18;
	v16 =	vshrl.u32 v8, $0x10;
	v8 =	vand.u32 $0xFFFF, v8;
	[tilespmem:v3+s13+$0x0] =	vst.idx.add.f32.msk $0xffff, v4  }
0x7e0: {  	v3 =	vshrl.u32 v9, $0x10;
	v4 =	vand.u32 $0xFFFF, v9;
	v9 =	vld [tilespmem:s18+$0x30]  }
0x7e1: {  	v17 =	vshrl.u32 v10, $0x10;
	v10 =	vand.u32 $0xFFFF, v10;
	v11 =	vld.idx.msk [tilespmem:v11+s4+$0x0], $0xffff  }
0x7e2: {  	v18 =	vshrl.u32 v13, $0x10;
	v13 =	vand.u32 $0xFFFF, v13;
	v5 =	vld.idx.msk [tilespmem:v5+s1+$0x0], $0xffff  }
0x7e3: {  	v19 =	vshrl.u32 v14, $0x10;
	v14 =	vand.u32 $0xFFFF, v14;
	v12 =	vld.idx.msk [tilespmem:v12+s4+$0x0], $0xffff  }
0x7e4: {  	v6 =	vld.idx.msk [tilespmem:v6+s1+$0x0], $0xffff  }
0x7e5: {  	v15 =	vld.idx.msk [tilespmem:v15+s4+$0x0], $0xffff  }
0x7e6: {  	v7 =	vld.idx.msk [tilespmem:v7+s1+$0x0], $0xffff  }
0x7e7: {  	v16 =	vld.idx.msk [tilespmem:v16+s4+$0x0], $0xffff  }
0x7e8: {  	v5 =	vmul.f32 v5, v11;
	v19 =	vld.idx.msk [tilespmem:v19+s4+$0x0], $0xffff  }
0x7e9: {  	v11 =	vld.idx.msk [tilespmem:v14+s1+$0x0], $0xffff  }
0x7ea: {  	s21 =	simm.s32 $0x770;
	s23 =	simm.s32 $0x1B7A0;
	s24 =	simm.s32 $0x1A800;
	v6 =	vmul.f32 v6, v12;
	[tilespmem:v9+s13+$0x0] =	vst.idx.add.f32.msk $0xffff, v5  }
0x7eb: {  	v5 =	vld.idx.msk [tilespmem:v8+s1+$0x0], $0xffff  }
0x7ec: {  	v7 =	vmul.f32 v7, v15;
	v3 =	vld.idx.msk [tilespmem:v3+s4+$0x0], $0xffff  }
0x7ed: {  	v4 =	vld.idx.msk [tilespmem:v4+s1+$0x0], $0xffff  }
0x7ee: {  	v8 =	vld.idx.msk [tilespmem:v17+s4+$0x0], $0xffff  }
0x7ef: {  	v9 =	vmul.f32 v11, v19;
	v10 =	vld.idx.msk [tilespmem:v10+s1+$0x0], $0xffff  }
0x7f0: {  	v11 =	vld.idx.msk [tilespmem:v18+s4+$0x0], $0xffff  }
0x7f1: {  	v5 =	vmul.f32 v5, v16;
	v12 =	vld.idx.msk [tilespmem:v13+s1+$0x0], $0xffff  }
0x7f2: {  	v13 =	vld [tilespmem:s18+$0xFFFFFFC0]  }
0x7f3: {  	v15 =	vmul.f32 v4, v3;
	v14 =	vld [tilespmem:s18+$0xFFFFFFD0]  }
0x7f4: {  	v16 =	vld [tilespmem:s18+$0xFFFFFFE0]  }
0x7f5: {  	v4 =	vmul.f32 v10, v8;
	v17 =	vld [tilespmem:s18+$0xFFFFFFF0]  }
0x7f6: {  	v8 =	vld [tilespmem:s18+$0x0]  }
0x7f7: {  	v10 =	vmul.f32 v12, v11;
	v3 =	vld [tilespmem:s18+$0x10]  }
0x7f8: {  	v11 =	vld [tilespmem:s18+$0x20]  }
0x7f9: {  	[tilespmem:v2+s13+$0x0] =	vst.idx.add.f32.msk $0xffff, v1;
	v1 =	vmov v10  }
.Ltmp37:
0x7fa: {  	[tilespmem:v13+s13+$0x0] =	vst.idx.add.f32.msk $0xffff, v9;
	(pc) =	sbr.rel @p2 .LBB2_70-.Ltmp37, $4  }
0x7fb: {  	[tilespmem:v14+s13+$0x0] =	vst.idx.add.f32.msk $0xffff, v6  }
0x7fc: {  	[tilespmem:v16+s13+$0x0] =	vst.idx.add.f32.msk $0xffff, v7  }
0x7fd: {  	[tilespmem:v17+s13+$0x0] =	vst.idx.add.f32.msk $0xffff, v5;
	v2 =	vmov v11  }
0x7fe: {  	s20 =	sadd.s32 $0x80, s20;
	[tilespmem:v8+s13+$0x0] =	vst.idx.add.f32.msk $0xffff, v15  }
0x7ff: {  	_ =	sdelay $0x3  }
0x800: {  	[tilespmem:v3+s13+$0x0] =	vst.idx.add.f32.msk $0xffff, v4  }
0x801: {  	[tilespmem:v2+s13+$0x0] =	vst.idx.add.f32.msk $0xffff, v1  }
.LBB2_72:
0x802: {  	v1 =	vld [tilespmem:s24+$0x0];
	_ =	sdelay $0x4  }
0x803: {  	v2 =	vshrl.u32 v1, $0x10  }
0x804: {  	v1 =	vand.u32 $0xFFFF, v1;
	_ =	sdelay $0x2  }
0x805: {  	v3 =	vld [tilespmem:s23+$0x0]  }
0x806: {  	v2 =	vld.idx.msk [tilespmem:v2+s4+$0x0], $0xffff  }
0x807: {  	v1 =	vld.idx.msk [tilespmem:v1+s1+$0x0], $0xffff  }
0x808: {  	s21 =	sadd.s32 $0x10, s21  }
0x809: {  	p2 =	slt.u32 s21, $0x7C0  }
.Ltmp38:
0x80a: {  	_ = 	snop;
	(pc) =	sbr.rel @p2 .LBB2_72-.Ltmp38, $3  }
0x80b: {  	_ = 	snop  }
0x80c: {  	v1 =	vmul.f32 v1, v2;
	_ =	sdelay $0x1  }
0x80d: {  	s23 =	sadd.s32 $0x10, s23;
	s24 =	sadd.s32 $0x10, s24;
	[tilespmem:v3+s13+$0x0] =	vst.idx.add.f32.msk $0xffff, v1  }
0x80e: {  	s18 =	sld [smem:$0x7EC];
	_ =	sdelay $0x1  }
0x80f: {  	s24 =	sld [smem:$0x7ED]  }
0x810: {  	[tilespmem:s8], [sflag:$0x3] =	stream.linear.gather [hbm4b:s18+s1], $0x7D0, $0x38;
	[tilespmem:$0x1E4B0] =	vst v63  }
0x811: {  	_ = 	snop  }
0x812: {  	[tilespmem:s9], [sflag:$0x3] =	stream.linear.gather [hbm4b:s24+s1], $0x7D0, $0x38;
	[tilespmem:$0x1E4B0] =	vst v63  }
0x813: {  	_ =	swait.ge [sflag:s14], $0x7D0  }
0x814: {  	[sflag:s14] =	ssyncset.done $0x0  }
0x815: {  	[sflag:s14] =	ssyncadd.s32 $0xFFFFF830  }
0x816: {  	_ =	swait.ge [sflag:s14], $0x7D0  }
0x817: {  	[sflag:s14] =	ssyncset.done $0x0  }
0x818: {  	s19 =	simm.s32 $0x1A890;
	[sflag:s14] =	ssyncadd.s32 $0xFFFFF830  }
0x819: {  	v1 =	vld [tilespmem:s19+$0x30]  }
0x81a: {  	v2 =	vld [tilespmem:s19+$0xFFFFFFD0]  }
0x81b: {  	v3 =	vld [tilespmem:s19+$0xFFFFFFE0]  }
0x81c: {  	v4 =	vld [tilespmem:s19+$0xFFFFFFF0]  }
0x81d: {  	v5 =	vld [tilespmem:s19+$0x0]  }
0x81e: {  	v7 =	vld [tilespmem:s19+$0x10]  }
0x81f: {  	v9 =	vld [tilespmem:s19+$0xFFFFFFC0];
	v6 =	vshrl.u32 v1, $0x10  }
0x820: {  	s18 =	simm.s32 $0x1B830;
	v10 =	vld [tilespmem:s19+$0x20];
	v1 =	vand.u32 $0xFFFF, v1  }
0x821: {  	v12 =	vld [tilespmem:s18+$0x30]  }
0x822: {  	v16 =	vld [tilespmem:s18+$0xFFFFFFD0];
	v8 =	vshrl.u32 v2, $0x10  }
0x823: {  	v63 =	vld [tilespmem:s18+$0xFFFFFFE0];
	v2 =	vand.u32 $0xFFFF, v2  }
0x824: {  	v11 =	vshrl.u32 v3, $0x10;
	v6 =	vld.idx.msk [tilespmem:v6+s4+$0x0], $0xffff  }
0x825: {  	v3 =	vand.u32 $0xFFFF, v3;
	v1 =	vld.idx.msk [tilespmem:v1+s1+$0x0], $0xffff  }
0x826: {  	v17 =	vld [tilespmem:s18+$0xFFFFFFF0];
	v14 =	vshrl.u32 v9, $0x10  }
0x827: {  	v8 =	vld.idx.msk [tilespmem:v8+s4+$0x0], $0xffff  }
0x828: {  	v2 =	vld.idx.msk [tilespmem:v2+s1+$0x0], $0xffff  }
0x829: {  	v9 =	vand.u32 $0xFFFF, v9;
	v11 =	vld.idx.msk [tilespmem:v11+s4+$0x0], $0xffff  }
0x82a: {  	v13 =	vshrl.u32 v4, $0x10;
	v15 =	vld.idx.msk [tilespmem:v3+s1+$0x0], $0xffff;
	v1 =	vmul.f32 v1, v6  }
0x82b: {  	v4 =	vand.u32 $0xFFFF, v4;
	v14 =	vld.idx.msk [tilespmem:v14+s4+$0x0], $0xffff  }
0x82c: {  	v3 =	vshrl.u32 v5, $0x10;
	[tilespmem:v12+s13+$0x0] =	vst.idx.add.f32.msk $0xffff, v1  }
0x82d: {  	v61 =	vshrl.u32 v7, $0x10;
	v5 =	vand.u32 $0xFFFF, v5;
	v1 =	vand.u32 $0xFFFF, v7;
	v7 =	vld [tilespmem:s18+$0xFFFFFFC0]  }
0x82e: {  	v6 =	vld.idx.msk [tilespmem:v9+s1+$0x0], $0xffff  }
0x82f: {  	v13 =	vld.idx.msk [tilespmem:v13+s4+$0x0], $0xffff  }
0x830: {  	v4 =	vld.idx.msk [tilespmem:v4+s1+$0x0], $0xffff  }
0x831: {  	v62 =	vld.idx.msk [tilespmem:v3+s4+$0x0], $0xffff  }
0x832: {  	v5 =	vld.idx.msk [tilespmem:v5+s1+$0x0], $0xffff;
	v3 =	vshrl.u32 v10, $0x10;
	v10 =	vand.u32 $0xFFFF, v10  }
0x833: {  	v9 =	vld.idx.msk [tilespmem:v61+s4+$0x0], $0xffff;
	v6 =	vmul.f32 v6, v14  }
0x834: {  	v8 =	vmul.f32 v2, v8;
	v2 =	vld [tilespmem:s18+$0x20]  }
0x835: {  	[tilespmem:v7+s13+$0x0] =	vst.idx.add.f32.msk $0xffff, v6  }
0x836: {  	v6 =	vld [tilespmem:s18+$0x0]  }
0x837: {  	v10 =	vld.idx.msk [tilespmem:v10+s1+$0x0], $0xffff  }
0x838: {  	v1 =	vld.idx.msk [tilespmem:v1+s1+$0x0], $0xffff  }
0x839: {  	v11 =	vmul.f32 v15, v11;
	v7 =	vld.idx.msk [tilespmem:v3+s4+$0x0], $0xffff  }
0x83a: {  	v4 =	vmul.f32 v4, v13;
	[tilespmem:v16+s13+$0x0] =	vst.idx.add.f32.msk $0xffff, v8  }
0x83b: {  	[tilespmem:v63+s13+$0x0] =	vst.idx.add.f32.msk $0xffff, v11  }
0x83c: {  	[tilespmem:v17+s13+$0x0] =	vst.idx.add.f32.msk $0xffff, v4;
	v5 =	vmul.f32 v5, v62  }
0x83d: {  	v3 =	vld [tilespmem:s18+$0x10]  }
0x83e: {  	s20 =	simm.s32 $0x1A910;
	s19 =	simm.s32 $0x0;
	v4 =	vmul.f32 v1, v9;
	v1 =	vmul.f32 v10, v7;
	[tilespmem:v6+s13+$0x0] =	vst.idx.add.f32.msk $0xffff, v5  }
.LBB2_74:
0x83f: {  	v5 =	vld [tilespmem:s20+$0x30]  }
0x840: {  	s19 =	sadd.s32 $0x80, s19;
	v6 =	vld [tilespmem:s20+$0xFFFFFFD0]  }
0x841: {  	p2 =	slt.u32 s19, $0x700;
	v7 =	vld [tilespmem:s20+$0xFFFFFFE0]  }
0x842: {  	v8 =	vld [tilespmem:s20+$0xFFFFFFF0]  }
0x843: {  	v9 =	vld [tilespmem:s20+$0x0]  }
0x844: {  	v10 =	vld [tilespmem:s20+$0x10];
	v11 =	vshrl.u32 v5, $0x10  }
0x845: {  	v5 =	vand.u32 $0xFFFF, v5;
	v12 =	vshrl.u32 v6, $0x10;
	v6 =	vand.u32 $0xFFFF, v6;
	v13 =	vld [tilespmem:s20+$0x20]  }
0x846: {  	v14 =	vld [tilespmem:s20+$0xFFFFFFC0];
	v15 =	vshrl.u32 v7, $0x10;
	v7 =	vand.u32 $0xFFFF, v7  }
0x847: {  	s18 =	sadd.s32 $0x80, s18;
	v16 =	vshrl.u32 v8, $0x10;
	v8 =	vand.u32 $0xFFFF, v8;
	[tilespmem:v3+s13+$0x0] =	vst.idx.add.f32.msk $0xffff, v4  }
0x848: {  	v3 =	vshrl.u32 v9, $0x10;
	v4 =	vand.u32 $0xFFFF, v9;
	v9 =	vld [tilespmem:s18+$0x30]  }
0x849: {  	v17 =	vshrl.u32 v10, $0x10;
	v10 =	vand.u32 $0xFFFF, v10;
	v11 =	vld.idx.msk [tilespmem:v11+s4+$0x0], $0xffff  }
0x84a: {  	v18 =	vshrl.u32 v13, $0x10;
	v13 =	vand.u32 $0xFFFF, v13;
	v5 =	vld.idx.msk [tilespmem:v5+s1+$0x0], $0xffff  }
0x84b: {  	v19 =	vshrl.u32 v14, $0x10;
	v14 =	vand.u32 $0xFFFF, v14;
	v12 =	vld.idx.msk [tilespmem:v12+s4+$0x0], $0xffff  }
0x84c: {  	v6 =	vld.idx.msk [tilespmem:v6+s1+$0x0], $0xffff  }
0x84d: {  	v15 =	vld.idx.msk [tilespmem:v15+s4+$0x0], $0xffff  }
0x84e: {  	v7 =	vld.idx.msk [tilespmem:v7+s1+$0x0], $0xffff  }
0x84f: {  	v16 =	vld.idx.msk [tilespmem:v16+s4+$0x0], $0xffff  }
0x850: {  	v5 =	vmul.f32 v5, v11;
	v19 =	vld.idx.msk [tilespmem:v19+s4+$0x0], $0xffff  }
0x851: {  	v11 =	vld.idx.msk [tilespmem:v14+s1+$0x0], $0xffff  }
0x852: {  	s21 =	simm.s32 $0x770;
	s23 =	simm.s32 $0x1BF70;
	s24 =	simm.s32 $0x1AFD0;
	v6 =	vmul.f32 v6, v12;
	[tilespmem:v9+s13+$0x0] =	vst.idx.add.f32.msk $0xffff, v5  }
0x853: {  	v5 =	vld.idx.msk [tilespmem:v8+s1+$0x0], $0xffff  }
0x854: {  	v7 =	vmul.f32 v7, v15;
	v3 =	vld.idx.msk [tilespmem:v3+s4+$0x0], $0xffff  }
0x855: {  	v4 =	vld.idx.msk [tilespmem:v4+s1+$0x0], $0xffff  }
0x856: {  	v8 =	vld.idx.msk [tilespmem:v17+s4+$0x0], $0xffff  }
0x857: {  	v9 =	vmul.f32 v11, v19;
	v10 =	vld.idx.msk [tilespmem:v10+s1+$0x0], $0xffff  }
0x858: {  	v11 =	vld.idx.msk [tilespmem:v18+s4+$0x0], $0xffff  }
0x859: {  	v5 =	vmul.f32 v5, v16;
	v12 =	vld.idx.msk [tilespmem:v13+s1+$0x0], $0xffff  }
0x85a: {  	v13 =	vld [tilespmem:s18+$0xFFFFFFC0]  }
0x85b: {  	v15 =	vmul.f32 v4, v3;
	v14 =	vld [tilespmem:s18+$0xFFFFFFD0]  }
0x85c: {  	v16 =	vld [tilespmem:s18+$0xFFFFFFE0]  }
0x85d: {  	v4 =	vmul.f32 v10, v8;
	v17 =	vld [tilespmem:s18+$0xFFFFFFF0]  }
0x85e: {  	v8 =	vld [tilespmem:s18+$0x0]  }
0x85f: {  	v10 =	vmul.f32 v12, v11;
	v3 =	vld [tilespmem:s18+$0x10]  }
0x860: {  	v11 =	vld [tilespmem:s18+$0x20]  }
0x861: {  	[tilespmem:v2+s13+$0x0] =	vst.idx.add.f32.msk $0xffff, v1;
	v1 =	vmov v10  }
.Ltmp39:
0x862: {  	[tilespmem:v13+s13+$0x0] =	vst.idx.add.f32.msk $0xffff, v9;
	(pc) =	sbr.rel @p2 .LBB2_74-.Ltmp39, $4  }
0x863: {  	[tilespmem:v14+s13+$0x0] =	vst.idx.add.f32.msk $0xffff, v6  }
0x864: {  	[tilespmem:v16+s13+$0x0] =	vst.idx.add.f32.msk $0xffff, v7  }
0x865: {  	[tilespmem:v17+s13+$0x0] =	vst.idx.add.f32.msk $0xffff, v5;
	v2 =	vmov v11  }
0x866: {  	s20 =	sadd.s32 $0x80, s20;
	[tilespmem:v8+s13+$0x0] =	vst.idx.add.f32.msk $0xffff, v15  }
0x867: {  	_ =	sdelay $0x3  }
0x868: {  	[tilespmem:v3+s13+$0x0] =	vst.idx.add.f32.msk $0xffff, v4  }
0x869: {  	[tilespmem:v2+s13+$0x0] =	vst.idx.add.f32.msk $0xffff, v1  }
.LBB2_76:
0x86a: {  	v1 =	vld [tilespmem:s24+$0x0];
	_ =	sdelay $0x4  }
0x86b: {  	v2 =	vshrl.u32 v1, $0x10  }
0x86c: {  	v1 =	vand.u32 $0xFFFF, v1;
	_ =	sdelay $0x2  }
0x86d: {  	v3 =	vld [tilespmem:s23+$0x0]  }
0x86e: {  	v2 =	vld.idx.msk [tilespmem:v2+s4+$0x0], $0xffff  }
0x86f: {  	v1 =	vld.idx.msk [tilespmem:v1+s1+$0x0], $0xffff  }
0x870: {  	s21 =	sadd.s32 $0x10, s21  }
0x871: {  	p2 =	slt.u32 s21, $0x7C0  }
.Ltmp40:
0x872: {  	_ = 	snop;
	(pc) =	sbr.rel @p2 .LBB2_76-.Ltmp40, $3  }
0x873: {  	_ = 	snop  }
0x874: {  	v1 =	vmul.f32 v1, v2;
	_ =	sdelay $0x1  }
0x875: {  	s23 =	sadd.s32 $0x10, s23;
	s24 =	sadd.s32 $0x10, s24;
	[tilespmem:v3+s13+$0x0] =	vst.idx.add.f32.msk $0xffff, v1  }
0x876: {  	s18 =	sld [smem:$0x7EE];
	_ =	sdelay $0x1  }
0x877: {  	s24 =	sld [smem:$0x7EF]  }
0x878: {  	[tilespmem:s10], [sflag:$0x4] =	stream.linear.gather [hbm4b:s18+s1], $0x7D0, $0x38;
	[tilespmem:$0x1E4B0] =	vst v63  }
0x879: {  	_ = 	snop  }
0x87a: {  	[tilespmem:s11], [sflag:$0x4] =	stream.linear.gather [hbm4b:s24+s1], $0x7D0, $0x38;
	[tilespmem:$0x1E4B0] =	vst v63  }
0x87b: {  	_ =	swait.ge [sflag:s12], $0x7D0  }
0x87c: {  	[sflag:s12] =	ssyncset.done $0x0  }
0x87d: {  	[sflag:s12] =	ssyncadd.s32 $0xFFFFF830  }
0x87e: {  	_ =	swait.ge [sflag:s12], $0x7D0  }
0x87f: {  	[sflag:s12] =	ssyncset.done $0x0  }
0x880: {  	s19 =	simm.s32 $0x1A0C0;
	[sflag:s12] =	ssyncadd.s32 $0xFFFFF830  }
0x881: {  	v1 =	vld [tilespmem:s19+$0x30]  }
0x882: {  	v2 =	vld [tilespmem:s19+$0xFFFFFFD0]  }
0x883: {  	v3 =	vld [tilespmem:s19+$0xFFFFFFE0]  }
0x884: {  	v4 =	vld [tilespmem:s19+$0xFFFFFFF0]  }
0x885: {  	v5 =	vld [tilespmem:s19+$0x0]  }
0x886: {  	v7 =	vld [tilespmem:s19+$0x10]  }
0x887: {  	v9 =	vld [tilespmem:s19+$0xFFFFFFC0];
	v6 =	vshrl.u32 v1, $0x10  }
0x888: {  	s18 =	simm.s32 $0x1B060;
	v10 =	vld [tilespmem:s19+$0x20];
	v1 =	vand.u32 $0xFFFF, v1  }
0x889: {  	v12 =	vld [tilespmem:s18+$0x30]  }
0x88a: {  	v16 =	vld [tilespmem:s18+$0xFFFFFFD0];
	v8 =	vshrl.u32 v2, $0x10  }
0x88b: {  	v63 =	vld [tilespmem:s18+$0xFFFFFFE0];
	v2 =	vand.u32 $0xFFFF, v2  }
0x88c: {  	v11 =	vshrl.u32 v3, $0x10;
	v6 =	vld.idx.msk [tilespmem:v6+s4+$0x0], $0xffff  }
0x88d: {  	v3 =	vand.u32 $0xFFFF, v3;
	v1 =	vld.idx.msk [tilespmem:v1+s1+$0x0], $0xffff  }
0x88e: {  	v17 =	vld [tilespmem:s18+$0xFFFFFFF0];
	v14 =	vshrl.u32 v9, $0x10  }
0x88f: {  	v8 =	vld.idx.msk [tilespmem:v8+s4+$0x0], $0xffff  }
0x890: {  	v2 =	vld.idx.msk [tilespmem:v2+s1+$0x0], $0xffff  }
0x891: {  	v9 =	vand.u32 $0xFFFF, v9;
	v11 =	vld.idx.msk [tilespmem:v11+s4+$0x0], $0xffff  }
0x892: {  	v13 =	vshrl.u32 v4, $0x10;
	v15 =	vld.idx.msk [tilespmem:v3+s1+$0x0], $0xffff;
	v1 =	vmul.f32 v1, v6  }
0x893: {  	v4 =	vand.u32 $0xFFFF, v4;
	v14 =	vld.idx.msk [tilespmem:v14+s4+$0x0], $0xffff  }
0x894: {  	v3 =	vshrl.u32 v5, $0x10;
	[tilespmem:v12+s13+$0x0] =	vst.idx.add.f32.msk $0xffff, v1  }
0x895: {  	v61 =	vshrl.u32 v7, $0x10;
	v5 =	vand.u32 $0xFFFF, v5;
	v1 =	vand.u32 $0xFFFF, v7;
	v7 =	vld [tilespmem:s18+$0xFFFFFFC0]  }
0x896: {  	v6 =	vld.idx.msk [tilespmem:v9+s1+$0x0], $0xffff  }
0x897: {  	v13 =	vld.idx.msk [tilespmem:v13+s4+$0x0], $0xffff  }
0x898: {  	v4 =	vld.idx.msk [tilespmem:v4+s1+$0x0], $0xffff  }
0x899: {  	v62 =	vld.idx.msk [tilespmem:v3+s4+$0x0], $0xffff  }
0x89a: {  	v5 =	vld.idx.msk [tilespmem:v5+s1+$0x0], $0xffff;
	v3 =	vshrl.u32 v10, $0x10;
	v10 =	vand.u32 $0xFFFF, v10  }
0x89b: {  	v9 =	vld.idx.msk [tilespmem:v61+s4+$0x0], $0xffff;
	v6 =	vmul.f32 v6, v14  }
0x89c: {  	v8 =	vmul.f32 v2, v8;
	v2 =	vld [tilespmem:s18+$0x20]  }
0x89d: {  	[tilespmem:v7+s13+$0x0] =	vst.idx.add.f32.msk $0xffff, v6  }
0x89e: {  	v6 =	vld [tilespmem:s18+$0x0]  }
0x89f: {  	v10 =	vld.idx.msk [tilespmem:v10+s1+$0x0], $0xffff  }
0x8a0: {  	v1 =	vld.idx.msk [tilespmem:v1+s1+$0x0], $0xffff  }
0x8a1: {  	v11 =	vmul.f32 v15, v11;
	v7 =	vld.idx.msk [tilespmem:v3+s4+$0x0], $0xffff  }
0x8a2: {  	v4 =	vmul.f32 v4, v13;
	[tilespmem:v16+s13+$0x0] =	vst.idx.add.f32.msk $0xffff, v8  }
0x8a3: {  	[tilespmem:v63+s13+$0x0] =	vst.idx.add.f32.msk $0xffff, v11  }
0x8a4: {  	[tilespmem:v17+s13+$0x0] =	vst.idx.add.f32.msk $0xffff, v4;
	v5 =	vmul.f32 v5, v62  }
0x8a5: {  	v3 =	vld [tilespmem:s18+$0x10]  }
0x8a6: {  	s20 =	simm.s32 $0x1A140;
	s19 =	simm.s32 $0x0;
	v4 =	vmul.f32 v1, v9;
	v1 =	vmul.f32 v10, v7;
	[tilespmem:v6+s13+$0x0] =	vst.idx.add.f32.msk $0xffff, v5  }
.LBB2_78:
0x8a7: {  	v5 =	vld [tilespmem:s20+$0x30]  }
0x8a8: {  	s19 =	sadd.s32 $0x80, s19;
	v6 =	vld [tilespmem:s20+$0xFFFFFFD0]  }
0x8a9: {  	p2 =	slt.u32 s19, $0x700;
	v7 =	vld [tilespmem:s20+$0xFFFFFFE0]  }
0x8aa: {  	v8 =	vld [tilespmem:s20+$0xFFFFFFF0]  }
0x8ab: {  	v9 =	vld [tilespmem:s20+$0x0]  }
0x8ac: {  	v10 =	vld [tilespmem:s20+$0x10];
	v11 =	vshrl.u32 v5, $0x10  }
0x8ad: {  	v5 =	vand.u32 $0xFFFF, v5;
	v12 =	vshrl.u32 v6, $0x10;
	v6 =	vand.u32 $0xFFFF, v6;
	v13 =	vld [tilespmem:s20+$0x20]  }
0x8ae: {  	v14 =	vld [tilespmem:s20+$0xFFFFFFC0];
	v15 =	vshrl.u32 v7, $0x10;
	v7 =	vand.u32 $0xFFFF, v7  }
0x8af: {  	s18 =	sadd.s32 $0x80, s18;
	v16 =	vshrl.u32 v8, $0x10;
	v8 =	vand.u32 $0xFFFF, v8;
	[tilespmem:v3+s13+$0x0] =	vst.idx.add.f32.msk $0xffff, v4  }
0x8b0: {  	v3 =	vshrl.u32 v9, $0x10;
	v4 =	vand.u32 $0xFFFF, v9;
	v9 =	vld [tilespmem:s18+$0x30]  }
0x8b1: {  	v17 =	vshrl.u32 v10, $0x10;
	v10 =	vand.u32 $0xFFFF, v10;
	v11 =	vld.idx.msk [tilespmem:v11+s4+$0x0], $0xffff  }
0x8b2: {  	v18 =	vshrl.u32 v13, $0x10;
	v13 =	vand.u32 $0xFFFF, v13;
	v5 =	vld.idx.msk [tilespmem:v5+s1+$0x0], $0xffff  }
0x8b3: {  	v19 =	vshrl.u32 v14, $0x10;
	v14 =	vand.u32 $0xFFFF, v14;
	v12 =	vld.idx.msk [tilespmem:v12+s4+$0x0], $0xffff  }
0x8b4: {  	v6 =	vld.idx.msk [tilespmem:v6+s1+$0x0], $0xffff  }
0x8b5: {  	v15 =	vld.idx.msk [tilespmem:v15+s4+$0x0], $0xffff  }
0x8b6: {  	v7 =	vld.idx.msk [tilespmem:v7+s1+$0x0], $0xffff  }
0x8b7: {  	v16 =	vld.idx.msk [tilespmem:v16+s4+$0x0], $0xffff  }
0x8b8: {  	v5 =	vmul.f32 v5, v11;
	v19 =	vld.idx.msk [tilespmem:v19+s4+$0x0], $0xffff  }
0x8b9: {  	v11 =	vld.idx.msk [tilespmem:v14+s1+$0x0], $0xffff  }
0x8ba: {  	s21 =	simm.s32 $0x770;
	s23 =	simm.s32 $0x1B7A0;
	s24 =	simm.s32 $0x1A800;
	v6 =	vmul.f32 v6, v12;
	[tilespmem:v9+s13+$0x0] =	vst.idx.add.f32.msk $0xffff, v5  }
0x8bb: {  	v5 =	vld.idx.msk [tilespmem:v8+s1+$0x0], $0xffff  }
0x8bc: {  	v7 =	vmul.f32 v7, v15;
	v3 =	vld.idx.msk [tilespmem:v3+s4+$0x0], $0xffff  }
0x8bd: {  	v4 =	vld.idx.msk [tilespmem:v4+s1+$0x0], $0xffff  }
0x8be: {  	v8 =	vld.idx.msk [tilespmem:v17+s4+$0x0], $0xffff  }
0x8bf: {  	v9 =	vmul.f32 v11, v19;
	v10 =	vld.idx.msk [tilespmem:v10+s1+$0x0], $0xffff  }
0x8c0: {  	v11 =	vld.idx.msk [tilespmem:v18+s4+$0x0], $0xffff  }
0x8c1: {  	v5 =	vmul.f32 v5, v16;
	v12 =	vld.idx.msk [tilespmem:v13+s1+$0x0], $0xffff  }
0x8c2: {  	v13 =	vld [tilespmem:s18+$0xFFFFFFC0]  }
0x8c3: {  	v15 =	vmul.f32 v4, v3;
	v14 =	vld [tilespmem:s18+$0xFFFFFFD0]  }
0x8c4: {  	v16 =	vld [tilespmem:s18+$0xFFFFFFE0]  }
0x8c5: {  	v4 =	vmul.f32 v10, v8;
	v17 =	vld [tilespmem:s18+$0xFFFFFFF0]  }
0x8c6: {  	v8 =	vld [tilespmem:s18+$0x0]  }
0x8c7: {  	v10 =	vmul.f32 v12, v11;
	v3 =	vld [tilespmem:s18+$0x10]  }
0x8c8: {  	v11 =	vld [tilespmem:s18+$0x20]  }
0x8c9: {  	[tilespmem:v2+s13+$0x0] =	vst.idx.add.f32.msk $0xffff, v1;
	v1 =	vmov v10  }
.Ltmp41:
0x8ca: {  	[tilespmem:v13+s13+$0x0] =	vst.idx.add.f32.msk $0xffff, v9;
	(pc) =	sbr.rel @p2 .LBB2_78-.Ltmp41, $4  }
0x8cb: {  	[tilespmem:v14+s13+$0x0] =	vst.idx.add.f32.msk $0xffff, v6  }
0x8cc: {  	[tilespmem:v16+s13+$0x0] =	vst.idx.add.f32.msk $0xffff, v7  }
0x8cd: {  	[tilespmem:v17+s13+$0x0] =	vst.idx.add.f32.msk $0xffff, v5;
	v2 =	vmov v11  }
0x8ce: {  	s20 =	sadd.s32 $0x80, s20;
	[tilespmem:v8+s13+$0x0] =	vst.idx.add.f32.msk $0xffff, v15  }
0x8cf: {  	_ =	sdelay $0x3  }
0x8d0: {  	[tilespmem:v3+s13+$0x0] =	vst.idx.add.f32.msk $0xffff, v4  }
0x8d1: {  	[tilespmem:v2+s13+$0x0] =	vst.idx.add.f32.msk $0xffff, v1  }
.LBB2_80:
0x8d2: {  	v1 =	vld [tilespmem:s24+$0x0];
	_ =	sdelay $0x4  }
0x8d3: {  	v2 =	vshrl.u32 v1, $0x10  }
0x8d4: {  	v1 =	vand.u32 $0xFFFF, v1;
	_ =	sdelay $0x2  }
0x8d5: {  	v3 =	vld [tilespmem:s23+$0x0]  }
0x8d6: {  	v2 =	vld.idx.msk [tilespmem:v2+s4+$0x0], $0xffff  }
0x8d7: {  	v1 =	vld.idx.msk [tilespmem:v1+s1+$0x0], $0xffff  }
0x8d8: {  	s21 =	sadd.s32 $0x10, s21  }
0x8d9: {  	p2 =	slt.u32 s21, $0x7C0  }
.Ltmp42:
0x8da: {  	_ = 	snop;
	(pc) =	sbr.rel @p2 .LBB2_80-.Ltmp42, $3  }
0x8db: {  	_ = 	snop  }
0x8dc: {  	v1 =	vmul.f32 v1, v2;
	_ =	sdelay $0x1  }
0x8dd: {  	s23 =	sadd.s32 $0x10, s23;
	s24 =	sadd.s32 $0x10, s24;
	[tilespmem:v3+s13+$0x0] =	vst.idx.add.f32.msk $0xffff, v1  }
0x8de: {  	s18 =	sld [smem:$0x7F0];
	_ =	sdelay $0x1  }
0x8df: {  	s24 =	sld [smem:$0x7F1]  }
0x8e0: {  	[tilespmem:s8], [sflag:$0x3] =	stream.linear.gather [hbm4b:s18+s1], $0x7D0, $0x38;
	[tilespmem:$0x1E4B0] =	vst v63  }
0x8e1: {  	_ = 	snop  }
0x8e2: {  	[tilespmem:s9], [sflag:$0x3] =	stream.linear.gather [hbm4b:s24+s1], $0x7D0, $0x38;
	[tilespmem:$0x1E4B0] =	vst v63  }
0x8e3: {  	_ =	swait.ge [sflag:s14], $0x7D0  }
0x8e4: {  	[sflag:s14] =	ssyncset.done $0x0  }
0x8e5: {  	[sflag:s14] =	ssyncadd.s32 $0xFFFFF830  }
0x8e6: {  	_ =	swait.ge [sflag:s14], $0x7D0  }
0x8e7: {  	[sflag:s14] =	ssyncset.done $0x0  }
0x8e8: {  	s19 =	simm.s32 $0x1A890;
	[sflag:s14] =	ssyncadd.s32 $0xFFFFF830  }
0x8e9: {  	v1 =	vld [tilespmem:s19+$0x30]  }
0x8ea: {  	v2 =	vld [tilespmem:s19+$0xFFFFFFD0]  }
0x8eb: {  	v3 =	vld [tilespmem:s19+$0xFFFFFFE0]  }
0x8ec: {  	v4 =	vld [tilespmem:s19+$0xFFFFFFF0]  }
0x8ed: {  	v5 =	vld [tilespmem:s19+$0x0]  }
0x8ee: {  	v7 =	vld [tilespmem:s19+$0x10]  }
0x8ef: {  	v9 =	vld [tilespmem:s19+$0xFFFFFFC0];
	v6 =	vshrl.u32 v1, $0x10  }
0x8f0: {  	s18 =	simm.s32 $0x1B830;
	v10 =	vld [tilespmem:s19+$0x20];
	v1 =	vand.u32 $0xFFFF, v1  }
0x8f1: {  	v12 =	vld [tilespmem:s18+$0x30]  }
0x8f2: {  	v16 =	vld [tilespmem:s18+$0xFFFFFFD0];
	v8 =	vshrl.u32 v2, $0x10  }
0x8f3: {  	v63 =	vld [tilespmem:s18+$0xFFFFFFE0];
	v2 =	vand.u32 $0xFFFF, v2  }
0x8f4: {  	v11 =	vshrl.u32 v3, $0x10;
	v6 =	vld.idx.msk [tilespmem:v6+s4+$0x0], $0xffff  }
0x8f5: {  	v3 =	vand.u32 $0xFFFF, v3;
	v1 =	vld.idx.msk [tilespmem:v1+s1+$0x0], $0xffff  }
0x8f6: {  	v17 =	vld [tilespmem:s18+$0xFFFFFFF0];
	v14 =	vshrl.u32 v9, $0x10  }
0x8f7: {  	v8 =	vld.idx.msk [tilespmem:v8+s4+$0x0], $0xffff  }
0x8f8: {  	v2 =	vld.idx.msk [tilespmem:v2+s1+$0x0], $0xffff  }
0x8f9: {  	v9 =	vand.u32 $0xFFFF, v9;
	v11 =	vld.idx.msk [tilespmem:v11+s4+$0x0], $0xffff  }
0x8fa: {  	v13 =	vshrl.u32 v4, $0x10;
	v15 =	vld.idx.msk [tilespmem:v3+s1+$0x0], $0xffff;
	v1 =	vmul.f32 v1, v6  }
0x8fb: {  	v4 =	vand.u32 $0xFFFF, v4;
	v14 =	vld.idx.msk [tilespmem:v14+s4+$0x0], $0xffff  }
0x8fc: {  	v3 =	vshrl.u32 v5, $0x10;
	[tilespmem:v12+s13+$0x0] =	vst.idx.add.f32.msk $0xffff, v1  }
0x8fd: {  	v61 =	vshrl.u32 v7, $0x10;
	v5 =	vand.u32 $0xFFFF, v5;
	v1 =	vand.u32 $0xFFFF, v7;
	v7 =	vld [tilespmem:s18+$0xFFFFFFC0]  }
0x8fe: {  	v6 =	vld.idx.msk [tilespmem:v9+s1+$0x0], $0xffff  }
0x8ff: {  	v13 =	vld.idx.msk [tilespmem:v13+s4+$0x0], $0xffff  }
0x900: {  	v4 =	vld.idx.msk [tilespmem:v4+s1+$0x0], $0xffff  }
0x901: {  	v62 =	vld.idx.msk [tilespmem:v3+s4+$0x0], $0xffff  }
0x902: {  	v5 =	vld.idx.msk [tilespmem:v5+s1+$0x0], $0xffff;
	v3 =	vshrl.u32 v10, $0x10;
	v10 =	vand.u32 $0xFFFF, v10  }
0x903: {  	v9 =	vld.idx.msk [tilespmem:v61+s4+$0x0], $0xffff;
	v6 =	vmul.f32 v6, v14  }
0x904: {  	v8 =	vmul.f32 v2, v8;
	v2 =	vld [tilespmem:s18+$0x20]  }
0x905: {  	[tilespmem:v7+s13+$0x0] =	vst.idx.add.f32.msk $0xffff, v6  }
0x906: {  	v6 =	vld [tilespmem:s18+$0x0]  }
0x907: {  	v10 =	vld.idx.msk [tilespmem:v10+s1+$0x0], $0xffff  }
0x908: {  	v1 =	vld.idx.msk [tilespmem:v1+s1+$0x0], $0xffff  }
0x909: {  	v11 =	vmul.f32 v15, v11;
	v7 =	vld.idx.msk [tilespmem:v3+s4+$0x0], $0xffff  }
0x90a: {  	v4 =	vmul.f32 v4, v13;
	[tilespmem:v16+s13+$0x0] =	vst.idx.add.f32.msk $0xffff, v8  }
0x90b: {  	[tilespmem:v63+s13+$0x0] =	vst.idx.add.f32.msk $0xffff, v11  }
0x90c: {  	[tilespmem:v17+s13+$0x0] =	vst.idx.add.f32.msk $0xffff, v4;
	v5 =	vmul.f32 v5, v62  }
0x90d: {  	v3 =	vld [tilespmem:s18+$0x10]  }
0x90e: {  	s20 =	simm.s32 $0x1A910;
	s19 =	simm.s32 $0x0;
	v4 =	vmul.f32 v1, v9;
	v1 =	vmul.f32 v10, v7;
	[tilespmem:v6+s13+$0x0] =	vst.idx.add.f32.msk $0xffff, v5  }
.LBB2_82:
0x90f: {  	v5 =	vld [tilespmem:s20+$0x30]  }
0x910: {  	s19 =	sadd.s32 $0x80, s19;
	v6 =	vld [tilespmem:s20+$0xFFFFFFD0]  }
0x911: {  	p2 =	slt.u32 s19, $0x700;
	v7 =	vld [tilespmem:s20+$0xFFFFFFE0]  }
0x912: {  	v8 =	vld [tilespmem:s20+$0xFFFFFFF0]  }
0x913: {  	v9 =	vld [tilespmem:s20+$0x0]  }
0x914: {  	v10 =	vld [tilespmem:s20+$0x10];
	v11 =	vshrl.u32 v5, $0x10  }
0x915: {  	v5 =	vand.u32 $0xFFFF, v5;
	v12 =	vshrl.u32 v6, $0x10;
	v6 =	vand.u32 $0xFFFF, v6;
	v13 =	vld [tilespmem:s20+$0x20]  }
0x916: {  	v14 =	vld [tilespmem:s20+$0xFFFFFFC0];
	v15 =	vshrl.u32 v7, $0x10;
	v7 =	vand.u32 $0xFFFF, v7  }
0x917: {  	s18 =	sadd.s32 $0x80, s18;
	v16 =	vshrl.u32 v8, $0x10;
	v8 =	vand.u32 $0xFFFF, v8;
	[tilespmem:v3+s13+$0x0] =	vst.idx.add.f32.msk $0xffff, v4  }
0x918: {  	v3 =	vshrl.u32 v9, $0x10;
	v4 =	vand.u32 $0xFFFF, v9;
	v9 =	vld [tilespmem:s18+$0x30]  }
0x919: {  	v17 =	vshrl.u32 v10, $0x10;
	v10 =	vand.u32 $0xFFFF, v10;
	v11 =	vld.idx.msk [tilespmem:v11+s4+$0x0], $0xffff  }
0x91a: {  	v18 =	vshrl.u32 v13, $0x10;
	v13 =	vand.u32 $0xFFFF, v13;
	v5 =	vld.idx.msk [tilespmem:v5+s1+$0x0], $0xffff  }
0x91b: {  	v19 =	vshrl.u32 v14, $0x10;
	v14 =	vand.u32 $0xFFFF, v14;
	v12 =	vld.idx.msk [tilespmem:v12+s4+$0x0], $0xffff  }
0x91c: {  	v6 =	vld.idx.msk [tilespmem:v6+s1+$0x0], $0xffff  }
0x91d: {  	v15 =	vld.idx.msk [tilespmem:v15+s4+$0x0], $0xffff  }
0x91e: {  	v7 =	vld.idx.msk [tilespmem:v7+s1+$0x0], $0xffff  }
0x91f: {  	v16 =	vld.idx.msk [tilespmem:v16+s4+$0x0], $0xffff  }
0x920: {  	v5 =	vmul.f32 v5, v11;
	v19 =	vld.idx.msk [tilespmem:v19+s4+$0x0], $0xffff  }
0x921: {  	v11 =	vld.idx.msk [tilespmem:v14+s1+$0x0], $0xffff  }
0x922: {  	s21 =	simm.s32 $0x770;
	s23 =	simm.s32 $0x1BF70;
	s24 =	simm.s32 $0x1AFD0;
	v6 =	vmul.f32 v6, v12;
	[tilespmem:v9+s13+$0x0] =	vst.idx.add.f32.msk $0xffff, v5  }
0x923: {  	v5 =	vld.idx.msk [tilespmem:v8+s1+$0x0], $0xffff  }
0x924: {  	v7 =	vmul.f32 v7, v15;
	v3 =	vld.idx.msk [tilespmem:v3+s4+$0x0], $0xffff  }
0x925: {  	v4 =	vld.idx.msk [tilespmem:v4+s1+$0x0], $0xffff  }
0x926: {  	v8 =	vld.idx.msk [tilespmem:v17+s4+$0x0], $0xffff  }
0x927: {  	v9 =	vmul.f32 v11, v19;
	v10 =	vld.idx.msk [tilespmem:v10+s1+$0x0], $0xffff  }
0x928: {  	v11 =	vld.idx.msk [tilespmem:v18+s4+$0x0], $0xffff  }
0x929: {  	v5 =	vmul.f32 v5, v16;
	v12 =	vld.idx.msk [tilespmem:v13+s1+$0x0], $0xffff  }
0x92a: {  	v13 =	vld [tilespmem:s18+$0xFFFFFFC0]  }
0x92b: {  	v15 =	vmul.f32 v4, v3;
	v14 =	vld [tilespmem:s18+$0xFFFFFFD0]  }
0x92c: {  	v16 =	vld [tilespmem:s18+$0xFFFFFFE0]  }
0x92d: {  	v4 =	vmul.f32 v10, v8;
	v17 =	vld [tilespmem:s18+$0xFFFFFFF0]  }
0x92e: {  	v8 =	vld [tilespmem:s18+$0x0]  }
0x92f: {  	v10 =	vmul.f32 v12, v11;
	v3 =	vld [tilespmem:s18+$0x10]  }
0x930: {  	v11 =	vld [tilespmem:s18+$0x20]  }
0x931: {  	[tilespmem:v2+s13+$0x0] =	vst.idx.add.f32.msk $0xffff, v1;
	v1 =	vmov v10  }
.Ltmp43:
0x932: {  	[tilespmem:v13+s13+$0x0] =	vst.idx.add.f32.msk $0xffff, v9;
	(pc) =	sbr.rel @p2 .LBB2_82-.Ltmp43, $4  }
0x933: {  	[tilespmem:v14+s13+$0x0] =	vst.idx.add.f32.msk $0xffff, v6  }
0x934: {  	[tilespmem:v16+s13+$0x0] =	vst.idx.add.f32.msk $0xffff, v7  }
0x935: {  	[tilespmem:v17+s13+$0x0] =	vst.idx.add.f32.msk $0xffff, v5;
	v2 =	vmov v11  }
0x936: {  	s20 =	sadd.s32 $0x80, s20;
	[tilespmem:v8+s13+$0x0] =	vst.idx.add.f32.msk $0xffff, v15  }
0x937: {  	_ =	sdelay $0x3  }
0x938: {  	[tilespmem:v3+s13+$0x0] =	vst.idx.add.f32.msk $0xffff, v4  }
0x939: {  	[tilespmem:v2+s13+$0x0] =	vst.idx.add.f32.msk $0xffff, v1  }
.LBB2_84:
0x93a: {  	v1 =	vld [tilespmem:s24+$0x0];
	_ =	sdelay $0x4  }
0x93b: {  	v2 =	vshrl.u32 v1, $0x10  }
0x93c: {  	v1 =	vand.u32 $0xFFFF, v1;
	_ =	sdelay $0x2  }
0x93d: {  	v3 =	vld [tilespmem:s23+$0x0]  }
0x93e: {  	v2 =	vld.idx.msk [tilespmem:v2+s4+$0x0], $0xffff  }
0x93f: {  	v1 =	vld.idx.msk [tilespmem:v1+s1+$0x0], $0xffff  }
0x940: {  	s21 =	sadd.s32 $0x10, s21  }
0x941: {  	p2 =	slt.u32 s21, $0x7C0  }
.Ltmp44:
0x942: {  	_ = 	snop;
	(pc) =	sbr.rel @p2 .LBB2_84-.Ltmp44, $3  }
0x943: {  	_ = 	snop  }
0x944: {  	v1 =	vmul.f32 v1, v2;
	_ =	sdelay $0x1  }
0x945: {  	s23 =	sadd.s32 $0x10, s23;
	s24 =	sadd.s32 $0x10, s24;
	[tilespmem:v3+s13+$0x0] =	vst.idx.add.f32.msk $0xffff, v1  }
0x946: {  	s18 =	sld [smem:$0x7F2];
	_ =	sdelay $0x1  }
0x947: {  	s24 =	sld [smem:$0x7F3]  }
0x948: {  	[tilespmem:s10], [sflag:$0x4] =	stream.linear.gather [hbm4b:s18+s1], $0x7D0, $0x38;
	[tilespmem:$0x1E4B0] =	vst v63  }
0x949: {  	_ = 	snop  }
0x94a: {  	[tilespmem:s11], [sflag:$0x4] =	stream.linear.gather [hbm4b:s24+s1], $0x7D0, $0x38;
	[tilespmem:$0x1E4B0] =	vst v63  }
0x94b: {  	_ =	swait.ge [sflag:s12], $0x7D0  }
0x94c: {  	[sflag:s12] =	ssyncset.done $0x0  }
0x94d: {  	[sflag:s12] =	ssyncadd.s32 $0xFFFFF830  }
0x94e: {  	_ =	swait.ge [sflag:s12], $0x7D0  }
0x94f: {  	[sflag:s12] =	ssyncset.done $0x0  }
0x950: {  	s19 =	simm.s32 $0x1A0C0;
	[sflag:s12] =	ssyncadd.s32 $0xFFFFF830  }
0x951: {  	v1 =	vld [tilespmem:s19+$0x30]  }
0x952: {  	v2 =	vld [tilespmem:s19+$0xFFFFFFD0]  }
0x953: {  	v3 =	vld [tilespmem:s19+$0xFFFFFFE0]  }
0x954: {  	v4 =	vld [tilespmem:s19+$0xFFFFFFF0]  }
0x955: {  	v5 =	vld [tilespmem:s19+$0x0]  }
0x956: {  	v7 =	vld [tilespmem:s19+$0x10]  }
0x957: {  	v9 =	vld [tilespmem:s19+$0xFFFFFFC0];
	v6 =	vshrl.u32 v1, $0x10  }
0x958: {  	s18 =	simm.s32 $0x1B060;
	v10 =	vld [tilespmem:s19+$0x20];
	v1 =	vand.u32 $0xFFFF, v1  }
0x959: {  	v12 =	vld [tilespmem:s18+$0x30]  }
0x95a: {  	v16 =	vld [tilespmem:s18+$0xFFFFFFD0];
	v8 =	vshrl.u32 v2, $0x10  }
0x95b: {  	v63 =	vld [tilespmem:s18+$0xFFFFFFE0];
	v2 =	vand.u32 $0xFFFF, v2  }
0x95c: {  	v11 =	vshrl.u32 v3, $0x10;
	v6 =	vld.idx.msk [tilespmem:v6+s4+$0x0], $0xffff  }
0x95d: {  	v3 =	vand.u32 $0xFFFF, v3;
	v1 =	vld.idx.msk [tilespmem:v1+s1+$0x0], $0xffff  }
0x95e: {  	v17 =	vld [tilespmem:s18+$0xFFFFFFF0];
	v14 =	vshrl.u32 v9, $0x10  }
0x95f: {  	v8 =	vld.idx.msk [tilespmem:v8+s4+$0x0], $0xffff  }
0x960: {  	v2 =	vld.idx.msk [tilespmem:v2+s1+$0x0], $0xffff  }
0x961: {  	v9 =	vand.u32 $0xFFFF, v9;
	v11 =	vld.idx.msk [tilespmem:v11+s4+$0x0], $0xffff  }
0x962: {  	v13 =	vshrl.u32 v4, $0x10;
	v15 =	vld.idx.msk [tilespmem:v3+s1+$0x0], $0xffff;
	v1 =	vmul.f32 v1, v6  }
0x963: {  	v4 =	vand.u32 $0xFFFF, v4;
	v14 =	vld.idx.msk [tilespmem:v14+s4+$0x0], $0xffff  }
0x964: {  	v3 =	vshrl.u32 v5, $0x10;
	[tilespmem:v12+s13+$0x0] =	vst.idx.add.f32.msk $0xffff, v1  }
0x965: {  	v61 =	vshrl.u32 v7, $0x10;
	v5 =	vand.u32 $0xFFFF, v5;
	v1 =	vand.u32 $0xFFFF, v7;
	v7 =	vld [tilespmem:s18+$0xFFFFFFC0]  }
0x966: {  	v6 =	vld.idx.msk [tilespmem:v9+s1+$0x0], $0xffff  }
0x967: {  	v13 =	vld.idx.msk [tilespmem:v13+s4+$0x0], $0xffff  }
0x968: {  	v4 =	vld.idx.msk [tilespmem:v4+s1+$0x0], $0xffff  }
0x969: {  	v62 =	vld.idx.msk [tilespmem:v3+s4+$0x0], $0xffff  }
0x96a: {  	v5 =	vld.idx.msk [tilespmem:v5+s1+$0x0], $0xffff;
	v3 =	vshrl.u32 v10, $0x10;
	v10 =	vand.u32 $0xFFFF, v10  }
0x96b: {  	v9 =	vld.idx.msk [tilespmem:v61+s4+$0x0], $0xffff;
	v6 =	vmul.f32 v6, v14  }
0x96c: {  	v8 =	vmul.f32 v2, v8;
	v2 =	vld [tilespmem:s18+$0x20]  }
0x96d: {  	[tilespmem:v7+s13+$0x0] =	vst.idx.add.f32.msk $0xffff, v6  }
0x96e: {  	v6 =	vld [tilespmem:s18+$0x0]  }
0x96f: {  	v10 =	vld.idx.msk [tilespmem:v10+s1+$0x0], $0xffff  }
0x970: {  	v1 =	vld.idx.msk [tilespmem:v1+s1+$0x0], $0xffff  }
0x971: {  	v11 =	vmul.f32 v15, v11;
	v7 =	vld.idx.msk [tilespmem:v3+s4+$0x0], $0xffff  }
0x972: {  	v4 =	vmul.f32 v4, v13;
	[tilespmem:v16+s13+$0x0] =	vst.idx.add.f32.msk $0xffff, v8  }
0x973: {  	[tilespmem:v63+s13+$0x0] =	vst.idx.add.f32.msk $0xffff, v11  }
0x974: {  	[tilespmem:v17+s13+$0x0] =	vst.idx.add.f32.msk $0xffff, v4;
	v5 =	vmul.f32 v5, v62  }
0x975: {  	v3 =	vld [tilespmem:s18+$0x10]  }
0x976: {  	s20 =	simm.s32 $0x1A140;
	s19 =	simm.s32 $0x0;
	v4 =	vmul.f32 v1, v9;
	v1 =	vmul.f32 v10, v7;
	[tilespmem:v6+s13+$0x0] =	vst.idx.add.f32.msk $0xffff, v5  }
.LBB2_86:
0x977: {  	v5 =	vld [tilespmem:s20+$0x30]  }
0x978: {  	s19 =	sadd.s32 $0x80, s19;
	v6 =	vld [tilespmem:s20+$0xFFFFFFD0]  }
0x979: {  	p2 =	slt.u32 s19, $0x700;
	v7 =	vld [tilespmem:s20+$0xFFFFFFE0]  }
0x97a: {  	v8 =	vld [tilespmem:s20+$0xFFFFFFF0]  }
0x97b: {  	v9 =	vld [tilespmem:s20+$0x0]  }
0x97c: {  	v10 =	vld [tilespmem:s20+$0x10];
	v11 =	vshrl.u32 v5, $0x10  }
0x97d: {  	v5 =	vand.u32 $0xFFFF, v5;
	v12 =	vshrl.u32 v6, $0x10;
	v6 =	vand.u32 $0xFFFF, v6;
	v13 =	vld [tilespmem:s20+$0x20]  }
0x97e: {  	v14 =	vld [tilespmem:s20+$0xFFFFFFC0];
	v15 =	vshrl.u32 v7, $0x10;
	v7 =	vand.u32 $0xFFFF, v7  }
0x97f: {  	s18 =	sadd.s32 $0x80, s18;
	v16 =	vshrl.u32 v8, $0x10;
	v8 =	vand.u32 $0xFFFF, v8;
	[tilespmem:v3+s13+$0x0] =	vst.idx.add.f32.msk $0xffff, v4  }
0x980: {  	v3 =	vshrl.u32 v9, $0x10;
	v4 =	vand.u32 $0xFFFF, v9;
	v9 =	vld [tilespmem:s18+$0x30]  }
0x981: {  	v17 =	vshrl.u32 v10, $0x10;
	v10 =	vand.u32 $0xFFFF, v10;
	v11 =	vld.idx.msk [tilespmem:v11+s4+$0x0], $0xffff  }
0x982: {  	v18 =	vshrl.u32 v13, $0x10;
	v13 =	vand.u32 $0xFFFF, v13;
	v5 =	vld.idx.msk [tilespmem:v5+s1+$0x0], $0xffff  }
0x983: {  	v19 =	vshrl.u32 v14, $0x10;
	v14 =	vand.u32 $0xFFFF, v14;
	v12 =	vld.idx.msk [tilespmem:v12+s4+$0x0], $0xffff  }
0x984: {  	v6 =	vld.idx.msk [tilespmem:v6+s1+$0x0], $0xffff  }
0x985: {  	v15 =	vld.idx.msk [tilespmem:v15+s4+$0x0], $0xffff  }
0x986: {  	v7 =	vld.idx.msk [tilespmem:v7+s1+$0x0], $0xffff  }
0x987: {  	v16 =	vld.idx.msk [tilespmem:v16+s4+$0x0], $0xffff  }
0x988: {  	v5 =	vmul.f32 v5, v11;
	v19 =	vld.idx.msk [tilespmem:v19+s4+$0x0], $0xffff  }
0x989: {  	v11 =	vld.idx.msk [tilespmem:v14+s1+$0x0], $0xffff  }
0x98a: {  	s21 =	simm.s32 $0x770;
	s23 =	simm.s32 $0x1B7A0;
	s24 =	simm.s32 $0x1A800;
	v6 =	vmul.f32 v6, v12;
	[tilespmem:v9+s13+$0x0] =	vst.idx.add.f32.msk $0xffff, v5  }
0x98b: {  	v5 =	vld.idx.msk [tilespmem:v8+s1+$0x0], $0xffff  }
0x98c: {  	v7 =	vmul.f32 v7, v15;
	v3 =	vld.idx.msk [tilespmem:v3+s4+$0x0], $0xffff  }
0x98d: {  	v4 =	vld.idx.msk [tilespmem:v4+s1+$0x0], $0xffff  }
0x98e: {  	v8 =	vld.idx.msk [tilespmem:v17+s4+$0x0], $0xffff  }
0x98f: {  	v9 =	vmul.f32 v11, v19;
	v10 =	vld.idx.msk [tilespmem:v10+s1+$0x0], $0xffff  }
0x990: {  	v11 =	vld.idx.msk [tilespmem:v18+s4+$0x0], $0xffff  }
0x991: {  	v5 =	vmul.f32 v5, v16;
	v12 =	vld.idx.msk [tilespmem:v13+s1+$0x0], $0xffff  }
0x992: {  	v13 =	vld [tilespmem:s18+$0xFFFFFFC0]  }
0x993: {  	v15 =	vmul.f32 v4, v3;
	v14 =	vld [tilespmem:s18+$0xFFFFFFD0]  }
0x994: {  	v16 =	vld [tilespmem:s18+$0xFFFFFFE0]  }
0x995: {  	v4 =	vmul.f32 v10, v8;
	v17 =	vld [tilespmem:s18+$0xFFFFFFF0]  }
0x996: {  	v8 =	vld [tilespmem:s18+$0x0]  }
0x997: {  	v10 =	vmul.f32 v12, v11;
	v3 =	vld [tilespmem:s18+$0x10]  }
0x998: {  	v11 =	vld [tilespmem:s18+$0x20]  }
0x999: {  	[tilespmem:v2+s13+$0x0] =	vst.idx.add.f32.msk $0xffff, v1;
	v1 =	vmov v10  }
.Ltmp45:
0x99a: {  	[tilespmem:v13+s13+$0x0] =	vst.idx.add.f32.msk $0xffff, v9;
	(pc) =	sbr.rel @p2 .LBB2_86-.Ltmp45, $4  }
0x99b: {  	[tilespmem:v14+s13+$0x0] =	vst.idx.add.f32.msk $0xffff, v6  }
0x99c: {  	[tilespmem:v16+s13+$0x0] =	vst.idx.add.f32.msk $0xffff, v7  }
0x99d: {  	[tilespmem:v17+s13+$0x0] =	vst.idx.add.f32.msk $0xffff, v5;
	v2 =	vmov v11  }
0x99e: {  	s20 =	sadd.s32 $0x80, s20;
	[tilespmem:v8+s13+$0x0] =	vst.idx.add.f32.msk $0xffff, v15  }
0x99f: {  	_ =	sdelay $0x3  }
0x9a0: {  	[tilespmem:v3+s13+$0x0] =	vst.idx.add.f32.msk $0xffff, v4  }
0x9a1: {  	[tilespmem:v2+s13+$0x0] =	vst.idx.add.f32.msk $0xffff, v1  }
.LBB2_88:
0x9a2: {  	v1 =	vld [tilespmem:s24+$0x0];
	_ =	sdelay $0x4  }
0x9a3: {  	v2 =	vshrl.u32 v1, $0x10  }
0x9a4: {  	v1 =	vand.u32 $0xFFFF, v1;
	_ =	sdelay $0x2  }
0x9a5: {  	v3 =	vld [tilespmem:s23+$0x0]  }
0x9a6: {  	v2 =	vld.idx.msk [tilespmem:v2+s4+$0x0], $0xffff  }
0x9a7: {  	v1 =	vld.idx.msk [tilespmem:v1+s1+$0x0], $0xffff  }
0x9a8: {  	s21 =	sadd.s32 $0x10, s21  }
0x9a9: {  	p2 =	slt.u32 s21, $0x7C0  }
.Ltmp46:
0x9aa: {  	_ = 	snop;
	(pc) =	sbr.rel @p2 .LBB2_88-.Ltmp46, $3  }
0x9ab: {  	_ = 	snop  }
0x9ac: {  	v1 =	vmul.f32 v1, v2;
	_ =	sdelay $0x1  }
0x9ad: {  	s23 =	sadd.s32 $0x10, s23;
	s24 =	sadd.s32 $0x10, s24;
	[tilespmem:v3+s13+$0x0] =	vst.idx.add.f32.msk $0xffff, v1  }
0x9ae: {  	s18 =	sld [smem:$0x7F4];
	_ =	sdelay $0x1  }
0x9af: {  	s24 =	sld [smem:$0x7F5]  }
0x9b0: {  	[tilespmem:s8], [sflag:$0x3] =	stream.linear.gather [hbm4b:s18+s1], $0x7D0, $0x38;
	[tilespmem:$0x1E4B0] =	vst v63  }
0x9b1: {  	_ = 	snop  }
0x9b2: {  	[tilespmem:s9], [sflag:$0x3] =	stream.linear.gather [hbm4b:s24+s1], $0x7D0, $0x38;
	[tilespmem:$0x1E4B0] =	vst v63  }
0x9b3: {  	_ =	swait.ge [sflag:s14], $0x7D0  }
0x9b4: {  	[sflag:s14] =	ssyncset.done $0x0  }
0x9b5: {  	[sflag:s14] =	ssyncadd.s32 $0xFFFFF830  }
0x9b6: {  	_ =	swait.ge [sflag:s14], $0x7D0  }
0x9b7: {  	[sflag:s14] =	ssyncset.done $0x0  }
0x9b8: {  	s19 =	simm.s32 $0x1A890;
	[sflag:s14] =	ssyncadd.s32 $0xFFFFF830  }
0x9b9: {  	v1 =	vld [tilespmem:s19+$0x30]  }
0x9ba: {  	v2 =	vld [tilespmem:s19+$0xFFFFFFD0]  }
0x9bb: {  	v3 =	vld [tilespmem:s19+$0xFFFFFFE0]  }
0x9bc: {  	v4 =	vld [tilespmem:s19+$0xFFFFFFF0]  }
0x9bd: {  	v5 =	vld [tilespmem:s19+$0x0]  }
0x9be: {  	v7 =	vld [tilespmem:s19+$0x10]  }
0x9bf: {  	v9 =	vld [tilespmem:s19+$0xFFFFFFC0];
	v6 =	vshrl.u32 v1, $0x10  }
0x9c0: {  	s18 =	simm.s32 $0x1B830;
	v10 =	vld [tilespmem:s19+$0x20];
	v1 =	vand.u32 $0xFFFF, v1  }
0x9c1: {  	v12 =	vld [tilespmem:s18+$0x30]  }
0x9c2: {  	v16 =	vld [tilespmem:s18+$0xFFFFFFD0];
	v8 =	vshrl.u32 v2, $0x10  }
0x9c3: {  	v63 =	vld [tilespmem:s18+$0xFFFFFFE0];
	v2 =	vand.u32 $0xFFFF, v2  }
0x9c4: {  	v11 =	vshrl.u32 v3, $0x10;
	v6 =	vld.idx.msk [tilespmem:v6+s4+$0x0], $0xffff  }
0x9c5: {  	v3 =	vand.u32 $0xFFFF, v3;
	v1 =	vld.idx.msk [tilespmem:v1+s1+$0x0], $0xffff  }
0x9c6: {  	v17 =	vld [tilespmem:s18+$0xFFFFFFF0];
	v14 =	vshrl.u32 v9, $0x10  }
0x9c7: {  	v8 =	vld.idx.msk [tilespmem:v8+s4+$0x0], $0xffff  }
0x9c8: {  	v2 =	vld.idx.msk [tilespmem:v2+s1+$0x0], $0xffff  }
0x9c9: {  	v9 =	vand.u32 $0xFFFF, v9;
	v11 =	vld.idx.msk [tilespmem:v11+s4+$0x0], $0xffff  }
0x9ca: {  	v13 =	vshrl.u32 v4, $0x10;
	v15 =	vld.idx.msk [tilespmem:v3+s1+$0x0], $0xffff;
	v1 =	vmul.f32 v1, v6  }
0x9cb: {  	v4 =	vand.u32 $0xFFFF, v4;
	v14 =	vld.idx.msk [tilespmem:v14+s4+$0x0], $0xffff  }
0x9cc: {  	v3 =	vshrl.u32 v5, $0x10;
	[tilespmem:v12+s13+$0x0] =	vst.idx.add.f32.msk $0xffff, v1  }
0x9cd: {  	v61 =	vshrl.u32 v7, $0x10;
	v5 =	vand.u32 $0xFFFF, v5;
	v1 =	vand.u32 $0xFFFF, v7;
	v7 =	vld [tilespmem:s18+$0xFFFFFFC0]  }
0x9ce: {  	v6 =	vld.idx.msk [tilespmem:v9+s1+$0x0], $0xffff  }
0x9cf: {  	v13 =	vld.idx.msk [tilespmem:v13+s4+$0x0], $0xffff  }
0x9d0: {  	v4 =	vld.idx.msk [tilespmem:v4+s1+$0x0], $0xffff  }
0x9d1: {  	v62 =	vld.idx.msk [tilespmem:v3+s4+$0x0], $0xffff  }
0x9d2: {  	v5 =	vld.idx.msk [tilespmem:v5+s1+$0x0], $0xffff;
	v3 =	vshrl.u32 v10, $0x10;
	v10 =	vand.u32 $0xFFFF, v10  }
0x9d3: {  	v9 =	vld.idx.msk [tilespmem:v61+s4+$0x0], $0xffff;
	v6 =	vmul.f32 v6, v14  }
0x9d4: {  	v8 =	vmul.f32 v2, v8;
	v2 =	vld [tilespmem:s18+$0x20]  }
0x9d5: {  	[tilespmem:v7+s13+$0x0] =	vst.idx.add.f32.msk $0xffff, v6  }
0x9d6: {  	v6 =	vld [tilespmem:s18+$0x0]  }
0x9d7: {  	v10 =	vld.idx.msk [tilespmem:v10+s1+$0x0], $0xffff  }
0x9d8: {  	v1 =	vld.idx.msk [tilespmem:v1+s1+$0x0], $0xffff  }
0x9d9: {  	v11 =	vmul.f32 v15, v11;
	v7 =	vld.idx.msk [tilespmem:v3+s4+$0x0], $0xffff  }
0x9da: {  	v4 =	vmul.f32 v4, v13;
	[tilespmem:v16+s13+$0x0] =	vst.idx.add.f32.msk $0xffff, v8  }
0x9db: {  	[tilespmem:v63+s13+$0x0] =	vst.idx.add.f32.msk $0xffff, v11  }
0x9dc: {  	[tilespmem:v17+s13+$0x0] =	vst.idx.add.f32.msk $0xffff, v4;
	v5 =	vmul.f32 v5, v62  }
0x9dd: {  	v3 =	vld [tilespmem:s18+$0x10]  }
0x9de: {  	s20 =	simm.s32 $0x1A910;
	s19 =	simm.s32 $0x0;
	v4 =	vmul.f32 v1, v9;
	v1 =	vmul.f32 v10, v7;
	[tilespmem:v6+s13+$0x0] =	vst.idx.add.f32.msk $0xffff, v5  }
.LBB2_90:
0x9df: {  	v5 =	vld [tilespmem:s20+$0x30]  }
0x9e0: {  	s19 =	sadd.s32 $0x80, s19;
	v6 =	vld [tilespmem:s20+$0xFFFFFFD0]  }
0x9e1: {  	p2 =	slt.u32 s19, $0x700;
	v7 =	vld [tilespmem:s20+$0xFFFFFFE0]  }
0x9e2: {  	v8 =	vld [tilespmem:s20+$0xFFFFFFF0]  }
0x9e3: {  	v9 =	vld [tilespmem:s20+$0x0]  }
0x9e4: {  	v10 =	vld [tilespmem:s20+$0x10];
	v11 =	vshrl.u32 v5, $0x10  }
0x9e5: {  	v5 =	vand.u32 $0xFFFF, v5;
	v12 =	vshrl.u32 v6, $0x10;
	v6 =	vand.u32 $0xFFFF, v6;
	v13 =	vld [tilespmem:s20+$0x20]  }
0x9e6: {  	v14 =	vld [tilespmem:s20+$0xFFFFFFC0];
	v15 =	vshrl.u32 v7, $0x10;
	v7 =	vand.u32 $0xFFFF, v7  }
0x9e7: {  	s18 =	sadd.s32 $0x80, s18;
	v16 =	vshrl.u32 v8, $0x10;
	v8 =	vand.u32 $0xFFFF, v8;
	[tilespmem:v3+s13+$0x0] =	vst.idx.add.f32.msk $0xffff, v4  }
0x9e8: {  	v3 =	vshrl.u32 v9, $0x10;
	v4 =	vand.u32 $0xFFFF, v9;
	v9 =	vld [tilespmem:s18+$0x30]  }
0x9e9: {  	v17 =	vshrl.u32 v10, $0x10;
	v10 =	vand.u32 $0xFFFF, v10;
	v11 =	vld.idx.msk [tilespmem:v11+s4+$0x0], $0xffff  }
0x9ea: {  	v18 =	vshrl.u32 v13, $0x10;
	v13 =	vand.u32 $0xFFFF, v13;
	v5 =	vld.idx.msk [tilespmem:v5+s1+$0x0], $0xffff  }
0x9eb: {  	v19 =	vshrl.u32 v14, $0x10;
	v14 =	vand.u32 $0xFFFF, v14;
	v12 =	vld.idx.msk [tilespmem:v12+s4+$0x0], $0xffff  }
0x9ec: {  	v6 =	vld.idx.msk [tilespmem:v6+s1+$0x0], $0xffff  }
0x9ed: {  	v15 =	vld.idx.msk [tilespmem:v15+s4+$0x0], $0xffff  }
0x9ee: {  	v7 =	vld.idx.msk [tilespmem:v7+s1+$0x0], $0xffff  }
0x9ef: {  	v16 =	vld.idx.msk [tilespmem:v16+s4+$0x0], $0xffff  }
0x9f0: {  	v5 =	vmul.f32 v5, v11;
	v19 =	vld.idx.msk [tilespmem:v19+s4+$0x0], $0xffff  }
0x9f1: {  	v11 =	vld.idx.msk [tilespmem:v14+s1+$0x0], $0xffff  }
0x9f2: {  	s21 =	simm.s32 $0x770;
	s23 =	simm.s32 $0x1BF70;
	s24 =	simm.s32 $0x1AFD0;
	v6 =	vmul.f32 v6, v12;
	[tilespmem:v9+s13+$0x0] =	vst.idx.add.f32.msk $0xffff, v5  }
0x9f3: {  	v5 =	vld.idx.msk [tilespmem:v8+s1+$0x0], $0xffff  }
0x9f4: {  	v7 =	vmul.f32 v7, v15;
	v3 =	vld.idx.msk [tilespmem:v3+s4+$0x0], $0xffff  }
0x9f5: {  	v4 =	vld.idx.msk [tilespmem:v4+s1+$0x0], $0xffff  }
0x9f6: {  	v8 =	vld.idx.msk [tilespmem:v17+s4+$0x0], $0xffff  }
0x9f7: {  	v9 =	vmul.f32 v11, v19;
	v10 =	vld.idx.msk [tilespmem:v10+s1+$0x0], $0xffff  }
0x9f8: {  	v11 =	vld.idx.msk [tilespmem:v18+s4+$0x0], $0xffff  }
0x9f9: {  	v5 =	vmul.f32 v5, v16;
	v12 =	vld.idx.msk [tilespmem:v13+s1+$0x0], $0xffff  }
0x9fa: {  	v13 =	vld [tilespmem:s18+$0xFFFFFFC0]  }
0x9fb: {  	v15 =	vmul.f32 v4, v3;
	v14 =	vld [tilespmem:s18+$0xFFFFFFD0]  }
0x9fc: {  	v16 =	vld [tilespmem:s18+$0xFFFFFFE0]  }
0x9fd: {  	v4 =	vmul.f32 v10, v8;
	v17 =	vld [tilespmem:s18+$0xFFFFFFF0]  }
0x9fe: {  	v8 =	vld [tilespmem:s18+$0x0]  }
0x9ff: {  	v10 =	vmul.f32 v12, v11;
	v3 =	vld [tilespmem:s18+$0x10]  }
0xa00: {  	v11 =	vld [tilespmem:s18+$0x20]  }
0xa01: {  	[tilespmem:v2+s13+$0x0] =	vst.idx.add.f32.msk $0xffff, v1;
	v1 =	vmov v10  }
.Ltmp47:
0xa02: {  	[tilespmem:v13+s13+$0x0] =	vst.idx.add.f32.msk $0xffff, v9;
	(pc) =	sbr.rel @p2 .LBB2_90-.Ltmp47, $4  }
0xa03: {  	[tilespmem:v14+s13+$0x0] =	vst.idx.add.f32.msk $0xffff, v6  }
0xa04: {  	[tilespmem:v16+s13+$0x0] =	vst.idx.add.f32.msk $0xffff, v7  }
0xa05: {  	[tilespmem:v17+s13+$0x0] =	vst.idx.add.f32.msk $0xffff, v5;
	v2 =	vmov v11  }
0xa06: {  	s20 =	sadd.s32 $0x80, s20;
	[tilespmem:v8+s13+$0x0] =	vst.idx.add.f32.msk $0xffff, v15  }
0xa07: {  	_ =	sdelay $0x3  }
0xa08: {  	[tilespmem:v3+s13+$0x0] =	vst.idx.add.f32.msk $0xffff, v4  }
0xa09: {  	[tilespmem:v2+s13+$0x0] =	vst.idx.add.f32.msk $0xffff, v1  }
.LBB2_92:
0xa0a: {  	v1 =	vld [tilespmem:s24+$0x0];
	_ =	sdelay $0x4  }
0xa0b: {  	v2 =	vshrl.u32 v1, $0x10  }
0xa0c: {  	v1 =	vand.u32 $0xFFFF, v1;
	_ =	sdelay $0x2  }
0xa0d: {  	v3 =	vld [tilespmem:s23+$0x0]  }
0xa0e: {  	v2 =	vld.idx.msk [tilespmem:v2+s4+$0x0], $0xffff  }
0xa0f: {  	v1 =	vld.idx.msk [tilespmem:v1+s1+$0x0], $0xffff  }
0xa10: {  	s21 =	sadd.s32 $0x10, s21  }
0xa11: {  	p2 =	slt.u32 s21, $0x7C0  }
.Ltmp48:
0xa12: {  	_ = 	snop;
	(pc) =	sbr.rel @p2 .LBB2_92-.Ltmp48, $3  }
0xa13: {  	_ = 	snop  }
0xa14: {  	v1 =	vmul.f32 v1, v2;
	_ =	sdelay $0x1  }
0xa15: {  	s23 =	sadd.s32 $0x10, s23;
	s24 =	sadd.s32 $0x10, s24;
	[tilespmem:v3+s13+$0x0] =	vst.idx.add.f32.msk $0xffff, v1  }
0xa16: {  	s18 =	sld [smem:$0x7F6];
	_ =	sdelay $0x1  }
0xa17: {  	s24 =	sld [smem:$0x7F7]  }
0xa18: {  	[tilespmem:s10], [sflag:$0x4] =	stream.linear.gather [hbm4b:s18+s1], $0x7D0, $0x38;
	[tilespmem:$0x1E4B0] =	vst v63  }
0xa19: {  	_ = 	snop  }
0xa1a: {  	[tilespmem:s11], [sflag:$0x4] =	stream.linear.gather [hbm4b:s24+s1], $0x7D0, $0x38;
	[tilespmem:$0x1E4B0] =	vst v63  }
0xa1b: {  	_ =	swait.ge [sflag:s12], $0x7D0  }
0xa1c: {  	[sflag:s12] =	ssyncset.done $0x0  }
0xa1d: {  	[sflag:s12] =	ssyncadd.s32 $0xFFFFF830  }
0xa1e: {  	_ =	swait.ge [sflag:s12], $0x7D0  }
0xa1f: {  	[sflag:s12] =	ssyncset.done $0x0  }
0xa20: {  	s19 =	simm.s32 $0x1A0C0;
	[sflag:s12] =	ssyncadd.s32 $0xFFFFF830  }
0xa21: {  	v1 =	vld [tilespmem:s19+$0x30]  }
0xa22: {  	v2 =	vld [tilespmem:s19+$0xFFFFFFD0]  }
0xa23: {  	v3 =	vld [tilespmem:s19+$0xFFFFFFE0]  }
0xa24: {  	v4 =	vld [tilespmem:s19+$0xFFFFFFF0]  }
0xa25: {  	v5 =	vld [tilespmem:s19+$0x0]  }
0xa26: {  	v7 =	vld [tilespmem:s19+$0x10]  }
0xa27: {  	v9 =	vld [tilespmem:s19+$0xFFFFFFC0];
	v6 =	vshrl.u32 v1, $0x10  }
0xa28: {  	s18 =	simm.s32 $0x1B060;
	v10 =	vld [tilespmem:s19+$0x20];
	v1 =	vand.u32 $0xFFFF, v1  }
0xa29: {  	v12 =	vld [tilespmem:s18+$0x30]  }
0xa2a: {  	v16 =	vld [tilespmem:s18+$0xFFFFFFD0];
	v8 =	vshrl.u32 v2, $0x10  }
0xa2b: {  	v63 =	vld [tilespmem:s18+$0xFFFFFFE0];
	v2 =	vand.u32 $0xFFFF, v2  }
0xa2c: {  	v11 =	vshrl.u32 v3, $0x10;
	v6 =	vld.idx.msk [tilespmem:v6+s4+$0x0], $0xffff  }
0xa2d: {  	v3 =	vand.u32 $0xFFFF, v3;
	v1 =	vld.idx.msk [tilespmem:v1+s1+$0x0], $0xffff  }
0xa2e: {  	v17 =	vld [tilespmem:s18+$0xFFFFFFF0];
	v14 =	vshrl.u32 v9, $0x10  }
0xa2f: {  	v8 =	vld.idx.msk [tilespmem:v8+s4+$0x0], $0xffff  }
0xa30: {  	v2 =	vld.idx.msk [tilespmem:v2+s1+$0x0], $0xffff  }
0xa31: {  	v9 =	vand.u32 $0xFFFF, v9;
	v11 =	vld.idx.msk [tilespmem:v11+s4+$0x0], $0xffff  }
0xa32: {  	v13 =	vshrl.u32 v4, $0x10;
	v15 =	vld.idx.msk [tilespmem:v3+s1+$0x0], $0xffff;
	v1 =	vmul.f32 v1, v6  }
0xa33: {  	v4 =	vand.u32 $0xFFFF, v4;
	v14 =	vld.idx.msk [tilespmem:v14+s4+$0x0], $0xffff  }
0xa34: {  	v3 =	vshrl.u32 v5, $0x10;
	[tilespmem:v12+s13+$0x0] =	vst.idx.add.f32.msk $0xffff, v1  }
0xa35: {  	v61 =	vshrl.u32 v7, $0x10;
	v5 =	vand.u32 $0xFFFF, v5;
	v1 =	vand.u32 $0xFFFF, v7;
	v7 =	vld [tilespmem:s18+$0xFFFFFFC0]  }
0xa36: {  	v6 =	vld.idx.msk [tilespmem:v9+s1+$0x0], $0xffff  }
0xa37: {  	v13 =	vld.idx.msk [tilespmem:v13+s4+$0x0], $0xffff  }
0xa38: {  	v4 =	vld.idx.msk [tilespmem:v4+s1+$0x0], $0xffff  }
0xa39: {  	v62 =	vld.idx.msk [tilespmem:v3+s4+$0x0], $0xffff  }
0xa3a: {  	v5 =	vld.idx.msk [tilespmem:v5+s1+$0x0], $0xffff;
	v3 =	vshrl.u32 v10, $0x10;
	v10 =	vand.u32 $0xFFFF, v10  }
0xa3b: {  	v9 =	vld.idx.msk [tilespmem:v61+s4+$0x0], $0xffff;
	v6 =	vmul.f32 v6, v14  }
0xa3c: {  	v8 =	vmul.f32 v2, v8;
	v2 =	vld [tilespmem:s18+$0x20]  }
0xa3d: {  	[tilespmem:v7+s13+$0x0] =	vst.idx.add.f32.msk $0xffff, v6  }
0xa3e: {  	v6 =	vld [tilespmem:s18+$0x0]  }
0xa3f: {  	v10 =	vld.idx.msk [tilespmem:v10+s1+$0x0], $0xffff  }
0xa40: {  	v1 =	vld.idx.msk [tilespmem:v1+s1+$0x0], $0xffff  }
0xa41: {  	v11 =	vmul.f32 v15, v11;
	v7 =	vld.idx.msk [tilespmem:v3+s4+$0x0], $0xffff  }
0xa42: {  	v4 =	vmul.f32 v4, v13;
	[tilespmem:v16+s13+$0x0] =	vst.idx.add.f32.msk $0xffff, v8  }
0xa43: {  	[tilespmem:v63+s13+$0x0] =	vst.idx.add.f32.msk $0xffff, v11  }
0xa44: {  	[tilespmem:v17+s13+$0x0] =	vst.idx.add.f32.msk $0xffff, v4;
	v5 =	vmul.f32 v5, v62  }
0xa45: {  	v3 =	vld [tilespmem:s18+$0x10]  }
0xa46: {  	s20 =	simm.s32 $0x1A140;
	s19 =	simm.s32 $0x0;
	v4 =	vmul.f32 v1, v9;
	v1 =	vmul.f32 v10, v7;
	[tilespmem:v6+s13+$0x0] =	vst.idx.add.f32.msk $0xffff, v5  }
.LBB2_94:
0xa47: {  	v5 =	vld [tilespmem:s20+$0x30]  }
0xa48: {  	s19 =	sadd.s32 $0x80, s19;
	v6 =	vld [tilespmem:s20+$0xFFFFFFD0]  }
0xa49: {  	p2 =	slt.u32 s19, $0x700;
	v7 =	vld [tilespmem:s20+$0xFFFFFFE0]  }
0xa4a: {  	v8 =	vld [tilespmem:s20+$0xFFFFFFF0]  }
0xa4b: {  	v9 =	vld [tilespmem:s20+$0x0]  }
0xa4c: {  	v10 =	vld [tilespmem:s20+$0x10];
	v11 =	vshrl.u32 v5, $0x10  }
0xa4d: {  	v5 =	vand.u32 $0xFFFF, v5;
	v12 =	vshrl.u32 v6, $0x10;
	v6 =	vand.u32 $0xFFFF, v6;
	v13 =	vld [tilespmem:s20+$0x20]  }
0xa4e: {  	v14 =	vld [tilespmem:s20+$0xFFFFFFC0];
	v15 =	vshrl.u32 v7, $0x10;
	v7 =	vand.u32 $0xFFFF, v7  }
0xa4f: {  	s18 =	sadd.s32 $0x80, s18;
	v16 =	vshrl.u32 v8, $0x10;
	v8 =	vand.u32 $0xFFFF, v8;
	[tilespmem:v3+s13+$0x0] =	vst.idx.add.f32.msk $0xffff, v4  }
0xa50: {  	v3 =	vshrl.u32 v9, $0x10;
	v4 =	vand.u32 $0xFFFF, v9;
	v9 =	vld [tilespmem:s18+$0x30]  }
0xa51: {  	v17 =	vshrl.u32 v10, $0x10;
	v10 =	vand.u32 $0xFFFF, v10;
	v11 =	vld.idx.msk [tilespmem:v11+s4+$0x0], $0xffff  }
0xa52: {  	v18 =	vshrl.u32 v13, $0x10;
	v13 =	vand.u32 $0xFFFF, v13;
	v5 =	vld.idx.msk [tilespmem:v5+s1+$0x0], $0xffff  }
0xa53: {  	v19 =	vshrl.u32 v14, $0x10;
	v14 =	vand.u32 $0xFFFF, v14;
	v12 =	vld.idx.msk [tilespmem:v12+s4+$0x0], $0xffff  }
0xa54: {  	v6 =	vld.idx.msk [tilespmem:v6+s1+$0x0], $0xffff  }
0xa55: {  	v15 =	vld.idx.msk [tilespmem:v15+s4+$0x0], $0xffff  }
0xa56: {  	v7 =	vld.idx.msk [tilespmem:v7+s1+$0x0], $0xffff  }
0xa57: {  	v16 =	vld.idx.msk [tilespmem:v16+s4+$0x0], $0xffff  }
0xa58: {  	v5 =	vmul.f32 v5, v11;
	v19 =	vld.idx.msk [tilespmem:v19+s4+$0x0], $0xffff  }
0xa59: {  	v11 =	vld.idx.msk [tilespmem:v14+s1+$0x0], $0xffff  }
0xa5a: {  	s21 =	simm.s32 $0x770;
	s23 =	simm.s32 $0x1B7A0;
	s24 =	simm.s32 $0x1A800;
	v6 =	vmul.f32 v6, v12;
	[tilespmem:v9+s13+$0x0] =	vst.idx.add.f32.msk $0xffff, v5  }
0xa5b: {  	v5 =	vld.idx.msk [tilespmem:v8+s1+$0x0], $0xffff  }
0xa5c: {  	v7 =	vmul.f32 v7, v15;
	v3 =	vld.idx.msk [tilespmem:v3+s4+$0x0], $0xffff  }
0xa5d: {  	v4 =	vld.idx.msk [tilespmem:v4+s1+$0x0], $0xffff  }
0xa5e: {  	v8 =	vld.idx.msk [tilespmem:v17+s4+$0x0], $0xffff  }
0xa5f: {  	v9 =	vmul.f32 v11, v19;
	v10 =	vld.idx.msk [tilespmem:v10+s1+$0x0], $0xffff  }
0xa60: {  	v11 =	vld.idx.msk [tilespmem:v18+s4+$0x0], $0xffff  }
0xa61: {  	v5 =	vmul.f32 v5, v16;
	v12 =	vld.idx.msk [tilespmem:v13+s1+$0x0], $0xffff  }
0xa62: {  	v13 =	vld [tilespmem:s18+$0xFFFFFFC0]  }
0xa63: {  	v15 =	vmul.f32 v4, v3;
	v14 =	vld [tilespmem:s18+$0xFFFFFFD0]  }
0xa64: {  	v16 =	vld [tilespmem:s18+$0xFFFFFFE0]  }
0xa65: {  	v4 =	vmul.f32 v10, v8;
	v17 =	vld [tilespmem:s18+$0xFFFFFFF0]  }
0xa66: {  	v8 =	vld [tilespmem:s18+$0x0]  }
0xa67: {  	v10 =	vmul.f32 v12, v11;
	v3 =	vld [tilespmem:s18+$0x10]  }
0xa68: {  	v11 =	vld [tilespmem:s18+$0x20]  }
0xa69: {  	[tilespmem:v2+s13+$0x0] =	vst.idx.add.f32.msk $0xffff, v1;
	v1 =	vmov v10  }
.Ltmp49:
0xa6a: {  	[tilespmem:v13+s13+$0x0] =	vst.idx.add.f32.msk $0xffff, v9;
	(pc) =	sbr.rel @p2 .LBB2_94-.Ltmp49, $4  }
0xa6b: {  	[tilespmem:v14+s13+$0x0] =	vst.idx.add.f32.msk $0xffff, v6  }
0xa6c: {  	[tilespmem:v16+s13+$0x0] =	vst.idx.add.f32.msk $0xffff, v7  }
0xa6d: {  	[tilespmem:v17+s13+$0x0] =	vst.idx.add.f32.msk $0xffff, v5;
	v2 =	vmov v11  }
0xa6e: {  	s20 =	sadd.s32 $0x80, s20;
	[tilespmem:v8+s13+$0x0] =	vst.idx.add.f32.msk $0xffff, v15  }
0xa6f: {  	_ =	sdelay $0x3  }
0xa70: {  	[tilespmem:v3+s13+$0x0] =	vst.idx.add.f32.msk $0xffff, v4  }
0xa71: {  	[tilespmem:v2+s13+$0x0] =	vst.idx.add.f32.msk $0xffff, v1  }
.LBB2_96:
0xa72: {  	v1 =	vld [tilespmem:s24+$0x0];
	_ =	sdelay $0x4  }
0xa73: {  	v2 =	vshrl.u32 v1, $0x10  }
0xa74: {  	v1 =	vand.u32 $0xFFFF, v1;
	_ =	sdelay $0x2  }
0xa75: {  	v3 =	vld [tilespmem:s23+$0x0]  }
0xa76: {  	v2 =	vld.idx.msk [tilespmem:v2+s4+$0x0], $0xffff  }
0xa77: {  	v1 =	vld.idx.msk [tilespmem:v1+s1+$0x0], $0xffff  }
0xa78: {  	s21 =	sadd.s32 $0x10, s21  }
0xa79: {  	p2 =	slt.u32 s21, $0x7C0  }
.Ltmp50:
0xa7a: {  	_ = 	snop;
	(pc) =	sbr.rel @p2 .LBB2_96-.Ltmp50, $3  }
0xa7b: {  	_ = 	snop  }
0xa7c: {  	v1 =	vmul.f32 v1, v2;
	_ =	sdelay $0x1  }
0xa7d: {  	s23 =	sadd.s32 $0x10, s23;
	s24 =	sadd.s32 $0x10, s24;
	[tilespmem:v3+s13+$0x0] =	vst.idx.add.f32.msk $0xffff, v1  }
0xa7e: {  	s18 =	sld [smem:$0x7FA];
	_ =	sdelay $0x1  }
0xa7f: {  	s24 =	sld [smem:$0x7FB]  }
0xa80: {  	[tilespmem:s8], [sflag:$0x3] =	stream.linear.gather [hbm4b:s18+s1], $0x7D0, $0x38;
	[tilespmem:$0x1E4B0] =	vst v63  }
0xa81: {  	_ = 	snop  }
0xa82: {  	[tilespmem:s9], [sflag:$0x3] =	stream.linear.gather [hbm4b:s24+s1], $0x7D0, $0x38;
	[tilespmem:$0x1E4B0] =	vst v63  }
0xa83: {  	_ =	swait.ge [sflag:s14], $0x7D0  }
0xa84: {  	[sflag:s14] =	ssyncset.done $0x0  }
0xa85: {  	[sflag:s14] =	ssyncadd.s32 $0xFFFFF830  }
0xa86: {  	_ =	swait.ge [sflag:s14], $0x7D0  }
0xa87: {  	[sflag:s14] =	ssyncset.done $0x0  }
0xa88: {  	s19 =	simm.s32 $0x1A890;
	[sflag:s14] =	ssyncadd.s32 $0xFFFFF830  }
0xa89: {  	v1 =	vld [tilespmem:s19+$0x30]  }
0xa8a: {  	v2 =	vld [tilespmem:s19+$0xFFFFFFD0]  }
0xa8b: {  	v3 =	vld [tilespmem:s19+$0xFFFFFFE0]  }
0xa8c: {  	v4 =	vld [tilespmem:s19+$0xFFFFFFF0]  }
0xa8d: {  	v5 =	vld [tilespmem:s19+$0x0]  }
0xa8e: {  	v7 =	vld [tilespmem:s19+$0x10]  }
0xa8f: {  	v9 =	vld [tilespmem:s19+$0xFFFFFFC0];
	v6 =	vshrl.u32 v1, $0x10  }
0xa90: {  	s18 =	simm.s32 $0x1B830;
	v10 =	vld [tilespmem:s19+$0x20];
	v1 =	vand.u32 $0xFFFF, v1  }
0xa91: {  	v12 =	vld [tilespmem:s18+$0x30]  }
0xa92: {  	v16 =	vld [tilespmem:s18+$0xFFFFFFD0];
	v8 =	vshrl.u32 v2, $0x10  }
0xa93: {  	v63 =	vld [tilespmem:s18+$0xFFFFFFE0];
	v2 =	vand.u32 $0xFFFF, v2  }
0xa94: {  	v11 =	vshrl.u32 v3, $0x10;
	v6 =	vld.idx.msk [tilespmem:v6+s4+$0x0], $0xffff  }
0xa95: {  	v3 =	vand.u32 $0xFFFF, v3;
	v1 =	vld.idx.msk [tilespmem:v1+s1+$0x0], $0xffff  }
0xa96: {  	v17 =	vld [tilespmem:s18+$0xFFFFFFF0];
	v14 =	vshrl.u32 v9, $0x10  }
0xa97: {  	v8 =	vld.idx.msk [tilespmem:v8+s4+$0x0], $0xffff  }
0xa98: {  	v2 =	vld.idx.msk [tilespmem:v2+s1+$0x0], $0xffff  }
0xa99: {  	v9 =	vand.u32 $0xFFFF, v9;
	v11 =	vld.idx.msk [tilespmem:v11+s4+$0x0], $0xffff  }
0xa9a: {  	v13 =	vshrl.u32 v4, $0x10;
	v15 =	vld.idx.msk [tilespmem:v3+s1+$0x0], $0xffff;
	v1 =	vmul.f32 v1, v6  }
0xa9b: {  	v4 =	vand.u32 $0xFFFF, v4;
	v14 =	vld.idx.msk [tilespmem:v14+s4+$0x0], $0xffff  }
0xa9c: {  	v3 =	vshrl.u32 v5, $0x10;
	[tilespmem:v12+s13+$0x0] =	vst.idx.add.f32.msk $0xffff, v1  }
0xa9d: {  	v61 =	vshrl.u32 v7, $0x10;
	v5 =	vand.u32 $0xFFFF, v5;
	v1 =	vand.u32 $0xFFFF, v7;
	v7 =	vld [tilespmem:s18+$0xFFFFFFC0]  }
0xa9e: {  	v6 =	vld.idx.msk [tilespmem:v9+s1+$0x0], $0xffff  }
0xa9f: {  	v13 =	vld.idx.msk [tilespmem:v13+s4+$0x0], $0xffff  }
0xaa0: {  	v4 =	vld.idx.msk [tilespmem:v4+s1+$0x0], $0xffff  }
0xaa1: {  	v62 =	vld.idx.msk [tilespmem:v3+s4+$0x0], $0xffff  }
0xaa2: {  	v5 =	vld.idx.msk [tilespmem:v5+s1+$0x0], $0xffff;
	v3 =	vshrl.u32 v10, $0x10;
	v10 =	vand.u32 $0xFFFF, v10  }
0xaa3: {  	v9 =	vld.idx.msk [tilespmem:v61+s4+$0x0], $0xffff;
	v6 =	vmul.f32 v6, v14  }
0xaa4: {  	v8 =	vmul.f32 v2, v8;
	v2 =	vld [tilespmem:s18+$0x20]  }
0xaa5: {  	[tilespmem:v7+s13+$0x0] =	vst.idx.add.f32.msk $0xffff, v6  }
0xaa6: {  	v6 =	vld [tilespmem:s18+$0x0]  }
0xaa7: {  	v10 =	vld.idx.msk [tilespmem:v10+s1+$0x0], $0xffff  }
0xaa8: {  	v1 =	vld.idx.msk [tilespmem:v1+s1+$0x0], $0xffff  }
0xaa9: {  	v11 =	vmul.f32 v15, v11;
	v7 =	vld.idx.msk [tilespmem:v3+s4+$0x0], $0xffff  }
0xaaa: {  	v4 =	vmul.f32 v4, v13;
	[tilespmem:v16+s13+$0x0] =	vst.idx.add.f32.msk $0xffff, v8  }
0xaab: {  	[tilespmem:v63+s13+$0x0] =	vst.idx.add.f32.msk $0xffff, v11  }
0xaac: {  	[tilespmem:v17+s13+$0x0] =	vst.idx.add.f32.msk $0xffff, v4;
	v5 =	vmul.f32 v5, v62  }
0xaad: {  	v3 =	vld [tilespmem:s18+$0x10]  }
0xaae: {  	s20 =	simm.s32 $0x1A910;
	s19 =	simm.s32 $0x0;
	v4 =	vmul.f32 v1, v9;
	v1 =	vmul.f32 v10, v7;
	[tilespmem:v6+s13+$0x0] =	vst.idx.add.f32.msk $0xffff, v5  }
.LBB2_98:
0xaaf: {  	v5 =	vld [tilespmem:s20+$0x30]  }
0xab0: {  	s19 =	sadd.s32 $0x80, s19;
	v6 =	vld [tilespmem:s20+$0xFFFFFFD0]  }
0xab1: {  	p2 =	slt.u32 s19, $0x700;
	v7 =	vld [tilespmem:s20+$0xFFFFFFE0]  }
0xab2: {  	v8 =	vld [tilespmem:s20+$0xFFFFFFF0]  }
0xab3: {  	v9 =	vld [tilespmem:s20+$0x0]  }
0xab4: {  	v10 =	vld [tilespmem:s20+$0x10];
	v11 =	vshrl.u32 v5, $0x10  }
0xab5: {  	v5 =	vand.u32 $0xFFFF, v5;
	v12 =	vshrl.u32 v6, $0x10;
	v6 =	vand.u32 $0xFFFF, v6;
	v13 =	vld [tilespmem:s20+$0x20]  }
0xab6: {  	v14 =	vld [tilespmem:s20+$0xFFFFFFC0];
	v15 =	vshrl.u32 v7, $0x10;
	v7 =	vand.u32 $0xFFFF, v7  }
0xab7: {  	s18 =	sadd.s32 $0x80, s18;
	v16 =	vshrl.u32 v8, $0x10;
	v8 =	vand.u32 $0xFFFF, v8;
	[tilespmem:v3+s13+$0x0] =	vst.idx.add.f32.msk $0xffff, v4  }
0xab8: {  	v3 =	vshrl.u32 v9, $0x10;
	v4 =	vand.u32 $0xFFFF, v9;
	v9 =	vld [tilespmem:s18+$0x30]  }
0xab9: {  	v17 =	vshrl.u32 v10, $0x10;
	v10 =	vand.u32 $0xFFFF, v10;
	v11 =	vld.idx.msk [tilespmem:v11+s4+$0x0], $0xffff  }
0xaba: {  	v18 =	vshrl.u32 v13, $0x10;
	v13 =	vand.u32 $0xFFFF, v13;
	v5 =	vld.idx.msk [tilespmem:v5+s1+$0x0], $0xffff  }
0xabb: {  	v19 =	vshrl.u32 v14, $0x10;
	v14 =	vand.u32 $0xFFFF, v14;
	v12 =	vld.idx.msk [tilespmem:v12+s4+$0x0], $0xffff  }
0xabc: {  	v6 =	vld.idx.msk [tilespmem:v6+s1+$0x0], $0xffff  }
0xabd: {  	v15 =	vld.idx.msk [tilespmem:v15+s4+$0x0], $0xffff  }
0xabe: {  	v7 =	vld.idx.msk [tilespmem:v7+s1+$0x0], $0xffff  }
0xabf: {  	v16 =	vld.idx.msk [tilespmem:v16+s4+$0x0], $0xffff  }
0xac0: {  	v5 =	vmul.f32 v5, v11;
	v19 =	vld.idx.msk [tilespmem:v19+s4+$0x0], $0xffff  }
0xac1: {  	v11 =	vld.idx.msk [tilespmem:v14+s1+$0x0], $0xffff  }
0xac2: {  	s21 =	simm.s32 $0x770;
	s23 =	simm.s32 $0x1BF70;
	s24 =	simm.s32 $0x1AFD0;
	v6 =	vmul.f32 v6, v12;
	[tilespmem:v9+s13+$0x0] =	vst.idx.add.f32.msk $0xffff, v5  }
0xac3: {  	v5 =	vld.idx.msk [tilespmem:v8+s1+$0x0], $0xffff  }
0xac4: {  	v7 =	vmul.f32 v7, v15;
	v3 =	vld.idx.msk [tilespmem:v3+s4+$0x0], $0xffff  }
0xac5: {  	v4 =	vld.idx.msk [tilespmem:v4+s1+$0x0], $0xffff  }
0xac6: {  	v8 =	vld.idx.msk [tilespmem:v17+s4+$0x0], $0xffff  }
0xac7: {  	v9 =	vmul.f32 v11, v19;
	v10 =	vld.idx.msk [tilespmem:v10+s1+$0x0], $0xffff  }
0xac8: {  	v11 =	vld.idx.msk [tilespmem:v18+s4+$0x0], $0xffff  }
0xac9: {  	v5 =	vmul.f32 v5, v16;
	v12 =	vld.idx.msk [tilespmem:v13+s1+$0x0], $0xffff  }
0xaca: {  	v13 =	vld [tilespmem:s18+$0xFFFFFFC0]  }
0xacb: {  	v15 =	vmul.f32 v4, v3;
	v14 =	vld [tilespmem:s18+$0xFFFFFFD0]  }
0xacc: {  	v16 =	vld [tilespmem:s18+$0xFFFFFFE0]  }
0xacd: {  	v4 =	vmul.f32 v10, v8;
	v17 =	vld [tilespmem:s18+$0xFFFFFFF0]  }
0xace: {  	v8 =	vld [tilespmem:s18+$0x0]  }
0xacf: {  	v10 =	vmul.f32 v12, v11;
	v3 =	vld [tilespmem:s18+$0x10]  }
0xad0: {  	v11 =	vld [tilespmem:s18+$0x20]  }
0xad1: {  	[tilespmem:v2+s13+$0x0] =	vst.idx.add.f32.msk $0xffff, v1;
	v1 =	vmov v10  }
.Ltmp51:
0xad2: {  	[tilespmem:v13+s13+$0x0] =	vst.idx.add.f32.msk $0xffff, v9;
	(pc) =	sbr.rel @p2 .LBB2_98-.Ltmp51, $4  }
0xad3: {  	[tilespmem:v14+s13+$0x0] =	vst.idx.add.f32.msk $0xffff, v6  }
0xad4: {  	[tilespmem:v16+s13+$0x0] =	vst.idx.add.f32.msk $0xffff, v7  }
0xad5: {  	[tilespmem:v17+s13+$0x0] =	vst.idx.add.f32.msk $0xffff, v5;
	v2 =	vmov v11  }
0xad6: {  	s20 =	sadd.s32 $0x80, s20;
	[tilespmem:v8+s13+$0x0] =	vst.idx.add.f32.msk $0xffff, v15  }
0xad7: {  	_ =	sdelay $0x3  }
0xad8: {  	[tilespmem:v3+s13+$0x0] =	vst.idx.add.f32.msk $0xffff, v4  }
0xad9: {  	[tilespmem:v2+s13+$0x0] =	vst.idx.add.f32.msk $0xffff, v1  }
.LBB2_100:
0xada: {  	v1 =	vld [tilespmem:s24+$0x0];
	_ =	sdelay $0x4  }
0xadb: {  	v2 =	vshrl.u32 v1, $0x10  }
0xadc: {  	v1 =	vand.u32 $0xFFFF, v1;
	_ =	sdelay $0x2  }
0xadd: {  	v3 =	vld [tilespmem:s23+$0x0]  }
0xade: {  	v2 =	vld.idx.msk [tilespmem:v2+s4+$0x0], $0xffff  }
0xadf: {  	v1 =	vld.idx.msk [tilespmem:v1+s1+$0x0], $0xffff  }
0xae0: {  	s21 =	sadd.s32 $0x10, s21  }
0xae1: {  	p2 =	slt.u32 s21, $0x7C0  }
.Ltmp52:
0xae2: {  	_ = 	snop;
	(pc) =	sbr.rel @p2 .LBB2_100-.Ltmp52, $3  }
0xae3: {  	_ = 	snop  }
0xae4: {  	v1 =	vmul.f32 v1, v2;
	_ =	sdelay $0x1  }
0xae5: {  	s23 =	sadd.s32 $0x10, s23;
	s24 =	sadd.s32 $0x10, s24;
	[tilespmem:v3+s13+$0x0] =	vst.idx.add.f32.msk $0xffff, v1  }
0xae6: {  	_ =	swait.ge [sflag:s12], $0x7D0  }
0xae7: {  	[sflag:s12] =	ssyncset.done $0x0  }
0xae8: {  	[sflag:s12] =	ssyncadd.s32 $0xFFFFF830  }
0xae9: {  	_ =	swait.ge [sflag:s12], $0x7D0  }
0xaea: {  	[sflag:s12] =	ssyncset.done $0x0  }
0xaeb: {  	s19 =	simm.s32 $0x1A0C0;
	[sflag:s12] =	ssyncadd.s32 $0xFFFFF830  }
0xaec: {  	v1 =	vld [tilespmem:s19+$0x30]  }
0xaed: {  	v2 =	vld [tilespmem:s19+$0xFFFFFFD0]  }
0xaee: {  	v3 =	vld [tilespmem:s19+$0xFFFFFFE0]  }
0xaef: {  	v4 =	vld [tilespmem:s19+$0xFFFFFFF0]  }
0xaf0: {  	v5 =	vld [tilespmem:s19+$0x0]  }
0xaf1: {  	v7 =	vld [tilespmem:s19+$0x10]  }
0xaf2: {  	v9 =	vld [tilespmem:s19+$0xFFFFFFC0];
	v6 =	vshrl.u32 v1, $0x10  }
0xaf3: {  	s18 =	simm.s32 $0x1B060;
	v10 =	vld [tilespmem:s19+$0x20];
	v1 =	vand.u32 $0xFFFF, v1  }
0xaf4: {  	v12 =	vld [tilespmem:s18+$0x30]  }
0xaf5: {  	v16 =	vld [tilespmem:s18+$0xFFFFFFD0];
	v8 =	vshrl.u32 v2, $0x10  }
0xaf6: {  	v63 =	vld [tilespmem:s18+$0xFFFFFFE0];
	v2 =	vand.u32 $0xFFFF, v2  }
0xaf7: {  	v11 =	vshrl.u32 v3, $0x10;
	v6 =	vld.idx.msk [tilespmem:v6+s4+$0x0], $0xffff  }
0xaf8: {  	v3 =	vand.u32 $0xFFFF, v3;
	v1 =	vld.idx.msk [tilespmem:v1+s1+$0x0], $0xffff  }
0xaf9: {  	v17 =	vld [tilespmem:s18+$0xFFFFFFF0];
	v14 =	vshrl.u32 v9, $0x10  }
0xafa: {  	v8 =	vld.idx.msk [tilespmem:v8+s4+$0x0], $0xffff  }
0xafb: {  	v2 =	vld.idx.msk [tilespmem:v2+s1+$0x0], $0xffff  }
0xafc: {  	v9 =	vand.u32 $0xFFFF, v9;
	v11 =	vld.idx.msk [tilespmem:v11+s4+$0x0], $0xffff  }
0xafd: {  	v13 =	vshrl.u32 v4, $0x10;
	v15 =	vld.idx.msk [tilespmem:v3+s1+$0x0], $0xffff;
	v1 =	vmul.f32 v1, v6  }
0xafe: {  	v4 =	vand.u32 $0xFFFF, v4;
	v14 =	vld.idx.msk [tilespmem:v14+s4+$0x0], $0xffff  }
0xaff: {  	v3 =	vshrl.u32 v5, $0x10;
	[tilespmem:v12+s13+$0x0] =	vst.idx.add.f32.msk $0xffff, v1  }
0xb00: {  	v61 =	vshrl.u32 v7, $0x10;
	v5 =	vand.u32 $0xFFFF, v5;
	v1 =	vand.u32 $0xFFFF, v7;
	v7 =	vld [tilespmem:s18+$0xFFFFFFC0]  }
0xb01: {  	v6 =	vld.idx.msk [tilespmem:v9+s1+$0x0], $0xffff  }
0xb02: {  	v13 =	vld.idx.msk [tilespmem:v13+s4+$0x0], $0xffff  }
0xb03: {  	v4 =	vld.idx.msk [tilespmem:v4+s1+$0x0], $0xffff  }
0xb04: {  	v62 =	vld.idx.msk [tilespmem:v3+s4+$0x0], $0xffff  }
0xb05: {  	v5 =	vld.idx.msk [tilespmem:v5+s1+$0x0], $0xffff;
	v3 =	vshrl.u32 v10, $0x10;
	v10 =	vand.u32 $0xFFFF, v10  }
0xb06: {  	v9 =	vld.idx.msk [tilespmem:v61+s4+$0x0], $0xffff;
	v6 =	vmul.f32 v6, v14  }
0xb07: {  	v8 =	vmul.f32 v2, v8;
	v2 =	vld [tilespmem:s18+$0x20]  }
0xb08: {  	[tilespmem:v7+s13+$0x0] =	vst.idx.add.f32.msk $0xffff, v6  }
0xb09: {  	v6 =	vld [tilespmem:s18+$0x0]  }
0xb0a: {  	v10 =	vld.idx.msk [tilespmem:v10+s1+$0x0], $0xffff  }
0xb0b: {  	v1 =	vld.idx.msk [tilespmem:v1+s1+$0x0], $0xffff  }
0xb0c: {  	v11 =	vmul.f32 v15, v11;
	v7 =	vld.idx.msk [tilespmem:v3+s4+$0x0], $0xffff  }
0xb0d: {  	v4 =	vmul.f32 v4, v13;
	[tilespmem:v16+s13+$0x0] =	vst.idx.add.f32.msk $0xffff, v8  }
0xb0e: {  	[tilespmem:v63+s13+$0x0] =	vst.idx.add.f32.msk $0xffff, v11  }
0xb0f: {  	[tilespmem:v17+s13+$0x0] =	vst.idx.add.f32.msk $0xffff, v4;
	v5 =	vmul.f32 v5, v62  }
0xb10: {  	v3 =	vld [tilespmem:s18+$0x10]  }
0xb11: {  	s20 =	simm.s32 $0x1A140;
	s19 =	simm.s32 $0x0;
	v4 =	vmul.f32 v1, v9;
	v1 =	vmul.f32 v10, v7;
	[tilespmem:v6+s13+$0x0] =	vst.idx.add.f32.msk $0xffff, v5  }
.LBB2_102:
0xb12: {  	v5 =	vld [tilespmem:s20+$0x30]  }
0xb13: {  	s19 =	sadd.s32 $0x80, s19;
	v6 =	vld [tilespmem:s20+$0xFFFFFFD0]  }
0xb14: {  	p2 =	slt.u32 s19, $0x700;
	v7 =	vld [tilespmem:s20+$0xFFFFFFE0]  }
0xb15: {  	v8 =	vld [tilespmem:s20+$0xFFFFFFF0]  }
0xb16: {  	v9 =	vld [tilespmem:s20+$0x0]  }
0xb17: {  	v10 =	vld [tilespmem:s20+$0x10];
	v11 =	vshrl.u32 v5, $0x10  }
0xb18: {  	v5 =	vand.u32 $0xFFFF, v5;
	v12 =	vshrl.u32 v6, $0x10;
	v6 =	vand.u32 $0xFFFF, v6;
	v13 =	vld [tilespmem:s20+$0x20]  }
0xb19: {  	v14 =	vld [tilespmem:s20+$0xFFFFFFC0];
	v15 =	vshrl.u32 v7, $0x10;
	v7 =	vand.u32 $0xFFFF, v7  }
0xb1a: {  	s18 =	sadd.s32 $0x80, s18;
	v16 =	vshrl.u32 v8, $0x10;
	v8 =	vand.u32 $0xFFFF, v8;
	[tilespmem:v3+s13+$0x0] =	vst.idx.add.f32.msk $0xffff, v4  }
0xb1b: {  	v3 =	vshrl.u32 v9, $0x10;
	v4 =	vand.u32 $0xFFFF, v9;
	v9 =	vld [tilespmem:s18+$0x30]  }
0xb1c: {  	v17 =	vshrl.u32 v10, $0x10;
	v10 =	vand.u32 $0xFFFF, v10;
	v11 =	vld.idx.msk [tilespmem:v11+s4+$0x0], $0xffff  }
0xb1d: {  	v18 =	vshrl.u32 v13, $0x10;
	v13 =	vand.u32 $0xFFFF, v13;
	v5 =	vld.idx.msk [tilespmem:v5+s1+$0x0], $0xffff  }
0xb1e: {  	v19 =	vshrl.u32 v14, $0x10;
	v14 =	vand.u32 $0xFFFF, v14;
	v12 =	vld.idx.msk [tilespmem:v12+s4+$0x0], $0xffff  }
0xb1f: {  	v6 =	vld.idx.msk [tilespmem:v6+s1+$0x0], $0xffff  }
0xb20: {  	v15 =	vld.idx.msk [tilespmem:v15+s4+$0x0], $0xffff  }
0xb21: {  	v7 =	vld.idx.msk [tilespmem:v7+s1+$0x0], $0xffff  }
0xb22: {  	v16 =	vld.idx.msk [tilespmem:v16+s4+$0x0], $0xffff  }
0xb23: {  	v5 =	vmul.f32 v5, v11;
	v19 =	vld.idx.msk [tilespmem:v19+s4+$0x0], $0xffff  }
0xb24: {  	v11 =	vld.idx.msk [tilespmem:v14+s1+$0x0], $0xffff  }
0xb25: {  	s21 =	simm.s32 $0x770;
	s23 =	simm.s32 $0x1B7A0;
	s24 =	simm.s32 $0x1A800;
	v6 =	vmul.f32 v6, v12;
	[tilespmem:v9+s13+$0x0] =	vst.idx.add.f32.msk $0xffff, v5  }
0xb26: {  	v5 =	vld.idx.msk [tilespmem:v8+s1+$0x0], $0xffff  }
0xb27: {  	v7 =	vmul.f32 v7, v15;
	v3 =	vld.idx.msk [tilespmem:v3+s4+$0x0], $0xffff  }
0xb28: {  	v4 =	vld.idx.msk [tilespmem:v4+s1+$0x0], $0xffff  }
0xb29: {  	v8 =	vld.idx.msk [tilespmem:v17+s4+$0x0], $0xffff  }
0xb2a: {  	v9 =	vmul.f32 v11, v19;
	v10 =	vld.idx.msk [tilespmem:v10+s1+$0x0], $0xffff  }
0xb2b: {  	v11 =	vld.idx.msk [tilespmem:v18+s4+$0x0], $0xffff  }
0xb2c: {  	v5 =	vmul.f32 v5, v16;
	v12 =	vld.idx.msk [tilespmem:v13+s1+$0x0], $0xffff  }
0xb2d: {  	v13 =	vld [tilespmem:s18+$0xFFFFFFC0]  }
0xb2e: {  	v15 =	vmul.f32 v4, v3;
	v14 =	vld [tilespmem:s18+$0xFFFFFFD0]  }
0xb2f: {  	v16 =	vld [tilespmem:s18+$0xFFFFFFE0]  }
0xb30: {  	v4 =	vmul.f32 v10, v8;
	v17 =	vld [tilespmem:s18+$0xFFFFFFF0]  }
0xb31: {  	v8 =	vld [tilespmem:s18+$0x0]  }
0xb32: {  	v10 =	vmul.f32 v12, v11;
	v3 =	vld [tilespmem:s18+$0x10]  }
0xb33: {  	v11 =	vld [tilespmem:s18+$0x20]  }
0xb34: {  	[tilespmem:v2+s13+$0x0] =	vst.idx.add.f32.msk $0xffff, v1;
	v1 =	vmov v10  }
.Ltmp53:
0xb35: {  	[tilespmem:v13+s13+$0x0] =	vst.idx.add.f32.msk $0xffff, v9;
	(pc) =	sbr.rel @p2 .LBB2_102-.Ltmp53, $4  }
0xb36: {  	[tilespmem:v14+s13+$0x0] =	vst.idx.add.f32.msk $0xffff, v6  }
0xb37: {  	[tilespmem:v16+s13+$0x0] =	vst.idx.add.f32.msk $0xffff, v7  }
0xb38: {  	[tilespmem:v17+s13+$0x0] =	vst.idx.add.f32.msk $0xffff, v5;
	v2 =	vmov v11  }
0xb39: {  	s20 =	sadd.s32 $0x80, s20;
	[tilespmem:v8+s13+$0x0] =	vst.idx.add.f32.msk $0xffff, v15  }
0xb3a: {  	_ =	sdelay $0x3  }
0xb3b: {  	[tilespmem:v3+s13+$0x0] =	vst.idx.add.f32.msk $0xffff, v4  }
0xb3c: {  	[tilespmem:v2+s13+$0x0] =	vst.idx.add.f32.msk $0xffff, v1  }
.LBB2_104:
0xb3d: {  	v1 =	vld [tilespmem:s24+$0x0];
	_ =	sdelay $0x4  }
0xb3e: {  	v2 =	vshrl.u32 v1, $0x10  }
0xb3f: {  	v1 =	vand.u32 $0xFFFF, v1;
	_ =	sdelay $0x2  }
0xb40: {  	v3 =	vld [tilespmem:s23+$0x0]  }
0xb41: {  	v2 =	vld.idx.msk [tilespmem:v2+s4+$0x0], $0xffff  }
0xb42: {  	v1 =	vld.idx.msk [tilespmem:v1+s1+$0x0], $0xffff  }
0xb43: {  	s21 =	sadd.s32 $0x10, s21  }
0xb44: {  	p2 =	slt.u32 s21, $0x7C0  }
.Ltmp54:
0xb45: {  	_ = 	snop;
	(pc) =	sbr.rel @p2 .LBB2_104-.Ltmp54, $3  }
0xb46: {  	_ = 	snop  }
0xb47: {  	v1 =	vmul.f32 v1, v2;
	_ =	sdelay $0x1  }
0xb48: {  	s23 =	sadd.s32 $0x10, s23;
	s24 =	sadd.s32 $0x10, s24;
	[tilespmem:v3+s13+$0x0] =	vst.idx.add.f32.msk $0xffff, v1  }
.Ltmp55:
0xb49: {  	(pc) =	sbr.rel @p0 .LBB2_109-.Ltmp55, $2  }
0xb4a: {  	_ =	sdelay $0x2  }
0xb4b: {  	s23 =	simm.s32 $0x18800  }
0xb4c: {  	v2 =	vld [tilespmem:$0x1CC10]  }
0xb4d: {  	v1 =	vld [tilespmem:$0x1CC20]  }
0xb4e: {  	v3 =	vld [tilespmem:s0+$0x10]  }
0xb4f: {  	v4 =	vld [tilespmem:s0+$0xFFFFFFE0]  }
0xb50: {  	v5 =	vld [tilespmem:s2+$0x10]  }
0xb51: {  	v6 =	vld [tilespmem:s0+$0xFFFFFFF0]  }
0xb52: {  	v7 =	vld [tilespmem:s0+$0x0]  }
0xb53: {  	v8 =	vld [tilespmem:s2+$0xFFFFFFF0]  }
0xb54: {  	v9 =	vld [tilespmem:s2+$0x0]  }
0xb55: {  	v10 =	vld [tilespmem:s2+$0xFFFFFFE0];
	s20 =	sadd.s32 $0x40, s0;
	v3 =	vmul.f32 v3, v2  }
0xb56: {  	s18 =	sadd.s32 $0x40, s2;
	v11 =	vld [tilespmem:s20+$0x10];
	v6 =	vmul.f32 v6, v2  }
0xb57: {  	v12 =	vld [tilespmem:s18+$0x10];
	v7 =	vmul.f32 v7, v2;
	v3 =	vadd.f32 v3, v5  }
0xb58: {  	v5 =	vld [tilespmem:s20+$0xFFFFFFE0];
	v6 =	vadd.f32 v6, v8;
	v8 =	vmul.f32 v4, v2  }
0xb59: {  	v4 =	vld [tilespmem:s20+$0xFFFFFFF0];
	v7 =	vadd.f32 v7, v9;
	v13 =	vadd.f32 v3, v1  }
0xb5a: {  	v3 =	vld [tilespmem:s20+$0x0];
	v9 =	vadd.f32 v6, v1;
	v8 =	vadd.f32 v8, v10  }
0xb5b: {  	v6 =	vld [tilespmem:s18+$0xFFFFFFF0];
	v10 =	vmul.f32 v11, v2;
	v11 =	vadd.f32 v7, v1;
	[tilespmem:s2+$0x10] =	vst v13  }
0xb5c: {  	v7 =	vld [tilespmem:s18+$0x0];
	[tilespmem:s2+$0xFFFFFFF0] =	vst v9;
	v9 =	vadd.f32 v8, v1  }
0xb5d: {  	s19 =	simm.s32 $0x4;
	s21 =	sadd.s32 $0x40, s20;
	s20 =	smov.u32 s2;
	v8 =	vld [tilespmem:s18+$0xFFFFFFE0];
	v10 =	vadd.f32 v10, v12;
	[tilespmem:s2+$0x0] =	vst v11;
	v5 =	vmul.f32 v5, v2  }
.LBB2_107:
0xb5e: {  	v11 =	vld [tilespmem:s21+$0x10];
	s19 =	sadd.s32 $0x4, s19;
	v4 =	vmul.f32 v4, v2;
	[tilespmem:s20+$0xFFFFFFE0] =	vst v9;
	s20 =	smov.u32 s18  }
0xb5f: {  	v3 =	vmul.f32 v3, v2;
	v10 =	vadd.f32 v10, v1;
	s18 =	sadd.s32 $0x40, s18;
	v9 =	vld [tilespmem:s21+$0xFFFFFFE0];
	p2 =	slt.u32 s19, $0xC0  }
0xb60: {  	v12 =	vld [tilespmem:s18+$0x10];
	v6 =	vadd.f32 v4, v6  }
.Ltmp56:
0xb61: {  	v7 =	vadd.f32 v3, v7;
	v4 =	vld [tilespmem:s21+$0xFFFFFFF0];
	[tilespmem:s20+$0x10] =	vst v10;
	(pc) =	sbr.rel @p2 .LBB2_107-.Ltmp56, $4  }
0xb62: {  	v8 =	vadd.f32 v5, v8;
	v3 =	vld [tilespmem:s21+$0x0];
	v10 =	vadd.f32 v6, v1  }
0xb63: {  	v13 =	vadd.f32 v7, v1;
	v6 =	vld [tilespmem:s18+$0xFFFFFFF0];
	v11 =	vmul.f32 v11, v2  }
0xb64: {  	v5 =	vmul.f32 v9, v2;
	v7 =	vld [tilespmem:s18+$0x0];
	v9 =	vadd.f32 v8, v1;
	[tilespmem:s20+$0xFFFFFFF0] =	vst v10  }
0xb65: {  	s21 =	sadd.s32 $0x40, s21;
	v8 =	vld [tilespmem:s18+$0xFFFFFFE0];
	v10 =	vadd.f32 v11, v12;
	[tilespmem:s20+$0x0] =	vst v13  }
.Ltmp57:
0xb66: {  	_ = 	snop;
	(pc) =	sbr.rel .LBB2_108-.Ltmp57, $1  }
0xb67: {  	_ =	sdelay $0x3  }
.LBB2_110:
0xb68: {  	[spmem:s22] =	stream.linear.scatter [tilespmem:s13], [sflag:$0x6], $0xC400, $0x38;
	[tilespmem:$0x1E4B0] =	vst v63  }
.Ltmp58:
0xb69: {  	_ =	swait.ge [sflag:s5], $0xC400;
	(pc) =	sbr.rel .LBB2_112-.Ltmp58, $3  }
0xb6a: {  	[sflag:s5] =	ssyncset.done $0x0  }
0xb6b: {  	[sflag:s5] =	ssyncadd.s32 $0xFFFF3C00  }
0xb6c: {  	[bflag:$0x0] =	sbarrier.arrive $0xFFFF;
	_ =	sdelay $0x1  }
.LBB2_113:
0xb6d: {  	_ =	sfence.sel $0x180000  }
0xb6e: {  	[bflag:$0x0] =	sbarrier.arrive $0xFFFF  }
0xb6f: {  	_ =	strace $0x90000047  }
0xb70: {  	[bflag:$0x2] =	sbarrier.arrive $0xFFFF  }
0xb71: {  	s0 =	rddreg [dreg:$0x4]  }
0xb72: {  	s0 =	sadd.s32 @!p1 $0x100000, s0  }
0xb73: {  	[sflag:s0] =	ssyncadd.tile.s32 @!p1 $0x1;
	_ =	shalt  }
.Lfunc_end2:
_tile_overlayer_lowered:
.L_overlay_start_2:
0xb74: {  	(tag) =	ssettag $0x2  }
0xb75: {  	s0 =	rddreg [dreg:$0x0];
	s2 =	stileid.u32  }
0xb76: {  	s1 =	rddreg [dreg:$0x1];
	p0 =	sne.s32 s2, $0x0  }
0xb77: {  	s3 =	rddreg [dreg:$0x2];
	[bflag:$0x3] =	sbarrier.arrive $0xFFFF;
	s2 =	simm.s32 @!p0 $0x1C06  }
0xb78: {  	[timem:s3], [sflag:s2] =	dma.local @!p0 [hbm:s0], s1  }
0xb79: {  	s0 =	simm.s32 @!p0 $0x6  }
0xb7a: {  	_ =	swait.ge @!p0 [sflag:s0], s1  }
0xb7b: {  	s1 =	ssub.s32 @!p0 $0x0, s1;
	[sflag:s0] =	ssyncset.done @!p0 $0x0  }
0xb7c: {  	[sflag:s0] =	ssyncadd.s32 @!p0 s1  }
0xb7d: {  	[bflag:$0x3] =	sbarrier.arrive $0xFFFF  }
0xb7e: {  	_ =	shalt  }

</sc_bundles>
